<compile_context>
chip_gen: v7x
topology: tpu7x:2x2x1
jax: 0.10.2.dev20260603
libtpu: 0.0.44.dev20260713+nightly
codegen_flags: <defaults>
</compile_context>

<pallas_src>
import jax
import jax.numpy as jnp
from jax import lax
from jax.experimental import pallas as pl
from jax.experimental.pallas import tpu as pltpu
from jax.experimental.pallas import tpu_sc as plsc

NS, NQ, D, C = 100000, 4096, 64, 1000
PAD_CLASS = 1000
C_ACC = 1024
WPC = 80
ACC_W = C_ACC * WPC
NS_PAD = 102400
NCORES, NSUB = 2, 16
NW = NCORES * NSUB
ROWS_PER_W = NS_PAD // NW
CHUNK = 64
NCHUNKS = ROWS_PER_W // CHUNK
CWORDS = ACC_W // NW


def _acc_inner(sf_hbm, idx_hbm, zeros_hbm, out_ref, rows_a, rows_b, idx_v,
               sem_a, sem_b, acc_v):
    cid = lax.axis_index("c")
    sid = lax.axis_index("s")
    wid = cid * NSUB + sid
    base_row = wid * ROWS_PER_W
    ones16 = jnp.ones((16,), jnp.float32)
    pltpu.sync_copy(idx_hbm.at[pl.ds(base_row, ROWS_PER_W)], idx_v)
    pltpu.sync_copy(zeros_hbm, acc_v)

    def compute_chunk(ic, rows_v):
        def grp_body(g, c2):
            cvec = idx_v[pl.ds(ic * CHUNK + g * 16, 16)] * WPC
            for l in range(16):
                base = cvec[l]
                r = g * 16 + l
                for j in range(D // 16):
                    plsc.addupdate(acc_v.at[pl.ds(base + j * 16, 16)],
                                   rows_v[r, pl.ds(j * 16, 16)])
                plsc.addupdate(acc_v.at[pl.ds(base + D, 16)], ones16)
            return c2

        lax.fori_loop(0, CHUNK // 16, grp_body, 0)

    def start(ic, buf, sem):
        pltpu.async_copy(sf_hbm.at[pl.ds(base_row + ic * CHUNK, CHUNK)],
                         buf, sem)

    def drain(buf, sem):
        pltpu.make_async_copy(sf_hbm.at[pl.ds(base_row, CHUNK)], buf,
                              sem).wait()

    start(0, rows_a, sem_a)

    def pair_body(ip, carry):
        drain(rows_a, sem_a)
        start(2 * ip + 1, rows_b, sem_b)
        compute_chunk(2 * ip, rows_a)
        drain(rows_b, sem_b)
        start(2 * ip + 2, rows_a, sem_a)
        compute_chunk(2 * ip + 1, rows_b)
        return carry

    lax.fori_loop(0, NCHUNKS // 2, pair_body, 0)
    drain(rows_a, sem_a)
    compute_chunk(NCHUNKS - 1, rows_a)
    pltpu.sync_copy(acc_v, out_ref.at[wid])


def _acc_body(sf_hbm, idx_hbm, zeros_hbm, out_ref, rows_a, rows_b, idx_v,
              sem_a, sem_b):
    pl.run_scoped(
        lambda acc_v: _acc_inner(sf_hbm, idx_hbm, zeros_hbm, out_ref,
                                 rows_a, rows_b, idx_v, sem_a, sem_b,
                                 acc_v),
        pltpu.VMEM((ACC_W,), jnp.float32))


def _combine_inner(in_ref, out_ref, sem, buf_v, acc_v):
    cid = lax.axis_index("c")
    sid = lax.axis_index("s")
    wid = cid * NSUB + sid
    sl = pl.ds(wid * CWORDS, CWORDS)
    zero16 = jnp.zeros((16,), jnp.float32)

    def zrow(r, carry):
        acc_v[pl.ds(r * 16, 16)] = zero16
        return carry

    lax.fori_loop(0, CWORDS // 16, zrow, 0)
    for grp in range(2):
        copies = [
            pltpu.async_copy(in_ref.at[grp * 16 + w].at[sl], buf_v.at[w],
                             sem)
            for w in range(16)
        ]
        for cp in copies:
            cp.wait()

        def add_w(w, carry):
            def add_r(r, c2):
                o = pl.ds(r * 16, 16)
                acc_v[o] = acc_v[o] + buf_v[w, o]
                return c2

            lax.fori_loop(0, CWORDS // 16, add_r, 0)
            return carry

        lax.fori_loop(0, 16, add_w, 0)
    pltpu.sync_copy(acc_v, out_ref.at[sl])


def _combine_body(in_ref, out_ref, sem):
    pl.run_scoped(
        lambda buf_v, acc_v: _combine_inner(in_ref, out_ref, sem,
                                            buf_v, acc_v),
        pltpu.VMEM((16, CWORDS), jnp.float32),
        pltpu.VMEM((CWORDS,), jnp.float32))


_MESH = plsc.VectorSubcoreMesh(core_axis_name="c", subcore_axis_name="s")


def _segment_sums(sf, idx1d, zeros1d):
    acc_call = pl.kernel(
        _acc_body,
        out_type=pltpu.HBM((NW, ACC_W), jnp.float32),
        mesh=_MESH,
        scratch_types=[
            pltpu.VMEM((CHUNK, D), jnp.float32),
            pltpu.VMEM((CHUNK, D), jnp.float32),
            pltpu.VMEM((ROWS_PER_W,), jnp.int32),
            pltpu.SemaphoreType.DMA,
            pltpu.SemaphoreType.DMA,
        ],
    )
    partials = acc_call(sf, idx1d, zeros1d)

    combine_call = pl.kernel(
        _combine_body,
        out_type=pltpu.HBM((ACC_W,), jnp.float32),
        mesh=_MESH,
        scratch_types=[pltpu.SemaphoreType.DMA],
    )
    return combine_call(partials)


def _proto_body(a_ref, pn_ref):
    a = a_ref[...]
    sums = a[:, :D]
    cnt = jnp.sum(a[:, D:], axis=1, keepdims=True) * (1.0 / 16.0)
    protos = sums / jnp.maximum(cnt, 1.0)
    pn_ref[...] = protos / jnp.maximum(
        jnp.sqrt(jnp.sum(protos * protos, axis=1, keepdims=True)), 1e-8)


def _prototypes(combined):
    return pl.pallas_call(
        _proto_body,
        out_shape=jax.ShapeDtypeStruct((C_ACC, D), jnp.float32),
    )(combined.reshape(C_ACC, WPC))


QBLK = 1024


def _tc_body(pn_ref, q_ref, qcls_ref, acc_ref):
    i = pl.program_id(0)
    pn = pn_ref[...]
    q = q_ref[...]
    qn = q / jnp.maximum(
        jnp.sqrt(jnp.sum(q * q, axis=1, keepdims=True)), 1e-8)
    sim = lax.dot_general(qn, pn, (((1,), (1,)), ((), ())),
                          preferred_element_type=jnp.float32)
    col = lax.broadcasted_iota(jnp.int32, sim.shape, 1)
    sim = jnp.where(col < C, sim, -jnp.inf)
    rowmax = jnp.max(sim, axis=1, keepdims=True)
    pred = jnp.min(jnp.where(sim == rowmax, col, 2 ** 30), axis=1,
                   keepdims=True)
    frac = jnp.sum((pred == qcls_ref[...]).astype(jnp.float32)) * (1.0 / NQ)

    @pl.when(i == 0)
    def _():
        acc_ref[0, 0] = 0.0

    acc_ref[0, 0] += frac


def _classify(pn, qf, qcls2d):
    return pl.pallas_call(
        _tc_body,
        grid=(NQ // QBLK,),
        in_specs=[
            pl.BlockSpec((C_ACC, D), lambda i: (0, 0)),
            pl.BlockSpec((QBLK, D), lambda i: (i, 0)),
            pl.BlockSpec((QBLK, 1), lambda i: (i, 0)),
        ],
        out_specs=pl.BlockSpec(memory_space=pltpu.SMEM),
        out_shape=jax.ShapeDtypeStruct((1, 1), jnp.float32),
    )(pn, qf, qcls2d)


def kernel(support_features, query_features, support_labels, query_labels):
    s_class = support_labels[:, 0].astype(jnp.int32)
    q_class = query_labels[:, 0].astype(jnp.int32)
    sf = jnp.pad(support_features, ((0, NS_PAD - NS), (0, 0)))
    idx1d = jnp.pad(s_class, (0, NS_PAD - NS), constant_values=PAD_CLASS)
    zeros1d = jnp.zeros((ACC_W,), jnp.float32)
    combined = _segment_sums(sf, idx1d, zeros1d)
    pn = _prototypes(combined)
    acc = _classify(pn, query_features, q_class.reshape(NQ, 1))
    return acc.reshape(())

# --- scband reference (transcript-rebuilt; emitter-appended) ---
"""Pipeline reference for scband-ncm-64261300682886 (READ-ONLY COPY).

The authoritative reference and input builder live on the scoring server;
editing this copy changes nothing except your own understanding.
"""

import jax, jax.numpy as jnp
import numpy as np

NS, NQ, D, C = 100000, 4096, 64, 1000

def setup_inputs(seed: int = 0) -> dict:
    key = jax.random.key(seed)
    k1, k2, k3, k4 = jax.random.split(key, 4)
    support_features = jax.random.normal(k1, (NS, D), dtype=jnp.float32)
    query_features = jax.random.normal(k2, (NQ, D), dtype=jnp.float32)
    s_class = jax.random.randint(k3, (NS,), 0, C)
    q_class = jax.random.randint(k4, (NQ,), 0, C)
    support_labels = jnp.stack([s_class, jnp.arange(NS)], axis=1).astype(jnp.int64)
    query_labels = jnp.stack([q_class, jnp.arange(NQ)], axis=1).astype(jnp.int64)
    return {
        'support_features': support_features,
        'query_features': query_features,
        'support_labels': support_labels,
        'query_labels': query_labels,
    }

def reference(support_features, query_features, support_labels, query_labels):
    # Nearest Class Mean (NCM): class prototypes = mean of support features per class,
    # classify queries by max cosine similarity to prototypes, return accuracy.
    s_class = support_labels[:, 0]
    q_class = query_labels[:, 0]
    # scatter-add to build per-class prototype sums and counts (SparseCore-friendly)
    sums = jax.ops.segment_sum(support_features, s_class, num_segments=C)
    counts = jax.ops.segment_sum(jnp.ones((support_features.shape[0],), dtype=jnp.float32), s_class, num_segments=C)
    prototypes = sums / jnp.clip(counts, 1.0)[:, None]
    # cosine similarity (matches F.cosine_similarity with eps=1e-8)
    qn = query_features / jnp.maximum(jnp.linalg.norm(query_features, axis=1, keepdims=True), 1e-8)
    pn = prototypes / jnp.maximum(jnp.linalg.norm(prototypes, axis=1, keepdims=True), 1e-8)
    sim = qn @ pn.T  # [NQ, C]
    pred = jnp.argmax(sim, axis=1)
    acc = jnp.mean((pred == q_class).astype(jnp.float32))
    return acc

if __name__ == "__main__":
    import jax
    _d = setup_inputs()
    print(jax.jit(kernel)(*tuple(_d.values())))

</pallas_src>

<mosaic_0001>
#map = affine_map<(d0, d1) -> (0, 0)>
#map1 = affine_map<(d0, d1) -> (0)>
module attributes {stable_mosaic.version = 14 : i64} {
  func.func @_combine_body(%arg0: i32, %arg1: i32, %arg2: memref<32x81920xf32, #tpu.memory_space<hbm>>, %arg3: memref<81920xf32, #tpu.memory_space<hbm>>, %arg4: memref<!tpu.dma_semaphore, #tpu.memory_space<semaphore_mem>>) attributes {dimension_semantics = [#tpu.dimension_semantics<core_parallel>, #tpu.dimension_semantics<subcore_parallel>], iteration_bounds = array<i64: 2, 16>, scalar_prefetch = 0 : i64, scratch_operands = 1 : i64, tpu.core_type = #tpu.core_type<sc_vector_subcore>, window_params = [{transform_indices = #map}, {transform_indices = #map1}]} {
    "tpu.region"() ({
      %run_scoped3A = memref.alloca() : memref<16x2560xf32, #tpu.memory_space<vmem>>
      %run_scoped3A_0 = memref.alloca() : memref<2560xf32, #tpu.memory_space<vmem>>
      %mul3A = arith.constant 16 : i32
      %mul3A_1 = arith.muli %arg0, %mul3A : i32
      %add3A = arith.addi %mul3A_1, %arg1 : i32
      %mul3A_2 = arith.constant 2560 : i32
      %mul3A_3 = arith.muli %add3A, %mul3A_2 : i32
      %broadcast_in_dim3A = arith.constant 0.000000e+00 : f32
      %broadcast_in_dim3A_4 = vector.broadcast %broadcast_in_dim3A : f32 to vector<16xf32>
      %scan3A = arith.constant 0 : i32
      %scan3A_5 = arith.constant 0 : i32
      %scan3A_6 = arith.constant 160 : i32
      %scan3A_7 = arith.addi %scan3A_5, %scan3A_6 : i32
      %scan3A_8 = arith.constant 1 : i32
      scf.for %scan3A_1044 = %scan3A_5 to %scan3A_7 step %scan3A_8  : i32 {
        %mul3A_1045 = arith.constant 16 : i32
        %mul3A_1046 = arith.muli %scan3A_1044, %mul3A_1045 : i32
        %swap3A = arith.index_cast %mul3A_1046 : i32 to index
        %swap3A_1047 = tpu.vector_load %run_scoped3A_0[%swap3A] {strides = array<i32>} : memref<2560xf32, #tpu.memory_space<vmem>>, vector<16xf32>,
        %swap3A_1048 = vector.shape_cast %swap3A_1047 : vector<16xf32> to vector<16xf32>
        %swap3A_1049 = vector.shape_cast %broadcast_in_dim3A_4 : vector<16xf32> to vector<16xf32>
        tpu.vector_store %run_scoped3A_0[%swap3A], %swap3A_1049 {strides = array<i32>} : memref<2560xf32, #tpu.memory_space<vmem>>, vector<16xf32>,
      }
      %scan3A_9 = arith.constant 160 : i32
      %dma_start3A = arith.constant 0 : i32
      %dma_start3A_10 = arith.constant 0 : i32
      %dma_start3A_11 = arith.constant 0 : i32
      %dma_start3A_12 = tpu.memref_slice %run_scoped3A[%dma_start3A_10, %dma_start3A_11] : memref<16x2560xf32, #tpu.memory_space<vmem>> -> memref<1x2560xf32, #tpu.memory_space<vmem>>
      %dma_start3A_13 = tpu.memref_squeeze %dma_start3A_12 : memref<1x2560xf32, #tpu.memory_space<vmem>> -> memref<2560xf32, #tpu.memory_space<vmem>>
      %dma_start3A_14 = arith.constant 0 : i32
      %dma_start3A_15 = tpu.memref_slice %arg2[%dma_start3A, %dma_start3A_14] : memref<32x81920xf32, #tpu.memory_space<hbm>> -> memref<1x81920xf32, #tpu.memory_space<hbm>>
      %dma_start3A_16 = tpu.memref_squeeze %dma_start3A_15 : memref<1x81920xf32, #tpu.memory_space<hbm>> -> memref<81920xf32, #tpu.memory_space<hbm>>
      %dma_start3A_17 = tpu.memref_slice %dma_start3A_16[%mul3A_3] : memref<81920xf32, #tpu.memory_space<hbm>> -> memref<2560xf32, #tpu.memory_space<hbm>>
      %dma_start3A_18 = arith.constant 0 : i32
      %dma_start3A_19 = tpu.memref_slice %run_scoped3A[%dma_start3A_10, %dma_start3A_18] : memref<16x2560xf32, #tpu.memory_space<vmem>> -> memref<1x2560xf32, #tpu.memory_space<vmem>>
      %dma_start3A_20 = tpu.memref_squeeze %dma_start3A_19 : memref<1x2560xf32, #tpu.memory_space<vmem>> -> memref<2560xf32, #tpu.memory_space<vmem>>
      %dma_start3A_21 = arith.constant 0 : i32
      %dma_start3A_22 = tpu.memref_slice %arg2[%dma_start3A, %dma_start3A_21] : memref<32x81920xf32, #tpu.memory_space<hbm>> -> memref<1x81920xf32, #tpu.memory_space<hbm>>
      %dma_start3A_23 = tpu.memref_squeeze %dma_start3A_22 : memref<1x81920xf32, #tpu.memory_space<hbm>> -> memref<81920xf32, #tpu.memory_space<hbm>>
      %dma_start3A_24 = tpu.memref_slice %dma_start3A_23[%mul3A_3] : memref<81920xf32, #tpu.memory_space<hbm>> -> memref<2560xf32, #tpu.memory_space<hbm>>
      tpu.enqueue_dma source(%dma_start3A_24 : memref<2560xf32, #tpu.memory_space<hbm>>) target(%dma_start3A_20 : memref<2560xf32, #tpu.memory_space<vmem>>) target_semaphore(%arg4 : memref<!tpu.dma_semaphore, #tpu.memory_space<semaphore_mem>>)
      %dma_start3A_25 = arith.constant 1 : i32
      %dma_start3A_26 = arith.constant 1 : i32
      %dma_start3A_27 = arith.constant 0 : i32
      %dma_start3A_28 = tpu.memref_slice %run_scoped3A[%dma_start3A_26, %dma_start3A_27] : memref<16x2560xf32, #tpu.memory_space<vmem>> -> memref<1x2560xf32, #tpu.memory_space<vmem>>
      %dma_start3A_29 = tpu.memref_squeeze %dma_start3A_28 : memref<1x2560xf32, #tpu.memory_space<vmem>> -> memref<2560xf32, #tpu.memory_space<vmem>>
      %dma_start3A_30 = arith.constant 0 : i32
      %dma_start3A_31 = tpu.memref_slice %arg2[%dma_start3A_25, %dma_start3A_30] : memref<32x81920xf32, #tpu.memory_space<hbm>> -> memref<1x81920xf32, #tpu.memory_space<hbm>>
      %dma_start3A_32 = tpu.memref_squeeze %dma_start3A_31 : memref<1x81920xf32, #tpu.memory_space<hbm>> -> memref<81920xf32, #tpu.memory_space<hbm>>
      %dma_start3A_33 = tpu.memref_slice %dma_start3A_32[%mul3A_3] : memref<81920xf32, #tpu.memory_space<hbm>> -> memref<2560xf32, #tpu.memory_space<hbm>>
      %dma_start3A_34 = arith.constant 0 : i32
      %dma_start3A_35 = tpu.memref_slice %run_scoped3A[%dma_start3A_26, %dma_start3A_34] : memref<16x2560xf32, #tpu.memory_space<vmem>> -> memref<1x2560xf32, #tpu.memory_space<vmem>>
      %dma_start3A_36 = tpu.memref_squeeze %dma_start3A_35 : memref<1x2560xf32, #tpu.memory_space<vmem>> -> memref<2560xf32, #tpu.memory_space<vmem>>
      %dma_start3A_37 = arith.constant 0 : i32
      %dma_start3A_38 = tpu.memref_slice %arg2[%dma_start3A_25, %dma_start3A_37] : memref<32x81920xf32, #tpu.memory_space<hbm>> -> memref<1x81920xf32, #tpu.memory_space<hbm>>
      %dma_start3A_39 = tpu.memref_squeeze %dma_start3A_38 : memref<1x81920xf32, #tpu.memory_space<hbm>> -> memref<81920xf32, #tpu.memory_space<hbm>>
      %dma_start3A_40 = tpu.memref_slice %dma_start3A_39[%mul3A_3] : memref<81920xf32, #tpu.memory_space<hbm>> -> memref<2560xf32, #tpu.memory_space<hbm>>
      tpu.enqueue_dma source(%dma_start3A_40 : memref<2560xf32, #tpu.memory_space<hbm>>) target(%dma_start3A_36 : memref<2560xf32, #tpu.memory_space<vmem>>) target_semaphore(%arg4 : memref<!tpu.dma_semaphore, #tpu.memory_space<semaphore_mem>>)
      %dma_start3A_41 = arith.constant 2 : i32
      %dma_start3A_42 = arith.constant 2 : i32
      %dma_start3A_43 = arith.constant 0 : i32
      %dma_start3A_44 = tpu.memref_slice %run_scoped3A[%dma_start3A_42, %dma_start3A_43] : memref<16x2560xf32, #tpu.memory_space<vmem>> -> memref<1x2560xf32, #tpu.memory_space<vmem>>
      %dma_start3A_45 = tpu.memref_squeeze %dma_start3A_44 : memref<1x2560xf32, #tpu.memory_space<vmem>> -> memref<2560xf32, #tpu.memory_space<vmem>>
      %dma_start3A_46 = arith.constant 0 : i32
      %dma_start3A_47 = tpu.memref_slice %arg2[%dma_start3A_41, %dma_start3A_46] : memref<32x81920xf32, #tpu.memory_space<hbm>> -> memref<1x81920xf32, #tpu.memory_space<hbm>>
      %dma_start3A_48 = tpu.memref_squeeze %dma_start3A_47 : memref<1x81920xf32, #tpu.memory_space<hbm>> -> memref<81920xf32, #tpu.memory_space<hbm>>
      %dma_start3A_49 = tpu.memref_slice %dma_start3A_48[%mul3A_3] : memref<81920xf32, #tpu.memory_space<hbm>> -> memref<2560xf32, #tpu.memory_space<hbm>>
      %dma_start3A_50 = arith.constant 0 : i32
      %dma_start3A_51 = tpu.memref_slice %run_scoped3A[%dma_start3A_42, %dma_start3A_50] : memref<16x2560xf32, #tpu.memory_space<vmem>> -> memref<1x2560xf32, #tpu.memory_space<vmem>>
      %dma_start3A_52 = tpu.memref_squeeze %dma_start3A_51 : memref<1x2560xf32, #tpu.memory_space<vmem>> -> memref<2560xf32, #tpu.memory_space<vmem>>
      %dma_start3A_53 = arith.constant 0 : i32
      %dma_start3A_54 = tpu.memref_slice %arg2[%dma_start3A_41, %dma_start3A_53] : memref<32x81920xf32, #tpu.memory_space<hbm>> -> memref<1x81920xf32, #tpu.memory_space<hbm>>
      %dma_start3A_55 = tpu.memref_squeeze %dma_start3A_54 : memref<1x81920xf32, #tpu.memory_space<hbm>> -> memref<81920xf32, #tpu.memory_space<hbm>>
      %dma_start3A_56 = tpu.memref_slice %dma_start3A_55[%mul3A_3] : memref<81920xf32, #tpu.memory_space<hbm>> -> memref<2560xf32, #tpu.memory_space<hbm>>
      tpu.enqueue_dma source(%dma_start3A_56 : memref<2560xf32, #tpu.memory_space<hbm>>) target(%dma_start3A_52 : memref<2560xf32, #tpu.memory_space<vmem>>) target_semaphore(%arg4 : memref<!tpu.dma_semaphore, #tpu.memory_space<semaphore_mem>>)
      %dma_start3A_57 = arith.constant 3 : i32
      %dma_start3A_58 = arith.constant 3 : i32
      %dma_start3A_59 = arith.constant 0 : i32
      %dma_start3A_60 = tpu.memref_slice %run_scoped3A[%dma_start3A_58, %dma_start3A_59] : memref<16x2560xf32, #tpu.memory_space<vmem>> -> memref<1x2560xf32, #tpu.memory_space<vmem>>
      %dma_start3A_61 = tpu.memref_squeeze %dma_start3A_60 : memref<1x2560xf32, #tpu.memory_space<vmem>> -> memref<2560xf32, #tpu.memory_space<vmem>>
      %dma_start3A_62 = arith.constant 0 : i32
      %dma_start3A_63 = tpu.memref_slice %arg2[%dma_start3A_57, %dma_start3A_62] : memref<32x81920xf32, #tpu.memory_space<hbm>> -> memref<1x81920xf32, #tpu.memory_space<hbm>>
      %dma_start3A_64 = tpu.memref_squeeze %dma_start3A_63 : memref<1x81920xf32, #tpu.memory_space<hbm>> -> memref<81920xf32, #tpu.memory_space<hbm>>
      %dma_start3A_65 = tpu.memref_slice %dma_start3A_64[%mul3A_3] : memref<81920xf32, #tpu.memory_space<hbm>> -> memref<2560xf32, #tpu.memory_space<hbm>>
      %dma_start3A_66 = arith.constant 0 : i32
      %dma_start3A_67 = tpu.memref_slice %run_scoped3A[%dma_start3A_58, %dma_start3A_66] : memref<16x2560xf32, #tpu.memory_space<vmem>> -> memref<1x2560xf32, #tpu.memory_space<vmem>>
      %dma_start3A_68 = tpu.memref_squeeze %dma_start3A_67 : memref<1x2560xf32, #tpu.memory_space<vmem>> -> memref<2560xf32, #tpu.memory_space<vmem>>
      %dma_start3A_69 = arith.constant 0 : i32
      %dma_start3A_70 = tpu.memref_slice %arg2[%dma_start3A_57, %dma_start3A_69] : memref<32x81920xf32, #tpu.memory_space<hbm>> -> memref<1x81920xf32, #tpu.memory_space<hbm>>
      %dma_start3A_71 = tpu.memref_squeeze %dma_start3A_70 : memref<1x81920xf32, #tpu.memory_space<hbm>> -> memref<81920xf32, #tpu.memory_space<hbm>>
      %dma_start3A_72 = tpu.memref_slice %dma_start3A_71[%mul3A_3] : memref<81920xf32, #tpu.memory_space<hbm>> -> memref<2560xf32, #tpu.memory_space<hbm>>
      tpu.enqueue_dma source(%dma_start3A_72 : memref<2560xf32, #tpu.memory_space<hbm>>) target(%dma_start3A_68 : memref<2560xf32, #tpu.memory_space<vmem>>) target_semaphore(%arg4 : memref<!tpu.dma_semaphore, #tpu.memory_space<semaphore_mem>>)
      %dma_start3A_73 = arith.constant 4 : i32
      %dma_start3A_74 = arith.constant 4 : i32
      %dma_start3A_75 = arith.constant 0 : i32
      %dma_start3A_76 = tpu.memref_slice %run_scoped3A[%dma_start3A_74, %dma_start3A_75] : memref<16x2560xf32, #tpu.memory_space<vmem>> -> memref<1x2560xf32, #tpu.memory_space<vmem>>
      %dma_start3A_77 = tpu.memref_squeeze %dma_start3A_76 : memref<1x2560xf32, #tpu.memory_space<vmem>> -> memref<2560xf32, #tpu.memory_space<vmem>>
      %dma_start3A_78 = arith.constant 0 : i32
      %dma_start3A_79 = tpu.memref_slice %arg2[%dma_start3A_73, %dma_start3A_78] : memref<32x81920xf32, #tpu.memory_space<hbm>> -> memref<1x81920xf32, #tpu.memory_space<hbm>>
      %dma_start3A_80 = tpu.memref_squeeze %dma_start3A_79 : memref<1x81920xf32, #tpu.memory_space<hbm>> -> memref<81920xf32, #tpu.memory_space<hbm>>
      %dma_start3A_81 = tpu.memref_slice %dma_start3A_80[%mul3A_3] : memref<81920xf32, #tpu.memory_space<hbm>> -> memref<2560xf32, #tpu.memory_space<hbm>>
      %dma_start3A_82 = arith.constant 0 : i32
      %dma_start3A_83 = tpu.memref_slice %run_scoped3A[%dma_start3A_74, %dma_start3A_82] : memref<16x2560xf32, #tpu.memory_space<vmem>> -> memref<1x2560xf32, #tpu.memory_space<vmem>>
      %dma_start3A_84 = tpu.memref_squeeze %dma_start3A_83 : memref<1x2560xf32, #tpu.memory_space<vmem>> -> memref<2560xf32, #tpu.memory_space<vmem>>
      %dma_start3A_85 = arith.constant 0 : i32
      %dma_start3A_86 = tpu.memref_slice %arg2[%dma_start3A_73, %dma_start3A_85] : memref<32x81920xf32, #tpu.memory_space<hbm>> -> memref<1x81920xf32, #tpu.memory_space<hbm>>
      %dma_start3A_87 = tpu.memref_squeeze %dma_start3A_86 : memref<1x81920xf32, #tpu.memory_space<hbm>> -> memref<81920xf32, #tpu.memory_space<hbm>>
      %dma_start3A_88 = tpu.memref_slice %dma_start3A_87[%mul3A_3] : memref<81920xf32, #tpu.memory_space<hbm>> -> memref<2560xf32, #tpu.memory_space<hbm>>
      tpu.enqueue_dma source(%dma_start3A_88 : memref<2560xf32, #tpu.memory_space<hbm>>) target(%dma_start3A_84 : memref<2560xf32, #tpu.memory_space<vmem>>) target_semaphore(%arg4 : memref<!tpu.dma_semaphore, #tpu.memory_space<semaphore_mem>>)
      %dma_start3A_89 = arith.constant 5 : i32
      %dma_start3A_90 = arith.constant 5 : i32
      %dma_start3A_91 = arith.constant 0 : i32
      %dma_start3A_92 = tpu.memref_slice %run_scoped3A[%dma_start3A_90, %dma_start3A_91] : memref<16x2560xf32, #tpu.memory_space<vmem>> -> memref<1x2560xf32, #tpu.memory_space<vmem>>
      %dma_start3A_93 = tpu.memref_squeeze %dma_start3A_92 : memref<1x2560xf32, #tpu.memory_space<vmem>> -> memref<2560xf32, #tpu.memory_space<vmem>>
      %dma_start3A_94 = arith.constant 0 : i32
      %dma_start3A_95 = tpu.memref_slice %arg2[%dma_start3A_89, %dma_start3A_94] : memref<32x81920xf32, #tpu.memory_space<hbm>> -> memref<1x81920xf32, #tpu.memory_space<hbm>>
      %dma_start3A_96 = tpu.memref_squeeze %dma_start3A_95 : memref<1x81920xf32, #tpu.memory_space<hbm>> -> memref<81920xf32, #tpu.memory_space<hbm>>
      %dma_start3A_97 = tpu.memref_slice %dma_start3A_96[%mul3A_3] : memref<81920xf32, #tpu.memory_space<hbm>> -> memref<2560xf32, #tpu.memory_space<hbm>>
      %dma_start3A_98 = arith.constant 0 : i32
      %dma_start3A_99 = tpu.memref_slice %run_scoped3A[%dma_start3A_90, %dma_start3A_98] : memref<16x2560xf32, #tpu.memory_space<vmem>> -> memref<1x2560xf32, #tpu.memory_space<vmem>>
      %dma_start3A_100 = tpu.memref_squeeze %dma_start3A_99 : memref<1x2560xf32, #tpu.memory_space<vmem>> -> memref<2560xf32, #tpu.memory_space<vmem>>
      %dma_start3A_101 = arith.constant 0 : i32
      %dma_start3A_102 = tpu.memref_slice %arg2[%dma_start3A_89, %dma_start3A_101] : memref<32x81920xf32, #tpu.memory_space<hbm>> -> memref<1x81920xf32, #tpu.memory_space<hbm>>
      %dma_start3A_103 = tpu.memref_squeeze %dma_start3A_102 : memref<1x81920xf32, #tpu.memory_space<hbm>> -> memref<81920xf32, #tpu.memory_space<hbm>>
      %dma_start3A_104 = tpu.memref_slice %dma_start3A_103[%mul3A_3] : memref<81920xf32, #tpu.memory_space<hbm>> -> memref<2560xf32, #tpu.memory_space<hbm>>
      tpu.enqueue_dma source(%dma_start3A_104 : memref<2560xf32, #tpu.memory_space<hbm>>) target(%dma_start3A_100 : memref<2560xf32, #tpu.memory_space<vmem>>) target_semaphore(%arg4 : memref<!tpu.dma_semaphore, #tpu.memory_space<semaphore_mem>>)
      %dma_start3A_105 = arith.constant 6 : i32
      %dma_start3A_106 = arith.constant 6 : i32
      %dma_start3A_107 = arith.constant 0 : i32
      %dma_start3A_108 = tpu.memref_slice %run_scoped3A[%dma_start3A_106, %dma_start3A_107] : memref<16x2560xf32, #tpu.memory_space<vmem>> -> memref<1x2560xf32, #tpu.memory_space<vmem>>
      %dma_start3A_109 = tpu.memref_squeeze %dma_start3A_108 : memref<1x2560xf32, #tpu.memory_space<vmem>> -> memref<2560xf32, #tpu.memory_space<vmem>>
      %dma_start3A_110 = arith.constant 0 : i32
      %dma_start3A_111 = tpu.memref_slice %arg2[%dma_start3A_105, %dma_start3A_110] : memref<32x81920xf32, #tpu.memory_space<hbm>> -> memref<1x81920xf32, #tpu.memory_space<hbm>>
      %dma_start3A_112 = tpu.memref_squeeze %dma_start3A_111 : memref<1x81920xf32, #tpu.memory_space<hbm>> -> memref<81920xf32, #tpu.memory_space<hbm>>
      %dma_start3A_113 = tpu.memref_slice %dma_start3A_112[%mul3A_3] : memref<81920xf32, #tpu.memory_space<hbm>> -> memref<2560xf32, #tpu.memory_space<hbm>>
      %dma_start3A_114 = arith.constant 0 : i32
      %dma_start3A_115 = tpu.memref_slice %run_scoped3A[%dma_start3A_106, %dma_start3A_114] : memref<16x2560xf32, #tpu.memory_space<vmem>> -> memref<1x2560xf32, #tpu.memory_space<vmem>>
      %dma_start3A_116 = tpu.memref_squeeze %dma_start3A_115 : memref<1x2560xf32, #tpu.memory_space<vmem>> -> memref<2560xf32, #tpu.memory_space<vmem>>
      %dma_start3A_117 = arith.constant 0 : i32
      %dma_start3A_118 = tpu.memref_slice %arg2[%dma_start3A_105, %dma_start3A_117] : memref<32x81920xf32, #tpu.memory_space<hbm>> -> memref<1x81920xf32, #tpu.memory_space<hbm>>
      %dma_start3A_119 = tpu.memref_squeeze %dma_start3A_118 : memref<1x81920xf32, #tpu.memory_space<hbm>> -> memref<81920xf32, #tpu.memory_space<hbm>>
      %dma_start3A_120 = tpu.memref_slice %dma_start3A_119[%mul3A_3] : memref<81920xf32, #tpu.memory_space<hbm>> -> memref<2560xf32, #tpu.memory_space<hbm>>
      tpu.enqueue_dma source(%dma_start3A_120 : memref<2560xf32, #tpu.memory_space<hbm>>) target(%dma_start3A_116 : memref<2560xf32, #tpu.memory_space<vmem>>) target_semaphore(%arg4 : memref<!tpu.dma_semaphore, #tpu.memory_space<semaphore_mem>>)
      %dma_start3A_121 = arith.constant 7 : i32
      %dma_start3A_122 = arith.constant 7 : i32
      %dma_start3A_123 = arith.constant 0 : i32
      %dma_start3A_124 = tpu.memref_slice %run_scoped3A[%dma_start3A_122, %dma_start3A_123] : memref<16x2560xf32, #tpu.memory_space<vmem>> -> memref<1x2560xf32, #tpu.memory_space<vmem>>
      %dma_start3A_125 = tpu.memref_squeeze %dma_start3A_124 : memref<1x2560xf32, #tpu.memory_space<vmem>> -> memref<2560xf32, #tpu.memory_space<vmem>>
      %dma_start3A_126 = arith.constant 0 : i32
      %dma_start3A_127 = tpu.memref_slice %arg2[%dma_start3A_121, %dma_start3A_126] : memref<32x81920xf32, #tpu.memory_space<hbm>> -> memref<1x81920xf32, #tpu.memory_space<hbm>>
      %dma_start3A_128 = tpu.memref_squeeze %dma_start3A_127 : memref<1x81920xf32, #tpu.memory_space<hbm>> -> memref<81920xf32, #tpu.memory_space<hbm>>
      %dma_start3A_129 = tpu.memref_slice %dma_start3A_128[%mul3A_3] : memref<81920xf32, #tpu.memory_space<hbm>> -> memref<2560xf32, #tpu.memory_space<hbm>>
      %dma_start3A_130 = arith.constant 0 : i32
      %dma_start3A_131 = tpu.memref_slice %run_scoped3A[%dma_start3A_122, %dma_start3A_130] : memref<16x2560xf32, #tpu.memory_space<vmem>> -> memref<1x2560xf32, #tpu.memory_space<vmem>>
      %dma_start3A_132 = tpu.memref_squeeze %dma_start3A_131 : memref<1x2560xf32, #tpu.memory_space<vmem>> -> memref<2560xf32, #tpu.memory_space<vmem>>
      %dma_start3A_133 = arith.constant 0 : i32
      %dma_start3A_134 = tpu.memref_slice %arg2[%dma_start3A_121, %dma_start3A_133] : memref<32x81920xf32, #tpu.memory_space<hbm>> -> memref<1x81920xf32, #tpu.memory_space<hbm>>
      %dma_start3A_135 = tpu.memref_squeeze %dma_start3A_134 : memref<1x81920xf32, #tpu.memory_space<hbm>> -> memref<81920xf32, #tpu.memory_space<hbm>>
      %dma_start3A_136 = tpu.memref_slice %dma_start3A_135[%mul3A_3] : memref<81920xf32, #tpu.memory_space<hbm>> -> memref<2560xf32, #tpu.memory_space<hbm>>
      tpu.enqueue_dma source(%dma_start3A_136 : memref<2560xf32, #tpu.memory_space<hbm>>) target(%dma_start3A_132 : memref<2560xf32, #tpu.memory_space<vmem>>) target_semaphore(%arg4 : memref<!tpu.dma_semaphore, #tpu.memory_space<semaphore_mem>>)
      %dma_start3A_137 = arith.constant 8 : i32
      %dma_start3A_138 = arith.constant 8 : i32
      %dma_start3A_139 = arith.constant 0 : i32
      %dma_start3A_140 = tpu.memref_slice %run_scoped3A[%dma_start3A_138, %dma_start3A_139] : memref<16x2560xf32, #tpu.memory_space<vmem>> -> memref<1x2560xf32, #tpu.memory_space<vmem>>
      %dma_start3A_141 = tpu.memref_squeeze %dma_start3A_140 : memref<1x2560xf32, #tpu.memory_space<vmem>> -> memref<2560xf32, #tpu.memory_space<vmem>>
      %dma_start3A_142 = arith.constant 0 : i32
      %dma_start3A_143 = tpu.memref_slice %arg2[%dma_start3A_137, %dma_start3A_142] : memref<32x81920xf32, #tpu.memory_space<hbm>> -> memref<1x81920xf32, #tpu.memory_space<hbm>>
      %dma_start3A_144 = tpu.memref_squeeze %dma_start3A_143 : memref<1x81920xf32, #tpu.memory_space<hbm>> -> memref<81920xf32, #tpu.memory_space<hbm>>
      %dma_start3A_145 = tpu.memref_slice %dma_start3A_144[%mul3A_3] : memref<81920xf32, #tpu.memory_space<hbm>> -> memref<2560xf32, #tpu.memory_space<hbm>>
      %dma_start3A_146 = arith.constant 0 : i32
      %dma_start3A_147 = tpu.memref_slice %run_scoped3A[%dma_start3A_138, %dma_start3A_146] : memref<16x2560xf32, #tpu.memory_space<vmem>> -> memref<1x2560xf32, #tpu.memory_space<vmem>>
      %dma_start3A_148 = tpu.memref_squeeze %dma_start3A_147 : memref<1x2560xf32, #tpu.memory_space<vmem>> -> memref<2560xf32, #tpu.memory_space<vmem>>
      %dma_start3A_149 = arith.constant 0 : i32
      %dma_start3A_150 = tpu.memref_slice %arg2[%dma_start3A_137, %dma_start3A_149] : memref<32x81920xf32, #tpu.memory_space<hbm>> -> memref<1x81920xf32, #tpu.memory_space<hbm>>
      %dma_start3A_151 = tpu.memref_squeeze %dma_start3A_150 : memref<1x81920xf32, #tpu.memory_space<hbm>> -> memref<81920xf32, #tpu.memory_space<hbm>>
      %dma_start3A_152 = tpu.memref_slice %dma_start3A_151[%mul3A_3] : memref<81920xf32, #tpu.memory_space<hbm>> -> memref<2560xf32, #tpu.memory_space<hbm>>
      tpu.enqueue_dma source(%dma_start3A_152 : memref<2560xf32, #tpu.memory_space<hbm>>) target(%dma_start3A_148 : memref<2560xf32, #tpu.memory_space<vmem>>) target_semaphore(%arg4 : memref<!tpu.dma_semaphore, #tpu.memory_space<semaphore_mem>>)
      %dma_start3A_153 = arith.constant 9 : i32
      %dma_start3A_154 = arith.constant 9 : i32
      %dma_start3A_155 = arith.constant 0 : i32
      %dma_start3A_156 = tpu.memref_slice %run_scoped3A[%dma_start3A_154, %dma_start3A_155] : memref<16x2560xf32, #tpu.memory_space<vmem>> -> memref<1x2560xf32, #tpu.memory_space<vmem>>
      %dma_start3A_157 = tpu.memref_squeeze %dma_start3A_156 : memref<1x2560xf32, #tpu.memory_space<vmem>> -> memref<2560xf32, #tpu.memory_space<vmem>>
      %dma_start3A_158 = arith.constant 0 : i32
      %dma_start3A_159 = tpu.memref_slice %arg2[%dma_start3A_153, %dma_start3A_158] : memref<32x81920xf32, #tpu.memory_space<hbm>> -> memref<1x81920xf32, #tpu.memory_space<hbm>>
      %dma_start3A_160 = tpu.memref_squeeze %dma_start3A_159 : memref<1x81920xf32, #tpu.memory_space<hbm>> -> memref<81920xf32, #tpu.memory_space<hbm>>
      %dma_start3A_161 = tpu.memref_slice %dma_start3A_160[%mul3A_3] : memref<81920xf32, #tpu.memory_space<hbm>> -> memref<2560xf32, #tpu.memory_space<hbm>>
      %dma_start3A_162 = arith.constant 0 : i32
      %dma_start3A_163 = tpu.memref_slice %run_scoped3A[%dma_start3A_154, %dma_start3A_162] : memref<16x2560xf32, #tpu.memory_space<vmem>> -> memref<1x2560xf32, #tpu.memory_space<vmem>>
      %dma_start3A_164 = tpu.memref_squeeze %dma_start3A_163 : memref<1x2560xf32, #tpu.memory_space<vmem>> -> memref<2560xf32, #tpu.memory_space<vmem>>
      %dma_start3A_165 = arith.constant 0 : i32
      %dma_start3A_166 = tpu.memref_slice %arg2[%dma_start3A_153, %dma_start3A_165] : memref<32x81920xf32, #tpu.memory_space<hbm>> -> memref<1x81920xf32, #tpu.memory_space<hbm>>
      %dma_start3A_167 = tpu.memref_squeeze %dma_start3A_166 : memref<1x81920xf32, #tpu.memory_space<hbm>> -> memref<81920xf32, #tpu.memory_space<hbm>>
      %dma_start3A_168 = tpu.memref_slice %dma_start3A_167[%mul3A_3] : memref<81920xf32, #tpu.memory_space<hbm>> -> memref<2560xf32, #tpu.memory_space<hbm>>
      tpu.enqueue_dma source(%dma_start3A_168 : memref<2560xf32, #tpu.memory_space<hbm>>) target(%dma_start3A_164 : memref<2560xf32, #tpu.memory_space<vmem>>) target_semaphore(%arg4 : memref<!tpu.dma_semaphore, #tpu.memory_space<semaphore_mem>>)
      %dma_start3A_169 = arith.constant 10 : i32
      %dma_start3A_170 = arith.constant 10 : i32
      %dma_start3A_171 = arith.constant 0 : i32
      %dma_start3A_172 = tpu.memref_slice %run_scoped3A[%dma_start3A_170, %dma_start3A_171] : memref<16x2560xf32, #tpu.memory_space<vmem>> -> memref<1x2560xf32, #tpu.memory_space<vmem>>
      %dma_start3A_173 = tpu.memref_squeeze %dma_start3A_172 : memref<1x2560xf32, #tpu.memory_space<vmem>> -> memref<2560xf32, #tpu.memory_space<vmem>>
      %dma_start3A_174 = arith.constant 0 : i32
      %dma_start3A_175 = tpu.memref_slice %arg2[%dma_start3A_169, %dma_start3A_174] : memref<32x81920xf32, #tpu.memory_space<hbm>> -> memref<1x81920xf32, #tpu.memory_space<hbm>>
      %dma_start3A_176 = tpu.memref_squeeze %dma_start3A_175 : memref<1x81920xf32, #tpu.memory_space<hbm>> -> memref<81920xf32, #tpu.memory_space<hbm>>
      %dma_start3A_177 = tpu.memref_slice %dma_start3A_176[%mul3A_3] : memref<81920xf32, #tpu.memory_space<hbm>> -> memref<2560xf32, #tpu.memory_space<hbm>>
      %dma_start3A_178 = arith.constant 0 : i32
      %dma_start3A_179 = tpu.memref_slice %run_scoped3A[%dma_start3A_170, %dma_start3A_178] : memref<16x2560xf32, #tpu.memory_space<vmem>> -> memref<1x2560xf32, #tpu.memory_space<vmem>>
      %dma_start3A_180 = tpu.memref_squeeze %dma_start3A_179 : memref<1x2560xf32, #tpu.memory_space<vmem>> -> memref<2560xf32, #tpu.memory_space<vmem>>
      %dma_start3A_181 = arith.constant 0 : i32
      %dma_start3A_182 = tpu.memref_slice %arg2[%dma_start3A_169, %dma_start3A_181] : memref<32x81920xf32, #tpu.memory_space<hbm>> -> memref<1x81920xf32, #tpu.memory_space<hbm>>
      %dma_start3A_183 = tpu.memref_squeeze %dma_start3A_182 : memref<1x81920xf32, #tpu.memory_space<hbm>> -> memref<81920xf32, #tpu.memory_space<hbm>>
      %dma_start3A_184 = tpu.memref_slice %dma_start3A_183[%mul3A_3] : memref<81920xf32, #tpu.memory_space<hbm>> -> memref<2560xf32, #tpu.memory_space<hbm>>
      tpu.enqueue_dma source(%dma_start3A_184 : memref<2560xf32, #tpu.memory_space<hbm>>) target(%dma_start3A_180 : memref<2560xf32, #tpu.memory_space<vmem>>) target_semaphore(%arg4 : memref<!tpu.dma_semaphore, #tpu.memory_space<semaphore_mem>>)
      %dma_start3A_185 = arith.constant 11 : i32
      %dma_start3A_186 = arith.constant 11 : i32
      %dma_start3A_187 = arith.constant 0 : i32
      %dma_start3A_188 = tpu.memref_slice %run_scoped3A[%dma_start3A_186, %dma_start3A_187] : memref<16x2560xf32, #tpu.memory_space<vmem>> -> memref<1x2560xf32, #tpu.memory_space<vmem>>
      %dma_start3A_189 = tpu.memref_squeeze %dma_start3A_188 : memref<1x2560xf32, #tpu.memory_space<vmem>> -> memref<2560xf32, #tpu.memory_space<vmem>>
      %dma_start3A_190 = arith.constant 0 : i32
      %dma_start3A_191 = tpu.memref_slice %arg2[%dma_start3A_185, %dma_start3A_190] : memref<32x81920xf32, #tpu.memory_space<hbm>> -> memref<1x81920xf32, #tpu.memory_space<hbm>>
      %dma_start3A_192 = tpu.memref_squeeze %dma_start3A_191 : memref<1x81920xf32, #tpu.memory_space<hbm>> -> memref<81920xf32, #tpu.memory_space<hbm>>
      %dma_start3A_193 = tpu.memref_slice %dma_start3A_192[%mul3A_3] : memref<81920xf32, #tpu.memory_space<hbm>> -> memref<2560xf32, #tpu.memory_space<hbm>>
      %dma_start3A_194 = arith.constant 0 : i32
      %dma_start3A_195 = tpu.memref_slice %run_scoped3A[%dma_start3A_186, %dma_start3A_194] : memref<16x2560xf32, #tpu.memory_space<vmem>> -> memref<1x2560xf32, #tpu.memory_space<vmem>>
      %dma_start3A_196 = tpu.memref_squeeze %dma_start3A_195 : memref<1x2560xf32, #tpu.memory_space<vmem>> -> memref<2560xf32, #tpu.memory_space<vmem>>
      %dma_start3A_197 = arith.constant 0 : i32
      %dma_start3A_198 = tpu.memref_slice %arg2[%dma_start3A_185, %dma_start3A_197] : memref<32x81920xf32, #tpu.memory_space<hbm>> -> memref<1x81920xf32, #tpu.memory_space<hbm>>
      %dma_start3A_199 = tpu.memref_squeeze %dma_start3A_198 : memref<1x81920xf32, #tpu.memory_space<hbm>> -> memref<81920xf32, #tpu.memory_space<hbm>>
      %dma_start3A_200 = tpu.memref_slice %dma_start3A_199[%mul3A_3] : memref<81920xf32, #tpu.memory_space<hbm>> -> memref<2560xf32, #tpu.memory_space<hbm>>
      tpu.enqueue_dma source(%dma_start3A_200 : memref<2560xf32, #tpu.memory_space<hbm>>) target(%dma_start3A_196 : memref<2560xf32, #tpu.memory_space<vmem>>) target_semaphore(%arg4 : memref<!tpu.dma_semaphore, #tpu.memory_space<semaphore_mem>>)
      %dma_start3A_201 = arith.constant 12 : i32
      %dma_start3A_202 = arith.constant 12 : i32
      %dma_start3A_203 = arith.constant 0 : i32
      %dma_start3A_204 = tpu.memref_slice %run_scoped3A[%dma_start3A_202, %dma_start3A_203] : memref<16x2560xf32, #tpu.memory_space<vmem>> -> memref<1x2560xf32, #tpu.memory_space<vmem>>
      %dma_start3A_205 = tpu.memref_squeeze %dma_start3A_204 : memref<1x2560xf32, #tpu.memory_space<vmem>> -> memref<2560xf32, #tpu.memory_space<vmem>>
      %dma_start3A_206 = arith.constant 0 : i32
      %dma_start3A_207 = tpu.memref_slice %arg2[%dma_start3A_201, %dma_start3A_206] : memref<32x81920xf32, #tpu.memory_space<hbm>> -> memref<1x81920xf32, #tpu.memory_space<hbm>>
      %dma_start3A_208 = tpu.memref_squeeze %dma_start3A_207 : memref<1x81920xf32, #tpu.memory_space<hbm>> -> memref<81920xf32, #tpu.memory_space<hbm>>
      %dma_start3A_209 = tpu.memref_slice %dma_start3A_208[%mul3A_3] : memref<81920xf32, #tpu.memory_space<hbm>> -> memref<2560xf32, #tpu.memory_space<hbm>>
      %dma_start3A_210 = arith.constant 0 : i32
      %dma_start3A_211 = tpu.memref_slice %run_scoped3A[%dma_start3A_202, %dma_start3A_210] : memref<16x2560xf32, #tpu.memory_space<vmem>> -> memref<1x2560xf32, #tpu.memory_space<vmem>>
      %dma_start3A_212 = tpu.memref_squeeze %dma_start3A_211 : memref<1x2560xf32, #tpu.memory_space<vmem>> -> memref<2560xf32, #tpu.memory_space<vmem>>
      %dma_start3A_213 = arith.constant 0 : i32
      %dma_start3A_214 = tpu.memref_slice %arg2[%dma_start3A_201, %dma_start3A_213] : memref<32x81920xf32, #tpu.memory_space<hbm>> -> memref<1x81920xf32, #tpu.memory_space<hbm>>
      %dma_start3A_215 = tpu.memref_squeeze %dma_start3A_214 : memref<1x81920xf32, #tpu.memory_space<hbm>> -> memref<81920xf32, #tpu.memory_space<hbm>>
      %dma_start3A_216 = tpu.memref_slice %dma_start3A_215[%mul3A_3] : memref<81920xf32, #tpu.memory_space<hbm>> -> memref<2560xf32, #tpu.memory_space<hbm>>
      tpu.enqueue_dma source(%dma_start3A_216 : memref<2560xf32, #tpu.memory_space<hbm>>) target(%dma_start3A_212 : memref<2560xf32, #tpu.memory_space<vmem>>) target_semaphore(%arg4 : memref<!tpu.dma_semaphore, #tpu.memory_space<semaphore_mem>>)
      %dma_start3A_217 = arith.constant 13 : i32
      %dma_start3A_218 = arith.constant 13 : i32
      %dma_start3A_219 = arith.constant 0 : i32
      %dma_start3A_220 = tpu.memref_slice %run_scoped3A[%dma_start3A_218, %dma_start3A_219] : memref<16x2560xf32, #tpu.memory_space<vmem>> -> memref<1x2560xf32, #tpu.memory_space<vmem>>
      %dma_start3A_221 = tpu.memref_squeeze %dma_start3A_220 : memref<1x2560xf32, #tpu.memory_space<vmem>> -> memref<2560xf32, #tpu.memory_space<vmem>>
      %dma_start3A_222 = arith.constant 0 : i32
      %dma_start3A_223 = tpu.memref_slice %arg2[%dma_start3A_217, %dma_start3A_222] : memref<32x81920xf32, #tpu.memory_space<hbm>> -> memref<1x81920xf32, #tpu.memory_space<hbm>>
      %dma_start3A_224 = tpu.memref_squeeze %dma_start3A_223 : memref<1x81920xf32, #tpu.memory_space<hbm>> -> memref<81920xf32, #tpu.memory_space<hbm>>
      %dma_start3A_225 = tpu.memref_slice %dma_start3A_224[%mul3A_3] : memref<81920xf32, #tpu.memory_space<hbm>> -> memref<2560xf32, #tpu.memory_space<hbm>>
      %dma_start3A_226 = arith.constant 0 : i32
      %dma_start3A_227 = tpu.memref_slice %run_scoped3A[%dma_start3A_218, %dma_start3A_226] : memref<16x2560xf32, #tpu.memory_space<vmem>> -> memref<1x2560xf32, #tpu.memory_space<vmem>>
      %dma_start3A_228 = tpu.memref_squeeze %dma_start3A_227 : memref<1x2560xf32, #tpu.memory_space<vmem>> -> memref<2560xf32, #tpu.memory_space<vmem>>
      %dma_start3A_229 = arith.constant 0 : i32
      %dma_start3A_230 = tpu.memref_slice %arg2[%dma_start3A_217, %dma_start3A_229] : memref<32x81920xf32, #tpu.memory_space<hbm>> -> memref<1x81920xf32, #tpu.memory_space<hbm>>
      %dma_start3A_231 = tpu.memref_squeeze %dma_start3A_230 : memref<1x81920xf32, #tpu.memory_space<hbm>> -> memref<81920xf32, #tpu.memory_space<hbm>>
      %dma_start3A_232 = tpu.memref_slice %dma_start3A_231[%mul3A_3] : memref<81920xf32, #tpu.memory_space<hbm>> -> memref<2560xf32, #tpu.memory_space<hbm>>
      tpu.enqueue_dma source(%dma_start3A_232 : memref<2560xf32, #tpu.memory_space<hbm>>) target(%dma_start3A_228 : memref<2560xf32, #tpu.memory_space<vmem>>) target_semaphore(%arg4 : memref<!tpu.dma_semaphore, #tpu.memory_space<semaphore_mem>>)
      %dma_start3A_233 = arith.constant 14 : i32
      %dma_start3A_234 = arith.constant 14 : i32
      %dma_start3A_235 = arith.constant 0 : i32
      %dma_start3A_236 = tpu.memref_slice %run_scoped3A[%dma_start3A_234, %dma_start3A_235] : memref<16x2560xf32, #tpu.memory_space<vmem>> -> memref<1x2560xf32, #tpu.memory_space<vmem>>
      %dma_start3A_237 = tpu.memref_squeeze %dma_start3A_236 : memref<1x2560xf32, #tpu.memory_space<vmem>> -> memref<2560xf32, #tpu.memory_space<vmem>>
      %dma_start3A_238 = arith.constant 0 : i32
      %dma_start3A_239 = tpu.memref_slice %arg2[%dma_start3A_233, %dma_start3A_238] : memref<32x81920xf32, #tpu.memory_space<hbm>> -> memref<1x81920xf32, #tpu.memory_space<hbm>>
      %dma_start3A_240 = tpu.memref_squeeze %dma_start3A_239 : memref<1x81920xf32, #tpu.memory_space<hbm>> -> memref<81920xf32, #tpu.memory_space<hbm>>
      %dma_start3A_241 = tpu.memref_slice %dma_start3A_240[%mul3A_3] : memref<81920xf32, #tpu.memory_space<hbm>> -> memref<2560xf32, #tpu.memory_space<hbm>>
      %dma_start3A_242 = arith.constant 0 : i32
      %dma_start3A_243 = tpu.memref_slice %run_scoped3A[%dma_start3A_234, %dma_start3A_242] : memref<16x2560xf32, #tpu.memory_space<vmem>> -> memref<1x2560xf32, #tpu.memory_space<vmem>>
      %dma_start3A_244 = tpu.memref_squeeze %dma_start3A_243 : memref<1x2560xf32, #tpu.memory_space<vmem>> -> memref<2560xf32, #tpu.memory_space<vmem>>
      %dma_start3A_245 = arith.constant 0 : i32
      %dma_start3A_246 = tpu.memref_slice %arg2[%dma_start3A_233, %dma_start3A_245] : memref<32x81920xf32, #tpu.memory_space<hbm>> -> memref<1x81920xf32, #tpu.memory_space<hbm>>
      %dma_start3A_247 = tpu.memref_squeeze %dma_start3A_246 : memref<1x81920xf32, #tpu.memory_space<hbm>> -> memref<81920xf32, #tpu.memory_space<hbm>>
      %dma_start3A_248 = tpu.memref_slice %dma_start3A_247[%mul3A_3] : memref<81920xf32, #tpu.memory_space<hbm>> -> memref<2560xf32, #tpu.memory_space<hbm>>
      tpu.enqueue_dma source(%dma_start3A_248 : memref<2560xf32, #tpu.memory_space<hbm>>) target(%dma_start3A_244 : memref<2560xf32, #tpu.memory_space<vmem>>) target_semaphore(%arg4 : memref<!tpu.dma_semaphore, #tpu.memory_space<semaphore_mem>>)
      %dma_start3A_249 = arith.constant 15 : i32
      %dma_start3A_250 = arith.constant 15 : i32
      %dma_start3A_251 = arith.constant 0 : i32
      %dma_start3A_252 = tpu.memref_slice %run_scoped3A[%dma_start3A_250, %dma_start3A_251] : memref<16x2560xf32, #tpu.memory_space<vmem>> -> memref<1x2560xf32, #tpu.memory_space<vmem>>
      %dma_start3A_253 = tpu.memref_squeeze %dma_start3A_252 : memref<1x2560xf32, #tpu.memory_space<vmem>> -> memref<2560xf32, #tpu.memory_space<vmem>>
      %dma_start3A_254 = arith.constant 0 : i32
      %dma_start3A_255 = tpu.memref_slice %arg2[%dma_start3A_249, %dma_start3A_254] : memref<32x81920xf32, #tpu.memory_space<hbm>> -> memref<1x81920xf32, #tpu.memory_space<hbm>>
      %dma_start3A_256 = tpu.memref_squeeze %dma_start3A_255 : memref<1x81920xf32, #tpu.memory_space<hbm>> -> memref<81920xf32, #tpu.memory_space<hbm>>
      %dma_start3A_257 = tpu.memref_slice %dma_start3A_256[%mul3A_3] : memref<81920xf32, #tpu.memory_space<hbm>> -> memref<2560xf32, #tpu.memory_space<hbm>>
      %dma_start3A_258 = arith.constant 0 : i32
      %dma_start3A_259 = tpu.memref_slice %run_scoped3A[%dma_start3A_250, %dma_start3A_258] : memref<16x2560xf32, #tpu.memory_space<vmem>> -> memref<1x2560xf32, #tpu.memory_space<vmem>>
      %dma_start3A_260 = tpu.memref_squeeze %dma_start3A_259 : memref<1x2560xf32, #tpu.memory_space<vmem>> -> memref<2560xf32, #tpu.memory_space<vmem>>
      %dma_start3A_261 = arith.constant 0 : i32
      %dma_start3A_262 = tpu.memref_slice %arg2[%dma_start3A_249, %dma_start3A_261] : memref<32x81920xf32, #tpu.memory_space<hbm>> -> memref<1x81920xf32, #tpu.memory_space<hbm>>
      %dma_start3A_263 = tpu.memref_squeeze %dma_start3A_262 : memref<1x81920xf32, #tpu.memory_space<hbm>> -> memref<81920xf32, #tpu.memory_space<hbm>>
      %dma_start3A_264 = tpu.memref_slice %dma_start3A_263[%mul3A_3] : memref<81920xf32, #tpu.memory_space<hbm>> -> memref<2560xf32, #tpu.memory_space<hbm>>
      tpu.enqueue_dma source(%dma_start3A_264 : memref<2560xf32, #tpu.memory_space<hbm>>) target(%dma_start3A_260 : memref<2560xf32, #tpu.memory_space<vmem>>) target_semaphore(%arg4 : memref<!tpu.dma_semaphore, #tpu.memory_space<semaphore_mem>>)
      %dma_wait3A = arith.constant 0 : i32
      %dma_wait3A_265 = arith.constant 0 : i32
      %dma_wait3A_266 = arith.constant 0 : i32
      %dma_wait3A_267 = tpu.memref_slice %run_scoped3A[%dma_wait3A_265, %dma_wait3A_266] : memref<16x2560xf32, #tpu.memory_space<vmem>> -> memref<1x2560xf32, #tpu.memory_space<vmem>>
      %dma_wait3A_268 = tpu.memref_squeeze %dma_wait3A_267 : memref<1x2560xf32, #tpu.memory_space<vmem>> -> memref<2560xf32, #tpu.memory_space<vmem>>
      %dma_wait3A_269 = arith.constant 0 : i32
      %dma_wait3A_270 = tpu.memref_slice %arg2[%dma_wait3A, %dma_wait3A_269] : memref<32x81920xf32, #tpu.memory_space<hbm>> -> memref<1x81920xf32, #tpu.memory_space<hbm>>
      %dma_wait3A_271 = tpu.memref_squeeze %dma_wait3A_270 : memref<1x81920xf32, #tpu.memory_space<hbm>> -> memref<81920xf32, #tpu.memory_space<hbm>>
      %dma_wait3A_272 = tpu.memref_slice %dma_wait3A_271[%mul3A_3] : memref<81920xf32, #tpu.memory_space<hbm>> -> memref<2560xf32, #tpu.memory_space<hbm>>
      %dma_wait3A_273 = arith.constant 0 : i32
      %dma_wait3A_274 = tpu.memref_slice %run_scoped3A[%dma_wait3A_265, %dma_wait3A_273] : memref<16x2560xf32, #tpu.memory_space<vmem>> -> memref<1x2560xf32, #tpu.memory_space<vmem>>
      %dma_wait3A_275 = tpu.memref_squeeze %dma_wait3A_274 : memref<1x2560xf32, #tpu.memory_space<vmem>> -> memref<2560xf32, #tpu.memory_space<vmem>>
      %dma_wait3A_276 = arith.constant 0 : i32
      %dma_wait3A_277 = tpu.memref_slice %arg2[%dma_wait3A, %dma_wait3A_276] : memref<32x81920xf32, #tpu.memory_space<hbm>> -> memref<1x81920xf32, #tpu.memory_space<hbm>>
      %dma_wait3A_278 = tpu.memref_squeeze %dma_wait3A_277 : memref<1x81920xf32, #tpu.memory_space<hbm>> -> memref<81920xf32, #tpu.memory_space<hbm>>
      %dma_wait3A_279 = tpu.memref_slice %dma_wait3A_278[%mul3A_3] : memref<81920xf32, #tpu.memory_space<hbm>> -> memref<2560xf32, #tpu.memory_space<hbm>>
      tpu.wait_dma2 semaphore(%arg4 : memref<!tpu.dma_semaphore, #tpu.memory_space<semaphore_mem>>) src(%dma_wait3A_279 : memref<2560xf32, #tpu.memory_space<hbm>>) dst(%dma_wait3A_275 : memref<2560xf32, #tpu.memory_space<vmem>>)
      %dma_wait3A_280 = arith.constant 1 : i32
      %dma_wait3A_281 = arith.constant 1 : i32
      %dma_wait3A_282 = arith.constant 0 : i32
      %dma_wait3A_283 = tpu.memref_slice %run_scoped3A[%dma_wait3A_281, %dma_wait3A_282] : memref<16x2560xf32, #tpu.memory_space<vmem>> -> memref<1x2560xf32, #tpu.memory_space<vmem>>
      %dma_wait3A_284 = tpu.memref_squeeze %dma_wait3A_283 : memref<1x2560xf32, #tpu.memory_space<vmem>> -> memref<2560xf32, #tpu.memory_space<vmem>>
      %dma_wait3A_285 = arith.constant 0 : i32
      %dma_wait3A_286 = tpu.memref_slice %arg2[%dma_wait3A_280, %dma_wait3A_285] : memref<32x81920xf32, #tpu.memory_space<hbm>> -> memref<1x81920xf32, #tpu.memory_space<hbm>>
      %dma_wait3A_287 = tpu.memref_squeeze %dma_wait3A_286 : memref<1x81920xf32, #tpu.memory_space<hbm>> -> memref<81920xf32, #tpu.memory_space<hbm>>
      %dma_wait3A_288 = tpu.memref_slice %dma_wait3A_287[%mul3A_3] : memref<81920xf32, #tpu.memory_space<hbm>> -> memref<2560xf32, #tpu.memory_space<hbm>>
      %dma_wait3A_289 = arith.constant 0 : i32
      %dma_wait3A_290 = tpu.memref_slice %run_scoped3A[%dma_wait3A_281, %dma_wait3A_289] : memref<16x2560xf32, #tpu.memory_space<vmem>> -> memref<1x2560xf32, #tpu.memory_space<vmem>>
      %dma_wait3A_291 = tpu.memref_squeeze %dma_wait3A_290 : memref<1x2560xf32, #tpu.memory_space<vmem>> -> memref<2560xf32, #tpu.memory_space<vmem>>
      %dma_wait3A_292 = arith.constant 0 : i32
      %dma_wait3A_293 = tpu.memref_slice %arg2[%dma_wait3A_280, %dma_wait3A_292] : memref<32x81920xf32, #tpu.memory_space<hbm>> -> memref<1x81920xf32, #tpu.memory_space<hbm>>
      %dma_wait3A_294 = tpu.memref_squeeze %dma_wait3A_293 : memref<1x81920xf32, #tpu.memory_space<hbm>> -> memref<81920xf32, #tpu.memory_space<hbm>>
      %dma_wait3A_295 = tpu.memref_slice %dma_wait3A_294[%mul3A_3] : memref<81920xf32, #tpu.memory_space<hbm>> -> memref<2560xf32, #tpu.memory_space<hbm>>
      tpu.wait_dma2 semaphore(%arg4 : memref<!tpu.dma_semaphore, #tpu.memory_space<semaphore_mem>>) src(%dma_wait3A_295 : memref<2560xf32, #tpu.memory_space<hbm>>) dst(%dma_wait3A_291 : memref<2560xf32, #tpu.memory_space<vmem>>)
      %dma_wait3A_296 = arith.constant 2 : i32
      %dma_wait3A_297 = arith.constant 2 : i32
      %dma_wait3A_298 = arith.constant 0 : i32
      %dma_wait3A_299 = tpu.memref_slice %run_scoped3A[%dma_wait3A_297, %dma_wait3A_298] : memref<16x2560xf32, #tpu.memory_space<vmem>> -> memref<1x2560xf32, #tpu.memory_space<vmem>>
      %dma_wait3A_300 = tpu.memref_squeeze %dma_wait3A_299 : memref<1x2560xf32, #tpu.memory_space<vmem>> -> memref<2560xf32, #tpu.memory_space<vmem>>
      %dma_wait3A_301 = arith.constant 0 : i32
      %dma_wait3A_302 = tpu.memref_slice %arg2[%dma_wait3A_296, %dma_wait3A_301] : memref<32x81920xf32, #tpu.memory_space<hbm>> -> memref<1x81920xf32, #tpu.memory_space<hbm>>
      %dma_wait3A_303 = tpu.memref_squeeze %dma_wait3A_302 : memref<1x81920xf32, #tpu.memory_space<hbm>> -> memref<81920xf32, #tpu.memory_space<hbm>>
      %dma_wait3A_304 = tpu.memref_slice %dma_wait3A_303[%mul3A_3] : memref<81920xf32, #tpu.memory_space<hbm>> -> memref<2560xf32, #tpu.memory_space<hbm>>
      %dma_wait3A_305 = arith.constant 0 : i32
      %dma_wait3A_306 = tpu.memref_slice %run_scoped3A[%dma_wait3A_297, %dma_wait3A_305] : memref<16x2560xf32, #tpu.memory_space<vmem>> -> memref<1x2560xf32, #tpu.memory_space<vmem>>
      %dma_wait3A_307 = tpu.memref_squeeze %dma_wait3A_306 : memref<1x2560xf32, #tpu.memory_space<vmem>> -> memref<2560xf32, #tpu.memory_space<vmem>>
      %dma_wait3A_308 = arith.constant 0 : i32
      %dma_wait3A_309 = tpu.memref_slice %arg2[%dma_wait3A_296, %dma_wait3A_308] : memref<32x81920xf32, #tpu.memory_space<hbm>> -> memref<1x81920xf32, #tpu.memory_space<hbm>>
      %dma_wait3A_310 = tpu.memref_squeeze %dma_wait3A_309 : memref<1x81920xf32, #tpu.memory_space<hbm>> -> memref<81920xf32, #tpu.memory_space<hbm>>
      %dma_wait3A_311 = tpu.memref_slice %dma_wait3A_310[%mul3A_3] : memref<81920xf32, #tpu.memory_space<hbm>> -> memref<2560xf32, #tpu.memory_space<hbm>>
      tpu.wait_dma2 semaphore(%arg4 : memref<!tpu.dma_semaphore, #tpu.memory_space<semaphore_mem>>) src(%dma_wait3A_311 : memref<2560xf32, #tpu.memory_space<hbm>>) dst(%dma_wait3A_307 : memref<2560xf32, #tpu.memory_space<vmem>>)
      %dma_wait3A_312 = arith.constant 3 : i32
      %dma_wait3A_313 = arith.constant 3 : i32
      %dma_wait3A_314 = arith.constant 0 : i32
      %dma_wait3A_315 = tpu.memref_slice %run_scoped3A[%dma_wait3A_313, %dma_wait3A_314] : memref<16x2560xf32, #tpu.memory_space<vmem>> -> memref<1x2560xf32, #tpu.memory_space<vmem>>
      %dma_wait3A_316 = tpu.memref_squeeze %dma_wait3A_315 : memref<1x2560xf32, #tpu.memory_space<vmem>> -> memref<2560xf32, #tpu.memory_space<vmem>>
      %dma_wait3A_317 = arith.constant 0 : i32
      %dma_wait3A_318 = tpu.memref_slice %arg2[%dma_wait3A_312, %dma_wait3A_317] : memref<32x81920xf32, #tpu.memory_space<hbm>> -> memref<1x81920xf32, #tpu.memory_space<hbm>>
      %dma_wait3A_319 = tpu.memref_squeeze %dma_wait3A_318 : memref<1x81920xf32, #tpu.memory_space<hbm>> -> memref<81920xf32, #tpu.memory_space<hbm>>
      %dma_wait3A_320 = tpu.memref_slice %dma_wait3A_319[%mul3A_3] : memref<81920xf32, #tpu.memory_space<hbm>> -> memref<2560xf32, #tpu.memory_space<hbm>>
      %dma_wait3A_321 = arith.constant 0 : i32
      %dma_wait3A_322 = tpu.memref_slice %run_scoped3A[%dma_wait3A_313, %dma_wait3A_321] : memref<16x2560xf32, #tpu.memory_space<vmem>> -> memref<1x2560xf32, #tpu.memory_space<vmem>>
      %dma_wait3A_323 = tpu.memref_squeeze %dma_wait3A_322 : memref<1x2560xf32, #tpu.memory_space<vmem>> -> memref<2560xf32, #tpu.memory_space<vmem>>
      %dma_wait3A_324 = arith.constant 0 : i32
      %dma_wait3A_325 = tpu.memref_slice %arg2[%dma_wait3A_312, %dma_wait3A_324] : memref<32x81920xf32, #tpu.memory_space<hbm>> -> memref<1x81920xf32, #tpu.memory_space<hbm>>
      %dma_wait3A_326 = tpu.memref_squeeze %dma_wait3A_325 : memref<1x81920xf32, #tpu.memory_space<hbm>> -> memref<81920xf32, #tpu.memory_space<hbm>>
      %dma_wait3A_327 = tpu.memref_slice %dma_wait3A_326[%mul3A_3] : memref<81920xf32, #tpu.memory_space<hbm>> -> memref<2560xf32, #tpu.memory_space<hbm>>
      tpu.wait_dma2 semaphore(%arg4 : memref<!tpu.dma_semaphore, #tpu.memory_space<semaphore_mem>>) src(%dma_wait3A_327 : memref<2560xf32, #tpu.memory_space<hbm>>) dst(%dma_wait3A_323 : memref<2560xf32, #tpu.memory_space<vmem>>)
      %dma_wait3A_328 = arith.constant 4 : i32
      %dma_wait3A_329 = arith.constant 4 : i32
      %dma_wait3A_330 = arith.constant 0 : i32
      %dma_wait3A_331 = tpu.memref_slice %run_scoped3A[%dma_wait3A_329, %dma_wait3A_330] : memref<16x2560xf32, #tpu.memory_space<vmem>> -> memref<1x2560xf32, #tpu.memory_space<vmem>>
      %dma_wait3A_332 = tpu.memref_squeeze %dma_wait3A_331 : memref<1x2560xf32, #tpu.memory_space<vmem>> -> memref<2560xf32, #tpu.memory_space<vmem>>
      %dma_wait3A_333 = arith.constant 0 : i32
      %dma_wait3A_334 = tpu.memref_slice %arg2[%dma_wait3A_328, %dma_wait3A_333] : memref<32x81920xf32, #tpu.memory_space<hbm>> -> memref<1x81920xf32, #tpu.memory_space<hbm>>
      %dma_wait3A_335 = tpu.memref_squeeze %dma_wait3A_334 : memref<1x81920xf32, #tpu.memory_space<hbm>> -> memref<81920xf32, #tpu.memory_space<hbm>>
      %dma_wait3A_336 = tpu.memref_slice %dma_wait3A_335[%mul3A_3] : memref<81920xf32, #tpu.memory_space<hbm>> -> memref<2560xf32, #tpu.memory_space<hbm>>
      %dma_wait3A_337 = arith.constant 0 : i32
      %dma_wait3A_338 = tpu.memref_slice %run_scoped3A[%dma_wait3A_329, %dma_wait3A_337] : memref<16x2560xf32, #tpu.memory_space<vmem>> -> memref<1x2560xf32, #tpu.memory_space<vmem>>
      %dma_wait3A_339 = tpu.memref_squeeze %dma_wait3A_338 : memref<1x2560xf32, #tpu.memory_space<vmem>> -> memref<2560xf32, #tpu.memory_space<vmem>>
      %dma_wait3A_340 = arith.constant 0 : i32
      %dma_wait3A_341 = tpu.memref_slice %arg2[%dma_wait3A_328, %dma_wait3A_340] : memref<32x81920xf32, #tpu.memory_space<hbm>> -> memref<1x81920xf32, #tpu.memory_space<hbm>>
      %dma_wait3A_342 = tpu.memref_squeeze %dma_wait3A_341 : memref<1x81920xf32, #tpu.memory_space<hbm>> -> memref<81920xf32, #tpu.memory_space<hbm>>
      %dma_wait3A_343 = tpu.memref_slice %dma_wait3A_342[%mul3A_3] : memref<81920xf32, #tpu.memory_space<hbm>> -> memref<2560xf32, #tpu.memory_space<hbm>>
      tpu.wait_dma2 semaphore(%arg4 : memref<!tpu.dma_semaphore, #tpu.memory_space<semaphore_mem>>) src(%dma_wait3A_343 : memref<2560xf32, #tpu.memory_space<hbm>>) dst(%dma_wait3A_339 : memref<2560xf32, #tpu.memory_space<vmem>>)
      %dma_wait3A_344 = arith.constant 5 : i32
      %dma_wait3A_345 = arith.constant 5 : i32
      %dma_wait3A_346 = arith.constant 0 : i32
      %dma_wait3A_347 = tpu.memref_slice %run_scoped3A[%dma_wait3A_345, %dma_wait3A_346] : memref<16x2560xf32, #tpu.memory_space<vmem>> -> memref<1x2560xf32, #tpu.memory_space<vmem>>
      %dma_wait3A_348 = tpu.memref_squeeze %dma_wait3A_347 : memref<1x2560xf32, #tpu.memory_space<vmem>> -> memref<2560xf32, #tpu.memory_space<vmem>>
      %dma_wait3A_349 = arith.constant 0 : i32
      %dma_wait3A_350 = tpu.memref_slice %arg2[%dma_wait3A_344, %dma_wait3A_349] : memref<32x81920xf32, #tpu.memory_space<hbm>> -> memref<1x81920xf32, #tpu.memory_space<hbm>>
      %dma_wait3A_351 = tpu.memref_squeeze %dma_wait3A_350 : memref<1x81920xf32, #tpu.memory_space<hbm>> -> memref<81920xf32, #tpu.memory_space<hbm>>
      %dma_wait3A_352 = tpu.memref_slice %dma_wait3A_351[%mul3A_3] : memref<81920xf32, #tpu.memory_space<hbm>> -> memref<2560xf32, #tpu.memory_space<hbm>>
      %dma_wait3A_353 = arith.constant 0 : i32
      %dma_wait3A_354 = tpu.memref_slice %run_scoped3A[%dma_wait3A_345, %dma_wait3A_353] : memref<16x2560xf32, #tpu.memory_space<vmem>> -> memref<1x2560xf32, #tpu.memory_space<vmem>>
      %dma_wait3A_355 = tpu.memref_squeeze %dma_wait3A_354 : memref<1x2560xf32, #tpu.memory_space<vmem>> -> memref<2560xf32, #tpu.memory_space<vmem>>
      %dma_wait3A_356 = arith.constant 0 : i32
      %dma_wait3A_357 = tpu.memref_slice %arg2[%dma_wait3A_344, %dma_wait3A_356] : memref<32x81920xf32, #tpu.memory_space<hbm>> -> memref<1x81920xf32, #tpu.memory_space<hbm>>
      %dma_wait3A_358 = tpu.memref_squeeze %dma_wait3A_357 : memref<1x81920xf32, #tpu.memory_space<hbm>> -> memref<81920xf32, #tpu.memory_space<hbm>>
      %dma_wait3A_359 = tpu.memref_slice %dma_wait3A_358[%mul3A_3] : memref<81920xf32, #tpu.memory_space<hbm>> -> memref<2560xf32, #tpu.memory_space<hbm>>
      tpu.wait_dma2 semaphore(%arg4 : memref<!tpu.dma_semaphore, #tpu.memory_space<semaphore_mem>>) src(%dma_wait3A_359 : memref<2560xf32, #tpu.memory_space<hbm>>) dst(%dma_wait3A_355 : memref<2560xf32, #tpu.memory_space<vmem>>)
      %dma_wait3A_360 = arith.constant 6 : i32
      %dma_wait3A_361 = arith.constant 6 : i32
      %dma_wait3A_362 = arith.constant 0 : i32
      %dma_wait3A_363 = tpu.memref_slice %run_scoped3A[%dma_wait3A_361, %dma_wait3A_362] : memref<16x2560xf32, #tpu.memory_space<vmem>> -> memref<1x2560xf32, #tpu.memory_space<vmem>>
      %dma_wait3A_364 = tpu.memref_squeeze %dma_wait3A_363 : memref<1x2560xf32, #tpu.memory_space<vmem>> -> memref<2560xf32, #tpu.memory_space<vmem>>
      %dma_wait3A_365 = arith.constant 0 : i32
      %dma_wait3A_366 = tpu.memref_slice %arg2[%dma_wait3A_360, %dma_wait3A_365] : memref<32x81920xf32, #tpu.memory_space<hbm>> -> memref<1x81920xf32, #tpu.memory_space<hbm>>
      %dma_wait3A_367 = tpu.memref_squeeze %dma_wait3A_366 : memref<1x81920xf32, #tpu.memory_space<hbm>> -> memref<81920xf32, #tpu.memory_space<hbm>>
      %dma_wait3A_368 = tpu.memref_slice %dma_wait3A_367[%mul3A_3] : memref<81920xf32, #tpu.memory_space<hbm>> -> memref<2560xf32, #tpu.memory_space<hbm>>
      %dma_wait3A_369 = arith.constant 0 : i32
      %dma_wait3A_370 = tpu.memref_slice %run_scoped3A[%dma_wait3A_361, %dma_wait3A_369] : memref<16x2560xf32, #tpu.memory_space<vmem>> -> memref<1x2560xf32, #tpu.memory_space<vmem>>
      %dma_wait3A_371 = tpu.memref_squeeze %dma_wait3A_370 : memref<1x2560xf32, #tpu.memory_space<vmem>> -> memref<2560xf32, #tpu.memory_space<vmem>>
      %dma_wait3A_372 = arith.constant 0 : i32
      %dma_wait3A_373 = tpu.memref_slice %arg2[%dma_wait3A_360, %dma_wait3A_372] : memref<32x81920xf32, #tpu.memory_space<hbm>> -> memref<1x81920xf32, #tpu.memory_space<hbm>>
      %dma_wait3A_374 = tpu.memref_squeeze %dma_wait3A_373 : memref<1x81920xf32, #tpu.memory_space<hbm>> -> memref<81920xf32, #tpu.memory_space<hbm>>
      %dma_wait3A_375 = tpu.memref_slice %dma_wait3A_374[%mul3A_3] : memref<81920xf32, #tpu.memory_space<hbm>> -> memref<2560xf32, #tpu.memory_space<hbm>>
      tpu.wait_dma2 semaphore(%arg4 : memref<!tpu.dma_semaphore, #tpu.memory_space<semaphore_mem>>) src(%dma_wait3A_375 : memref<2560xf32, #tpu.memory_space<hbm>>) dst(%dma_wait3A_371 : memref<2560xf32, #tpu.memory_space<vmem>>)
      %dma_wait3A_376 = arith.constant 7 : i32
      %dma_wait3A_377 = arith.constant 7 : i32
      %dma_wait3A_378 = arith.constant 0 : i32
      %dma_wait3A_379 = tpu.memref_slice %run_scoped3A[%dma_wait3A_377, %dma_wait3A_378] : memref<16x2560xf32, #tpu.memory_space<vmem>> -> memref<1x2560xf32, #tpu.memory_space<vmem>>
      %dma_wait3A_380 = tpu.memref_squeeze %dma_wait3A_379 : memref<1x2560xf32, #tpu.memory_space<vmem>> -> memref<2560xf32, #tpu.memory_space<vmem>>
      %dma_wait3A_381 = arith.constant 0 : i32
      %dma_wait3A_382 = tpu.memref_slice %arg2[%dma_wait3A_376, %dma_wait3A_381] : memref<32x81920xf32, #tpu.memory_space<hbm>> -> memref<1x81920xf32, #tpu.memory_space<hbm>>
      %dma_wait3A_383 = tpu.memref_squeeze %dma_wait3A_382 : memref<1x81920xf32, #tpu.memory_space<hbm>> -> memref<81920xf32, #tpu.memory_space<hbm>>
      %dma_wait3A_384 = tpu.memref_slice %dma_wait3A_383[%mul3A_3] : memref<81920xf32, #tpu.memory_space<hbm>> -> memref<2560xf32, #tpu.memory_space<hbm>>
      %dma_wait3A_385 = arith.constant 0 : i32
      %dma_wait3A_386 = tpu.memref_slice %run_scoped3A[%dma_wait3A_377, %dma_wait3A_385] : memref<16x2560xf32, #tpu.memory_space<vmem>> -> memref<1x2560xf32, #tpu.memory_space<vmem>>
      %dma_wait3A_387 = tpu.memref_squeeze %dma_wait3A_386 : memref<1x2560xf32, #tpu.memory_space<vmem>> -> memref<2560xf32, #tpu.memory_space<vmem>>
      %dma_wait3A_388 = arith.constant 0 : i32
      %dma_wait3A_389 = tpu.memref_slice %arg2[%dma_wait3A_376, %dma_wait3A_388] : memref<32x81920xf32, #tpu.memory_space<hbm>> -> memref<1x81920xf32, #tpu.memory_space<hbm>>
      %dma_wait3A_390 = tpu.memref_squeeze %dma_wait3A_389 : memref<1x81920xf32, #tpu.memory_space<hbm>> -> memref<81920xf32, #tpu.memory_space<hbm>>
      %dma_wait3A_391 = tpu.memref_slice %dma_wait3A_390[%mul3A_3] : memref<81920xf32, #tpu.memory_space<hbm>> -> memref<2560xf32, #tpu.memory_space<hbm>>
      tpu.wait_dma2 semaphore(%arg4 : memref<!tpu.dma_semaphore, #tpu.memory_space<semaphore_mem>>) src(%dma_wait3A_391 : memref<2560xf32, #tpu.memory_space<hbm>>) dst(%dma_wait3A_387 : memref<2560xf32, #tpu.memory_space<vmem>>)
      %dma_wait3A_392 = arith.constant 8 : i32
      %dma_wait3A_393 = arith.constant 8 : i32
      %dma_wait3A_394 = arith.constant 0 : i32
      %dma_wait3A_395 = tpu.memref_slice %run_scoped3A[%dma_wait3A_393, %dma_wait3A_394] : memref<16x2560xf32, #tpu.memory_space<vmem>> -> memref<1x2560xf32, #tpu.memory_space<vmem>>
      %dma_wait3A_396 = tpu.memref_squeeze %dma_wait3A_395 : memref<1x2560xf32, #tpu.memory_space<vmem>> -> memref<2560xf32, #tpu.memory_space<vmem>>
      %dma_wait3A_397 = arith.constant 0 : i32
      %dma_wait3A_398 = tpu.memref_slice %arg2[%dma_wait3A_392, %dma_wait3A_397] : memref<32x81920xf32, #tpu.memory_space<hbm>> -> memref<1x81920xf32, #tpu.memory_space<hbm>>
      %dma_wait3A_399 = tpu.memref_squeeze %dma_wait3A_398 : memref<1x81920xf32, #tpu.memory_space<hbm>> -> memref<81920xf32, #tpu.memory_space<hbm>>
      %dma_wait3A_400 = tpu.memref_slice %dma_wait3A_399[%mul3A_3] : memref<81920xf32, #tpu.memory_space<hbm>> -> memref<2560xf32, #tpu.memory_space<hbm>>
      %dma_wait3A_401 = arith.constant 0 : i32
      %dma_wait3A_402 = tpu.memref_slice %run_scoped3A[%dma_wait3A_393, %dma_wait3A_401] : memref<16x2560xf32, #tpu.memory_space<vmem>> -> memref<1x2560xf32, #tpu.memory_space<vmem>>
      %dma_wait3A_403 = tpu.memref_squeeze %dma_wait3A_402 : memref<1x2560xf32, #tpu.memory_space<vmem>> -> memref<2560xf32, #tpu.memory_space<vmem>>
      %dma_wait3A_404 = arith.constant 0 : i32
      %dma_wait3A_405 = tpu.memref_slice %arg2[%dma_wait3A_392, %dma_wait3A_404] : memref<32x81920xf32, #tpu.memory_space<hbm>> -> memref<1x81920xf32, #tpu.memory_space<hbm>>
      %dma_wait3A_406 = tpu.memref_squeeze %dma_wait3A_405 : memref<1x81920xf32, #tpu.memory_space<hbm>> -> memref<81920xf32, #tpu.memory_space<hbm>>
      %dma_wait3A_407 = tpu.memref_slice %dma_wait3A_406[%mul3A_3] : memref<81920xf32, #tpu.memory_space<hbm>> -> memref<2560xf32, #tpu.memory_space<hbm>>
      tpu.wait_dma2 semaphore(%arg4 : memref<!tpu.dma_semaphore, #tpu.memory_space<semaphore_mem>>) src(%dma_wait3A_407 : memref<2560xf32, #tpu.memory_space<hbm>>) dst(%dma_wait3A_403 : memref<2560xf32, #tpu.memory_space<vmem>>)
      %dma_wait3A_408 = arith.constant 9 : i32
      %dma_wait3A_409 = arith.constant 9 : i32
      %dma_wait3A_410 = arith.constant 0 : i32
      %dma_wait3A_411 = tpu.memref_slice %run_scoped3A[%dma_wait3A_409, %dma_wait3A_410] : memref<16x2560xf32, #tpu.memory_space<vmem>> -> memref<1x2560xf32, #tpu.memory_space<vmem>>
      %dma_wait3A_412 = tpu.memref_squeeze %dma_wait3A_411 : memref<1x2560xf32, #tpu.memory_space<vmem>> -> memref<2560xf32, #tpu.memory_space<vmem>>
      %dma_wait3A_413 = arith.constant 0 : i32
      %dma_wait3A_414 = tpu.memref_slice %arg2[%dma_wait3A_408, %dma_wait3A_413] : memref<32x81920xf32, #tpu.memory_space<hbm>> -> memref<1x81920xf32, #tpu.memory_space<hbm>>
      %dma_wait3A_415 = tpu.memref_squeeze %dma_wait3A_414 : memref<1x81920xf32, #tpu.memory_space<hbm>> -> memref<81920xf32, #tpu.memory_space<hbm>>
      %dma_wait3A_416 = tpu.memref_slice %dma_wait3A_415[%mul3A_3] : memref<81920xf32, #tpu.memory_space<hbm>> -> memref<2560xf32, #tpu.memory_space<hbm>>
      %dma_wait3A_417 = arith.constant 0 : i32
      %dma_wait3A_418 = tpu.memref_slice %run_scoped3A[%dma_wait3A_409, %dma_wait3A_417] : memref<16x2560xf32, #tpu.memory_space<vmem>> -> memref<1x2560xf32, #tpu.memory_space<vmem>>
      %dma_wait3A_419 = tpu.memref_squeeze %dma_wait3A_418 : memref<1x2560xf32, #tpu.memory_space<vmem>> -> memref<2560xf32, #tpu.memory_space<vmem>>
      %dma_wait3A_420 = arith.constant 0 : i32
      %dma_wait3A_421 = tpu.memref_slice %arg2[%dma_wait3A_408, %dma_wait3A_420] : memref<32x81920xf32, #tpu.memory_space<hbm>> -> memref<1x81920xf32, #tpu.memory_space<hbm>>
      %dma_wait3A_422 = tpu.memref_squeeze %dma_wait3A_421 : memref<1x81920xf32, #tpu.memory_space<hbm>> -> memref<81920xf32, #tpu.memory_space<hbm>>
      %dma_wait3A_423 = tpu.memref_slice %dma_wait3A_422[%mul3A_3] : memref<81920xf32, #tpu.memory_space<hbm>> -> memref<2560xf32, #tpu.memory_space<hbm>>
      tpu.wait_dma2 semaphore(%arg4 : memref<!tpu.dma_semaphore, #tpu.memory_space<semaphore_mem>>) src(%dma_wait3A_423 : memref<2560xf32, #tpu.memory_space<hbm>>) dst(%dma_wait3A_419 : memref<2560xf32, #tpu.memory_space<vmem>>)
      %dma_wait3A_424 = arith.constant 10 : i32
      %dma_wait3A_425 = arith.constant 10 : i32
      %dma_wait3A_426 = arith.constant 0 : i32
      %dma_wait3A_427 = tpu.memref_slice %run_scoped3A[%dma_wait3A_425, %dma_wait3A_426] : memref<16x2560xf32, #tpu.memory_space<vmem>> -> memref<1x2560xf32, #tpu.memory_space<vmem>>
      %dma_wait3A_428 = tpu.memref_squeeze %dma_wait3A_427 : memref<1x2560xf32, #tpu.memory_space<vmem>> -> memref<2560xf32, #tpu.memory_space<vmem>>
      %dma_wait3A_429 = arith.constant 0 : i32
      %dma_wait3A_430 = tpu.memref_slice %arg2[%dma_wait3A_424, %dma_wait3A_429] : memref<32x81920xf32, #tpu.memory_space<hbm>> -> memref<1x81920xf32, #tpu.memory_space<hbm>>
      %dma_wait3A_431 = tpu.memref_squeeze %dma_wait3A_430 : memref<1x81920xf32, #tpu.memory_space<hbm>> -> memref<81920xf32, #tpu.memory_space<hbm>>
      %dma_wait3A_432 = tpu.memref_slice %dma_wait3A_431[%mul3A_3] : memref<81920xf32, #tpu.memory_space<hbm>> -> memref<2560xf32, #tpu.memory_space<hbm>>
      %dma_wait3A_433 = arith.constant 0 : i32
      %dma_wait3A_434 = tpu.memref_slice %run_scoped3A[%dma_wait3A_425, %dma_wait3A_433] : memref<16x2560xf32, #tpu.memory_space<vmem>> -> memref<1x2560xf32, #tpu.memory_space<vmem>>
      %dma_wait3A_435 = tpu.memref_squeeze %dma_wait3A_434 : memref<1x2560xf32, #tpu.memory_space<vmem>> -> memref<2560xf32, #tpu.memory_space<vmem>>
      %dma_wait3A_436 = arith.constant 0 : i32
      %dma_wait3A_437 = tpu.memref_slice %arg2[%dma_wait3A_424, %dma_wait3A_436] : memref<32x81920xf32, #tpu.memory_space<hbm>> -> memref<1x81920xf32, #tpu.memory_space<hbm>>
      %dma_wait3A_438 = tpu.memref_squeeze %dma_wait3A_437 : memref<1x81920xf32, #tpu.memory_space<hbm>> -> memref<81920xf32, #tpu.memory_space<hbm>>
      %dma_wait3A_439 = tpu.memref_slice %dma_wait3A_438[%mul3A_3] : memref<81920xf32, #tpu.memory_space<hbm>> -> memref<2560xf32, #tpu.memory_space<hbm>>
      tpu.wait_dma2 semaphore(%arg4 : memref<!tpu.dma_semaphore, #tpu.memory_space<semaphore_mem>>) src(%dma_wait3A_439 : memref<2560xf32, #tpu.memory_space<hbm>>) dst(%dma_wait3A_435 : memref<2560xf32, #tpu.memory_space<vmem>>)
      %dma_wait3A_440 = arith.constant 11 : i32
      %dma_wait3A_441 = arith.constant 11 : i32
      %dma_wait3A_442 = arith.constant 0 : i32
      %dma_wait3A_443 = tpu.memref_slice %run_scoped3A[%dma_wait3A_441, %dma_wait3A_442] : memref<16x2560xf32, #tpu.memory_space<vmem>> -> memref<1x2560xf32, #tpu.memory_space<vmem>>
      %dma_wait3A_444 = tpu.memref_squeeze %dma_wait3A_443 : memref<1x2560xf32, #tpu.memory_space<vmem>> -> memref<2560xf32, #tpu.memory_space<vmem>>
      %dma_wait3A_445 = arith.constant 0 : i32
      %dma_wait3A_446 = tpu.memref_slice %arg2[%dma_wait3A_440, %dma_wait3A_445] : memref<32x81920xf32, #tpu.memory_space<hbm>> -> memref<1x81920xf32, #tpu.memory_space<hbm>>
      %dma_wait3A_447 = tpu.memref_squeeze %dma_wait3A_446 : memref<1x81920xf32, #tpu.memory_space<hbm>> -> memref<81920xf32, #tpu.memory_space<hbm>>
      %dma_wait3A_448 = tpu.memref_slice %dma_wait3A_447[%mul3A_3] : memref<81920xf32, #tpu.memory_space<hbm>> -> memref<2560xf32, #tpu.memory_space<hbm>>
      %dma_wait3A_449 = arith.constant 0 : i32
      %dma_wait3A_450 = tpu.memref_slice %run_scoped3A[%dma_wait3A_441, %dma_wait3A_449] : memref<16x2560xf32, #tpu.memory_space<vmem>> -> memref<1x2560xf32, #tpu.memory_space<vmem>>
      %dma_wait3A_451 = tpu.memref_squeeze %dma_wait3A_450 : memref<1x2560xf32, #tpu.memory_space<vmem>> -> memref<2560xf32, #tpu.memory_space<vmem>>
      %dma_wait3A_452 = arith.constant 0 : i32
      %dma_wait3A_453 = tpu.memref_slice %arg2[%dma_wait3A_440, %dma_wait3A_452] : memref<32x81920xf32, #tpu.memory_space<hbm>> -> memref<1x81920xf32, #tpu.memory_space<hbm>>
      %dma_wait3A_454 = tpu.memref_squeeze %dma_wait3A_453 : memref<1x81920xf32, #tpu.memory_space<hbm>> -> memref<81920xf32, #tpu.memory_space<hbm>>
      %dma_wait3A_455 = tpu.memref_slice %dma_wait3A_454[%mul3A_3] : memref<81920xf32, #tpu.memory_space<hbm>> -> memref<2560xf32, #tpu.memory_space<hbm>>
      tpu.wait_dma2 semaphore(%arg4 : memref<!tpu.dma_semaphore, #tpu.memory_space<semaphore_mem>>) src(%dma_wait3A_455 : memref<2560xf32, #tpu.memory_space<hbm>>) dst(%dma_wait3A_451 : memref<2560xf32, #tpu.memory_space<vmem>>)
      %dma_wait3A_456 = arith.constant 12 : i32
      %dma_wait3A_457 = arith.constant 12 : i32
      %dma_wait3A_458 = arith.constant 0 : i32
      %dma_wait3A_459 = tpu.memref_slice %run_scoped3A[%dma_wait3A_457, %dma_wait3A_458] : memref<16x2560xf32, #tpu.memory_space<vmem>> -> memref<1x2560xf32, #tpu.memory_space<vmem>>
      %dma_wait3A_460 = tpu.memref_squeeze %dma_wait3A_459 : memref<1x2560xf32, #tpu.memory_space<vmem>> -> memref<2560xf32, #tpu.memory_space<vmem>>
      %dma_wait3A_461 = arith.constant 0 : i32
      %dma_wait3A_462 = tpu.memref_slice %arg2[%dma_wait3A_456, %dma_wait3A_461] : memref<32x81920xf32, #tpu.memory_space<hbm>> -> memref<1x81920xf32, #tpu.memory_space<hbm>>
      %dma_wait3A_463 = tpu.memref_squeeze %dma_wait3A_462 : memref<1x81920xf32, #tpu.memory_space<hbm>> -> memref<81920xf32, #tpu.memory_space<hbm>>
      %dma_wait3A_464 = tpu.memref_slice %dma_wait3A_463[%mul3A_3] : memref<81920xf32, #tpu.memory_space<hbm>> -> memref<2560xf32, #tpu.memory_space<hbm>>
      %dma_wait3A_465 = arith.constant 0 : i32
      %dma_wait3A_466 = tpu.memref_slice %run_scoped3A[%dma_wait3A_457, %dma_wait3A_465] : memref<16x2560xf32, #tpu.memory_space<vmem>> -> memref<1x2560xf32, #tpu.memory_space<vmem>>
      %dma_wait3A_467 = tpu.memref_squeeze %dma_wait3A_466 : memref<1x2560xf32, #tpu.memory_space<vmem>> -> memref<2560xf32, #tpu.memory_space<vmem>>
      %dma_wait3A_468 = arith.constant 0 : i32
      %dma_wait3A_469 = tpu.memref_slice %arg2[%dma_wait3A_456, %dma_wait3A_468] : memref<32x81920xf32, #tpu.memory_space<hbm>> -> memref<1x81920xf32, #tpu.memory_space<hbm>>
      %dma_wait3A_470 = tpu.memref_squeeze %dma_wait3A_469 : memref<1x81920xf32, #tpu.memory_space<hbm>> -> memref<81920xf32, #tpu.memory_space<hbm>>
      %dma_wait3A_471 = tpu.memref_slice %dma_wait3A_470[%mul3A_3] : memref<81920xf32, #tpu.memory_space<hbm>> -> memref<2560xf32, #tpu.memory_space<hbm>>
      tpu.wait_dma2 semaphore(%arg4 : memref<!tpu.dma_semaphore, #tpu.memory_space<semaphore_mem>>) src(%dma_wait3A_471 : memref<2560xf32, #tpu.memory_space<hbm>>) dst(%dma_wait3A_467 : memref<2560xf32, #tpu.memory_space<vmem>>)
      %dma_wait3A_472 = arith.constant 13 : i32
      %dma_wait3A_473 = arith.constant 13 : i32
      %dma_wait3A_474 = arith.constant 0 : i32
      %dma_wait3A_475 = tpu.memref_slice %run_scoped3A[%dma_wait3A_473, %dma_wait3A_474] : memref<16x2560xf32, #tpu.memory_space<vmem>> -> memref<1x2560xf32, #tpu.memory_space<vmem>>
      %dma_wait3A_476 = tpu.memref_squeeze %dma_wait3A_475 : memref<1x2560xf32, #tpu.memory_space<vmem>> -> memref<2560xf32, #tpu.memory_space<vmem>>
      %dma_wait3A_477 = arith.constant 0 : i32
      %dma_wait3A_478 = tpu.memref_slice %arg2[%dma_wait3A_472, %dma_wait3A_477] : memref<32x81920xf32, #tpu.memory_space<hbm>> -> memref<1x81920xf32, #tpu.memory_space<hbm>>
      %dma_wait3A_479 = tpu.memref_squeeze %dma_wait3A_478 : memref<1x81920xf32, #tpu.memory_space<hbm>> -> memref<81920xf32, #tpu.memory_space<hbm>>
      %dma_wait3A_480 = tpu.memref_slice %dma_wait3A_479[%mul3A_3] : memref<81920xf32, #tpu.memory_space<hbm>> -> memref<2560xf32, #tpu.memory_space<hbm>>
      %dma_wait3A_481 = arith.constant 0 : i32
      %dma_wait3A_482 = tpu.memref_slice %run_scoped3A[%dma_wait3A_473, %dma_wait3A_481] : memref<16x2560xf32, #tpu.memory_space<vmem>> -> memref<1x2560xf32, #tpu.memory_space<vmem>>
      %dma_wait3A_483 = tpu.memref_squeeze %dma_wait3A_482 : memref<1x2560xf32, #tpu.memory_space<vmem>> -> memref<2560xf32, #tpu.memory_space<vmem>>
      %dma_wait3A_484 = arith.constant 0 : i32
      %dma_wait3A_485 = tpu.memref_slice %arg2[%dma_wait3A_472, %dma_wait3A_484] : memref<32x81920xf32, #tpu.memory_space<hbm>> -> memref<1x81920xf32, #tpu.memory_space<hbm>>
      %dma_wait3A_486 = tpu.memref_squeeze %dma_wait3A_485 : memref<1x81920xf32, #tpu.memory_space<hbm>> -> memref<81920xf32, #tpu.memory_space<hbm>>
      %dma_wait3A_487 = tpu.memref_slice %dma_wait3A_486[%mul3A_3] : memref<81920xf32, #tpu.memory_space<hbm>> -> memref<2560xf32, #tpu.memory_space<hbm>>
      tpu.wait_dma2 semaphore(%arg4 : memref<!tpu.dma_semaphore, #tpu.memory_space<semaphore_mem>>) src(%dma_wait3A_487 : memref<2560xf32, #tpu.memory_space<hbm>>) dst(%dma_wait3A_483 : memref<2560xf32, #tpu.memory_space<vmem>>)
      %dma_wait3A_488 = arith.constant 14 : i32
      %dma_wait3A_489 = arith.constant 14 : i32
      %dma_wait3A_490 = arith.constant 0 : i32
      %dma_wait3A_491 = tpu.memref_slice %run_scoped3A[%dma_wait3A_489, %dma_wait3A_490] : memref<16x2560xf32, #tpu.memory_space<vmem>> -> memref<1x2560xf32, #tpu.memory_space<vmem>>
      %dma_wait3A_492 = tpu.memref_squeeze %dma_wait3A_491 : memref<1x2560xf32, #tpu.memory_space<vmem>> -> memref<2560xf32, #tpu.memory_space<vmem>>
      %dma_wait3A_493 = arith.constant 0 : i32
      %dma_wait3A_494 = tpu.memref_slice %arg2[%dma_wait3A_488, %dma_wait3A_493] : memref<32x81920xf32, #tpu.memory_space<hbm>> -> memref<1x81920xf32, #tpu.memory_space<hbm>>
      %dma_wait3A_495 = tpu.memref_squeeze %dma_wait3A_494 : memref<1x81920xf32, #tpu.memory_space<hbm>> -> memref<81920xf32, #tpu.memory_space<hbm>>
      %dma_wait3A_496 = tpu.memref_slice %dma_wait3A_495[%mul3A_3] : memref<81920xf32, #tpu.memory_space<hbm>> -> memref<2560xf32, #tpu.memory_space<hbm>>
      %dma_wait3A_497 = arith.constant 0 : i32
      %dma_wait3A_498 = tpu.memref_slice %run_scoped3A[%dma_wait3A_489, %dma_wait3A_497] : memref<16x2560xf32, #tpu.memory_space<vmem>> -> memref<1x2560xf32, #tpu.memory_space<vmem>>
      %dma_wait3A_499 = tpu.memref_squeeze %dma_wait3A_498 : memref<1x2560xf32, #tpu.memory_space<vmem>> -> memref<2560xf32, #tpu.memory_space<vmem>>
      %dma_wait3A_500 = arith.constant 0 : i32
      %dma_wait3A_501 = tpu.memref_slice %arg2[%dma_wait3A_488, %dma_wait3A_500] : memref<32x81920xf32, #tpu.memory_space<hbm>> -> memref<1x81920xf32, #tpu.memory_space<hbm>>
      %dma_wait3A_502 = tpu.memref_squeeze %dma_wait3A_501 : memref<1x81920xf32, #tpu.memory_space<hbm>> -> memref<81920xf32, #tpu.memory_space<hbm>>
      %dma_wait3A_503 = tpu.memref_slice %dma_wait3A_502[%mul3A_3] : memref<81920xf32, #tpu.memory_space<hbm>> -> memref<2560xf32, #tpu.memory_space<hbm>>
      tpu.wait_dma2 semaphore(%arg4 : memref<!tpu.dma_semaphore, #tpu.memory_space<semaphore_mem>>) src(%dma_wait3A_503 : memref<2560xf32, #tpu.memory_space<hbm>>) dst(%dma_wait3A_499 : memref<2560xf32, #tpu.memory_space<vmem>>)
      %dma_wait3A_504 = arith.constant 15 : i32
      %dma_wait3A_505 = arith.constant 15 : i32
      %dma_wait3A_506 = arith.constant 0 : i32
      %dma_wait3A_507 = tpu.memref_slice %run_scoped3A[%dma_wait3A_505, %dma_wait3A_506] : memref<16x2560xf32, #tpu.memory_space<vmem>> -> memref<1x2560xf32, #tpu.memory_space<vmem>>
      %dma_wait3A_508 = tpu.memref_squeeze %dma_wait3A_507 : memref<1x2560xf32, #tpu.memory_space<vmem>> -> memref<2560xf32, #tpu.memory_space<vmem>>
      %dma_wait3A_509 = arith.constant 0 : i32
      %dma_wait3A_510 = tpu.memref_slice %arg2[%dma_wait3A_504, %dma_wait3A_509] : memref<32x81920xf32, #tpu.memory_space<hbm>> -> memref<1x81920xf32, #tpu.memory_space<hbm>>
      %dma_wait3A_511 = tpu.memref_squeeze %dma_wait3A_510 : memref<1x81920xf32, #tpu.memory_space<hbm>> -> memref<81920xf32, #tpu.memory_space<hbm>>
      %dma_wait3A_512 = tpu.memref_slice %dma_wait3A_511[%mul3A_3] : memref<81920xf32, #tpu.memory_space<hbm>> -> memref<2560xf32, #tpu.memory_space<hbm>>
      %dma_wait3A_513 = arith.constant 0 : i32
      %dma_wait3A_514 = tpu.memref_slice %run_scoped3A[%dma_wait3A_505, %dma_wait3A_513] : memref<16x2560xf32, #tpu.memory_space<vmem>> -> memref<1x2560xf32, #tpu.memory_space<vmem>>
      %dma_wait3A_515 = tpu.memref_squeeze %dma_wait3A_514 : memref<1x2560xf32, #tpu.memory_space<vmem>> -> memref<2560xf32, #tpu.memory_space<vmem>>
      %dma_wait3A_516 = arith.constant 0 : i32
      %dma_wait3A_517 = tpu.memref_slice %arg2[%dma_wait3A_504, %dma_wait3A_516] : memref<32x81920xf32, #tpu.memory_space<hbm>> -> memref<1x81920xf32, #tpu.memory_space<hbm>>
      %dma_wait3A_518 = tpu.memref_squeeze %dma_wait3A_517 : memref<1x81920xf32, #tpu.memory_space<hbm>> -> memref<81920xf32, #tpu.memory_space<hbm>>
      %dma_wait3A_519 = tpu.memref_slice %dma_wait3A_518[%mul3A_3] : memref<81920xf32, #tpu.memory_space<hbm>> -> memref<2560xf32, #tpu.memory_space<hbm>>
      tpu.wait_dma2 semaphore(%arg4 : memref<!tpu.dma_semaphore, #tpu.memory_space<semaphore_mem>>) src(%dma_wait3A_519 : memref<2560xf32, #tpu.memory_space<hbm>>) dst(%dma_wait3A_515 : memref<2560xf32, #tpu.memory_space<vmem>>)
      %scan3A_520 = arith.constant 0 : i32
      %scan3A_521 = arith.constant 0 : i32
      %scan3A_522 = arith.constant 16 : i32
      %scan3A_523 = arith.addi %scan3A_521, %scan3A_522 : i32
      %scan3A_524 = arith.constant 1 : i32
      scf.for %scan3A_1044 = %scan3A_521 to %scan3A_523 step %scan3A_524  : i32 {
        %scan3A_1045 = arith.constant 0 : i32
        %scan3A_1046 = arith.constant 0 : i32
        %scan3A_1047 = arith.constant 160 : i32
        %scan3A_1048 = arith.addi %scan3A_1046, %scan3A_1047 : i32
        %scan3A_1049 = arith.constant 1 : i32
        scf.for %scan3A_1051 = %scan3A_1046 to %scan3A_1048 step %scan3A_1049  : i32 {
          %mul3A_1052 = arith.constant 16 : i32
          %mul3A_1053 = arith.muli %scan3A_1051, %mul3A_1052 : i32
          %get3A = arith.index_cast %mul3A_1053 : i32 to index
          %get3A_1054 = tpu.vector_load %run_scoped3A_0[%get3A] {strides = array<i32>} : memref<2560xf32, #tpu.memory_space<vmem>>, vector<16xf32>,
          %get3A_1055 = vector.shape_cast %get3A_1054 : vector<16xf32> to vector<16xf32>
          %get3A_1056 = arith.index_cast %scan3A_1044 : i32 to index
          %get3A_1057 = arith.index_cast %mul3A_1053 : i32 to index
          %get3A_1058 = tpu.vector_load %run_scoped3A[%get3A_1056, %get3A_1057] {strides = array<i32>} : memref<16x2560xf32, #tpu.memory_space<vmem>>, vector<1x16xf32>,
          %get3A_1059 = vector.shape_cast %get3A_1058 : vector<1x16xf32> to vector<16xf32>
          %add3A_1060 = arith.addf %get3A_1055, %get3A_1059 : vector<16xf32>
          %swap3A = arith.index_cast %mul3A_1053 : i32 to index
          %swap3A_1061 = tpu.vector_load %run_scoped3A_0[%swap3A] {strides = array<i32>} : memref<2560xf32, #tpu.memory_space<vmem>>, vector<16xf32>,
          %swap3A_1062 = vector.shape_cast %swap3A_1061 : vector<16xf32> to vector<16xf32>
          %swap3A_1063 = vector.shape_cast %add3A_1060 : vector<16xf32> to vector<16xf32>
          tpu.vector_store %run_scoped3A_0[%swap3A], %swap3A_1063 {strides = array<i32>} : memref<2560xf32, #tpu.memory_space<vmem>>, vector<16xf32>,
        }
        %scan3A_1050 = arith.constant 160 : i32
      }
      %scan3A_525 = arith.constant 16 : i32
      %dma_start3A_526 = arith.constant 16 : i32
      %dma_start3A_527 = arith.constant 0 : i32
      %dma_start3A_528 = arith.constant 0 : i32
      %dma_start3A_529 = tpu.memref_slice %run_scoped3A[%dma_start3A_527, %dma_start3A_528] : memref<16x2560xf32, #tpu.memory_space<vmem>> -> memref<1x2560xf32, #tpu.memory_space<vmem>>
      %dma_start3A_530 = tpu.memref_squeeze %dma_start3A_529 : memref<1x2560xf32, #tpu.memory_space<vmem>> -> memref<2560xf32, #tpu.memory_space<vmem>>
      %dma_start3A_531 = arith.constant 0 : i32
      %dma_start3A_532 = tpu.memref_slice %arg2[%dma_start3A_526, %dma_start3A_531] : memref<32x81920xf32, #tpu.memory_space<hbm>> -> memref<1x81920xf32, #tpu.memory_space<hbm>>
      %dma_start3A_533 = tpu.memref_squeeze %dma_start3A_532 : memref<1x81920xf32, #tpu.memory_space<hbm>> -> memref<81920xf32, #tpu.memory_space<hbm>>
      %dma_start3A_534 = tpu.memref_slice %dma_start3A_533[%mul3A_3] : memref<81920xf32, #tpu.memory_space<hbm>> -> memref<2560xf32, #tpu.memory_space<hbm>>
      %dma_start3A_535 = arith.constant 0 : i32
      %dma_start3A_536 = tpu.memref_slice %run_scoped3A[%dma_start3A_527, %dma_start3A_535] : memref<16x2560xf32, #tpu.memory_space<vmem>> -> memref<1x2560xf32, #tpu.memory_space<vmem>>
      %dma_start3A_537 = tpu.memref_squeeze %dma_start3A_536 : memref<1x2560xf32, #tpu.memory_space<vmem>> -> memref<2560xf32, #tpu.memory_space<vmem>>
      %dma_start3A_538 = arith.constant 0 : i32
      %dma_start3A_539 = tpu.memref_slice %arg2[%dma_start3A_526, %dma_start3A_538] : memref<32x81920xf32, #tpu.memory_space<hbm>> -> memref<1x81920xf32, #tpu.memory_space<hbm>>
      %dma_start3A_540 = tpu.memref_squeeze %dma_start3A_539 : memref<1x81920xf32, #tpu.memory_space<hbm>> -> memref<81920xf32, #tpu.memory_space<hbm>>
      %dma_start3A_541 = tpu.memref_slice %dma_start3A_540[%mul3A_3] : memref<81920xf32, #tpu.memory_space<hbm>> -> memref<2560xf32, #tpu.memory_space<hbm>>
      tpu.enqueue_dma source(%dma_start3A_541 : memref<2560xf32, #tpu.memory_space<hbm>>) target(%dma_start3A_537 : memref<2560xf32, #tpu.memory_space<vmem>>) target_semaphore(%arg4 : memref<!tpu.dma_semaphore, #tpu.memory_space<semaphore_mem>>)
      %dma_start3A_542 = arith.constant 17 : i32
      %dma_start3A_543 = arith.constant 1 : i32
      %dma_start3A_544 = arith.constant 0 : i32
      %dma_start3A_545 = tpu.memref_slice %run_scoped3A[%dma_start3A_543, %dma_start3A_544] : memref<16x2560xf32, #tpu.memory_space<vmem>> -> memref<1x2560xf32, #tpu.memory_space<vmem>>
      %dma_start3A_546 = tpu.memref_squeeze %dma_start3A_545 : memref<1x2560xf32, #tpu.memory_space<vmem>> -> memref<2560xf32, #tpu.memory_space<vmem>>
      %dma_start3A_547 = arith.constant 0 : i32
      %dma_start3A_548 = tpu.memref_slice %arg2[%dma_start3A_542, %dma_start3A_547] : memref<32x81920xf32, #tpu.memory_space<hbm>> -> memref<1x81920xf32, #tpu.memory_space<hbm>>
      %dma_start3A_549 = tpu.memref_squeeze %dma_start3A_548 : memref<1x81920xf32, #tpu.memory_space<hbm>> -> memref<81920xf32, #tpu.memory_space<hbm>>
      %dma_start3A_550 = tpu.memref_slice %dma_start3A_549[%mul3A_3] : memref<81920xf32, #tpu.memory_space<hbm>> -> memref<2560xf32, #tpu.memory_space<hbm>>
      %dma_start3A_551 = arith.constant 0 : i32
      %dma_start3A_552 = tpu.memref_slice %run_scoped3A[%dma_start3A_543, %dma_start3A_551] : memref<16x2560xf32, #tpu.memory_space<vmem>> -> memref<1x2560xf32, #tpu.memory_space<vmem>>
      %dma_start3A_553 = tpu.memref_squeeze %dma_start3A_552 : memref<1x2560xf32, #tpu.memory_space<vmem>> -> memref<2560xf32, #tpu.memory_space<vmem>>
      %dma_start3A_554 = arith.constant 0 : i32
      %dma_start3A_555 = tpu.memref_slice %arg2[%dma_start3A_542, %dma_start3A_554] : memref<32x81920xf32, #tpu.memory_space<hbm>> -> memref<1x81920xf32, #tpu.memory_space<hbm>>
      %dma_start3A_556 = tpu.memref_squeeze %dma_start3A_555 : memref<1x81920xf32, #tpu.memory_space<hbm>> -> memref<81920xf32, #tpu.memory_space<hbm>>
      %dma_start3A_557 = tpu.memref_slice %dma_start3A_556[%mul3A_3] : memref<81920xf32, #tpu.memory_space<hbm>> -> memref<2560xf32, #tpu.memory_space<hbm>>
      tpu.enqueue_dma source(%dma_start3A_557 : memref<2560xf32, #tpu.memory_space<hbm>>) target(%dma_start3A_553 : memref<2560xf32, #tpu.memory_space<vmem>>) target_semaphore(%arg4 : memref<!tpu.dma_semaphore, #tpu.memory_space<semaphore_mem>>)
      %dma_start3A_558 = arith.constant 18 : i32
      %dma_start3A_559 = arith.constant 2 : i32
      %dma_start3A_560 = arith.constant 0 : i32
      %dma_start3A_561 = tpu.memref_slice %run_scoped3A[%dma_start3A_559, %dma_start3A_560] : memref<16x2560xf32, #tpu.memory_space<vmem>> -> memref<1x2560xf32, #tpu.memory_space<vmem>>
      %dma_start3A_562 = tpu.memref_squeeze %dma_start3A_561 : memref<1x2560xf32, #tpu.memory_space<vmem>> -> memref<2560xf32, #tpu.memory_space<vmem>>
      %dma_start3A_563 = arith.constant 0 : i32
      %dma_start3A_564 = tpu.memref_slice %arg2[%dma_start3A_558, %dma_start3A_563] : memref<32x81920xf32, #tpu.memory_space<hbm>> -> memref<1x81920xf32, #tpu.memory_space<hbm>>
      %dma_start3A_565 = tpu.memref_squeeze %dma_start3A_564 : memref<1x81920xf32, #tpu.memory_space<hbm>> -> memref<81920xf32, #tpu.memory_space<hbm>>
      %dma_start3A_566 = tpu.memref_slice %dma_start3A_565[%mul3A_3] : memref<81920xf32, #tpu.memory_space<hbm>> -> memref<2560xf32, #tpu.memory_space<hbm>>
      %dma_start3A_567 = arith.constant 0 : i32
      %dma_start3A_568 = tpu.memref_slice %run_scoped3A[%dma_start3A_559, %dma_start3A_567] : memref<16x2560xf32, #tpu.memory_space<vmem>> -> memref<1x2560xf32, #tpu.memory_space<vmem>>
      %dma_start3A_569 = tpu.memref_squeeze %dma_start3A_568 : memref<1x2560xf32, #tpu.memory_space<vmem>> -> memref<2560xf32, #tpu.memory_space<vmem>>
      %dma_start3A_570 = arith.constant 0 : i32
      %dma_start3A_571 = tpu.memref_slice %arg2[%dma_start3A_558, %dma_start3A_570] : memref<32x81920xf32, #tpu.memory_space<hbm>> -> memref<1x81920xf32, #tpu.memory_space<hbm>>
      %dma_start3A_572 = tpu.memref_squeeze %dma_start3A_571 : memref<1x81920xf32, #tpu.memory_space<hbm>> -> memref<81920xf32, #tpu.memory_space<hbm>>
      %dma_start3A_573 = tpu.memref_slice %dma_start3A_572[%mul3A_3] : memref<81920xf32, #tpu.memory_space<hbm>> -> memref<2560xf32, #tpu.memory_space<hbm>>
      tpu.enqueue_dma source(%dma_start3A_573 : memref<2560xf32, #tpu.memory_space<hbm>>) target(%dma_start3A_569 : memref<2560xf32, #tpu.memory_space<vmem>>) target_semaphore(%arg4 : memref<!tpu.dma_semaphore, #tpu.memory_space<semaphore_mem>>)
      %dma_start3A_574 = arith.constant 19 : i32
      %dma_start3A_575 = arith.constant 3 : i32
      %dma_start3A_576 = arith.constant 0 : i32
      %dma_start3A_577 = tpu.memref_slice %run_scoped3A[%dma_start3A_575, %dma_start3A_576] : memref<16x2560xf32, #tpu.memory_space<vmem>> -> memref<1x2560xf32, #tpu.memory_space<vmem>>
      %dma_start3A_578 = tpu.memref_squeeze %dma_start3A_577 : memref<1x2560xf32, #tpu.memory_space<vmem>> -> memref<2560xf32, #tpu.memory_space<vmem>>
      %dma_start3A_579 = arith.constant 0 : i32
      %dma_start3A_580 = tpu.memref_slice %arg2[%dma_start3A_574, %dma_start3A_579] : memref<32x81920xf32, #tpu.memory_space<hbm>> -> memref<1x81920xf32, #tpu.memory_space<hbm>>
      %dma_start3A_581 = tpu.memref_squeeze %dma_start3A_580 : memref<1x81920xf32, #tpu.memory_space<hbm>> -> memref<81920xf32, #tpu.memory_space<hbm>>
      %dma_start3A_582 = tpu.memref_slice %dma_start3A_581[%mul3A_3] : memref<81920xf32, #tpu.memory_space<hbm>> -> memref<2560xf32, #tpu.memory_space<hbm>>
      %dma_start3A_583 = arith.constant 0 : i32
      %dma_start3A_584 = tpu.memref_slice %run_scoped3A[%dma_start3A_575, %dma_start3A_583] : memref<16x2560xf32, #tpu.memory_space<vmem>> -> memref<1x2560xf32, #tpu.memory_space<vmem>>
      %dma_start3A_585 = tpu.memref_squeeze %dma_start3A_584 : memref<1x2560xf32, #tpu.memory_space<vmem>> -> memref<2560xf32, #tpu.memory_space<vmem>>
      %dma_start3A_586 = arith.constant 0 : i32
      %dma_start3A_587 = tpu.memref_slice %arg2[%dma_start3A_574, %dma_start3A_586] : memref<32x81920xf32, #tpu.memory_space<hbm>> -> memref<1x81920xf32, #tpu.memory_space<hbm>>
      %dma_start3A_588 = tpu.memref_squeeze %dma_start3A_587 : memref<1x81920xf32, #tpu.memory_space<hbm>> -> memref<81920xf32, #tpu.memory_space<hbm>>
      %dma_start3A_589 = tpu.memref_slice %dma_start3A_588[%mul3A_3] : memref<81920xf32, #tpu.memory_space<hbm>> -> memref<2560xf32, #tpu.memory_space<hbm>>
      tpu.enqueue_dma source(%dma_start3A_589 : memref<2560xf32, #tpu.memory_space<hbm>>) target(%dma_start3A_585 : memref<2560xf32, #tpu.memory_space<vmem>>) target_semaphore(%arg4 : memref<!tpu.dma_semaphore, #tpu.memory_space<semaphore_mem>>)
      %dma_start3A_590 = arith.constant 20 : i32
      %dma_start3A_591 = arith.constant 4 : i32
      %dma_start3A_592 = arith.constant 0 : i32
      %dma_start3A_593 = tpu.memref_slice %run_scoped3A[%dma_start3A_591, %dma_start3A_592] : memref<16x2560xf32, #tpu.memory_space<vmem>> -> memref<1x2560xf32, #tpu.memory_space<vmem>>
      %dma_start3A_594 = tpu.memref_squeeze %dma_start3A_593 : memref<1x2560xf32, #tpu.memory_space<vmem>> -> memref<2560xf32, #tpu.memory_space<vmem>>
      %dma_start3A_595 = arith.constant 0 : i32
      %dma_start3A_596 = tpu.memref_slice %arg2[%dma_start3A_590, %dma_start3A_595] : memref<32x81920xf32, #tpu.memory_space<hbm>> -> memref<1x81920xf32, #tpu.memory_space<hbm>>
      %dma_start3A_597 = tpu.memref_squeeze %dma_start3A_596 : memref<1x81920xf32, #tpu.memory_space<hbm>> -> memref<81920xf32, #tpu.memory_space<hbm>>
      %dma_start3A_598 = tpu.memref_slice %dma_start3A_597[%mul3A_3] : memref<81920xf32, #tpu.memory_space<hbm>> -> memref<2560xf32, #tpu.memory_space<hbm>>
      %dma_start3A_599 = arith.constant 0 : i32
      %dma_start3A_600 = tpu.memref_slice %run_scoped3A[%dma_start3A_591, %dma_start3A_599] : memref<16x2560xf32, #tpu.memory_space<vmem>> -> memref<1x2560xf32, #tpu.memory_space<vmem>>
      %dma_start3A_601 = tpu.memref_squeeze %dma_start3A_600 : memref<1x2560xf32, #tpu.memory_space<vmem>> -> memref<2560xf32, #tpu.memory_space<vmem>>
      %dma_start3A_602 = arith.constant 0 : i32
      %dma_start3A_603 = tpu.memref_slice %arg2[%dma_start3A_590, %dma_start3A_602] : memref<32x81920xf32, #tpu.memory_space<hbm>> -> memref<1x81920xf32, #tpu.memory_space<hbm>>
      %dma_start3A_604 = tpu.memref_squeeze %dma_start3A_603 : memref<1x81920xf32, #tpu.memory_space<hbm>> -> memref<81920xf32, #tpu.memory_space<hbm>>
      %dma_start3A_605 = tpu.memref_slice %dma_start3A_604[%mul3A_3] : memref<81920xf32, #tpu.memory_space<hbm>> -> memref<2560xf32, #tpu.memory_space<hbm>>
      tpu.enqueue_dma source(%dma_start3A_605 : memref<2560xf32, #tpu.memory_space<hbm>>) target(%dma_start3A_601 : memref<2560xf32, #tpu.memory_space<vmem>>) target_semaphore(%arg4 : memref<!tpu.dma_semaphore, #tpu.memory_space<semaphore_mem>>)
      %dma_start3A_606 = arith.constant 21 : i32
      %dma_start3A_607 = arith.constant 5 : i32
      %dma_start3A_608 = arith.constant 0 : i32
      %dma_start3A_609 = tpu.memref_slice %run_scoped3A[%dma_start3A_607, %dma_start3A_608] : memref<16x2560xf32, #tpu.memory_space<vmem>> -> memref<1x2560xf32, #tpu.memory_space<vmem>>
      %dma_start3A_610 = tpu.memref_squeeze %dma_start3A_609 : memref<1x2560xf32, #tpu.memory_space<vmem>> -> memref<2560xf32, #tpu.memory_space<vmem>>
      %dma_start3A_611 = arith.constant 0 : i32
      %dma_start3A_612 = tpu.memref_slice %arg2[%dma_start3A_606, %dma_start3A_611] : memref<32x81920xf32, #tpu.memory_space<hbm>> -> memref<1x81920xf32, #tpu.memory_space<hbm>>
      %dma_start3A_613 = tpu.memref_squeeze %dma_start3A_612 : memref<1x81920xf32, #tpu.memory_space<hbm>> -> memref<81920xf32, #tpu.memory_space<hbm>>
      %dma_start3A_614 = tpu.memref_slice %dma_start3A_613[%mul3A_3] : memref<81920xf32, #tpu.memory_space<hbm>> -> memref<2560xf32, #tpu.memory_space<hbm>>
      %dma_start3A_615 = arith.constant 0 : i32
      %dma_start3A_616 = tpu.memref_slice %run_scoped3A[%dma_start3A_607, %dma_start3A_615] : memref<16x2560xf32, #tpu.memory_space<vmem>> -> memref<1x2560xf32, #tpu.memory_space<vmem>>
      %dma_start3A_617 = tpu.memref_squeeze %dma_start3A_616 : memref<1x2560xf32, #tpu.memory_space<vmem>> -> memref<2560xf32, #tpu.memory_space<vmem>>
      %dma_start3A_618 = arith.constant 0 : i32
      %dma_start3A_619 = tpu.memref_slice %arg2[%dma_start3A_606, %dma_start3A_618] : memref<32x81920xf32, #tpu.memory_space<hbm>> -> memref<1x81920xf32, #tpu.memory_space<hbm>>
      %dma_start3A_620 = tpu.memref_squeeze %dma_start3A_619 : memref<1x81920xf32, #tpu.memory_space<hbm>> -> memref<81920xf32, #tpu.memory_space<hbm>>
      %dma_start3A_621 = tpu.memref_slice %dma_start3A_620[%mul3A_3] : memref<81920xf32, #tpu.memory_space<hbm>> -> memref<2560xf32, #tpu.memory_space<hbm>>
      tpu.enqueue_dma source(%dma_start3A_621 : memref<2560xf32, #tpu.memory_space<hbm>>) target(%dma_start3A_617 : memref<2560xf32, #tpu.memory_space<vmem>>) target_semaphore(%arg4 : memref<!tpu.dma_semaphore, #tpu.memory_space<semaphore_mem>>)
      %dma_start3A_622 = arith.constant 22 : i32
      %dma_start3A_623 = arith.constant 6 : i32
      %dma_start3A_624 = arith.constant 0 : i32
      %dma_start3A_625 = tpu.memref_slice %run_scoped3A[%dma_start3A_623, %dma_start3A_624] : memref<16x2560xf32, #tpu.memory_space<vmem>> -> memref<1x2560xf32, #tpu.memory_space<vmem>>
      %dma_start3A_626 = tpu.memref_squeeze %dma_start3A_625 : memref<1x2560xf32, #tpu.memory_space<vmem>> -> memref<2560xf32, #tpu.memory_space<vmem>>
      %dma_start3A_627 = arith.constant 0 : i32
      %dma_start3A_628 = tpu.memref_slice %arg2[%dma_start3A_622, %dma_start3A_627] : memref<32x81920xf32, #tpu.memory_space<hbm>> -> memref<1x81920xf32, #tpu.memory_space<hbm>>
      %dma_start3A_629 = tpu.memref_squeeze %dma_start3A_628 : memref<1x81920xf32, #tpu.memory_space<hbm>> -> memref<81920xf32, #tpu.memory_space<hbm>>
      %dma_start3A_630 = tpu.memref_slice %dma_start3A_629[%mul3A_3] : memref<81920xf32, #tpu.memory_space<hbm>> -> memref<2560xf32, #tpu.memory_space<hbm>>
      %dma_start3A_631 = arith.constant 0 : i32
      %dma_start3A_632 = tpu.memref_slice %run_scoped3A[%dma_start3A_623, %dma_start3A_631] : memref<16x2560xf32, #tpu.memory_space<vmem>> -> memref<1x2560xf32, #tpu.memory_space<vmem>>
      %dma_start3A_633 = tpu.memref_squeeze %dma_start3A_632 : memref<1x2560xf32, #tpu.memory_space<vmem>> -> memref<2560xf32, #tpu.memory_space<vmem>>
      %dma_start3A_634 = arith.constant 0 : i32
      %dma_start3A_635 = tpu.memref_slice %arg2[%dma_start3A_622, %dma_start3A_634] : memref<32x81920xf32, #tpu.memory_space<hbm>> -> memref<1x81920xf32, #tpu.memory_space<hbm>>
      %dma_start3A_636 = tpu.memref_squeeze %dma_start3A_635 : memref<1x81920xf32, #tpu.memory_space<hbm>> -> memref<81920xf32, #tpu.memory_space<hbm>>
      %dma_start3A_637 = tpu.memref_slice %dma_start3A_636[%mul3A_3] : memref<81920xf32, #tpu.memory_space<hbm>> -> memref<2560xf32, #tpu.memory_space<hbm>>
      tpu.enqueue_dma source(%dma_start3A_637 : memref<2560xf32, #tpu.memory_space<hbm>>) target(%dma_start3A_633 : memref<2560xf32, #tpu.memory_space<vmem>>) target_semaphore(%arg4 : memref<!tpu.dma_semaphore, #tpu.memory_space<semaphore_mem>>)
      %dma_start3A_638 = arith.constant 23 : i32
      %dma_start3A_639 = arith.constant 7 : i32
      %dma_start3A_640 = arith.constant 0 : i32
      %dma_start3A_641 = tpu.memref_slice %run_scoped3A[%dma_start3A_639, %dma_start3A_640] : memref<16x2560xf32, #tpu.memory_space<vmem>> -> memref<1x2560xf32, #tpu.memory_space<vmem>>
      %dma_start3A_642 = tpu.memref_squeeze %dma_start3A_641 : memref<1x2560xf32, #tpu.memory_space<vmem>> -> memref<2560xf32, #tpu.memory_space<vmem>>
      %dma_start3A_643 = arith.constant 0 : i32
      %dma_start3A_644 = tpu.memref_slice %arg2[%dma_start3A_638, %dma_start3A_643] : memref<32x81920xf32, #tpu.memory_space<hbm>> -> memref<1x81920xf32, #tpu.memory_space<hbm>>
      %dma_start3A_645 = tpu.memref_squeeze %dma_start3A_644 : memref<1x81920xf32, #tpu.memory_space<hbm>> -> memref<81920xf32, #tpu.memory_space<hbm>>
      %dma_start3A_646 = tpu.memref_slice %dma_start3A_645[%mul3A_3] : memref<81920xf32, #tpu.memory_space<hbm>> -> memref<2560xf32, #tpu.memory_space<hbm>>
      %dma_start3A_647 = arith.constant 0 : i32
      %dma_start3A_648 = tpu.memref_slice %run_scoped3A[%dma_start3A_639, %dma_start3A_647] : memref<16x2560xf32, #tpu.memory_space<vmem>> -> memref<1x2560xf32, #tpu.memory_space<vmem>>
      %dma_start3A_649 = tpu.memref_squeeze %dma_start3A_648 : memref<1x2560xf32, #tpu.memory_space<vmem>> -> memref<2560xf32, #tpu.memory_space<vmem>>
      %dma_start3A_650 = arith.constant 0 : i32
      %dma_start3A_651 = tpu.memref_slice %arg2[%dma_start3A_638, %dma_start3A_650] : memref<32x81920xf32, #tpu.memory_space<hbm>> -> memref<1x81920xf32, #tpu.memory_space<hbm>>
      %dma_start3A_652 = tpu.memref_squeeze %dma_start3A_651 : memref<1x81920xf32, #tpu.memory_space<hbm>> -> memref<81920xf32, #tpu.memory_space<hbm>>
      %dma_start3A_653 = tpu.memref_slice %dma_start3A_652[%mul3A_3] : memref<81920xf32, #tpu.memory_space<hbm>> -> memref<2560xf32, #tpu.memory_space<hbm>>
      tpu.enqueue_dma source(%dma_start3A_653 : memref<2560xf32, #tpu.memory_space<hbm>>) target(%dma_start3A_649 : memref<2560xf32, #tpu.memory_space<vmem>>) target_semaphore(%arg4 : memref<!tpu.dma_semaphore, #tpu.memory_space<semaphore_mem>>)
      %dma_start3A_654 = arith.constant 24 : i32
      %dma_start3A_655 = arith.constant 8 : i32
      %dma_start3A_656 = arith.constant 0 : i32
      %dma_start3A_657 = tpu.memref_slice %run_scoped3A[%dma_start3A_655, %dma_start3A_656] : memref<16x2560xf32, #tpu.memory_space<vmem>> -> memref<1x2560xf32, #tpu.memory_space<vmem>>
      %dma_start3A_658 = tpu.memref_squeeze %dma_start3A_657 : memref<1x2560xf32, #tpu.memory_space<vmem>> -> memref<2560xf32, #tpu.memory_space<vmem>>
      %dma_start3A_659 = arith.constant 0 : i32
      %dma_start3A_660 = tpu.memref_slice %arg2[%dma_start3A_654, %dma_start3A_659] : memref<32x81920xf32, #tpu.memory_space<hbm>> -> memref<1x81920xf32, #tpu.memory_space<hbm>>
      %dma_start3A_661 = tpu.memref_squeeze %dma_start3A_660 : memref<1x81920xf32, #tpu.memory_space<hbm>> -> memref<81920xf32, #tpu.memory_space<hbm>>
      %dma_start3A_662 = tpu.memref_slice %dma_start3A_661[%mul3A_3] : memref<81920xf32, #tpu.memory_space<hbm>> -> memref<2560xf32, #tpu.memory_space<hbm>>
      %dma_start3A_663 = arith.constant 0 : i32
      %dma_start3A_664 = tpu.memref_slice %run_scoped3A[%dma_start3A_655, %dma_start3A_663] : memref<16x2560xf32, #tpu.memory_space<vmem>> -> memref<1x2560xf32, #tpu.memory_space<vmem>>
      %dma_start3A_665 = tpu.memref_squeeze %dma_start3A_664 : memref<1x2560xf32, #tpu.memory_space<vmem>> -> memref<2560xf32, #tpu.memory_space<vmem>>
      %dma_start3A_666 = arith.constant 0 : i32
      %dma_start3A_667 = tpu.memref_slice %arg2[%dma_start3A_654, %dma_start3A_666] : memref<32x81920xf32, #tpu.memory_space<hbm>> -> memref<1x81920xf32, #tpu.memory_space<hbm>>
      %dma_start3A_668 = tpu.memref_squeeze %dma_start3A_667 : memref<1x81920xf32, #tpu.memory_space<hbm>> -> memref<81920xf32, #tpu.memory_space<hbm>>
      %dma_start3A_669 = tpu.memref_slice %dma_start3A_668[%mul3A_3] : memref<81920xf32, #tpu.memory_space<hbm>> -> memref<2560xf32, #tpu.memory_space<hbm>>
      tpu.enqueue_dma source(%dma_start3A_669 : memref<2560xf32, #tpu.memory_space<hbm>>) target(%dma_start3A_665 : memref<2560xf32, #tpu.memory_space<vmem>>) target_semaphore(%arg4 : memref<!tpu.dma_semaphore, #tpu.memory_space<semaphore_mem>>)
      %dma_start3A_670 = arith.constant 25 : i32
      %dma_start3A_671 = arith.constant 9 : i32
      %dma_start3A_672 = arith.constant 0 : i32
      %dma_start3A_673 = tpu.memref_slice %run_scoped3A[%dma_start3A_671, %dma_start3A_672] : memref<16x2560xf32, #tpu.memory_space<vmem>> -> memref<1x2560xf32, #tpu.memory_space<vmem>>
      %dma_start3A_674 = tpu.memref_squeeze %dma_start3A_673 : memref<1x2560xf32, #tpu.memory_space<vmem>> -> memref<2560xf32, #tpu.memory_space<vmem>>
      %dma_start3A_675 = arith.constant 0 : i32
      %dma_start3A_676 = tpu.memref_slice %arg2[%dma_start3A_670, %dma_start3A_675] : memref<32x81920xf32, #tpu.memory_space<hbm>> -> memref<1x81920xf32, #tpu.memory_space<hbm>>
      %dma_start3A_677 = tpu.memref_squeeze %dma_start3A_676 : memref<1x81920xf32, #tpu.memory_space<hbm>> -> memref<81920xf32, #tpu.memory_space<hbm>>
      %dma_start3A_678 = tpu.memref_slice %dma_start3A_677[%mul3A_3] : memref<81920xf32, #tpu.memory_space<hbm>> -> memref<2560xf32, #tpu.memory_space<hbm>>
      %dma_start3A_679 = arith.constant 0 : i32
      %dma_start3A_680 = tpu.memref_slice %run_scoped3A[%dma_start3A_671, %dma_start3A_679] : memref<16x2560xf32, #tpu.memory_space<vmem>> -> memref<1x2560xf32, #tpu.memory_space<vmem>>
      %dma_start3A_681 = tpu.memref_squeeze %dma_start3A_680 : memref<1x2560xf32, #tpu.memory_space<vmem>> -> memref<2560xf32, #tpu.memory_space<vmem>>
      %dma_start3A_682 = arith.constant 0 : i32
      %dma_start3A_683 = tpu.memref_slice %arg2[%dma_start3A_670, %dma_start3A_682] : memref<32x81920xf32, #tpu.memory_space<hbm>> -> memref<1x81920xf32, #tpu.memory_space<hbm>>
      %dma_start3A_684 = tpu.memref_squeeze %dma_start3A_683 : memref<1x81920xf32, #tpu.memory_space<hbm>> -> memref<81920xf32, #tpu.memory_space<hbm>>
      %dma_start3A_685 = tpu.memref_slice %dma_start3A_684[%mul3A_3] : memref<81920xf32, #tpu.memory_space<hbm>> -> memref<2560xf32, #tpu.memory_space<hbm>>
      tpu.enqueue_dma source(%dma_start3A_685 : memref<2560xf32, #tpu.memory_space<hbm>>) target(%dma_start3A_681 : memref<2560xf32, #tpu.memory_space<vmem>>) target_semaphore(%arg4 : memref<!tpu.dma_semaphore, #tpu.memory_space<semaphore_mem>>)
      %dma_start3A_686 = arith.constant 26 : i32
      %dma_start3A_687 = arith.constant 10 : i32
      %dma_start3A_688 = arith.constant 0 : i32
      %dma_start3A_689 = tpu.memref_slice %run_scoped3A[%dma_start3A_687, %dma_start3A_688] : memref<16x2560xf32, #tpu.memory_space<vmem>> -> memref<1x2560xf32, #tpu.memory_space<vmem>>
      %dma_start3A_690 = tpu.memref_squeeze %dma_start3A_689 : memref<1x2560xf32, #tpu.memory_space<vmem>> -> memref<2560xf32, #tpu.memory_space<vmem>>
      %dma_start3A_691 = arith.constant 0 : i32
      %dma_start3A_692 = tpu.memref_slice %arg2[%dma_start3A_686, %dma_start3A_691] : memref<32x81920xf32, #tpu.memory_space<hbm>> -> memref<1x81920xf32, #tpu.memory_space<hbm>>
      %dma_start3A_693 = tpu.memref_squeeze %dma_start3A_692 : memref<1x81920xf32, #tpu.memory_space<hbm>> -> memref<81920xf32, #tpu.memory_space<hbm>>
      %dma_start3A_694 = tpu.memref_slice %dma_start3A_693[%mul3A_3] : memref<81920xf32, #tpu.memory_space<hbm>> -> memref<2560xf32, #tpu.memory_space<hbm>>
      %dma_start3A_695 = arith.constant 0 : i32
      %dma_start3A_696 = tpu.memref_slice %run_scoped3A[%dma_start3A_687, %dma_start3A_695] : memref<16x2560xf32, #tpu.memory_space<vmem>> -> memref<1x2560xf32, #tpu.memory_space<vmem>>
      %dma_start3A_697 = tpu.memref_squeeze %dma_start3A_696 : memref<1x2560xf32, #tpu.memory_space<vmem>> -> memref<2560xf32, #tpu.memory_space<vmem>>
      %dma_start3A_698 = arith.constant 0 : i32
      %dma_start3A_699 = tpu.memref_slice %arg2[%dma_start3A_686, %dma_start3A_698] : memref<32x81920xf32, #tpu.memory_space<hbm>> -> memref<1x81920xf32, #tpu.memory_space<hbm>>
      %dma_start3A_700 = tpu.memref_squeeze %dma_start3A_699 : memref<1x81920xf32, #tpu.memory_space<hbm>> -> memref<81920xf32, #tpu.memory_space<hbm>>
      %dma_start3A_701 = tpu.memref_slice %dma_start3A_700[%mul3A_3] : memref<81920xf32, #tpu.memory_space<hbm>> -> memref<2560xf32, #tpu.memory_space<hbm>>
      tpu.enqueue_dma source(%dma_start3A_701 : memref<2560xf32, #tpu.memory_space<hbm>>) target(%dma_start3A_697 : memref<2560xf32, #tpu.memory_space<vmem>>) target_semaphore(%arg4 : memref<!tpu.dma_semaphore, #tpu.memory_space<semaphore_mem>>)
      %dma_start3A_702 = arith.constant 27 : i32
      %dma_start3A_703 = arith.constant 11 : i32
      %dma_start3A_704 = arith.constant 0 : i32
      %dma_start3A_705 = tpu.memref_slice %run_scoped3A[%dma_start3A_703, %dma_start3A_704] : memref<16x2560xf32, #tpu.memory_space<vmem>> -> memref<1x2560xf32, #tpu.memory_space<vmem>>
      %dma_start3A_706 = tpu.memref_squeeze %dma_start3A_705 : memref<1x2560xf32, #tpu.memory_space<vmem>> -> memref<2560xf32, #tpu.memory_space<vmem>>
      %dma_start3A_707 = arith.constant 0 : i32
      %dma_start3A_708 = tpu.memref_slice %arg2[%dma_start3A_702, %dma_start3A_707] : memref<32x81920xf32, #tpu.memory_space<hbm>> -> memref<1x81920xf32, #tpu.memory_space<hbm>>
      %dma_start3A_709 = tpu.memref_squeeze %dma_start3A_708 : memref<1x81920xf32, #tpu.memory_space<hbm>> -> memref<81920xf32, #tpu.memory_space<hbm>>
      %dma_start3A_710 = tpu.memref_slice %dma_start3A_709[%mul3A_3] : memref<81920xf32, #tpu.memory_space<hbm>> -> memref<2560xf32, #tpu.memory_space<hbm>>
      %dma_start3A_711 = arith.constant 0 : i32
      %dma_start3A_712 = tpu.memref_slice %run_scoped3A[%dma_start3A_703, %dma_start3A_711] : memref<16x2560xf32, #tpu.memory_space<vmem>> -> memref<1x2560xf32, #tpu.memory_space<vmem>>
      %dma_start3A_713 = tpu.memref_squeeze %dma_start3A_712 : memref<1x2560xf32, #tpu.memory_space<vmem>> -> memref<2560xf32, #tpu.memory_space<vmem>>
      %dma_start3A_714 = arith.constant 0 : i32
      %dma_start3A_715 = tpu.memref_slice %arg2[%dma_start3A_702, %dma_start3A_714] : memref<32x81920xf32, #tpu.memory_space<hbm>> -> memref<1x81920xf32, #tpu.memory_space<hbm>>
      %dma_start3A_716 = tpu.memref_squeeze %dma_start3A_715 : memref<1x81920xf32, #tpu.memory_space<hbm>> -> memref<81920xf32, #tpu.memory_space<hbm>>
      %dma_start3A_717 = tpu.memref_slice %dma_start3A_716[%mul3A_3] : memref<81920xf32, #tpu.memory_space<hbm>> -> memref<2560xf32, #tpu.memory_space<hbm>>
      tpu.enqueue_dma source(%dma_start3A_717 : memref<2560xf32, #tpu.memory_space<hbm>>) target(%dma_start3A_713 : memref<2560xf32, #tpu.memory_space<vmem>>) target_semaphore(%arg4 : memref<!tpu.dma_semaphore, #tpu.memory_space<semaphore_mem>>)
      %dma_start3A_718 = arith.constant 28 : i32
      %dma_start3A_719 = arith.constant 12 : i32
      %dma_start3A_720 = arith.constant 0 : i32
      %dma_start3A_721 = tpu.memref_slice %run_scoped3A[%dma_start3A_719, %dma_start3A_720] : memref<16x2560xf32, #tpu.memory_space<vmem>> -> memref<1x2560xf32, #tpu.memory_space<vmem>>
      %dma_start3A_722 = tpu.memref_squeeze %dma_start3A_721 : memref<1x2560xf32, #tpu.memory_space<vmem>> -> memref<2560xf32, #tpu.memory_space<vmem>>
      %dma_start3A_723 = arith.constant 0 : i32
      %dma_start3A_724 = tpu.memref_slice %arg2[%dma_start3A_718, %dma_start3A_723] : memref<32x81920xf32, #tpu.memory_space<hbm>> -> memref<1x81920xf32, #tpu.memory_space<hbm>>
      %dma_start3A_725 = tpu.memref_squeeze %dma_start3A_724 : memref<1x81920xf32, #tpu.memory_space<hbm>> -> memref<81920xf32, #tpu.memory_space<hbm>>
      %dma_start3A_726 = tpu.memref_slice %dma_start3A_725[%mul3A_3] : memref<81920xf32, #tpu.memory_space<hbm>> -> memref<2560xf32, #tpu.memory_space<hbm>>
      %dma_start3A_727 = arith.constant 0 : i32
      %dma_start3A_728 = tpu.memref_slice %run_scoped3A[%dma_start3A_719, %dma_start3A_727] : memref<16x2560xf32, #tpu.memory_space<vmem>> -> memref<1x2560xf32, #tpu.memory_space<vmem>>
      %dma_start3A_729 = tpu.memref_squeeze %dma_start3A_728 : memref<1x2560xf32, #tpu.memory_space<vmem>> -> memref<2560xf32, #tpu.memory_space<vmem>>
      %dma_start3A_730 = arith.constant 0 : i32
      %dma_start3A_731 = tpu.memref_slice %arg2[%dma_start3A_718, %dma_start3A_730] : memref<32x81920xf32, #tpu.memory_space<hbm>> -> memref<1x81920xf32, #tpu.memory_space<hbm>>
      %dma_start3A_732 = tpu.memref_squeeze %dma_start3A_731 : memref<1x81920xf32, #tpu.memory_space<hbm>> -> memref<81920xf32, #tpu.memory_space<hbm>>
      %dma_start3A_733 = tpu.memref_slice %dma_start3A_732[%mul3A_3] : memref<81920xf32, #tpu.memory_space<hbm>> -> memref<2560xf32, #tpu.memory_space<hbm>>
      tpu.enqueue_dma source(%dma_start3A_733 : memref<2560xf32, #tpu.memory_space<hbm>>) target(%dma_start3A_729 : memref<2560xf32, #tpu.memory_space<vmem>>) target_semaphore(%arg4 : memref<!tpu.dma_semaphore, #tpu.memory_space<semaphore_mem>>)
      %dma_start3A_734 = arith.constant 29 : i32
      %dma_start3A_735 = arith.constant 13 : i32
      %dma_start3A_736 = arith.constant 0 : i32
      %dma_start3A_737 = tpu.memref_slice %run_scoped3A[%dma_start3A_735, %dma_start3A_736] : memref<16x2560xf32, #tpu.memory_space<vmem>> -> memref<1x2560xf32, #tpu.memory_space<vmem>>
      %dma_start3A_738 = tpu.memref_squeeze %dma_start3A_737 : memref<1x2560xf32, #tpu.memory_space<vmem>> -> memref<2560xf32, #tpu.memory_space<vmem>>
      %dma_start3A_739 = arith.constant 0 : i32
      %dma_start3A_740 = tpu.memref_slice %arg2[%dma_start3A_734, %dma_start3A_739] : memref<32x81920xf32, #tpu.memory_space<hbm>> -> memref<1x81920xf32, #tpu.memory_space<hbm>>
      %dma_start3A_741 = tpu.memref_squeeze %dma_start3A_740 : memref<1x81920xf32, #tpu.memory_space<hbm>> -> memref<81920xf32, #tpu.memory_space<hbm>>
      %dma_start3A_742 = tpu.memref_slice %dma_start3A_741[%mul3A_3] : memref<81920xf32, #tpu.memory_space<hbm>> -> memref<2560xf32, #tpu.memory_space<hbm>>
      %dma_start3A_743 = arith.constant 0 : i32
      %dma_start3A_744 = tpu.memref_slice %run_scoped3A[%dma_start3A_735, %dma_start3A_743] : memref<16x2560xf32, #tpu.memory_space<vmem>> -> memref<1x2560xf32, #tpu.memory_space<vmem>>
      %dma_start3A_745 = tpu.memref_squeeze %dma_start3A_744 : memref<1x2560xf32, #tpu.memory_space<vmem>> -> memref<2560xf32, #tpu.memory_space<vmem>>
      %dma_start3A_746 = arith.constant 0 : i32
      %dma_start3A_747 = tpu.memref_slice %arg2[%dma_start3A_734, %dma_start3A_746] : memref<32x81920xf32, #tpu.memory_space<hbm>> -> memref<1x81920xf32, #tpu.memory_space<hbm>>
      %dma_start3A_748 = tpu.memref_squeeze %dma_start3A_747 : memref<1x81920xf32, #tpu.memory_space<hbm>> -> memref<81920xf32, #tpu.memory_space<hbm>>
      %dma_start3A_749 = tpu.memref_slice %dma_start3A_748[%mul3A_3] : memref<81920xf32, #tpu.memory_space<hbm>> -> memref<2560xf32, #tpu.memory_space<hbm>>
      tpu.enqueue_dma source(%dma_start3A_749 : memref<2560xf32, #tpu.memory_space<hbm>>) target(%dma_start3A_745 : memref<2560xf32, #tpu.memory_space<vmem>>) target_semaphore(%arg4 : memref<!tpu.dma_semaphore, #tpu.memory_space<semaphore_mem>>)
      %dma_start3A_750 = arith.constant 30 : i32
      %dma_start3A_751 = arith.constant 14 : i32
      %dma_start3A_752 = arith.constant 0 : i32
      %dma_start3A_753 = tpu.memref_slice %run_scoped3A[%dma_start3A_751, %dma_start3A_752] : memref<16x2560xf32, #tpu.memory_space<vmem>> -> memref<1x2560xf32, #tpu.memory_space<vmem>>
      %dma_start3A_754 = tpu.memref_squeeze %dma_start3A_753 : memref<1x2560xf32, #tpu.memory_space<vmem>> -> memref<2560xf32, #tpu.memory_space<vmem>>
      %dma_start3A_755 = arith.constant 0 : i32
      %dma_start3A_756 = tpu.memref_slice %arg2[%dma_start3A_750, %dma_start3A_755] : memref<32x81920xf32, #tpu.memory_space<hbm>> -> memref<1x81920xf32, #tpu.memory_space<hbm>>
      %dma_start3A_757 = tpu.memref_squeeze %dma_start3A_756 : memref<1x81920xf32, #tpu.memory_space<hbm>> -> memref<81920xf32, #tpu.memory_space<hbm>>
      %dma_start3A_758 = tpu.memref_slice %dma_start3A_757[%mul3A_3] : memref<81920xf32, #tpu.memory_space<hbm>> -> memref<2560xf32, #tpu.memory_space<hbm>>
      %dma_start3A_759 = arith.constant 0 : i32
      %dma_start3A_760 = tpu.memref_slice %run_scoped3A[%dma_start3A_751, %dma_start3A_759] : memref<16x2560xf32, #tpu.memory_space<vmem>> -> memref<1x2560xf32, #tpu.memory_space<vmem>>
      %dma_start3A_761 = tpu.memref_squeeze %dma_start3A_760 : memref<1x2560xf32, #tpu.memory_space<vmem>> -> memref<2560xf32, #tpu.memory_space<vmem>>
      %dma_start3A_762 = arith.constant 0 : i32
      %dma_start3A_763 = tpu.memref_slice %arg2[%dma_start3A_750, %dma_start3A_762] : memref<32x81920xf32, #tpu.memory_space<hbm>> -> memref<1x81920xf32, #tpu.memory_space<hbm>>
      %dma_start3A_764 = tpu.memref_squeeze %dma_start3A_763 : memref<1x81920xf32, #tpu.memory_space<hbm>> -> memref<81920xf32, #tpu.memory_space<hbm>>
      %dma_start3A_765 = tpu.memref_slice %dma_start3A_764[%mul3A_3] : memref<81920xf32, #tpu.memory_space<hbm>> -> memref<2560xf32, #tpu.memory_space<hbm>>
      tpu.enqueue_dma source(%dma_start3A_765 : memref<2560xf32, #tpu.memory_space<hbm>>) target(%dma_start3A_761 : memref<2560xf32, #tpu.memory_space<vmem>>) target_semaphore(%arg4 : memref<!tpu.dma_semaphore, #tpu.memory_space<semaphore_mem>>)
      %dma_start3A_766 = arith.constant 31 : i32
      %dma_start3A_767 = arith.constant 15 : i32
      %dma_start3A_768 = arith.constant 0 : i32
      %dma_start3A_769 = tpu.memref_slice %run_scoped3A[%dma_start3A_767, %dma_start3A_768] : memref<16x2560xf32, #tpu.memory_space<vmem>> -> memref<1x2560xf32, #tpu.memory_space<vmem>>
      %dma_start3A_770 = tpu.memref_squeeze %dma_start3A_769 : memref<1x2560xf32, #tpu.memory_space<vmem>> -> memref<2560xf32, #tpu.memory_space<vmem>>
      %dma_start3A_771 = arith.constant 0 : i32
      %dma_start3A_772 = tpu.memref_slice %arg2[%dma_start3A_766, %dma_start3A_771] : memref<32x81920xf32, #tpu.memory_space<hbm>> -> memref<1x81920xf32, #tpu.memory_space<hbm>>
      %dma_start3A_773 = tpu.memref_squeeze %dma_start3A_772 : memref<1x81920xf32, #tpu.memory_space<hbm>> -> memref<81920xf32, #tpu.memory_space<hbm>>
      %dma_start3A_774 = tpu.memref_slice %dma_start3A_773[%mul3A_3] : memref<81920xf32, #tpu.memory_space<hbm>> -> memref<2560xf32, #tpu.memory_space<hbm>>
      %dma_start3A_775 = arith.constant 0 : i32
      %dma_start3A_776 = tpu.memref_slice %run_scoped3A[%dma_start3A_767, %dma_start3A_775] : memref<16x2560xf32, #tpu.memory_space<vmem>> -> memref<1x2560xf32, #tpu.memory_space<vmem>>
      %dma_start3A_777 = tpu.memref_squeeze %dma_start3A_776 : memref<1x2560xf32, #tpu.memory_space<vmem>> -> memref<2560xf32, #tpu.memory_space<vmem>>
      %dma_start3A_778 = arith.constant 0 : i32
      %dma_start3A_779 = tpu.memref_slice %arg2[%dma_start3A_766, %dma_start3A_778] : memref<32x81920xf32, #tpu.memory_space<hbm>> -> memref<1x81920xf32, #tpu.memory_space<hbm>>
      %dma_start3A_780 = tpu.memref_squeeze %dma_start3A_779 : memref<1x81920xf32, #tpu.memory_space<hbm>> -> memref<81920xf32, #tpu.memory_space<hbm>>
      %dma_start3A_781 = tpu.memref_slice %dma_start3A_780[%mul3A_3] : memref<81920xf32, #tpu.memory_space<hbm>> -> memref<2560xf32, #tpu.memory_space<hbm>>
      tpu.enqueue_dma source(%dma_start3A_781 : memref<2560xf32, #tpu.memory_space<hbm>>) target(%dma_start3A_777 : memref<2560xf32, #tpu.memory_space<vmem>>) target_semaphore(%arg4 : memref<!tpu.dma_semaphore, #tpu.memory_space<semaphore_mem>>)
      %dma_wait3A_782 = arith.constant 16 : i32
      %dma_wait3A_783 = arith.constant 0 : i32
      %dma_wait3A_784 = arith.constant 0 : i32
      %dma_wait3A_785 = tpu.memref_slice %run_scoped3A[%dma_wait3A_783, %dma_wait3A_784] : memref<16x2560xf32, #tpu.memory_space<vmem>> -> memref<1x2560xf32, #tpu.memory_space<vmem>>
      %dma_wait3A_786 = tpu.memref_squeeze %dma_wait3A_785 : memref<1x2560xf32, #tpu.memory_space<vmem>> -> memref<2560xf32, #tpu.memory_space<vmem>>
      %dma_wait3A_787 = arith.constant 0 : i32
      %dma_wait3A_788 = tpu.memref_slice %arg2[%dma_wait3A_782, %dma_wait3A_787] : memref<32x81920xf32, #tpu.memory_space<hbm>> -> memref<1x81920xf32, #tpu.memory_space<hbm>>
      %dma_wait3A_789 = tpu.memref_squeeze %dma_wait3A_788 : memref<1x81920xf32, #tpu.memory_space<hbm>> -> memref<81920xf32, #tpu.memory_space<hbm>>
      %dma_wait3A_790 = tpu.memref_slice %dma_wait3A_789[%mul3A_3] : memref<81920xf32, #tpu.memory_space<hbm>> -> memref<2560xf32, #tpu.memory_space<hbm>>
      %dma_wait3A_791 = arith.constant 0 : i32
      %dma_wait3A_792 = tpu.memref_slice %run_scoped3A[%dma_wait3A_783, %dma_wait3A_791] : memref<16x2560xf32, #tpu.memory_space<vmem>> -> memref<1x2560xf32, #tpu.memory_space<vmem>>
      %dma_wait3A_793 = tpu.memref_squeeze %dma_wait3A_792 : memref<1x2560xf32, #tpu.memory_space<vmem>> -> memref<2560xf32, #tpu.memory_space<vmem>>
      %dma_wait3A_794 = arith.constant 0 : i32
      %dma_wait3A_795 = tpu.memref_slice %arg2[%dma_wait3A_782, %dma_wait3A_794] : memref<32x81920xf32, #tpu.memory_space<hbm>> -> memref<1x81920xf32, #tpu.memory_space<hbm>>
      %dma_wait3A_796 = tpu.memref_squeeze %dma_wait3A_795 : memref<1x81920xf32, #tpu.memory_space<hbm>> -> memref<81920xf32, #tpu.memory_space<hbm>>
      %dma_wait3A_797 = tpu.memref_slice %dma_wait3A_796[%mul3A_3] : memref<81920xf32, #tpu.memory_space<hbm>> -> memref<2560xf32, #tpu.memory_space<hbm>>
      tpu.wait_dma2 semaphore(%arg4 : memref<!tpu.dma_semaphore, #tpu.memory_space<semaphore_mem>>) src(%dma_wait3A_797 : memref<2560xf32, #tpu.memory_space<hbm>>) dst(%dma_wait3A_793 : memref<2560xf32, #tpu.memory_space<vmem>>)
      %dma_wait3A_798 = arith.constant 17 : i32
      %dma_wait3A_799 = arith.constant 1 : i32
      %dma_wait3A_800 = arith.constant 0 : i32
      %dma_wait3A_801 = tpu.memref_slice %run_scoped3A[%dma_wait3A_799, %dma_wait3A_800] : memref<16x2560xf32, #tpu.memory_space<vmem>> -> memref<1x2560xf32, #tpu.memory_space<vmem>>
      %dma_wait3A_802 = tpu.memref_squeeze %dma_wait3A_801 : memref<1x2560xf32, #tpu.memory_space<vmem>> -> memref<2560xf32, #tpu.memory_space<vmem>>
      %dma_wait3A_803 = arith.constant 0 : i32
      %dma_wait3A_804 = tpu.memref_slice %arg2[%dma_wait3A_798, %dma_wait3A_803] : memref<32x81920xf32, #tpu.memory_space<hbm>> -> memref<1x81920xf32, #tpu.memory_space<hbm>>
      %dma_wait3A_805 = tpu.memref_squeeze %dma_wait3A_804 : memref<1x81920xf32, #tpu.memory_space<hbm>> -> memref<81920xf32, #tpu.memory_space<hbm>>
      %dma_wait3A_806 = tpu.memref_slice %dma_wait3A_805[%mul3A_3] : memref<81920xf32, #tpu.memory_space<hbm>> -> memref<2560xf32, #tpu.memory_space<hbm>>
      %dma_wait3A_807 = arith.constant 0 : i32
      %dma_wait3A_808 = tpu.memref_slice %run_scoped3A[%dma_wait3A_799, %dma_wait3A_807] : memref<16x2560xf32, #tpu.memory_space<vmem>> -> memref<1x2560xf32, #tpu.memory_space<vmem>>
      %dma_wait3A_809 = tpu.memref_squeeze %dma_wait3A_808 : memref<1x2560xf32, #tpu.memory_space<vmem>> -> memref<2560xf32, #tpu.memory_space<vmem>>
      %dma_wait3A_810 = arith.constant 0 : i32
      %dma_wait3A_811 = tpu.memref_slice %arg2[%dma_wait3A_798, %dma_wait3A_810] : memref<32x81920xf32, #tpu.memory_space<hbm>> -> memref<1x81920xf32, #tpu.memory_space<hbm>>
      %dma_wait3A_812 = tpu.memref_squeeze %dma_wait3A_811 : memref<1x81920xf32, #tpu.memory_space<hbm>> -> memref<81920xf32, #tpu.memory_space<hbm>>
      %dma_wait3A_813 = tpu.memref_slice %dma_wait3A_812[%mul3A_3] : memref<81920xf32, #tpu.memory_space<hbm>> -> memref<2560xf32, #tpu.memory_space<hbm>>
      tpu.wait_dma2 semaphore(%arg4 : memref<!tpu.dma_semaphore, #tpu.memory_space<semaphore_mem>>) src(%dma_wait3A_813 : memref<2560xf32, #tpu.memory_space<hbm>>) dst(%dma_wait3A_809 : memref<2560xf32, #tpu.memory_space<vmem>>)
      %dma_wait3A_814 = arith.constant 18 : i32
      %dma_wait3A_815 = arith.constant 2 : i32
      %dma_wait3A_816 = arith.constant 0 : i32
      %dma_wait3A_817 = tpu.memref_slice %run_scoped3A[%dma_wait3A_815, %dma_wait3A_816] : memref<16x2560xf32, #tpu.memory_space<vmem>> -> memref<1x2560xf32, #tpu.memory_space<vmem>>
      %dma_wait3A_818 = tpu.memref_squeeze %dma_wait3A_817 : memref<1x2560xf32, #tpu.memory_space<vmem>> -> memref<2560xf32, #tpu.memory_space<vmem>>
      %dma_wait3A_819 = arith.constant 0 : i32
      %dma_wait3A_820 = tpu.memref_slice %arg2[%dma_wait3A_814, %dma_wait3A_819] : memref<32x81920xf32, #tpu.memory_space<hbm>> -> memref<1x81920xf32, #tpu.memory_space<hbm>>
      %dma_wait3A_821 = tpu.memref_squeeze %dma_wait3A_820 : memref<1x81920xf32, #tpu.memory_space<hbm>> -> memref<81920xf32, #tpu.memory_space<hbm>>
      %dma_wait3A_822 = tpu.memref_slice %dma_wait3A_821[%mul3A_3] : memref<81920xf32, #tpu.memory_space<hbm>> -> memref<2560xf32, #tpu.memory_space<hbm>>
      %dma_wait3A_823 = arith.constant 0 : i32
      %dma_wait3A_824 = tpu.memref_slice %run_scoped3A[%dma_wait3A_815, %dma_wait3A_823] : memref<16x2560xf32, #tpu.memory_space<vmem>> -> memref<1x2560xf32, #tpu.memory_space<vmem>>
      %dma_wait3A_825 = tpu.memref_squeeze %dma_wait3A_824 : memref<1x2560xf32, #tpu.memory_space<vmem>> -> memref<2560xf32, #tpu.memory_space<vmem>>
      %dma_wait3A_826 = arith.constant 0 : i32
      %dma_wait3A_827 = tpu.memref_slice %arg2[%dma_wait3A_814, %dma_wait3A_826] : memref<32x81920xf32, #tpu.memory_space<hbm>> -> memref<1x81920xf32, #tpu.memory_space<hbm>>
      %dma_wait3A_828 = tpu.memref_squeeze %dma_wait3A_827 : memref<1x81920xf32, #tpu.memory_space<hbm>> -> memref<81920xf32, #tpu.memory_space<hbm>>
      %dma_wait3A_829 = tpu.memref_slice %dma_wait3A_828[%mul3A_3] : memref<81920xf32, #tpu.memory_space<hbm>> -> memref<2560xf32, #tpu.memory_space<hbm>>
      tpu.wait_dma2 semaphore(%arg4 : memref<!tpu.dma_semaphore, #tpu.memory_space<semaphore_mem>>) src(%dma_wait3A_829 : memref<2560xf32, #tpu.memory_space<hbm>>) dst(%dma_wait3A_825 : memref<2560xf32, #tpu.memory_space<vmem>>)
      %dma_wait3A_830 = arith.constant 19 : i32
      %dma_wait3A_831 = arith.constant 3 : i32
      %dma_wait3A_832 = arith.constant 0 : i32
      %dma_wait3A_833 = tpu.memref_slice %run_scoped3A[%dma_wait3A_831, %dma_wait3A_832] : memref<16x2560xf32, #tpu.memory_space<vmem>> -> memref<1x2560xf32, #tpu.memory_space<vmem>>
      %dma_wait3A_834 = tpu.memref_squeeze %dma_wait3A_833 : memref<1x2560xf32, #tpu.memory_space<vmem>> -> memref<2560xf32, #tpu.memory_space<vmem>>
      %dma_wait3A_835 = arith.constant 0 : i32
      %dma_wait3A_836 = tpu.memref_slice %arg2[%dma_wait3A_830, %dma_wait3A_835] : memref<32x81920xf32, #tpu.memory_space<hbm>> -> memref<1x81920xf32, #tpu.memory_space<hbm>>
      %dma_wait3A_837 = tpu.memref_squeeze %dma_wait3A_836 : memref<1x81920xf32, #tpu.memory_space<hbm>> -> memref<81920xf32, #tpu.memory_space<hbm>>
      %dma_wait3A_838 = tpu.memref_slice %dma_wait3A_837[%mul3A_3] : memref<81920xf32, #tpu.memory_space<hbm>> -> memref<2560xf32, #tpu.memory_space<hbm>>
      %dma_wait3A_839 = arith.constant 0 : i32
      %dma_wait3A_840 = tpu.memref_slice %run_scoped3A[%dma_wait3A_831, %dma_wait3A_839] : memref<16x2560xf32, #tpu.memory_space<vmem>> -> memref<1x2560xf32, #tpu.memory_space<vmem>>
      %dma_wait3A_841 = tpu.memref_squeeze %dma_wait3A_840 : memref<1x2560xf32, #tpu.memory_space<vmem>> -> memref<2560xf32, #tpu.memory_space<vmem>>
      %dma_wait3A_842 = arith.constant 0 : i32
      %dma_wait3A_843 = tpu.memref_slice %arg2[%dma_wait3A_830, %dma_wait3A_842] : memref<32x81920xf32, #tpu.memory_space<hbm>> -> memref<1x81920xf32, #tpu.memory_space<hbm>>
      %dma_wait3A_844 = tpu.memref_squeeze %dma_wait3A_843 : memref<1x81920xf32, #tpu.memory_space<hbm>> -> memref<81920xf32, #tpu.memory_space<hbm>>
      %dma_wait3A_845 = tpu.memref_slice %dma_wait3A_844[%mul3A_3] : memref<81920xf32, #tpu.memory_space<hbm>> -> memref<2560xf32, #tpu.memory_space<hbm>>
      tpu.wait_dma2 semaphore(%arg4 : memref<!tpu.dma_semaphore, #tpu.memory_space<semaphore_mem>>) src(%dma_wait3A_845 : memref<2560xf32, #tpu.memory_space<hbm>>) dst(%dma_wait3A_841 : memref<2560xf32, #tpu.memory_space<vmem>>)
      %dma_wait3A_846 = arith.constant 20 : i32
      %dma_wait3A_847 = arith.constant 4 : i32
      %dma_wait3A_848 = arith.constant 0 : i32
      %dma_wait3A_849 = tpu.memref_slice %run_scoped3A[%dma_wait3A_847, %dma_wait3A_848] : memref<16x2560xf32, #tpu.memory_space<vmem>> -> memref<1x2560xf32, #tpu.memory_space<vmem>>
      %dma_wait3A_850 = tpu.memref_squeeze %dma_wait3A_849 : memref<1x2560xf32, #tpu.memory_space<vmem>> -> memref<2560xf32, #tpu.memory_space<vmem>>
      %dma_wait3A_851 = arith.constant 0 : i32
      %dma_wait3A_852 = tpu.memref_slice %arg2[%dma_wait3A_846, %dma_wait3A_851] : memref<32x81920xf32, #tpu.memory_space<hbm>> -> memref<1x81920xf32, #tpu.memory_space<hbm>>
      %dma_wait3A_853 = tpu.memref_squeeze %dma_wait3A_852 : memref<1x81920xf32, #tpu.memory_space<hbm>> -> memref<81920xf32, #tpu.memory_space<hbm>>
      %dma_wait3A_854 = tpu.memref_slice %dma_wait3A_853[%mul3A_3] : memref<81920xf32, #tpu.memory_space<hbm>> -> memref<2560xf32, #tpu.memory_space<hbm>>
      %dma_wait3A_855 = arith.constant 0 : i32
      %dma_wait3A_856 = tpu.memref_slice %run_scoped3A[%dma_wait3A_847, %dma_wait3A_855] : memref<16x2560xf32, #tpu.memory_space<vmem>> -> memref<1x2560xf32, #tpu.memory_space<vmem>>
      %dma_wait3A_857 = tpu.memref_squeeze %dma_wait3A_856 : memref<1x2560xf32, #tpu.memory_space<vmem>> -> memref<2560xf32, #tpu.memory_space<vmem>>
      %dma_wait3A_858 = arith.constant 0 : i32
      %dma_wait3A_859 = tpu.memref_slice %arg2[%dma_wait3A_846, %dma_wait3A_858] : memref<32x81920xf32, #tpu.memory_space<hbm>> -> memref<1x81920xf32, #tpu.memory_space<hbm>>
      %dma_wait3A_860 = tpu.memref_squeeze %dma_wait3A_859 : memref<1x81920xf32, #tpu.memory_space<hbm>> -> memref<81920xf32, #tpu.memory_space<hbm>>
      %dma_wait3A_861 = tpu.memref_slice %dma_wait3A_860[%mul3A_3] : memref<81920xf32, #tpu.memory_space<hbm>> -> memref<2560xf32, #tpu.memory_space<hbm>>
      tpu.wait_dma2 semaphore(%arg4 : memref<!tpu.dma_semaphore, #tpu.memory_space<semaphore_mem>>) src(%dma_wait3A_861 : memref<2560xf32, #tpu.memory_space<hbm>>) dst(%dma_wait3A_857 : memref<2560xf32, #tpu.memory_space<vmem>>)
      %dma_wait3A_862 = arith.constant 21 : i32
      %dma_wait3A_863 = arith.constant 5 : i32
      %dma_wait3A_864 = arith.constant 0 : i32
      %dma_wait3A_865 = tpu.memref_slice %run_scoped3A[%dma_wait3A_863, %dma_wait3A_864] : memref<16x2560xf32, #tpu.memory_space<vmem>> -> memref<1x2560xf32, #tpu.memory_space<vmem>>
      %dma_wait3A_866 = tpu.memref_squeeze %dma_wait3A_865 : memref<1x2560xf32, #tpu.memory_space<vmem>> -> memref<2560xf32, #tpu.memory_space<vmem>>
      %dma_wait3A_867 = arith.constant 0 : i32
      %dma_wait3A_868 = tpu.memref_slice %arg2[%dma_wait3A_862, %dma_wait3A_867] : memref<32x81920xf32, #tpu.memory_space<hbm>> -> memref<1x81920xf32, #tpu.memory_space<hbm>>
      %dma_wait3A_869 = tpu.memref_squeeze %dma_wait3A_868 : memref<1x81920xf32, #tpu.memory_space<hbm>> -> memref<81920xf32, #tpu.memory_space<hbm>>
      %dma_wait3A_870 = tpu.memref_slice %dma_wait3A_869[%mul3A_3] : memref<81920xf32, #tpu.memory_space<hbm>> -> memref<2560xf32, #tpu.memory_space<hbm>>
      %dma_wait3A_871 = arith.constant 0 : i32
      %dma_wait3A_872 = tpu.memref_slice %run_scoped3A[%dma_wait3A_863, %dma_wait3A_871] : memref<16x2560xf32, #tpu.memory_space<vmem>> -> memref<1x2560xf32, #tpu.memory_space<vmem>>
      %dma_wait3A_873 = tpu.memref_squeeze %dma_wait3A_872 : memref<1x2560xf32, #tpu.memory_space<vmem>> -> memref<2560xf32, #tpu.memory_space<vmem>>
      %dma_wait3A_874 = arith.constant 0 : i32
      %dma_wait3A_875 = tpu.memref_slice %arg2[%dma_wait3A_862, %dma_wait3A_874] : memref<32x81920xf32, #tpu.memory_space<hbm>> -> memref<1x81920xf32, #tpu.memory_space<hbm>>
      %dma_wait3A_876 = tpu.memref_squeeze %dma_wait3A_875 : memref<1x81920xf32, #tpu.memory_space<hbm>> -> memref<81920xf32, #tpu.memory_space<hbm>>
      %dma_wait3A_877 = tpu.memref_slice %dma_wait3A_876[%mul3A_3] : memref<81920xf32, #tpu.memory_space<hbm>> -> memref<2560xf32, #tpu.memory_space<hbm>>
      tpu.wait_dma2 semaphore(%arg4 : memref<!tpu.dma_semaphore, #tpu.memory_space<semaphore_mem>>) src(%dma_wait3A_877 : memref<2560xf32, #tpu.memory_space<hbm>>) dst(%dma_wait3A_873 : memref<2560xf32, #tpu.memory_space<vmem>>)
      %dma_wait3A_878 = arith.constant 22 : i32
      %dma_wait3A_879 = arith.constant 6 : i32
      %dma_wait3A_880 = arith.constant 0 : i32
      %dma_wait3A_881 = tpu.memref_slice %run_scoped3A[%dma_wait3A_879, %dma_wait3A_880] : memref<16x2560xf32, #tpu.memory_space<vmem>> -> memref<1x2560xf32, #tpu.memory_space<vmem>>
      %dma_wait3A_882 = tpu.memref_squeeze %dma_wait3A_881 : memref<1x2560xf32, #tpu.memory_space<vmem>> -> memref<2560xf32, #tpu.memory_space<vmem>>
      %dma_wait3A_883 = arith.constant 0 : i32
      %dma_wait3A_884 = tpu.memref_slice %arg2[%dma_wait3A_878, %dma_wait3A_883] : memref<32x81920xf32, #tpu.memory_space<hbm>> -> memref<1x81920xf32, #tpu.memory_space<hbm>>
      %dma_wait3A_885 = tpu.memref_squeeze %dma_wait3A_884 : memref<1x81920xf32, #tpu.memory_space<hbm>> -> memref<81920xf32, #tpu.memory_space<hbm>>
      %dma_wait3A_886 = tpu.memref_slice %dma_wait3A_885[%mul3A_3] : memref<81920xf32, #tpu.memory_space<hbm>> -> memref<2560xf32, #tpu.memory_space<hbm>>
      %dma_wait3A_887 = arith.constant 0 : i32
      %dma_wait3A_888 = tpu.memref_slice %run_scoped3A[%dma_wait3A_879, %dma_wait3A_887] : memref<16x2560xf32, #tpu.memory_space<vmem>> -> memref<1x2560xf32, #tpu.memory_space<vmem>>
      %dma_wait3A_889 = tpu.memref_squeeze %dma_wait3A_888 : memref<1x2560xf32, #tpu.memory_space<vmem>> -> memref<2560xf32, #tpu.memory_space<vmem>>
      %dma_wait3A_890 = arith.constant 0 : i32
      %dma_wait3A_891 = tpu.memref_slice %arg2[%dma_wait3A_878, %dma_wait3A_890] : memref<32x81920xf32, #tpu.memory_space<hbm>> -> memref<1x81920xf32, #tpu.memory_space<hbm>>
      %dma_wait3A_892 = tpu.memref_squeeze %dma_wait3A_891 : memref<1x81920xf32, #tpu.memory_space<hbm>> -> memref<81920xf32, #tpu.memory_space<hbm>>
      %dma_wait3A_893 = tpu.memref_slice %dma_wait3A_892[%mul3A_3] : memref<81920xf32, #tpu.memory_space<hbm>> -> memref<2560xf32, #tpu.memory_space<hbm>>
      tpu.wait_dma2 semaphore(%arg4 : memref<!tpu.dma_semaphore, #tpu.memory_space<semaphore_mem>>) src(%dma_wait3A_893 : memref<2560xf32, #tpu.memory_space<hbm>>) dst(%dma_wait3A_889 : memref<2560xf32, #tpu.memory_space<vmem>>)
      %dma_wait3A_894 = arith.constant 23 : i32
      %dma_wait3A_895 = arith.constant 7 : i32
      %dma_wait3A_896 = arith.constant 0 : i32
      %dma_wait3A_897 = tpu.memref_slice %run_scoped3A[%dma_wait3A_895, %dma_wait3A_896] : memref<16x2560xf32, #tpu.memory_space<vmem>> -> memref<1x2560xf32, #tpu.memory_space<vmem>>
      %dma_wait3A_898 = tpu.memref_squeeze %dma_wait3A_897 : memref<1x2560xf32, #tpu.memory_space<vmem>> -> memref<2560xf32, #tpu.memory_space<vmem>>
      %dma_wait3A_899 = arith.constant 0 : i32
      %dma_wait3A_900 = tpu.memref_slice %arg2[%dma_wait3A_894, %dma_wait3A_899] : memref<32x81920xf32, #tpu.memory_space<hbm>> -> memref<1x81920xf32, #tpu.memory_space<hbm>>
      %dma_wait3A_901 = tpu.memref_squeeze %dma_wait3A_900 : memref<1x81920xf32, #tpu.memory_space<hbm>> -> memref<81920xf32, #tpu.memory_space<hbm>>
      %dma_wait3A_902 = tpu.memref_slice %dma_wait3A_901[%mul3A_3] : memref<81920xf32, #tpu.memory_space<hbm>> -> memref<2560xf32, #tpu.memory_space<hbm>>
      %dma_wait3A_903 = arith.constant 0 : i32
      %dma_wait3A_904 = tpu.memref_slice %run_scoped3A[%dma_wait3A_895, %dma_wait3A_903] : memref<16x2560xf32, #tpu.memory_space<vmem>> -> memref<1x2560xf32, #tpu.memory_space<vmem>>
      %dma_wait3A_905 = tpu.memref_squeeze %dma_wait3A_904 : memref<1x2560xf32, #tpu.memory_space<vmem>> -> memref<2560xf32, #tpu.memory_space<vmem>>
      %dma_wait3A_906 = arith.constant 0 : i32
      %dma_wait3A_907 = tpu.memref_slice %arg2[%dma_wait3A_894, %dma_wait3A_906] : memref<32x81920xf32, #tpu.memory_space<hbm>> -> memref<1x81920xf32, #tpu.memory_space<hbm>>
      %dma_wait3A_908 = tpu.memref_squeeze %dma_wait3A_907 : memref<1x81920xf32, #tpu.memory_space<hbm>> -> memref<81920xf32, #tpu.memory_space<hbm>>
      %dma_wait3A_909 = tpu.memref_slice %dma_wait3A_908[%mul3A_3] : memref<81920xf32, #tpu.memory_space<hbm>> -> memref<2560xf32, #tpu.memory_space<hbm>>
      tpu.wait_dma2 semaphore(%arg4 : memref<!tpu.dma_semaphore, #tpu.memory_space<semaphore_mem>>) src(%dma_wait3A_909 : memref<2560xf32, #tpu.memory_space<hbm>>) dst(%dma_wait3A_905 : memref<2560xf32, #tpu.memory_space<vmem>>)
      %dma_wait3A_910 = arith.constant 24 : i32
      %dma_wait3A_911 = arith.constant 8 : i32
      %dma_wait3A_912 = arith.constant 0 : i32
      %dma_wait3A_913 = tpu.memref_slice %run_scoped3A[%dma_wait3A_911, %dma_wait3A_912] : memref<16x2560xf32, #tpu.memory_space<vmem>> -> memref<1x2560xf32, #tpu.memory_space<vmem>>
      %dma_wait3A_914 = tpu.memref_squeeze %dma_wait3A_913 : memref<1x2560xf32, #tpu.memory_space<vmem>> -> memref<2560xf32, #tpu.memory_space<vmem>>
      %dma_wait3A_915 = arith.constant 0 : i32
      %dma_wait3A_916 = tpu.memref_slice %arg2[%dma_wait3A_910, %dma_wait3A_915] : memref<32x81920xf32, #tpu.memory_space<hbm>> -> memref<1x81920xf32, #tpu.memory_space<hbm>>
      %dma_wait3A_917 = tpu.memref_squeeze %dma_wait3A_916 : memref<1x81920xf32, #tpu.memory_space<hbm>> -> memref<81920xf32, #tpu.memory_space<hbm>>
      %dma_wait3A_918 = tpu.memref_slice %dma_wait3A_917[%mul3A_3] : memref<81920xf32, #tpu.memory_space<hbm>> -> memref<2560xf32, #tpu.memory_space<hbm>>
      %dma_wait3A_919 = arith.constant 0 : i32
      %dma_wait3A_920 = tpu.memref_slice %run_scoped3A[%dma_wait3A_911, %dma_wait3A_919] : memref<16x2560xf32, #tpu.memory_space<vmem>> -> memref<1x2560xf32, #tpu.memory_space<vmem>>
      %dma_wait3A_921 = tpu.memref_squeeze %dma_wait3A_920 : memref<1x2560xf32, #tpu.memory_space<vmem>> -> memref<2560xf32, #tpu.memory_space<vmem>>
      %dma_wait3A_922 = arith.constant 0 : i32
      %dma_wait3A_923 = tpu.memref_slice %arg2[%dma_wait3A_910, %dma_wait3A_922] : memref<32x81920xf32, #tpu.memory_space<hbm>> -> memref<1x81920xf32, #tpu.memory_space<hbm>>
      %dma_wait3A_924 = tpu.memref_squeeze %dma_wait3A_923 : memref<1x81920xf32, #tpu.memory_space<hbm>> -> memref<81920xf32, #tpu.memory_space<hbm>>
      %dma_wait3A_925 = tpu.memref_slice %dma_wait3A_924[%mul3A_3] : memref<81920xf32, #tpu.memory_space<hbm>> -> memref<2560xf32, #tpu.memory_space<hbm>>
      tpu.wait_dma2 semaphore(%arg4 : memref<!tpu.dma_semaphore, #tpu.memory_space<semaphore_mem>>) src(%dma_wait3A_925 : memref<2560xf32, #tpu.memory_space<hbm>>) dst(%dma_wait3A_921 : memref<2560xf32, #tpu.memory_space<vmem>>)
      %dma_wait3A_926 = arith.constant 25 : i32
      %dma_wait3A_927 = arith.constant 9 : i32
      %dma_wait3A_928 = arith.constant 0 : i32
      %dma_wait3A_929 = tpu.memref_slice %run_scoped3A[%dma_wait3A_927, %dma_wait3A_928] : memref<16x2560xf32, #tpu.memory_space<vmem>> -> memref<1x2560xf32, #tpu.memory_space<vmem>>
      %dma_wait3A_930 = tpu.memref_squeeze %dma_wait3A_929 : memref<1x2560xf32, #tpu.memory_space<vmem>> -> memref<2560xf32, #tpu.memory_space<vmem>>
      %dma_wait3A_931 = arith.constant 0 : i32
      %dma_wait3A_932 = tpu.memref_slice %arg2[%dma_wait3A_926, %dma_wait3A_931] : memref<32x81920xf32, #tpu.memory_space<hbm>> -> memref<1x81920xf32, #tpu.memory_space<hbm>>
      %dma_wait3A_933 = tpu.memref_squeeze %dma_wait3A_932 : memref<1x81920xf32, #tpu.memory_space<hbm>> -> memref<81920xf32, #tpu.memory_space<hbm>>
      %dma_wait3A_934 = tpu.memref_slice %dma_wait3A_933[%mul3A_3] : memref<81920xf32, #tpu.memory_space<hbm>> -> memref<2560xf32, #tpu.memory_space<hbm>>
      %dma_wait3A_935 = arith.constant 0 : i32
      %dma_wait3A_936 = tpu.memref_slice %run_scoped3A[%dma_wait3A_927, %dma_wait3A_935] : memref<16x2560xf32, #tpu.memory_space<vmem>> -> memref<1x2560xf32, #tpu.memory_space<vmem>>
      %dma_wait3A_937 = tpu.memref_squeeze %dma_wait3A_936 : memref<1x2560xf32, #tpu.memory_space<vmem>> -> memref<2560xf32, #tpu.memory_space<vmem>>
      %dma_wait3A_938 = arith.constant 0 : i32
      %dma_wait3A_939 = tpu.memref_slice %arg2[%dma_wait3A_926, %dma_wait3A_938] : memref<32x81920xf32, #tpu.memory_space<hbm>> -> memref<1x81920xf32, #tpu.memory_space<hbm>>
      %dma_wait3A_940 = tpu.memref_squeeze %dma_wait3A_939 : memref<1x81920xf32, #tpu.memory_space<hbm>> -> memref<81920xf32, #tpu.memory_space<hbm>>
      %dma_wait3A_941 = tpu.memref_slice %dma_wait3A_940[%mul3A_3] : memref<81920xf32, #tpu.memory_space<hbm>> -> memref<2560xf32, #tpu.memory_space<hbm>>
      tpu.wait_dma2 semaphore(%arg4 : memref<!tpu.dma_semaphore, #tpu.memory_space<semaphore_mem>>) src(%dma_wait3A_941 : memref<2560xf32, #tpu.memory_space<hbm>>) dst(%dma_wait3A_937 : memref<2560xf32, #tpu.memory_space<vmem>>)
      %dma_wait3A_942 = arith.constant 26 : i32
      %dma_wait3A_943 = arith.constant 10 : i32
      %dma_wait3A_944 = arith.constant 0 : i32
      %dma_wait3A_945 = tpu.memref_slice %run_scoped3A[%dma_wait3A_943, %dma_wait3A_944] : memref<16x2560xf32, #tpu.memory_space<vmem>> -> memref<1x2560xf32, #tpu.memory_space<vmem>>
      %dma_wait3A_946 = tpu.memref_squeeze %dma_wait3A_945 : memref<1x2560xf32, #tpu.memory_space<vmem>> -> memref<2560xf32, #tpu.memory_space<vmem>>
      %dma_wait3A_947 = arith.constant 0 : i32
      %dma_wait3A_948 = tpu.memref_slice %arg2[%dma_wait3A_942, %dma_wait3A_947] : memref<32x81920xf32, #tpu.memory_space<hbm>> -> memref<1x81920xf32, #tpu.memory_space<hbm>>
      %dma_wait3A_949 = tpu.memref_squeeze %dma_wait3A_948 : memref<1x81920xf32, #tpu.memory_space<hbm>> -> memref<81920xf32, #tpu.memory_space<hbm>>
      %dma_wait3A_950 = tpu.memref_slice %dma_wait3A_949[%mul3A_3] : memref<81920xf32, #tpu.memory_space<hbm>> -> memref<2560xf32, #tpu.memory_space<hbm>>
      %dma_wait3A_951 = arith.constant 0 : i32
      %dma_wait3A_952 = tpu.memref_slice %run_scoped3A[%dma_wait3A_943, %dma_wait3A_951] : memref<16x2560xf32, #tpu.memory_space<vmem>> -> memref<1x2560xf32, #tpu.memory_space<vmem>>
      %dma_wait3A_953 = tpu.memref_squeeze %dma_wait3A_952 : memref<1x2560xf32, #tpu.memory_space<vmem>> -> memref<2560xf32, #tpu.memory_space<vmem>>
      %dma_wait3A_954 = arith.constant 0 : i32
      %dma_wait3A_955 = tpu.memref_slice %arg2[%dma_wait3A_942, %dma_wait3A_954] : memref<32x81920xf32, #tpu.memory_space<hbm>> -> memref<1x81920xf32, #tpu.memory_space<hbm>>
      %dma_wait3A_956 = tpu.memref_squeeze %dma_wait3A_955 : memref<1x81920xf32, #tpu.memory_space<hbm>> -> memref<81920xf32, #tpu.memory_space<hbm>>
      %dma_wait3A_957 = tpu.memref_slice %dma_wait3A_956[%mul3A_3] : memref<81920xf32, #tpu.memory_space<hbm>> -> memref<2560xf32, #tpu.memory_space<hbm>>
      tpu.wait_dma2 semaphore(%arg4 : memref<!tpu.dma_semaphore, #tpu.memory_space<semaphore_mem>>) src(%dma_wait3A_957 : memref<2560xf32, #tpu.memory_space<hbm>>) dst(%dma_wait3A_953 : memref<2560xf32, #tpu.memory_space<vmem>>)
      %dma_wait3A_958 = arith.constant 27 : i32
      %dma_wait3A_959 = arith.constant 11 : i32
      %dma_wait3A_960 = arith.constant 0 : i32
      %dma_wait3A_961 = tpu.memref_slice %run_scoped3A[%dma_wait3A_959, %dma_wait3A_960] : memref<16x2560xf32, #tpu.memory_space<vmem>> -> memref<1x2560xf32, #tpu.memory_space<vmem>>
      %dma_wait3A_962 = tpu.memref_squeeze %dma_wait3A_961 : memref<1x2560xf32, #tpu.memory_space<vmem>> -> memref<2560xf32, #tpu.memory_space<vmem>>
      %dma_wait3A_963 = arith.constant 0 : i32
      %dma_wait3A_964 = tpu.memref_slice %arg2[%dma_wait3A_958, %dma_wait3A_963] : memref<32x81920xf32, #tpu.memory_space<hbm>> -> memref<1x81920xf32, #tpu.memory_space<hbm>>
      %dma_wait3A_965 = tpu.memref_squeeze %dma_wait3A_964 : memref<1x81920xf32, #tpu.memory_space<hbm>> -> memref<81920xf32, #tpu.memory_space<hbm>>
      %dma_wait3A_966 = tpu.memref_slice %dma_wait3A_965[%mul3A_3] : memref<81920xf32, #tpu.memory_space<hbm>> -> memref<2560xf32, #tpu.memory_space<hbm>>
      %dma_wait3A_967 = arith.constant 0 : i32
      %dma_wait3A_968 = tpu.memref_slice %run_scoped3A[%dma_wait3A_959, %dma_wait3A_967] : memref<16x2560xf32, #tpu.memory_space<vmem>> -> memref<1x2560xf32, #tpu.memory_space<vmem>>
      %dma_wait3A_969 = tpu.memref_squeeze %dma_wait3A_968 : memref<1x2560xf32, #tpu.memory_space<vmem>> -> memref<2560xf32, #tpu.memory_space<vmem>>
      %dma_wait3A_970 = arith.constant 0 : i32
      %dma_wait3A_971 = tpu.memref_slice %arg2[%dma_wait3A_958, %dma_wait3A_970] : memref<32x81920xf32, #tpu.memory_space<hbm>> -> memref<1x81920xf32, #tpu.memory_space<hbm>>
      %dma_wait3A_972 = tpu.memref_squeeze %dma_wait3A_971 : memref<1x81920xf32, #tpu.memory_space<hbm>> -> memref<81920xf32, #tpu.memory_space<hbm>>
      %dma_wait3A_973 = tpu.memref_slice %dma_wait3A_972[%mul3A_3] : memref<81920xf32, #tpu.memory_space<hbm>> -> memref<2560xf32, #tpu.memory_space<hbm>>
      tpu.wait_dma2 semaphore(%arg4 : memref<!tpu.dma_semaphore, #tpu.memory_space<semaphore_mem>>) src(%dma_wait3A_973 : memref<2560xf32, #tpu.memory_space<hbm>>) dst(%dma_wait3A_969 : memref<2560xf32, #tpu.memory_space<vmem>>)
      %dma_wait3A_974 = arith.constant 28 : i32
      %dma_wait3A_975 = arith.constant 12 : i32
      %dma_wait3A_976 = arith.constant 0 : i32
      %dma_wait3A_977 = tpu.memref_slice %run_scoped3A[%dma_wait3A_975, %dma_wait3A_976] : memref<16x2560xf32, #tpu.memory_space<vmem>> -> memref<1x2560xf32, #tpu.memory_space<vmem>>
      %dma_wait3A_978 = tpu.memref_squeeze %dma_wait3A_977 : memref<1x2560xf32, #tpu.memory_space<vmem>> -> memref<2560xf32, #tpu.memory_space<vmem>>
      %dma_wait3A_979 = arith.constant 0 : i32
      %dma_wait3A_980 = tpu.memref_slice %arg2[%dma_wait3A_974, %dma_wait3A_979] : memref<32x81920xf32, #tpu.memory_space<hbm>> -> memref<1x81920xf32, #tpu.memory_space<hbm>>
      %dma_wait3A_981 = tpu.memref_squeeze %dma_wait3A_980 : memref<1x81920xf32, #tpu.memory_space<hbm>> -> memref<81920xf32, #tpu.memory_space<hbm>>
      %dma_wait3A_982 = tpu.memref_slice %dma_wait3A_981[%mul3A_3] : memref<81920xf32, #tpu.memory_space<hbm>> -> memref<2560xf32, #tpu.memory_space<hbm>>
      %dma_wait3A_983 = arith.constant 0 : i32
      %dma_wait3A_984 = tpu.memref_slice %run_scoped3A[%dma_wait3A_975, %dma_wait3A_983] : memref<16x2560xf32, #tpu.memory_space<vmem>> -> memref<1x2560xf32, #tpu.memory_space<vmem>>
      %dma_wait3A_985 = tpu.memref_squeeze %dma_wait3A_984 : memref<1x2560xf32, #tpu.memory_space<vmem>> -> memref<2560xf32, #tpu.memory_space<vmem>>
      %dma_wait3A_986 = arith.constant 0 : i32
      %dma_wait3A_987 = tpu.memref_slice %arg2[%dma_wait3A_974, %dma_wait3A_986] : memref<32x81920xf32, #tpu.memory_space<hbm>> -> memref<1x81920xf32, #tpu.memory_space<hbm>>
      %dma_wait3A_988 = tpu.memref_squeeze %dma_wait3A_987 : memref<1x81920xf32, #tpu.memory_space<hbm>> -> memref<81920xf32, #tpu.memory_space<hbm>>
      %dma_wait3A_989 = tpu.memref_slice %dma_wait3A_988[%mul3A_3] : memref<81920xf32, #tpu.memory_space<hbm>> -> memref<2560xf32, #tpu.memory_space<hbm>>
      tpu.wait_dma2 semaphore(%arg4 : memref<!tpu.dma_semaphore, #tpu.memory_space<semaphore_mem>>) src(%dma_wait3A_989 : memref<2560xf32, #tpu.memory_space<hbm>>) dst(%dma_wait3A_985 : memref<2560xf32, #tpu.memory_space<vmem>>)
      %dma_wait3A_990 = arith.constant 29 : i32
      %dma_wait3A_991 = arith.constant 13 : i32
      %dma_wait3A_992 = arith.constant 0 : i32
      %dma_wait3A_993 = tpu.memref_slice %run_scoped3A[%dma_wait3A_991, %dma_wait3A_992] : memref<16x2560xf32, #tpu.memory_space<vmem>> -> memref<1x2560xf32, #tpu.memory_space<vmem>>
      %dma_wait3A_994 = tpu.memref_squeeze %dma_wait3A_993 : memref<1x2560xf32, #tpu.memory_space<vmem>> -> memref<2560xf32, #tpu.memory_space<vmem>>
      %dma_wait3A_995 = arith.constant 0 : i32
      %dma_wait3A_996 = tpu.memref_slice %arg2[%dma_wait3A_990, %dma_wait3A_995] : memref<32x81920xf32, #tpu.memory_space<hbm>> -> memref<1x81920xf32, #tpu.memory_space<hbm>>
      %dma_wait3A_997 = tpu.memref_squeeze %dma_wait3A_996 : memref<1x81920xf32, #tpu.memory_space<hbm>> -> memref<81920xf32, #tpu.memory_space<hbm>>
      %dma_wait3A_998 = tpu.memref_slice %dma_wait3A_997[%mul3A_3] : memref<81920xf32, #tpu.memory_space<hbm>> -> memref<2560xf32, #tpu.memory_space<hbm>>
      %dma_wait3A_999 = arith.constant 0 : i32
      %dma_wait3A_1000 = tpu.memref_slice %run_scoped3A[%dma_wait3A_991, %dma_wait3A_999] : memref<16x2560xf32, #tpu.memory_space<vmem>> -> memref<1x2560xf32, #tpu.memory_space<vmem>>
      %dma_wait3A_1001 = tpu.memref_squeeze %dma_wait3A_1000 : memref<1x2560xf32, #tpu.memory_space<vmem>> -> memref<2560xf32, #tpu.memory_space<vmem>>
      %dma_wait3A_1002 = arith.constant 0 : i32
      %dma_wait3A_1003 = tpu.memref_slice %arg2[%dma_wait3A_990, %dma_wait3A_1002] : memref<32x81920xf32, #tpu.memory_space<hbm>> -> memref<1x81920xf32, #tpu.memory_space<hbm>>
      %dma_wait3A_1004 = tpu.memref_squeeze %dma_wait3A_1003 : memref<1x81920xf32, #tpu.memory_space<hbm>> -> memref<81920xf32, #tpu.memory_space<hbm>>
      %dma_wait3A_1005 = tpu.memref_slice %dma_wait3A_1004[%mul3A_3] : memref<81920xf32, #tpu.memory_space<hbm>> -> memref<2560xf32, #tpu.memory_space<hbm>>
      tpu.wait_dma2 semaphore(%arg4 : memref<!tpu.dma_semaphore, #tpu.memory_space<semaphore_mem>>) src(%dma_wait3A_1005 : memref<2560xf32, #tpu.memory_space<hbm>>) dst(%dma_wait3A_1001 : memref<2560xf32, #tpu.memory_space<vmem>>)
      %dma_wait3A_1006 = arith.constant 30 : i32
      %dma_wait3A_1007 = arith.constant 14 : i32
      %dma_wait3A_1008 = arith.constant 0 : i32
      %dma_wait3A_1009 = tpu.memref_slice %run_scoped3A[%dma_wait3A_1007, %dma_wait3A_1008] : memref<16x2560xf32, #tpu.memory_space<vmem>> -> memref<1x2560xf32, #tpu.memory_space<vmem>>
      %dma_wait3A_1010 = tpu.memref_squeeze %dma_wait3A_1009 : memref<1x2560xf32, #tpu.memory_space<vmem>> -> memref<2560xf32, #tpu.memory_space<vmem>>
      %dma_wait3A_1011 = arith.constant 0 : i32
      %dma_wait3A_1012 = tpu.memref_slice %arg2[%dma_wait3A_1006, %dma_wait3A_1011] : memref<32x81920xf32, #tpu.memory_space<hbm>> -> memref<1x81920xf32, #tpu.memory_space<hbm>>
      %dma_wait3A_1013 = tpu.memref_squeeze %dma_wait3A_1012 : memref<1x81920xf32, #tpu.memory_space<hbm>> -> memref<81920xf32, #tpu.memory_space<hbm>>
      %dma_wait3A_1014 = tpu.memref_slice %dma_wait3A_1013[%mul3A_3] : memref<81920xf32, #tpu.memory_space<hbm>> -> memref<2560xf32, #tpu.memory_space<hbm>>
      %dma_wait3A_1015 = arith.constant 0 : i32
      %dma_wait3A_1016 = tpu.memref_slice %run_scoped3A[%dma_wait3A_1007, %dma_wait3A_1015] : memref<16x2560xf32, #tpu.memory_space<vmem>> -> memref<1x2560xf32, #tpu.memory_space<vmem>>
      %dma_wait3A_1017 = tpu.memref_squeeze %dma_wait3A_1016 : memref<1x2560xf32, #tpu.memory_space<vmem>> -> memref<2560xf32, #tpu.memory_space<vmem>>
      %dma_wait3A_1018 = arith.constant 0 : i32
      %dma_wait3A_1019 = tpu.memref_slice %arg2[%dma_wait3A_1006, %dma_wait3A_1018] : memref<32x81920xf32, #tpu.memory_space<hbm>> -> memref<1x81920xf32, #tpu.memory_space<hbm>>
      %dma_wait3A_1020 = tpu.memref_squeeze %dma_wait3A_1019 : memref<1x81920xf32, #tpu.memory_space<hbm>> -> memref<81920xf32, #tpu.memory_space<hbm>>
      %dma_wait3A_1021 = tpu.memref_slice %dma_wait3A_1020[%mul3A_3] : memref<81920xf32, #tpu.memory_space<hbm>> -> memref<2560xf32, #tpu.memory_space<hbm>>
      tpu.wait_dma2 semaphore(%arg4 : memref<!tpu.dma_semaphore, #tpu.memory_space<semaphore_mem>>) src(%dma_wait3A_1021 : memref<2560xf32, #tpu.memory_space<hbm>>) dst(%dma_wait3A_1017 : memref<2560xf32, #tpu.memory_space<vmem>>)
      %dma_wait3A_1022 = arith.constant 31 : i32
      %dma_wait3A_1023 = arith.constant 15 : i32
      %dma_wait3A_1024 = arith.constant 0 : i32
      %dma_wait3A_1025 = tpu.memref_slice %run_scoped3A[%dma_wait3A_1023, %dma_wait3A_1024] : memref<16x2560xf32, #tpu.memory_space<vmem>> -> memref<1x2560xf32, #tpu.memory_space<vmem>>
      %dma_wait3A_1026 = tpu.memref_squeeze %dma_wait3A_1025 : memref<1x2560xf32, #tpu.memory_space<vmem>> -> memref<2560xf32, #tpu.memory_space<vmem>>
      %dma_wait3A_1027 = arith.constant 0 : i32
      %dma_wait3A_1028 = tpu.memref_slice %arg2[%dma_wait3A_1022, %dma_wait3A_1027] : memref<32x81920xf32, #tpu.memory_space<hbm>> -> memref<1x81920xf32, #tpu.memory_space<hbm>>
      %dma_wait3A_1029 = tpu.memref_squeeze %dma_wait3A_1028 : memref<1x81920xf32, #tpu.memory_space<hbm>> -> memref<81920xf32, #tpu.memory_space<hbm>>
      %dma_wait3A_1030 = tpu.memref_slice %dma_wait3A_1029[%mul3A_3] : memref<81920xf32, #tpu.memory_space<hbm>> -> memref<2560xf32, #tpu.memory_space<hbm>>
      %dma_wait3A_1031 = arith.constant 0 : i32
      %dma_wait3A_1032 = tpu.memref_slice %run_scoped3A[%dma_wait3A_1023, %dma_wait3A_1031] : memref<16x2560xf32, #tpu.memory_space<vmem>> -> memref<1x2560xf32, #tpu.memory_space<vmem>>
      %dma_wait3A_1033 = tpu.memref_squeeze %dma_wait3A_1032 : memref<1x2560xf32, #tpu.memory_space<vmem>> -> memref<2560xf32, #tpu.memory_space<vmem>>
      %dma_wait3A_1034 = arith.constant 0 : i32
      %dma_wait3A_1035 = tpu.memref_slice %arg2[%dma_wait3A_1022, %dma_wait3A_1034] : memref<32x81920xf32, #tpu.memory_space<hbm>> -> memref<1x81920xf32, #tpu.memory_space<hbm>>
      %dma_wait3A_1036 = tpu.memref_squeeze %dma_wait3A_1035 : memref<1x81920xf32, #tpu.memory_space<hbm>> -> memref<81920xf32, #tpu.memory_space<hbm>>
      %dma_wait3A_1037 = tpu.memref_slice %dma_wait3A_1036[%mul3A_3] : memref<81920xf32, #tpu.memory_space<hbm>> -> memref<2560xf32, #tpu.memory_space<hbm>>
      tpu.wait_dma2 semaphore(%arg4 : memref<!tpu.dma_semaphore, #tpu.memory_space<semaphore_mem>>) src(%dma_wait3A_1037 : memref<2560xf32, #tpu.memory_space<hbm>>) dst(%dma_wait3A_1033 : memref<2560xf32, #tpu.memory_space<vmem>>)
      %scan3A_1038 = arith.constant 0 : i32
      %scan3A_1039 = arith.constant 0 : i32
      %scan3A_1040 = arith.constant 16 : i32
      %scan3A_1041 = arith.addi %scan3A_1039, %scan3A_1040 : i32
      %scan3A_1042 = arith.constant 1 : i32
      scf.for %scan3A_1044 = %scan3A_1039 to %scan3A_1041 step %scan3A_1042  : i32 {
        %scan3A_1045 = arith.constant 0 : i32
        %scan3A_1046 = arith.constant 0 : i32
        %scan3A_1047 = arith.constant 160 : i32
        %scan3A_1048 = arith.addi %scan3A_1046, %scan3A_1047 : i32
        %scan3A_1049 = arith.constant 1 : i32
        scf.for %scan3A_1051 = %scan3A_1046 to %scan3A_1048 step %scan3A_1049  : i32 {
          %mul3A_1052 = arith.constant 16 : i32
          %mul3A_1053 = arith.muli %scan3A_1051, %mul3A_1052 : i32
          %get3A = arith.index_cast %mul3A_1053 : i32 to index
          %get3A_1054 = tpu.vector_load %run_scoped3A_0[%get3A] {strides = array<i32>} : memref<2560xf32, #tpu.memory_space<vmem>>, vector<16xf32>,
          %get3A_1055 = vector.shape_cast %get3A_1054 : vector<16xf32> to vector<16xf32>
          %get3A_1056 = arith.index_cast %scan3A_1044 : i32 to index
          %get3A_1057 = arith.index_cast %mul3A_1053 : i32 to index
          %get3A_1058 = tpu.vector_load %run_scoped3A[%get3A_1056, %get3A_1057] {strides = array<i32>} : memref<16x2560xf32, #tpu.memory_space<vmem>>, vector<1x16xf32>,
          %get3A_1059 = vector.shape_cast %get3A_1058 : vector<1x16xf32> to vector<16xf32>
          %add3A_1060 = arith.addf %get3A_1055, %get3A_1059 : vector<16xf32>
          %swap3A = arith.index_cast %mul3A_1053 : i32 to index
          %swap3A_1061 = tpu.vector_load %run_scoped3A_0[%swap3A] {strides = array<i32>} : memref<2560xf32, #tpu.memory_space<vmem>>, vector<16xf32>,
          %swap3A_1062 = vector.shape_cast %swap3A_1061 : vector<16xf32> to vector<16xf32>
          %swap3A_1063 = vector.shape_cast %add3A_1060 : vector<16xf32> to vector<16xf32>
          tpu.vector_store %run_scoped3A_0[%swap3A], %swap3A_1063 {strides = array<i32>} : memref<2560xf32, #tpu.memory_space<vmem>>, vector<16xf32>,
        }
        %scan3A_1050 = arith.constant 160 : i32
      }
      %scan3A_1043 = arith.constant 16 : i32
      "tpu.region"() ({
        %run_scoped3A_1044 = tpu.sem_alloc : memref<!tpu.dma_semaphore, #tpu.memory_space<semaphore_mem>>
        %dma_start3A_1045 = tpu.memref_slice %arg3[%mul3A_3] : memref<81920xf32, #tpu.memory_space<hbm>> -> memref<2560xf32, #tpu.memory_space<hbm>>
        %dma_start3A_1046 = tpu.memref_slice %arg3[%mul3A_3] : memref<81920xf32, #tpu.memory_space<hbm>> -> memref<2560xf32, #tpu.memory_space<hbm>>
        tpu.enqueue_dma source(%run_scoped3A_0 : memref<2560xf32, #tpu.memory_space<vmem>>) target(%dma_start3A_1046 : memref<2560xf32, #tpu.memory_space<hbm>>) target_semaphore(%run_scoped3A_1044 : memref<!tpu.dma_semaphore, #tpu.memory_space<semaphore_mem>>)
        %dma_wait3A_1047 = tpu.memref_slice %arg3[%mul3A_3] : memref<81920xf32, #tpu.memory_space<hbm>> -> memref<2560xf32, #tpu.memory_space<hbm>>
        %dma_wait3A_1048 = tpu.memref_slice %arg3[%mul3A_3] : memref<81920xf32, #tpu.memory_space<hbm>> -> memref<2560xf32, #tpu.memory_space<hbm>>
        tpu.wait_dma2 semaphore(%run_scoped3A_1044 : memref<!tpu.dma_semaphore, #tpu.memory_space<semaphore_mem>>) src(%run_scoped3A_0 : memref<2560xf32, #tpu.memory_space<vmem>>) dst(%dma_wait3A_1048 : memref<2560xf32, #tpu.memory_space<hbm>>)
        tpu.yield
      }) : () -> ()
      tpu.yield
    }) : () -> ()
    return
  }
}

#map = affine_map<(d0, d1) -> (0, 0)>
#map1 = affine_map<(d0, d1) -> (0)>
module attributes {stable_mosaic.version = 14 : i64} {
  func.func @_acc_body(%arg0: i32, %arg1: i32, %arg2: memref<102400x64xf32, #tpu.memory_space<hbm>>, %arg3: memref<102400xi32, #tpu.memory_space<hbm>>, %arg4: memref<81920xf32, #tpu.memory_space<hbm>>, %arg5: memref<32x81920xf32, #tpu.memory_space<hbm>>, %arg6: memref<64x64xf32, #tpu.memory_space<vmem>>, %arg7: memref<64x64xf32, #tpu.memory_space<vmem>>, %arg8: memref<3200xi32, #tpu.memory_space<vmem>>, %arg9: memref<!tpu.dma_semaphore, #tpu.memory_space<semaphore_mem>>, %arg10: memref<!tpu.dma_semaphore, #tpu.memory_space<semaphore_mem>>) attributes {dimension_semantics = [#tpu.dimension_semantics<core_parallel>, #tpu.dimension_semantics<subcore_parallel>], iteration_bounds = array<i64: 2, 16>, scalar_prefetch = 0 : i64, scratch_operands = 5 : i64, tpu.core_type = #tpu.core_type<sc_vector_subcore>, window_params = [{transform_indices = #map}, {transform_indices = #map1}, {transform_indices = #map1}, {transform_indices = #map}]} {
    "tpu.region"() ({
      %run_scoped3A = memref.alloca() : memref<81920xf32, #tpu.memory_space<vmem>>
      %mul3A = arith.constant 16 : i32
      %mul3A_0 = arith.muli %arg0, %mul3A : i32
      %add3A = arith.addi %mul3A_0, %arg1 : i32
      %mul3A_1 = arith.constant 3200 : i32
      %mul3A_2 = arith.muli %add3A, %mul3A_1 : i32
      %broadcast_in_dim3A = arith.constant 1.000000e+00 : f32
      %broadcast_in_dim3A_3 = vector.broadcast %broadcast_in_dim3A : f32 to vector<16xf32>
      "tpu.region"() ({
        %run_scoped3A_23 = tpu.sem_alloc : memref<!tpu.dma_semaphore, #tpu.memory_space<semaphore_mem>>
        %dma_start3A_24 = tpu.memref_slice %arg3[%mul3A_2] : memref<102400xi32, #tpu.memory_space<hbm>> -> memref<3200xi32, #tpu.memory_space<hbm>>
        %dma_start3A_25 = tpu.memref_slice %arg3[%mul3A_2] : memref<102400xi32, #tpu.memory_space<hbm>> -> memref<3200xi32, #tpu.memory_space<hbm>>
        tpu.enqueue_dma source(%dma_start3A_25 : memref<3200xi32, #tpu.memory_space<hbm>>) target(%arg8 : memref<3200xi32, #tpu.memory_space<vmem>>) target_semaphore(%run_scoped3A_23 : memref<!tpu.dma_semaphore, #tpu.memory_space<semaphore_mem>>)
        %dma_wait3A_26 = tpu.memref_slice %arg3[%mul3A_2] : memref<102400xi32, #tpu.memory_space<hbm>> -> memref<3200xi32, #tpu.memory_space<hbm>>
        %dma_wait3A_27 = tpu.memref_slice %arg3[%mul3A_2] : memref<102400xi32, #tpu.memory_space<hbm>> -> memref<3200xi32, #tpu.memory_space<hbm>>
        tpu.wait_dma2 semaphore(%run_scoped3A_23 : memref<!tpu.dma_semaphore, #tpu.memory_space<semaphore_mem>>) src(%dma_wait3A_27 : memref<3200xi32, #tpu.memory_space<hbm>>) dst(%arg8 : memref<3200xi32, #tpu.memory_space<vmem>>)
        tpu.yield
      }) : () -> ()
      "tpu.region"() ({
        %run_scoped3A_23 = tpu.sem_alloc : memref<!tpu.dma_semaphore, #tpu.memory_space<semaphore_mem>>
        tpu.enqueue_dma source(%arg4 : memref<81920xf32, #tpu.memory_space<hbm>>) target(%run_scoped3A : memref<81920xf32, #tpu.memory_space<vmem>>) target_semaphore(%run_scoped3A_23 : memref<!tpu.dma_semaphore, #tpu.memory_space<semaphore_mem>>)
        tpu.wait_dma2 semaphore(%run_scoped3A_23 : memref<!tpu.dma_semaphore, #tpu.memory_space<semaphore_mem>>) src(%arg4 : memref<81920xf32, #tpu.memory_space<hbm>>) dst(%run_scoped3A : memref<81920xf32, #tpu.memory_space<vmem>>)
        tpu.yield
      }) : () -> ()
      %add3A_4 = arith.constant 0 : i32
      %add3A_5 = arith.addi %mul3A_2, %add3A_4 : i32
      %dma_start3A = arith.constant 0 : i32
      %dma_start3A_6 = tpu.memref_slice %arg2[%add3A_5, %dma_start3A] : memref<102400x64xf32, #tpu.memory_space<hbm>> -> memref<64x64xf32, #tpu.memory_space<hbm>>
      %dma_start3A_7 = arith.constant 0 : i32
      %dma_start3A_8 = tpu.memref_slice %arg2[%add3A_5, %dma_start3A_7] : memref<102400x64xf32, #tpu.memory_space<hbm>> -> memref<64x64xf32, #tpu.memory_space<hbm>>
      tpu.enqueue_dma source(%dma_start3A_8 : memref<64x64xf32, #tpu.memory_space<hbm>>) target(%arg6 : memref<64x64xf32, #tpu.memory_space<vmem>>) target_semaphore(%arg9 : memref<!tpu.dma_semaphore, #tpu.memory_space<semaphore_mem>>)
      %scan3A = arith.constant 0 : i32
      %scan3A_9 = arith.constant 0 : i32
      %scan3A_10 = arith.constant 25 : i32
      %scan3A_11 = arith.addi %scan3A_9, %scan3A_10 : i32
      %scan3A_12 = arith.constant 1 : i32
      scf.for %scan3A_23 = %scan3A_9 to %scan3A_11 step %scan3A_12  : i32 {
        %dma_wait3A_24 = arith.constant 0 : i32
        %dma_wait3A_25 = tpu.memref_slice %arg2[%mul3A_2, %dma_wait3A_24] : memref<102400x64xf32, #tpu.memory_space<hbm>> -> memref<64x64xf32, #tpu.memory_space<hbm>>
        %dma_wait3A_26 = arith.constant 0 : i32
        %dma_wait3A_27 = tpu.memref_slice %arg2[%mul3A_2, %dma_wait3A_26] : memref<102400x64xf32, #tpu.memory_space<hbm>> -> memref<64x64xf32, #tpu.memory_space<hbm>>
        tpu.wait_dma2 semaphore(%arg9 : memref<!tpu.dma_semaphore, #tpu.memory_space<semaphore_mem>>) src(%dma_wait3A_27 : memref<64x64xf32, #tpu.memory_space<hbm>>) dst(%arg6 : memref<64x64xf32, #tpu.memory_space<vmem>>)
        %mul3A_28 = arith.constant 2 : i32
        %mul3A_29 = arith.muli %mul3A_28, %scan3A_23 : i32
        %add3A_30 = arith.constant 1 : i32
        %add3A_31 = arith.addi %mul3A_29, %add3A_30 : i32
        %mul3A_32 = arith.constant 64 : i32
        %mul3A_33 = arith.muli %add3A_31, %mul3A_32 : i32
        %add3A_34 = arith.addi %mul3A_2, %mul3A_33 : i32
        %dma_start3A_35 = arith.constant 0 : i32
        %dma_start3A_36 = tpu.memref_slice %arg2[%add3A_34, %dma_start3A_35] : memref<102400x64xf32, #tpu.memory_space<hbm>> -> memref<64x64xf32, #tpu.memory_space<hbm>>
        %dma_start3A_37 = arith.constant 0 : i32
        %dma_start3A_38 = tpu.memref_slice %arg2[%add3A_34, %dma_start3A_37] : memref<102400x64xf32, #tpu.memory_space<hbm>> -> memref<64x64xf32, #tpu.memory_space<hbm>>
        tpu.enqueue_dma source(%dma_start3A_38 : memref<64x64xf32, #tpu.memory_space<hbm>>) target(%arg7 : memref<64x64xf32, #tpu.memory_space<vmem>>) target_semaphore(%arg10 : memref<!tpu.dma_semaphore, #tpu.memory_space<semaphore_mem>>)
        %mul3A_39 = arith.constant 2 : i32
        %mul3A_40 = arith.muli %mul3A_39, %scan3A_23 : i32
        %scan3A_41 = arith.constant 0 : i32
        %scan3A_42 = arith.constant 0 : i32
        %scan3A_43 = arith.constant 4 : i32
        %scan3A_44 = arith.addi %scan3A_42, %scan3A_43 : i32
        %scan3A_45 = arith.constant 1 : i32
        scf.for %scan3A_72 = %scan3A_42 to %scan3A_44 step %scan3A_45  : i32 {
          %mul3A_73 = arith.constant 64 : i32
          %mul3A_74 = arith.muli %mul3A_40, %mul3A_73 : i32
          %mul3A_75 = arith.constant 16 : i32
          %mul3A_76 = arith.muli %scan3A_72, %mul3A_75 : i32
          %add3A_77 = arith.addi %mul3A_74, %mul3A_76 : i32
          %get3A = arith.index_cast %add3A_77 : i32 to index
          %get3A_78 = tpu.vector_load %arg8[%get3A] {strides = array<i32>} : memref<3200xi32, #tpu.memory_space<vmem>>, vector<16xi32>,
          %get3A_79 = vector.shape_cast %get3A_78 : vector<16xi32> to vector<16xi32>
          %mul3A_80 = arith.constant 80 : i32
          %mul3A_81 = vector.broadcast %mul3A_80 : i32 to vector<16xi32>
          %mul3A_82 = arith.muli %get3A_79, %mul3A_81 : vector<16xi32>
          %slice3A = vector.extract_strided_slice %mul3A_82 {offsets = [0], sizes = [1], strides = [1]} : vector<16xi32> to vector<1xi32>
          %squeeze3A = vector.extract %slice3A[0] : i32 from vector<1xi32>
          %mul3A_83 = arith.constant 16 : i32
          %mul3A_84 = arith.muli %scan3A_72, %mul3A_83 : i32
          %add3A_85 = arith.constant 0 : i32
          %add3A_86 = arith.addi %mul3A_84, %add3A_85 : i32
          %add3A_87 = arith.constant 0 : i32
          %add3A_88 = arith.addi %squeeze3A, %add3A_87 : i32
          %get3A_89 = arith.index_cast %add3A_86 : i32 to index
          %get3A_90 = arith.constant 0 : index
          %get3A_91 = tpu.vector_load %arg6[%get3A_89, %get3A_90] {strides = array<i32>} : memref<64x64xf32, #tpu.memory_space<vmem>>, vector<1x16xf32>,
          %get3A_92 = vector.shape_cast %get3A_91 : vector<1x16xf32> to vector<16xf32>
          %swap3A = arith.index_cast %add3A_88 : i32 to index
          %swap3A_93 = tpu.vector_load %run_scoped3A[%swap3A] {strides = array<i32>} : memref<81920xf32, #tpu.memory_space<vmem>>, vector<16xf32>,
          %swap3A_94 = vector.shape_cast %swap3A_93 : vector<16xf32> to vector<16xf32>
          %swap3A_95 = vector.shape_cast %get3A_92 : vector<16xf32> to vector<16xf32>
          tpu.vector_store %run_scoped3A[%swap3A], %swap3A_95 {add = true, strides = array<i32>} : memref<81920xf32, #tpu.memory_space<vmem>>, vector<16xf32>,
          %add3A_96 = arith.constant 16 : i32
          %add3A_97 = arith.addi %squeeze3A, %add3A_96 : i32
          %get3A_98 = arith.index_cast %add3A_86 : i32 to index
          %get3A_99 = arith.constant 16 : index
          %get3A_100 = tpu.vector_load %arg6[%get3A_98, %get3A_99] {strides = array<i32>} : memref<64x64xf32, #tpu.memory_space<vmem>>, vector<1x16xf32>,
          %get3A_101 = vector.shape_cast %get3A_100 : vector<1x16xf32> to vector<16xf32>
          %swap3A_102 = arith.index_cast %add3A_97 : i32 to index
          %swap3A_103 = tpu.vector_load %run_scoped3A[%swap3A_102] {strides = array<i32>} : memref<81920xf32, #tpu.memory_space<vmem>>, vector<16xf32>,
          %swap3A_104 = vector.shape_cast %swap3A_103 : vector<16xf32> to vector<16xf32>
          %swap3A_105 = vector.shape_cast %get3A_101 : vector<16xf32> to vector<16xf32>
          tpu.vector_store %run_scoped3A[%swap3A_102], %swap3A_105 {add = true, strides = array<i32>} : memref<81920xf32, #tpu.memory_space<vmem>>, vector<16xf32>,
          %add3A_106 = arith.constant 32 : i32
          %add3A_107 = arith.addi %squeeze3A, %add3A_106 : i32
          %get3A_108 = arith.index_cast %add3A_86 : i32 to index
          %get3A_109 = arith.constant 32 : index
          %get3A_110 = tpu.vector_load %arg6[%get3A_108, %get3A_109] {strides = array<i32>} : memref<64x64xf32, #tpu.memory_space<vmem>>, vector<1x16xf32>,
          %get3A_111 = vector.shape_cast %get3A_110 : vector<1x16xf32> to vector<16xf32>
          %swap3A_112 = arith.index_cast %add3A_107 : i32 to index
          %swap3A_113 = tpu.vector_load %run_scoped3A[%swap3A_112] {strides = array<i32>} : memref<81920xf32, #tpu.memory_space<vmem>>, vector<16xf32>,
          %swap3A_114 = vector.shape_cast %swap3A_113 : vector<16xf32> to vector<16xf32>
          %swap3A_115 = vector.shape_cast %get3A_111 : vector<16xf32> to vector<16xf32>
          tpu.vector_store %run_scoped3A[%swap3A_112], %swap3A_115 {add = true, strides = array<i32>} : memref<81920xf32, #tpu.memory_space<vmem>>, vector<16xf32>,
          %add3A_116 = arith.constant 48 : i32
          %add3A_117 = arith.addi %squeeze3A, %add3A_116 : i32
          %get3A_118 = arith.index_cast %add3A_86 : i32 to index
          %get3A_119 = arith.constant 48 : index
          %get3A_120 = tpu.vector_load %arg6[%get3A_118, %get3A_119] {strides = array<i32>} : memref<64x64xf32, #tpu.memory_space<vmem>>, vector<1x16xf32>,
          %get3A_121 = vector.shape_cast %get3A_120 : vector<1x16xf32> to vector<16xf32>
          %swap3A_122 = arith.index_cast %add3A_117 : i32 to index
          %swap3A_123 = tpu.vector_load %run_scoped3A[%swap3A_122] {strides = array<i32>} : memref<81920xf32, #tpu.memory_space<vmem>>, vector<16xf32>,
          %swap3A_124 = vector.shape_cast %swap3A_123 : vector<16xf32> to vector<16xf32>
          %swap3A_125 = vector.shape_cast %get3A_121 : vector<16xf32> to vector<16xf32>
          tpu.vector_store %run_scoped3A[%swap3A_122], %swap3A_125 {add = true, strides = array<i32>} : memref<81920xf32, #tpu.memory_space<vmem>>, vector<16xf32>,
          %add3A_126 = arith.constant 64 : i32
          %add3A_127 = arith.addi %squeeze3A, %add3A_126 : i32
          %swap3A_128 = arith.index_cast %add3A_127 : i32 to index
          %swap3A_129 = tpu.vector_load %run_scoped3A[%swap3A_128] {strides = array<i32>} : memref<81920xf32, #tpu.memory_space<vmem>>, vector<16xf32>,
          %swap3A_130 = vector.shape_cast %swap3A_129 : vector<16xf32> to vector<16xf32>
          %swap3A_131 = vector.shape_cast %broadcast_in_dim3A_3 : vector<16xf32> to vector<16xf32>
          tpu.vector_store %run_scoped3A[%swap3A_128], %swap3A_131 {add = true, strides = array<i32>} : memref<81920xf32, #tpu.memory_space<vmem>>, vector<16xf32>,
          %slice3A_132 = vector.extract_strided_slice %mul3A_82 {offsets = [1], sizes = [1], strides = [1]} : vector<16xi32> to vector<1xi32>
          %squeeze3A_133 = vector.extract %slice3A_132[0] : i32 from vector<1xi32>
          %mul3A_134 = arith.constant 16 : i32
          %mul3A_135 = arith.muli %scan3A_72, %mul3A_134 : i32
          %add3A_136 = arith.constant 1 : i32
          %add3A_137 = arith.addi %mul3A_135, %add3A_136 : i32
          %add3A_138 = arith.constant 0 : i32
          %add3A_139 = arith.addi %squeeze3A_133, %add3A_138 : i32
          %get3A_140 = arith.index_cast %add3A_137 : i32 to index
          %get3A_141 = arith.constant 0 : index
          %get3A_142 = tpu.vector_load %arg6[%get3A_140, %get3A_141] {strides = array<i32>} : memref<64x64xf32, #tpu.memory_space<vmem>>, vector<1x16xf32>,
          %get3A_143 = vector.shape_cast %get3A_142 : vector<1x16xf32> to vector<16xf32>
          %swap3A_144 = arith.index_cast %add3A_139 : i32 to index
          %swap3A_145 = tpu.vector_load %run_scoped3A[%swap3A_144] {strides = array<i32>} : memref<81920xf32, #tpu.memory_space<vmem>>, vector<16xf32>,
          %swap3A_146 = vector.shape_cast %swap3A_145 : vector<16xf32> to vector<16xf32>
          %swap3A_147 = vector.shape_cast %get3A_143 : vector<16xf32> to vector<16xf32>
          tpu.vector_store %run_scoped3A[%swap3A_144], %swap3A_147 {add = true, strides = array<i32>} : memref<81920xf32, #tpu.memory_space<vmem>>, vector<16xf32>,
          %add3A_148 = arith.constant 16 : i32
          %add3A_149 = arith.addi %squeeze3A_133, %add3A_148 : i32
          %get3A_150 = arith.index_cast %add3A_137 : i32 to index
          %get3A_151 = arith.constant 16 : index
          %get3A_152 = tpu.vector_load %arg6[%get3A_150, %get3A_151] {strides = array<i32>} : memref<64x64xf32, #tpu.memory_space<vmem>>, vector<1x16xf32>,
          %get3A_153 = vector.shape_cast %get3A_152 : vector<1x16xf32> to vector<16xf32>
          %swap3A_154 = arith.index_cast %add3A_149 : i32 to index
          %swap3A_155 = tpu.vector_load %run_scoped3A[%swap3A_154] {strides = array<i32>} : memref<81920xf32, #tpu.memory_space<vmem>>, vector<16xf32>,
          %swap3A_156 = vector.shape_cast %swap3A_155 : vector<16xf32> to vector<16xf32>
          %swap3A_157 = vector.shape_cast %get3A_153 : vector<16xf32> to vector<16xf32>
          tpu.vector_store %run_scoped3A[%swap3A_154], %swap3A_157 {add = true, strides = array<i32>} : memref<81920xf32, #tpu.memory_space<vmem>>, vector<16xf32>,
          %add3A_158 = arith.constant 32 : i32
          %add3A_159 = arith.addi %squeeze3A_133, %add3A_158 : i32
          %get3A_160 = arith.index_cast %add3A_137 : i32 to index
          %get3A_161 = arith.constant 32 : index
          %get3A_162 = tpu.vector_load %arg6[%get3A_160, %get3A_161] {strides = array<i32>} : memref<64x64xf32, #tpu.memory_space<vmem>>, vector<1x16xf32>,
          %get3A_163 = vector.shape_cast %get3A_162 : vector<1x16xf32> to vector<16xf32>
          %swap3A_164 = arith.index_cast %add3A_159 : i32 to index
          %swap3A_165 = tpu.vector_load %run_scoped3A[%swap3A_164] {strides = array<i32>} : memref<81920xf32, #tpu.memory_space<vmem>>, vector<16xf32>,
          %swap3A_166 = vector.shape_cast %swap3A_165 : vector<16xf32> to vector<16xf32>
          %swap3A_167 = vector.shape_cast %get3A_163 : vector<16xf32> to vector<16xf32>
          tpu.vector_store %run_scoped3A[%swap3A_164], %swap3A_167 {add = true, strides = array<i32>} : memref<81920xf32, #tpu.memory_space<vmem>>, vector<16xf32>,
          %add3A_168 = arith.constant 48 : i32
          %add3A_169 = arith.addi %squeeze3A_133, %add3A_168 : i32
          %get3A_170 = arith.index_cast %add3A_137 : i32 to index
          %get3A_171 = arith.constant 48 : index
          %get3A_172 = tpu.vector_load %arg6[%get3A_170, %get3A_171] {strides = array<i32>} : memref<64x64xf32, #tpu.memory_space<vmem>>, vector<1x16xf32>,
          %get3A_173 = vector.shape_cast %get3A_172 : vector<1x16xf32> to vector<16xf32>
          %swap3A_174 = arith.index_cast %add3A_169 : i32 to index
          %swap3A_175 = tpu.vector_load %run_scoped3A[%swap3A_174] {strides = array<i32>} : memref<81920xf32, #tpu.memory_space<vmem>>, vector<16xf32>,
          %swap3A_176 = vector.shape_cast %swap3A_175 : vector<16xf32> to vector<16xf32>
          %swap3A_177 = vector.shape_cast %get3A_173 : vector<16xf32> to vector<16xf32>
          tpu.vector_store %run_scoped3A[%swap3A_174], %swap3A_177 {add = true, strides = array<i32>} : memref<81920xf32, #tpu.memory_space<vmem>>, vector<16xf32>,
          %add3A_178 = arith.constant 64 : i32
          %add3A_179 = arith.addi %squeeze3A_133, %add3A_178 : i32
          %swap3A_180 = arith.index_cast %add3A_179 : i32 to index
          %swap3A_181 = tpu.vector_load %run_scoped3A[%swap3A_180] {strides = array<i32>} : memref<81920xf32, #tpu.memory_space<vmem>>, vector<16xf32>,
          %swap3A_182 = vector.shape_cast %swap3A_181 : vector<16xf32> to vector<16xf32>
          %swap3A_183 = vector.shape_cast %broadcast_in_dim3A_3 : vector<16xf32> to vector<16xf32>
          tpu.vector_store %run_scoped3A[%swap3A_180], %swap3A_183 {add = true, strides = array<i32>} : memref<81920xf32, #tpu.memory_space<vmem>>, vector<16xf32>,
          %slice3A_184 = vector.extract_strided_slice %mul3A_82 {offsets = [2], sizes = [1], strides = [1]} : vector<16xi32> to vector<1xi32>
          %squeeze3A_185 = vector.extract %slice3A_184[0] : i32 from vector<1xi32>
          %mul3A_186 = arith.constant 16 : i32
          %mul3A_187 = arith.muli %scan3A_72, %mul3A_186 : i32
          %add3A_188 = arith.constant 2 : i32
          %add3A_189 = arith.addi %mul3A_187, %add3A_188 : i32
          %add3A_190 = arith.constant 0 : i32
          %add3A_191 = arith.addi %squeeze3A_185, %add3A_190 : i32
          %get3A_192 = arith.index_cast %add3A_189 : i32 to index
          %get3A_193 = arith.constant 0 : index
          %get3A_194 = tpu.vector_load %arg6[%get3A_192, %get3A_193] {strides = array<i32>} : memref<64x64xf32, #tpu.memory_space<vmem>>, vector<1x16xf32>,
          %get3A_195 = vector.shape_cast %get3A_194 : vector<1x16xf32> to vector<16xf32>
          %swap3A_196 = arith.index_cast %add3A_191 : i32 to index
          %swap3A_197 = tpu.vector_load %run_scoped3A[%swap3A_196] {strides = array<i32>} : memref<81920xf32, #tpu.memory_space<vmem>>, vector<16xf32>,
          %swap3A_198 = vector.shape_cast %swap3A_197 : vector<16xf32> to vector<16xf32>
          %swap3A_199 = vector.shape_cast %get3A_195 : vector<16xf32> to vector<16xf32>
          tpu.vector_store %run_scoped3A[%swap3A_196], %swap3A_199 {add = true, strides = array<i32>} : memref<81920xf32, #tpu.memory_space<vmem>>, vector<16xf32>,
          %add3A_200 = arith.constant 16 : i32
          %add3A_201 = arith.addi %squeeze3A_185, %add3A_200 : i32
          %get3A_202 = arith.index_cast %add3A_189 : i32 to index
          %get3A_203 = arith.constant 16 : index
          %get3A_204 = tpu.vector_load %arg6[%get3A_202, %get3A_203] {strides = array<i32>} : memref<64x64xf32, #tpu.memory_space<vmem>>, vector<1x16xf32>,
          %get3A_205 = vector.shape_cast %get3A_204 : vector<1x16xf32> to vector<16xf32>
          %swap3A_206 = arith.index_cast %add3A_201 : i32 to index
          %swap3A_207 = tpu.vector_load %run_scoped3A[%swap3A_206] {strides = array<i32>} : memref<81920xf32, #tpu.memory_space<vmem>>, vector<16xf32>,
          %swap3A_208 = vector.shape_cast %swap3A_207 : vector<16xf32> to vector<16xf32>
          %swap3A_209 = vector.shape_cast %get3A_205 : vector<16xf32> to vector<16xf32>
          tpu.vector_store %run_scoped3A[%swap3A_206], %swap3A_209 {add = true, strides = array<i32>} : memref<81920xf32, #tpu.memory_space<vmem>>, vector<16xf32>,
          %add3A_210 = arith.constant 32 : i32
          %add3A_211 = arith.addi %squeeze3A_185, %add3A_210 : i32
          %get3A_212 = arith.index_cast %add3A_189 : i32 to index
          %get3A_213 = arith.constant 32 : index
          %get3A_214 = tpu.vector_load %arg6[%get3A_212, %get3A_213] {strides = array<i32>} : memref<64x64xf32, #tpu.memory_space<vmem>>, vector<1x16xf32>,
          %get3A_215 = vector.shape_cast %get3A_214 : vector<1x16xf32> to vector<16xf32>
          %swap3A_216 = arith.index_cast %add3A_211 : i32 to index
          %swap3A_217 = tpu.vector_load %run_scoped3A[%swap3A_216] {strides = array<i32>} : memref<81920xf32, #tpu.memory_space<vmem>>, vector<16xf32>,
          %swap3A_218 = vector.shape_cast %swap3A_217 : vector<16xf32> to vector<16xf32>
          %swap3A_219 = vector.shape_cast %get3A_215 : vector<16xf32> to vector<16xf32>
          tpu.vector_store %run_scoped3A[%swap3A_216], %swap3A_219 {add = true, strides = array<i32>} : memref<81920xf32, #tpu.memory_space<vmem>>, vector<16xf32>,
          %add3A_220 = arith.constant 48 : i32
          %add3A_221 = arith.addi %squeeze3A_185, %add3A_220 : i32
          %get3A_222 = arith.index_cast %add3A_189 : i32 to index
          %get3A_223 = arith.constant 48 : index
          %get3A_224 = tpu.vector_load %arg6[%get3A_222, %get3A_223] {strides = array<i32>} : memref<64x64xf32, #tpu.memory_space<vmem>>, vector<1x16xf32>,
          %get3A_225 = vector.shape_cast %get3A_224 : vector<1x16xf32> to vector<16xf32>
          %swap3A_226 = arith.index_cast %add3A_221 : i32 to index
          %swap3A_227 = tpu.vector_load %run_scoped3A[%swap3A_226] {strides = array<i32>} : memref<81920xf32, #tpu.memory_space<vmem>>, vector<16xf32>,
          %swap3A_228 = vector.shape_cast %swap3A_227 : vector<16xf32> to vector<16xf32>
          %swap3A_229 = vector.shape_cast %get3A_225 : vector<16xf32> to vector<16xf32>
          tpu.vector_store %run_scoped3A[%swap3A_226], %swap3A_229 {add = true, strides = array<i32>} : memref<81920xf32, #tpu.memory_space<vmem>>, vector<16xf32>,
          %add3A_230 = arith.constant 64 : i32
          %add3A_231 = arith.addi %squeeze3A_185, %add3A_230 : i32
          %swap3A_232 = arith.index_cast %add3A_231 : i32 to index
          %swap3A_233 = tpu.vector_load %run_scoped3A[%swap3A_232] {strides = array<i32>} : memref<81920xf32, #tpu.memory_space<vmem>>, vector<16xf32>,
          %swap3A_234 = vector.shape_cast %swap3A_233 : vector<16xf32> to vector<16xf32>
          %swap3A_235 = vector.shape_cast %broadcast_in_dim3A_3 : vector<16xf32> to vector<16xf32>
          tpu.vector_store %run_scoped3A[%swap3A_232], %swap3A_235 {add = true, strides = array<i32>} : memref<81920xf32, #tpu.memory_space<vmem>>, vector<16xf32>,
          %slice3A_236 = vector.extract_strided_slice %mul3A_82 {offsets = [3], sizes = [1], strides = [1]} : vector<16xi32> to vector<1xi32>
          %squeeze3A_237 = vector.extract %slice3A_236[0] : i32 from vector<1xi32>
          %mul3A_238 = arith.constant 16 : i32
          %mul3A_239 = arith.muli %scan3A_72, %mul3A_238 : i32
          %add3A_240 = arith.constant 3 : i32
          %add3A_241 = arith.addi %mul3A_239, %add3A_240 : i32
          %add3A_242 = arith.constant 0 : i32
          %add3A_243 = arith.addi %squeeze3A_237, %add3A_242 : i32
          %get3A_244 = arith.index_cast %add3A_241 : i32 to index
          %get3A_245 = arith.constant 0 : index
          %get3A_246 = tpu.vector_load %arg6[%get3A_244, %get3A_245] {strides = array<i32>} : memref<64x64xf32, #tpu.memory_space<vmem>>, vector<1x16xf32>,
          %get3A_247 = vector.shape_cast %get3A_246 : vector<1x16xf32> to vector<16xf32>
          %swap3A_248 = arith.index_cast %add3A_243 : i32 to index
          %swap3A_249 = tpu.vector_load %run_scoped3A[%swap3A_248] {strides = array<i32>} : memref<81920xf32, #tpu.memory_space<vmem>>, vector<16xf32>,
          %swap3A_250 = vector.shape_cast %swap3A_249 : vector<16xf32> to vector<16xf32>
          %swap3A_251 = vector.shape_cast %get3A_247 : vector<16xf32> to vector<16xf32>
          tpu.vector_store %run_scoped3A[%swap3A_248], %swap3A_251 {add = true, strides = array<i32>} : memref<81920xf32, #tpu.memory_space<vmem>>, vector<16xf32>,
          %add3A_252 = arith.constant 16 : i32
          %add3A_253 = arith.addi %squeeze3A_237, %add3A_252 : i32
          %get3A_254 = arith.index_cast %add3A_241 : i32 to index
          %get3A_255 = arith.constant 16 : index
          %get3A_256 = tpu.vector_load %arg6[%get3A_254, %get3A_255] {strides = array<i32>} : memref<64x64xf32, #tpu.memory_space<vmem>>, vector<1x16xf32>,
          %get3A_257 = vector.shape_cast %get3A_256 : vector<1x16xf32> to vector<16xf32>
          %swap3A_258 = arith.index_cast %add3A_253 : i32 to index
          %swap3A_259 = tpu.vector_load %run_scoped3A[%swap3A_258] {strides = array<i32>} : memref<81920xf32, #tpu.memory_space<vmem>>, vector<16xf32>,
          %swap3A_260 = vector.shape_cast %swap3A_259 : vector<16xf32> to vector<16xf32>
          %swap3A_261 = vector.shape_cast %get3A_257 : vector<16xf32> to vector<16xf32>
          tpu.vector_store %run_scoped3A[%swap3A_258], %swap3A_261 {add = true, strides = array<i32>} : memref<81920xf32, #tpu.memory_space<vmem>>, vector<16xf32>,
          %add3A_262 = arith.constant 32 : i32
          %add3A_263 = arith.addi %squeeze3A_237, %add3A_262 : i32
          %get3A_264 = arith.index_cast %add3A_241 : i32 to index
          %get3A_265 = arith.constant 32 : index
          %get3A_266 = tpu.vector_load %arg6[%get3A_264, %get3A_265] {strides = array<i32>} : memref<64x64xf32, #tpu.memory_space<vmem>>, vector<1x16xf32>,
          %get3A_267 = vector.shape_cast %get3A_266 : vector<1x16xf32> to vector<16xf32>
          %swap3A_268 = arith.index_cast %add3A_263 : i32 to index
          %swap3A_269 = tpu.vector_load %run_scoped3A[%swap3A_268] {strides = array<i32>} : memref<81920xf32, #tpu.memory_space<vmem>>, vector<16xf32>,
          %swap3A_270 = vector.shape_cast %swap3A_269 : vector<16xf32> to vector<16xf32>
          %swap3A_271 = vector.shape_cast %get3A_267 : vector<16xf32> to vector<16xf32>
          tpu.vector_store %run_scoped3A[%swap3A_268], %swap3A_271 {add = true, strides = array<i32>} : memref<81920xf32, #tpu.memory_space<vmem>>, vector<16xf32>,
          %add3A_272 = arith.constant 48 : i32
          %add3A_273 = arith.addi %squeeze3A_237, %add3A_272 : i32
          %get3A_274 = arith.index_cast %add3A_241 : i32 to index
          %get3A_275 = arith.constant 48 : index
          %get3A_276 = tpu.vector_load %arg6[%get3A_274, %get3A_275] {strides = array<i32>} : memref<64x64xf32, #tpu.memory_space<vmem>>, vector<1x16xf32>,
          %get3A_277 = vector.shape_cast %get3A_276 : vector<1x16xf32> to vector<16xf32>
          %swap3A_278 = arith.index_cast %add3A_273 : i32 to index
          %swap3A_279 = tpu.vector_load %run_scoped3A[%swap3A_278] {strides = array<i32>} : memref<81920xf32, #tpu.memory_space<vmem>>, vector<16xf32>,
          %swap3A_280 = vector.shape_cast %swap3A_279 : vector<16xf32> to vector<16xf32>
          %swap3A_281 = vector.shape_cast %get3A_277 : vector<16xf32> to vector<16xf32>
          tpu.vector_store %run_scoped3A[%swap3A_278], %swap3A_281 {add = true, strides = array<i32>} : memref<81920xf32, #tpu.memory_space<vmem>>, vector<16xf32>,
          %add3A_282 = arith.constant 64 : i32
          %add3A_283 = arith.addi %squeeze3A_237, %add3A_282 : i32
          %swap3A_284 = arith.index_cast %add3A_283 : i32 to index
          %swap3A_285 = tpu.vector_load %run_scoped3A[%swap3A_284] {strides = array<i32>} : memref<81920xf32, #tpu.memory_space<vmem>>, vector<16xf32>,
          %swap3A_286 = vector.shape_cast %swap3A_285 : vector<16xf32> to vector<16xf32>
          %swap3A_287 = vector.shape_cast %broadcast_in_dim3A_3 : vector<16xf32> to vector<16xf32>
          tpu.vector_store %run_scoped3A[%swap3A_284], %swap3A_287 {add = true, strides = array<i32>} : memref<81920xf32, #tpu.memory_space<vmem>>, vector<16xf32>,
          %slice3A_288 = vector.extract_strided_slice %mul3A_82 {offsets = [4], sizes = [1], strides = [1]} : vector<16xi32> to vector<1xi32>
          %squeeze3A_289 = vector.extract %slice3A_288[0] : i32 from vector<1xi32>
          %mul3A_290 = arith.constant 16 : i32
          %mul3A_291 = arith.muli %scan3A_72, %mul3A_290 : i32
          %add3A_292 = arith.constant 4 : i32
          %add3A_293 = arith.addi %mul3A_291, %add3A_292 : i32
          %add3A_294 = arith.constant 0 : i32
          %add3A_295 = arith.addi %squeeze3A_289, %add3A_294 : i32
          %get3A_296 = arith.index_cast %add3A_293 : i32 to index
          %get3A_297 = arith.constant 0 : index
          %get3A_298 = tpu.vector_load %arg6[%get3A_296, %get3A_297] {strides = array<i32>} : memref<64x64xf32, #tpu.memory_space<vmem>>, vector<1x16xf32>,
          %get3A_299 = vector.shape_cast %get3A_298 : vector<1x16xf32> to vector<16xf32>
          %swap3A_300 = arith.index_cast %add3A_295 : i32 to index
          %swap3A_301 = tpu.vector_load %run_scoped3A[%swap3A_300] {strides = array<i32>} : memref<81920xf32, #tpu.memory_space<vmem>>, vector<16xf32>,
          %swap3A_302 = vector.shape_cast %swap3A_301 : vector<16xf32> to vector<16xf32>
          %swap3A_303 = vector.shape_cast %get3A_299 : vector<16xf32> to vector<16xf32>
          tpu.vector_store %run_scoped3A[%swap3A_300], %swap3A_303 {add = true, strides = array<i32>} : memref<81920xf32, #tpu.memory_space<vmem>>, vector<16xf32>,
          %add3A_304 = arith.constant 16 : i32
          %add3A_305 = arith.addi %squeeze3A_289, %add3A_304 : i32
          %get3A_306 = arith.index_cast %add3A_293 : i32 to index
          %get3A_307 = arith.constant 16 : index
          %get3A_308 = tpu.vector_load %arg6[%get3A_306, %get3A_307] {strides = array<i32>} : memref<64x64xf32, #tpu.memory_space<vmem>>, vector<1x16xf32>,
          %get3A_309 = vector.shape_cast %get3A_308 : vector<1x16xf32> to vector<16xf32>
          %swap3A_310 = arith.index_cast %add3A_305 : i32 to index
          %swap3A_311 = tpu.vector_load %run_scoped3A[%swap3A_310] {strides = array<i32>} : memref<81920xf32, #tpu.memory_space<vmem>>, vector<16xf32>,
          %swap3A_312 = vector.shape_cast %swap3A_311 : vector<16xf32> to vector<16xf32>
          %swap3A_313 = vector.shape_cast %get3A_309 : vector<16xf32> to vector<16xf32>
          tpu.vector_store %run_scoped3A[%swap3A_310], %swap3A_313 {add = true, strides = array<i32>} : memref<81920xf32, #tpu.memory_space<vmem>>, vector<16xf32>,
          %add3A_314 = arith.constant 32 : i32
          %add3A_315 = arith.addi %squeeze3A_289, %add3A_314 : i32
          %get3A_316 = arith.index_cast %add3A_293 : i32 to index
          %get3A_317 = arith.constant 32 : index
          %get3A_318 = tpu.vector_load %arg6[%get3A_316, %get3A_317] {strides = array<i32>} : memref<64x64xf32, #tpu.memory_space<vmem>>, vector<1x16xf32>,
          %get3A_319 = vector.shape_cast %get3A_318 : vector<1x16xf32> to vector<16xf32>
          %swap3A_320 = arith.index_cast %add3A_315 : i32 to index
          %swap3A_321 = tpu.vector_load %run_scoped3A[%swap3A_320] {strides = array<i32>} : memref<81920xf32, #tpu.memory_space<vmem>>, vector<16xf32>,
          %swap3A_322 = vector.shape_cast %swap3A_321 : vector<16xf32> to vector<16xf32>
          %swap3A_323 = vector.shape_cast %get3A_319 : vector<16xf32> to vector<16xf32>
          tpu.vector_store %run_scoped3A[%swap3A_320], %swap3A_323 {add = true, strides = array<i32>} : memref<81920xf32, #tpu.memory_space<vmem>>, vector<16xf32>,
          %add3A_324 = arith.constant 48 : i32
          %add3A_325 = arith.addi %squeeze3A_289, %add3A_324 : i32
          %get3A_326 = arith.index_cast %add3A_293 : i32 to index
          %get3A_327 = arith.constant 48 : index
          %get3A_328 = tpu.vector_load %arg6[%get3A_326, %get3A_327] {strides = array<i32>} : memref<64x64xf32, #tpu.memory_space<vmem>>, vector<1x16xf32>,
          %get3A_329 = vector.shape_cast %get3A_328 : vector<1x16xf32> to vector<16xf32>
          %swap3A_330 = arith.index_cast %add3A_325 : i32 to index
          %swap3A_331 = tpu.vector_load %run_scoped3A[%swap3A_330] {strides = array<i32>} : memref<81920xf32, #tpu.memory_space<vmem>>, vector<16xf32>,
          %swap3A_332 = vector.shape_cast %swap3A_331 : vector<16xf32> to vector<16xf32>
          %swap3A_333 = vector.shape_cast %get3A_329 : vector<16xf32> to vector<16xf32>
          tpu.vector_store %run_scoped3A[%swap3A_330], %swap3A_333 {add = true, strides = array<i32>} : memref<81920xf32, #tpu.memory_space<vmem>>, vector<16xf32>,
          %add3A_334 = arith.constant 64 : i32
          %add3A_335 = arith.addi %squeeze3A_289, %add3A_334 : i32
          %swap3A_336 = arith.index_cast %add3A_335 : i32 to index
          %swap3A_337 = tpu.vector_load %run_scoped3A[%swap3A_336] {strides = array<i32>} : memref<81920xf32, #tpu.memory_space<vmem>>, vector<16xf32>,
          %swap3A_338 = vector.shape_cast %swap3A_337 : vector<16xf32> to vector<16xf32>
          %swap3A_339 = vector.shape_cast %broadcast_in_dim3A_3 : vector<16xf32> to vector<16xf32>
          tpu.vector_store %run_scoped3A[%swap3A_336], %swap3A_339 {add = true, strides = array<i32>} : memref<81920xf32, #tpu.memory_space<vmem>>, vector<16xf32>,
          %slice3A_340 = vector.extract_strided_slice %mul3A_82 {offsets = [5], sizes = [1], strides = [1]} : vector<16xi32> to vector<1xi32>
          %squeeze3A_341 = vector.extract %slice3A_340[0] : i32 from vector<1xi32>
          %mul3A_342 = arith.constant 16 : i32
          %mul3A_343 = arith.muli %scan3A_72, %mul3A_342 : i32
          %add3A_344 = arith.constant 5 : i32
          %add3A_345 = arith.addi %mul3A_343, %add3A_344 : i32
          %add3A_346 = arith.constant 0 : i32
          %add3A_347 = arith.addi %squeeze3A_341, %add3A_346 : i32
          %get3A_348 = arith.index_cast %add3A_345 : i32 to index
          %get3A_349 = arith.constant 0 : index
          %get3A_350 = tpu.vector_load %arg6[%get3A_348, %get3A_349] {strides = array<i32>} : memref<64x64xf32, #tpu.memory_space<vmem>>, vector<1x16xf32>,
          %get3A_351 = vector.shape_cast %get3A_350 : vector<1x16xf32> to vector<16xf32>
          %swap3A_352 = arith.index_cast %add3A_347 : i32 to index
          %swap3A_353 = tpu.vector_load %run_scoped3A[%swap3A_352] {strides = array<i32>} : memref<81920xf32, #tpu.memory_space<vmem>>, vector<16xf32>,
          %swap3A_354 = vector.shape_cast %swap3A_353 : vector<16xf32> to vector<16xf32>
          %swap3A_355 = vector.shape_cast %get3A_351 : vector<16xf32> to vector<16xf32>
          tpu.vector_store %run_scoped3A[%swap3A_352], %swap3A_355 {add = true, strides = array<i32>} : memref<81920xf32, #tpu.memory_space<vmem>>, vector<16xf32>,
          %add3A_356 = arith.constant 16 : i32
          %add3A_357 = arith.addi %squeeze3A_341, %add3A_356 : i32
          %get3A_358 = arith.index_cast %add3A_345 : i32 to index
          %get3A_359 = arith.constant 16 : index
          %get3A_360 = tpu.vector_load %arg6[%get3A_358, %get3A_359] {strides = array<i32>} : memref<64x64xf32, #tpu.memory_space<vmem>>, vector<1x16xf32>,
          %get3A_361 = vector.shape_cast %get3A_360 : vector<1x16xf32> to vector<16xf32>
          %swap3A_362 = arith.index_cast %add3A_357 : i32 to index
          %swap3A_363 = tpu.vector_load %run_scoped3A[%swap3A_362] {strides = array<i32>} : memref<81920xf32, #tpu.memory_space<vmem>>, vector<16xf32>,
          %swap3A_364 = vector.shape_cast %swap3A_363 : vector<16xf32> to vector<16xf32>
          %swap3A_365 = vector.shape_cast %get3A_361 : vector<16xf32> to vector<16xf32>
          tpu.vector_store %run_scoped3A[%swap3A_362], %swap3A_365 {add = true, strides = array<i32>} : memref<81920xf32, #tpu.memory_space<vmem>>, vector<16xf32>,
          %add3A_366 = arith.constant 32 : i32
          %add3A_367 = arith.addi %squeeze3A_341, %add3A_366 : i32
          %get3A_368 = arith.index_cast %add3A_345 : i32 to index
          %get3A_369 = arith.constant 32 : index
          %get3A_370 = tpu.vector_load %arg6[%get3A_368, %get3A_369] {strides = array<i32>} : memref<64x64xf32, #tpu.memory_space<vmem>>, vector<1x16xf32>,
          %get3A_371 = vector.shape_cast %get3A_370 : vector<1x16xf32> to vector<16xf32>
          %swap3A_372 = arith.index_cast %add3A_367 : i32 to index
          %swap3A_373 = tpu.vector_load %run_scoped3A[%swap3A_372] {strides = array<i32>} : memref<81920xf32, #tpu.memory_space<vmem>>, vector<16xf32>,
          %swap3A_374 = vector.shape_cast %swap3A_373 : vector<16xf32> to vector<16xf32>
          %swap3A_375 = vector.shape_cast %get3A_371 : vector<16xf32> to vector<16xf32>
          tpu.vector_store %run_scoped3A[%swap3A_372], %swap3A_375 {add = true, strides = array<i32>} : memref<81920xf32, #tpu.memory_space<vmem>>, vector<16xf32>,
          %add3A_376 = arith.constant 48 : i32
          %add3A_377 = arith.addi %squeeze3A_341, %add3A_376 : i32
          %get3A_378 = arith.index_cast %add3A_345 : i32 to index
          %get3A_379 = arith.constant 48 : index
          %get3A_380 = tpu.vector_load %arg6[%get3A_378, %get3A_379] {strides = array<i32>} : memref<64x64xf32, #tpu.memory_space<vmem>>, vector<1x16xf32>,
          %get3A_381 = vector.shape_cast %get3A_380 : vector<1x16xf32> to vector<16xf32>
          %swap3A_382 = arith.index_cast %add3A_377 : i32 to index
          %swap3A_383 = tpu.vector_load %run_scoped3A[%swap3A_382] {strides = array<i32>} : memref<81920xf32, #tpu.memory_space<vmem>>, vector<16xf32>,
          %swap3A_384 = vector.shape_cast %swap3A_383 : vector<16xf32> to vector<16xf32>
          %swap3A_385 = vector.shape_cast %get3A_381 : vector<16xf32> to vector<16xf32>
          tpu.vector_store %run_scoped3A[%swap3A_382], %swap3A_385 {add = true, strides = array<i32>} : memref<81920xf32, #tpu.memory_space<vmem>>, vector<16xf32>,
          %add3A_386 = arith.constant 64 : i32
          %add3A_387 = arith.addi %squeeze3A_341, %add3A_386 : i32
          %swap3A_388 = arith.index_cast %add3A_387 : i32 to index
          %swap3A_389 = tpu.vector_load %run_scoped3A[%swap3A_388] {strides = array<i32>} : memref<81920xf32, #tpu.memory_space<vmem>>, vector<16xf32>,
          %swap3A_390 = vector.shape_cast %swap3A_389 : vector<16xf32> to vector<16xf32>
          %swap3A_391 = vector.shape_cast %broadcast_in_dim3A_3 : vector<16xf32> to vector<16xf32>
          tpu.vector_store %run_scoped3A[%swap3A_388], %swap3A_391 {add = true, strides = array<i32>} : memref<81920xf32, #tpu.memory_space<vmem>>, vector<16xf32>,
          %slice3A_392 = vector.extract_strided_slice %mul3A_82 {offsets = [6], sizes = [1], strides = [1]} : vector<16xi32> to vector<1xi32>
          %squeeze3A_393 = vector.extract %slice3A_392[0] : i32 from vector<1xi32>
          %mul3A_394 = arith.constant 16 : i32
          %mul3A_395 = arith.muli %scan3A_72, %mul3A_394 : i32
          %add3A_396 = arith.constant 6 : i32
          %add3A_397 = arith.addi %mul3A_395, %add3A_396 : i32
          %add3A_398 = arith.constant 0 : i32
          %add3A_399 = arith.addi %squeeze3A_393, %add3A_398 : i32
          %get3A_400 = arith.index_cast %add3A_397 : i32 to index
          %get3A_401 = arith.constant 0 : index
          %get3A_402 = tpu.vector_load %arg6[%get3A_400, %get3A_401] {strides = array<i32>} : memref<64x64xf32, #tpu.memory_space<vmem>>, vector<1x16xf32>,
          %get3A_403 = vector.shape_cast %get3A_402 : vector<1x16xf32> to vector<16xf32>
          %swap3A_404 = arith.index_cast %add3A_399 : i32 to index
          %swap3A_405 = tpu.vector_load %run_scoped3A[%swap3A_404] {strides = array<i32>} : memref<81920xf32, #tpu.memory_space<vmem>>, vector<16xf32>,
          %swap3A_406 = vector.shape_cast %swap3A_405 : vector<16xf32> to vector<16xf32>
          %swap3A_407 = vector.shape_cast %get3A_403 : vector<16xf32> to vector<16xf32>
          tpu.vector_store %run_scoped3A[%swap3A_404], %swap3A_407 {add = true, strides = array<i32>} : memref<81920xf32, #tpu.memory_space<vmem>>, vector<16xf32>,
          %add3A_408 = arith.constant 16 : i32
          %add3A_409 = arith.addi %squeeze3A_393, %add3A_408 : i32
          %get3A_410 = arith.index_cast %add3A_397 : i32 to index
          %get3A_411 = arith.constant 16 : index
          %get3A_412 = tpu.vector_load %arg6[%get3A_410, %get3A_411] {strides = array<i32>} : memref<64x64xf32, #tpu.memory_space<vmem>>, vector<1x16xf32>,
          %get3A_413 = vector.shape_cast %get3A_412 : vector<1x16xf32> to vector<16xf32>
          %swap3A_414 = arith.index_cast %add3A_409 : i32 to index
          %swap3A_415 = tpu.vector_load %run_scoped3A[%swap3A_414] {strides = array<i32>} : memref<81920xf32, #tpu.memory_space<vmem>>, vector<16xf32>,
          %swap3A_416 = vector.shape_cast %swap3A_415 : vector<16xf32> to vector<16xf32>
          %swap3A_417 = vector.shape_cast %get3A_413 : vector<16xf32> to vector<16xf32>
          tpu.vector_store %run_scoped3A[%swap3A_414], %swap3A_417 {add = true, strides = array<i32>} : memref<81920xf32, #tpu.memory_space<vmem>>, vector<16xf32>,
          %add3A_418 = arith.constant 32 : i32
          %add3A_419 = arith.addi %squeeze3A_393, %add3A_418 : i32
          %get3A_420 = arith.index_cast %add3A_397 : i32 to index
          %get3A_421 = arith.constant 32 : index
          %get3A_422 = tpu.vector_load %arg6[%get3A_420, %get3A_421] {strides = array<i32>} : memref<64x64xf32, #tpu.memory_space<vmem>>, vector<1x16xf32>,
          %get3A_423 = vector.shape_cast %get3A_422 : vector<1x16xf32> to vector<16xf32>
          %swap3A_424 = arith.index_cast %add3A_419 : i32 to index
          %swap3A_425 = tpu.vector_load %run_scoped3A[%swap3A_424] {strides = array<i32>} : memref<81920xf32, #tpu.memory_space<vmem>>, vector<16xf32>,
          %swap3A_426 = vector.shape_cast %swap3A_425 : vector<16xf32> to vector<16xf32>
          %swap3A_427 = vector.shape_cast %get3A_423 : vector<16xf32> to vector<16xf32>
          tpu.vector_store %run_scoped3A[%swap3A_424], %swap3A_427 {add = true, strides = array<i32>} : memref<81920xf32, #tpu.memory_space<vmem>>, vector<16xf32>,
          %add3A_428 = arith.constant 48 : i32
          %add3A_429 = arith.addi %squeeze3A_393, %add3A_428 : i32
          %get3A_430 = arith.index_cast %add3A_397 : i32 to index
          %get3A_431 = arith.constant 48 : index
          %get3A_432 = tpu.vector_load %arg6[%get3A_430, %get3A_431] {strides = array<i32>} : memref<64x64xf32, #tpu.memory_space<vmem>>, vector<1x16xf32>,
          %get3A_433 = vector.shape_cast %get3A_432 : vector<1x16xf32> to vector<16xf32>
          %swap3A_434 = arith.index_cast %add3A_429 : i32 to index
          %swap3A_435 = tpu.vector_load %run_scoped3A[%swap3A_434] {strides = array<i32>} : memref<81920xf32, #tpu.memory_space<vmem>>, vector<16xf32>,
          %swap3A_436 = vector.shape_cast %swap3A_435 : vector<16xf32> to vector<16xf32>
          %swap3A_437 = vector.shape_cast %get3A_433 : vector<16xf32> to vector<16xf32>
          tpu.vector_store %run_scoped3A[%swap3A_434], %swap3A_437 {add = true, strides = array<i32>} : memref<81920xf32, #tpu.memory_space<vmem>>, vector<16xf32>,
          %add3A_438 = arith.constant 64 : i32
          %add3A_439 = arith.addi %squeeze3A_393, %add3A_438 : i32
          %swap3A_440 = arith.index_cast %add3A_439 : i32 to index
          %swap3A_441 = tpu.vector_load %run_scoped3A[%swap3A_440] {strides = array<i32>} : memref<81920xf32, #tpu.memory_space<vmem>>, vector<16xf32>,
          %swap3A_442 = vector.shape_cast %swap3A_441 : vector<16xf32> to vector<16xf32>
          %swap3A_443 = vector.shape_cast %broadcast_in_dim3A_3 : vector<16xf32> to vector<16xf32>
          tpu.vector_store %run_scoped3A[%swap3A_440], %swap3A_443 {add = true, strides = array<i32>} : memref<81920xf32, #tpu.memory_space<vmem>>, vector<16xf32>,
          %slice3A_444 = vector.extract_strided_slice %mul3A_82 {offsets = [7], sizes = [1], strides = [1]} : vector<16xi32> to vector<1xi32>
          %squeeze3A_445 = vector.extract %slice3A_444[0] : i32 from vector<1xi32>
          %mul3A_446 = arith.constant 16 : i32
          %mul3A_447 = arith.muli %scan3A_72, %mul3A_446 : i32
          %add3A_448 = arith.constant 7 : i32
          %add3A_449 = arith.addi %mul3A_447, %add3A_448 : i32
          %add3A_450 = arith.constant 0 : i32
          %add3A_451 = arith.addi %squeeze3A_445, %add3A_450 : i32
          %get3A_452 = arith.index_cast %add3A_449 : i32 to index
          %get3A_453 = arith.constant 0 : index
          %get3A_454 = tpu.vector_load %arg6[%get3A_452, %get3A_453] {strides = array<i32>} : memref<64x64xf32, #tpu.memory_space<vmem>>, vector<1x16xf32>,
          %get3A_455 = vector.shape_cast %get3A_454 : vector<1x16xf32> to vector<16xf32>
          %swap3A_456 = arith.index_cast %add3A_451 : i32 to index
          %swap3A_457 = tpu.vector_load %run_scoped3A[%swap3A_456] {strides = array<i32>} : memref<81920xf32, #tpu.memory_space<vmem>>, vector<16xf32>,
          %swap3A_458 = vector.shape_cast %swap3A_457 : vector<16xf32> to vector<16xf32>
          %swap3A_459 = vector.shape_cast %get3A_455 : vector<16xf32> to vector<16xf32>
          tpu.vector_store %run_scoped3A[%swap3A_456], %swap3A_459 {add = true, strides = array<i32>} : memref<81920xf32, #tpu.memory_space<vmem>>, vector<16xf32>,
          %add3A_460 = arith.constant 16 : i32
          %add3A_461 = arith.addi %squeeze3A_445, %add3A_460 : i32
          %get3A_462 = arith.index_cast %add3A_449 : i32 to index
          %get3A_463 = arith.constant 16 : index
          %get3A_464 = tpu.vector_load %arg6[%get3A_462, %get3A_463] {strides = array<i32>} : memref<64x64xf32, #tpu.memory_space<vmem>>, vector<1x16xf32>,
          %get3A_465 = vector.shape_cast %get3A_464 : vector<1x16xf32> to vector<16xf32>
          %swap3A_466 = arith.index_cast %add3A_461 : i32 to index
          %swap3A_467 = tpu.vector_load %run_scoped3A[%swap3A_466] {strides = array<i32>} : memref<81920xf32, #tpu.memory_space<vmem>>, vector<16xf32>,
          %swap3A_468 = vector.shape_cast %swap3A_467 : vector<16xf32> to vector<16xf32>
          %swap3A_469 = vector.shape_cast %get3A_465 : vector<16xf32> to vector<16xf32>
          tpu.vector_store %run_scoped3A[%swap3A_466], %swap3A_469 {add = true, strides = array<i32>} : memref<81920xf32, #tpu.memory_space<vmem>>, vector<16xf32>,
          %add3A_470 = arith.constant 32 : i32
          %add3A_471 = arith.addi %squeeze3A_445, %add3A_470 : i32
          %get3A_472 = arith.index_cast %add3A_449 : i32 to index
          %get3A_473 = arith.constant 32 : index
          %get3A_474 = tpu.vector_load %arg6[%get3A_472, %get3A_473] {strides = array<i32>} : memref<64x64xf32, #tpu.memory_space<vmem>>, vector<1x16xf32>,
          %get3A_475 = vector.shape_cast %get3A_474 : vector<1x16xf32> to vector<16xf32>
          %swap3A_476 = arith.index_cast %add3A_471 : i32 to index
          %swap3A_477 = tpu.vector_load %run_scoped3A[%swap3A_476] {strides = array<i32>} : memref<81920xf32, #tpu.memory_space<vmem>>, vector<16xf32>,
          %swap3A_478 = vector.shape_cast %swap3A_477 : vector<16xf32> to vector<16xf32>
          %swap3A_479 = vector.shape_cast %get3A_475 : vector<16xf32> to vector<16xf32>
          tpu.vector_store %run_scoped3A[%swap3A_476], %swap3A_479 {add = true, strides = array<i32>} : memref<81920xf32, #tpu.memory_space<vmem>>, vector<16xf32>,
          %add3A_480 = arith.constant 48 : i32
          %add3A_481 = arith.addi %squeeze3A_445, %add3A_480 : i32
          %get3A_482 = arith.index_cast %add3A_449 : i32 to index
          %get3A_483 = arith.constant 48 : index
          %get3A_484 = tpu.vector_load %arg6[%get3A_482, %get3A_483] {strides = array<i32>} : memref<64x64xf32, #tpu.memory_space<vmem>>, vector<1x16xf32>,
          %get3A_485 = vector.shape_cast %get3A_484 : vector<1x16xf32> to vector<16xf32>
          %swap3A_486 = arith.index_cast %add3A_481 : i32 to index
          %swap3A_487 = tpu.vector_load %run_scoped3A[%swap3A_486] {strides = array<i32>} : memref<81920xf32, #tpu.memory_space<vmem>>, vector<16xf32>,
          %swap3A_488 = vector.shape_cast %swap3A_487 : vector<16xf32> to vector<16xf32>
          %swap3A_489 = vector.shape_cast %get3A_485 : vector<16xf32> to vector<16xf32>
          tpu.vector_store %run_scoped3A[%swap3A_486], %swap3A_489 {add = true, strides = array<i32>} : memref<81920xf32, #tpu.memory_space<vmem>>, vector<16xf32>,
          %add3A_490 = arith.constant 64 : i32
          %add3A_491 = arith.addi %squeeze3A_445, %add3A_490 : i32
          %swap3A_492 = arith.index_cast %add3A_491 : i32 to index
          %swap3A_493 = tpu.vector_load %run_scoped3A[%swap3A_492] {strides = array<i32>} : memref<81920xf32, #tpu.memory_space<vmem>>, vector<16xf32>,
          %swap3A_494 = vector.shape_cast %swap3A_493 : vector<16xf32> to vector<16xf32>
          %swap3A_495 = vector.shape_cast %broadcast_in_dim3A_3 : vector<16xf32> to vector<16xf32>
          tpu.vector_store %run_scoped3A[%swap3A_492], %swap3A_495 {add = true, strides = array<i32>} : memref<81920xf32, #tpu.memory_space<vmem>>, vector<16xf32>,
          %slice3A_496 = vector.extract_strided_slice %mul3A_82 {offsets = [8], sizes = [1], strides = [1]} : vector<16xi32> to vector<1xi32>
          %squeeze3A_497 = vector.extract %slice3A_496[0] : i32 from vector<1xi32>
          %mul3A_498 = arith.constant 16 : i32
          %mul3A_499 = arith.muli %scan3A_72, %mul3A_498 : i32
          %add3A_500 = arith.constant 8 : i32
          %add3A_501 = arith.addi %mul3A_499, %add3A_500 : i32
          %add3A_502 = arith.constant 0 : i32
          %add3A_503 = arith.addi %squeeze3A_497, %add3A_502 : i32
          %get3A_504 = arith.index_cast %add3A_501 : i32 to index
          %get3A_505 = arith.constant 0 : index
          %get3A_506 = tpu.vector_load %arg6[%get3A_504, %get3A_505] {strides = array<i32>} : memref<64x64xf32, #tpu.memory_space<vmem>>, vector<1x16xf32>,
          %get3A_507 = vector.shape_cast %get3A_506 : vector<1x16xf32> to vector<16xf32>
          %swap3A_508 = arith.index_cast %add3A_503 : i32 to index
          %swap3A_509 = tpu.vector_load %run_scoped3A[%swap3A_508] {strides = array<i32>} : memref<81920xf32, #tpu.memory_space<vmem>>, vector<16xf32>,
          %swap3A_510 = vector.shape_cast %swap3A_509 : vector<16xf32> to vector<16xf32>
          %swap3A_511 = vector.shape_cast %get3A_507 : vector<16xf32> to vector<16xf32>
          tpu.vector_store %run_scoped3A[%swap3A_508], %swap3A_511 {add = true, strides = array<i32>} : memref<81920xf32, #tpu.memory_space<vmem>>, vector<16xf32>,
          %add3A_512 = arith.constant 16 : i32
          %add3A_513 = arith.addi %squeeze3A_497, %add3A_512 : i32
          %get3A_514 = arith.index_cast %add3A_501 : i32 to index
          %get3A_515 = arith.constant 16 : index
          %get3A_516 = tpu.vector_load %arg6[%get3A_514, %get3A_515] {strides = array<i32>} : memref<64x64xf32, #tpu.memory_space<vmem>>, vector<1x16xf32>,
          %get3A_517 = vector.shape_cast %get3A_516 : vector<1x16xf32> to vector<16xf32>
          %swap3A_518 = arith.index_cast %add3A_513 : i32 to index
          %swap3A_519 = tpu.vector_load %run_scoped3A[%swap3A_518] {strides = array<i32>} : memref<81920xf32, #tpu.memory_space<vmem>>, vector<16xf32>,
          %swap3A_520 = vector.shape_cast %swap3A_519 : vector<16xf32> to vector<16xf32>
          %swap3A_521 = vector.shape_cast %get3A_517 : vector<16xf32> to vector<16xf32>
          tpu.vector_store %run_scoped3A[%swap3A_518], %swap3A_521 {add = true, strides = array<i32>} : memref<81920xf32, #tpu.memory_space<vmem>>, vector<16xf32>,
          %add3A_522 = arith.constant 32 : i32
          %add3A_523 = arith.addi %squeeze3A_497, %add3A_522 : i32
          %get3A_524 = arith.index_cast %add3A_501 : i32 to index
          %get3A_525 = arith.constant 32 : index
          %get3A_526 = tpu.vector_load %arg6[%get3A_524, %get3A_525] {strides = array<i32>} : memref<64x64xf32, #tpu.memory_space<vmem>>, vector<1x16xf32>,
          %get3A_527 = vector.shape_cast %get3A_526 : vector<1x16xf32> to vector<16xf32>
          %swap3A_528 = arith.index_cast %add3A_523 : i32 to index
          %swap3A_529 = tpu.vector_load %run_scoped3A[%swap3A_528] {strides = array<i32>} : memref<81920xf32, #tpu.memory_space<vmem>>, vector<16xf32>,
          %swap3A_530 = vector.shape_cast %swap3A_529 : vector<16xf32> to vector<16xf32>
          %swap3A_531 = vector.shape_cast %get3A_527 : vector<16xf32> to vector<16xf32>
          tpu.vector_store %run_scoped3A[%swap3A_528], %swap3A_531 {add = true, strides = array<i32>} : memref<81920xf32, #tpu.memory_space<vmem>>, vector<16xf32>,
          %add3A_532 = arith.constant 48 : i32
          %add3A_533 = arith.addi %squeeze3A_497, %add3A_532 : i32
          %get3A_534 = arith.index_cast %add3A_501 : i32 to index
          %get3A_535 = arith.constant 48 : index
          %get3A_536 = tpu.vector_load %arg6[%get3A_534, %get3A_535] {strides = array<i32>} : memref<64x64xf32, #tpu.memory_space<vmem>>, vector<1x16xf32>,
          %get3A_537 = vector.shape_cast %get3A_536 : vector<1x16xf32> to vector<16xf32>
          %swap3A_538 = arith.index_cast %add3A_533 : i32 to index
          %swap3A_539 = tpu.vector_load %run_scoped3A[%swap3A_538] {strides = array<i32>} : memref<81920xf32, #tpu.memory_space<vmem>>, vector<16xf32>,
          %swap3A_540 = vector.shape_cast %swap3A_539 : vector<16xf32> to vector<16xf32>
          %swap3A_541 = vector.shape_cast %get3A_537 : vector<16xf32> to vector<16xf32>
          tpu.vector_store %run_scoped3A[%swap3A_538], %swap3A_541 {add = true, strides = array<i32>} : memref<81920xf32, #tpu.memory_space<vmem>>, vector<16xf32>,
          %add3A_542 = arith.constant 64 : i32
          %add3A_543 = arith.addi %squeeze3A_497, %add3A_542 : i32
          %swap3A_544 = arith.index_cast %add3A_543 : i32 to index
          %swap3A_545 = tpu.vector_load %run_scoped3A[%swap3A_544] {strides = array<i32>} : memref<81920xf32, #tpu.memory_space<vmem>>, vector<16xf32>,
          %swap3A_546 = vector.shape_cast %swap3A_545 : vector<16xf32> to vector<16xf32>
          %swap3A_547 = vector.shape_cast %broadcast_in_dim3A_3 : vector<16xf32> to vector<16xf32>
          tpu.vector_store %run_scoped3A[%swap3A_544], %swap3A_547 {add = true, strides = array<i32>} : memref<81920xf32, #tpu.memory_space<vmem>>, vector<16xf32>,
          %slice3A_548 = vector.extract_strided_slice %mul3A_82 {offsets = [9], sizes = [1], strides = [1]} : vector<16xi32> to vector<1xi32>
          %squeeze3A_549 = vector.extract %slice3A_548[0] : i32 from vector<1xi32>
          %mul3A_550 = arith.constant 16 : i32
          %mul3A_551 = arith.muli %scan3A_72, %mul3A_550 : i32
          %add3A_552 = arith.constant 9 : i32
          %add3A_553 = arith.addi %mul3A_551, %add3A_552 : i32
          %add3A_554 = arith.constant 0 : i32
          %add3A_555 = arith.addi %squeeze3A_549, %add3A_554 : i32
          %get3A_556 = arith.index_cast %add3A_553 : i32 to index
          %get3A_557 = arith.constant 0 : index
          %get3A_558 = tpu.vector_load %arg6[%get3A_556, %get3A_557] {strides = array<i32>} : memref<64x64xf32, #tpu.memory_space<vmem>>, vector<1x16xf32>,
          %get3A_559 = vector.shape_cast %get3A_558 : vector<1x16xf32> to vector<16xf32>
          %swap3A_560 = arith.index_cast %add3A_555 : i32 to index
          %swap3A_561 = tpu.vector_load %run_scoped3A[%swap3A_560] {strides = array<i32>} : memref<81920xf32, #tpu.memory_space<vmem>>, vector<16xf32>,
          %swap3A_562 = vector.shape_cast %swap3A_561 : vector<16xf32> to vector<16xf32>
          %swap3A_563 = vector.shape_cast %get3A_559 : vector<16xf32> to vector<16xf32>
          tpu.vector_store %run_scoped3A[%swap3A_560], %swap3A_563 {add = true, strides = array<i32>} : memref<81920xf32, #tpu.memory_space<vmem>>, vector<16xf32>,
          %add3A_564 = arith.constant 16 : i32
          %add3A_565 = arith.addi %squeeze3A_549, %add3A_564 : i32
          %get3A_566 = arith.index_cast %add3A_553 : i32 to index
          %get3A_567 = arith.constant 16 : index
          %get3A_568 = tpu.vector_load %arg6[%get3A_566, %get3A_567] {strides = array<i32>} : memref<64x64xf32, #tpu.memory_space<vmem>>, vector<1x16xf32>,
          %get3A_569 = vector.shape_cast %get3A_568 : vector<1x16xf32> to vector<16xf32>
          %swap3A_570 = arith.index_cast %add3A_565 : i32 to index
          %swap3A_571 = tpu.vector_load %run_scoped3A[%swap3A_570] {strides = array<i32>} : memref<81920xf32, #tpu.memory_space<vmem>>, vector<16xf32>,
          %swap3A_572 = vector.shape_cast %swap3A_571 : vector<16xf32> to vector<16xf32>
          %swap3A_573 = vector.shape_cast %get3A_569 : vector<16xf32> to vector<16xf32>
          tpu.vector_store %run_scoped3A[%swap3A_570], %swap3A_573 {add = true, strides = array<i32>} : memref<81920xf32, #tpu.memory_space<vmem>>, vector<16xf32>,
          %add3A_574 = arith.constant 32 : i32
          %add3A_575 = arith.addi %squeeze3A_549, %add3A_574 : i32
          %get3A_576 = arith.index_cast %add3A_553 : i32 to index
          %get3A_577 = arith.constant 32 : index
          %get3A_578 = tpu.vector_load %arg6[%get3A_576, %get3A_577] {strides = array<i32>} : memref<64x64xf32, #tpu.memory_space<vmem>>, vector<1x16xf32>,
          %get3A_579 = vector.shape_cast %get3A_578 : vector<1x16xf32> to vector<16xf32>
          %swap3A_580 = arith.index_cast %add3A_575 : i32 to index
          %swap3A_581 = tpu.vector_load %run_scoped3A[%swap3A_580] {strides = array<i32>} : memref<81920xf32, #tpu.memory_space<vmem>>, vector<16xf32>,
          %swap3A_582 = vector.shape_cast %swap3A_581 : vector<16xf32> to vector<16xf32>
          %swap3A_583 = vector.shape_cast %get3A_579 : vector<16xf32> to vector<16xf32>
          tpu.vector_store %run_scoped3A[%swap3A_580], %swap3A_583 {add = true, strides = array<i32>} : memref<81920xf32, #tpu.memory_space<vmem>>, vector<16xf32>,
          %add3A_584 = arith.constant 48 : i32
          %add3A_585 = arith.addi %squeeze3A_549, %add3A_584 : i32
          %get3A_586 = arith.index_cast %add3A_553 : i32 to index
          %get3A_587 = arith.constant 48 : index
          %get3A_588 = tpu.vector_load %arg6[%get3A_586, %get3A_587] {strides = array<i32>} : memref<64x64xf32, #tpu.memory_space<vmem>>, vector<1x16xf32>,
          %get3A_589 = vector.shape_cast %get3A_588 : vector<1x16xf32> to vector<16xf32>
          %swap3A_590 = arith.index_cast %add3A_585 : i32 to index
          %swap3A_591 = tpu.vector_load %run_scoped3A[%swap3A_590] {strides = array<i32>} : memref<81920xf32, #tpu.memory_space<vmem>>, vector<16xf32>,
          %swap3A_592 = vector.shape_cast %swap3A_591 : vector<16xf32> to vector<16xf32>
          %swap3A_593 = vector.shape_cast %get3A_589 : vector<16xf32> to vector<16xf32>
          tpu.vector_store %run_scoped3A[%swap3A_590], %swap3A_593 {add = true, strides = array<i32>} : memref<81920xf32, #tpu.memory_space<vmem>>, vector<16xf32>,
          %add3A_594 = arith.constant 64 : i32
          %add3A_595 = arith.addi %squeeze3A_549, %add3A_594 : i32
          %swap3A_596 = arith.index_cast %add3A_595 : i32 to index
          %swap3A_597 = tpu.vector_load %run_scoped3A[%swap3A_596] {strides = array<i32>} : memref<81920xf32, #tpu.memory_space<vmem>>, vector<16xf32>,
          %swap3A_598 = vector.shape_cast %swap3A_597 : vector<16xf32> to vector<16xf32>
          %swap3A_599 = vector.shape_cast %broadcast_in_dim3A_3 : vector<16xf32> to vector<16xf32>
          tpu.vector_store %run_scoped3A[%swap3A_596], %swap3A_599 {add = true, strides = array<i32>} : memref<81920xf32, #tpu.memory_space<vmem>>, vector<16xf32>,
          %slice3A_600 = vector.extract_strided_slice %mul3A_82 {offsets = [10], sizes = [1], strides = [1]} : vector<16xi32> to vector<1xi32>
          %squeeze3A_601 = vector.extract %slice3A_600[0] : i32 from vector<1xi32>
          %mul3A_602 = arith.constant 16 : i32
          %mul3A_603 = arith.muli %scan3A_72, %mul3A_602 : i32
          %add3A_604 = arith.constant 10 : i32
          %add3A_605 = arith.addi %mul3A_603, %add3A_604 : i32
          %add3A_606 = arith.constant 0 : i32
          %add3A_607 = arith.addi %squeeze3A_601, %add3A_606 : i32
          %get3A_608 = arith.index_cast %add3A_605 : i32 to index
          %get3A_609 = arith.constant 0 : index
          %get3A_610 = tpu.vector_load %arg6[%get3A_608, %get3A_609] {strides = array<i32>} : memref<64x64xf32, #tpu.memory_space<vmem>>, vector<1x16xf32>,
          %get3A_611 = vector.shape_cast %get3A_610 : vector<1x16xf32> to vector<16xf32>
          %swap3A_612 = arith.index_cast %add3A_607 : i32 to index
          %swap3A_613 = tpu.vector_load %run_scoped3A[%swap3A_612] {strides = array<i32>} : memref<81920xf32, #tpu.memory_space<vmem>>, vector<16xf32>,
          %swap3A_614 = vector.shape_cast %swap3A_613 : vector<16xf32> to vector<16xf32>
          %swap3A_615 = vector.shape_cast %get3A_611 : vector<16xf32> to vector<16xf32>
          tpu.vector_store %run_scoped3A[%swap3A_612], %swap3A_615 {add = true, strides = array<i32>} : memref<81920xf32, #tpu.memory_space<vmem>>, vector<16xf32>,
          %add3A_616 = arith.constant 16 : i32
          %add3A_617 = arith.addi %squeeze3A_601, %add3A_616 : i32
          %get3A_618 = arith.index_cast %add3A_605 : i32 to index
          %get3A_619 = arith.constant 16 : index
          %get3A_620 = tpu.vector_load %arg6[%get3A_618, %get3A_619] {strides = array<i32>} : memref<64x64xf32, #tpu.memory_space<vmem>>, vector<1x16xf32>,
          %get3A_621 = vector.shape_cast %get3A_620 : vector<1x16xf32> to vector<16xf32>
          %swap3A_622 = arith.index_cast %add3A_617 : i32 to index
          %swap3A_623 = tpu.vector_load %run_scoped3A[%swap3A_622] {strides = array<i32>} : memref<81920xf32, #tpu.memory_space<vmem>>, vector<16xf32>,
          %swap3A_624 = vector.shape_cast %swap3A_623 : vector<16xf32> to vector<16xf32>
          %swap3A_625 = vector.shape_cast %get3A_621 : vector<16xf32> to vector<16xf32>
          tpu.vector_store %run_scoped3A[%swap3A_622], %swap3A_625 {add = true, strides = array<i32>} : memref<81920xf32, #tpu.memory_space<vmem>>, vector<16xf32>,
          %add3A_626 = arith.constant 32 : i32
          %add3A_627 = arith.addi %squeeze3A_601, %add3A_626 : i32
          %get3A_628 = arith.index_cast %add3A_605 : i32 to index
          %get3A_629 = arith.constant 32 : index
          %get3A_630 = tpu.vector_load %arg6[%get3A_628, %get3A_629] {strides = array<i32>} : memref<64x64xf32, #tpu.memory_space<vmem>>, vector<1x16xf32>,
          %get3A_631 = vector.shape_cast %get3A_630 : vector<1x16xf32> to vector<16xf32>
          %swap3A_632 = arith.index_cast %add3A_627 : i32 to index
          %swap3A_633 = tpu.vector_load %run_scoped3A[%swap3A_632] {strides = array<i32>} : memref<81920xf32, #tpu.memory_space<vmem>>, vector<16xf32>,
          %swap3A_634 = vector.shape_cast %swap3A_633 : vector<16xf32> to vector<16xf32>
          %swap3A_635 = vector.shape_cast %get3A_631 : vector<16xf32> to vector<16xf32>
          tpu.vector_store %run_scoped3A[%swap3A_632], %swap3A_635 {add = true, strides = array<i32>} : memref<81920xf32, #tpu.memory_space<vmem>>, vector<16xf32>,
          %add3A_636 = arith.constant 48 : i32
          %add3A_637 = arith.addi %squeeze3A_601, %add3A_636 : i32
          %get3A_638 = arith.index_cast %add3A_605 : i32 to index
          %get3A_639 = arith.constant 48 : index
          %get3A_640 = tpu.vector_load %arg6[%get3A_638, %get3A_639] {strides = array<i32>} : memref<64x64xf32, #tpu.memory_space<vmem>>, vector<1x16xf32>,
          %get3A_641 = vector.shape_cast %get3A_640 : vector<1x16xf32> to vector<16xf32>
          %swap3A_642 = arith.index_cast %add3A_637 : i32 to index
          %swap3A_643 = tpu.vector_load %run_scoped3A[%swap3A_642] {strides = array<i32>} : memref<81920xf32, #tpu.memory_space<vmem>>, vector<16xf32>,
          %swap3A_644 = vector.shape_cast %swap3A_643 : vector<16xf32> to vector<16xf32>
          %swap3A_645 = vector.shape_cast %get3A_641 : vector<16xf32> to vector<16xf32>
          tpu.vector_store %run_scoped3A[%swap3A_642], %swap3A_645 {add = true, strides = array<i32>} : memref<81920xf32, #tpu.memory_space<vmem>>, vector<16xf32>,
          %add3A_646 = arith.constant 64 : i32
          %add3A_647 = arith.addi %squeeze3A_601, %add3A_646 : i32
          %swap3A_648 = arith.index_cast %add3A_647 : i32 to index
          %swap3A_649 = tpu.vector_load %run_scoped3A[%swap3A_648] {strides = array<i32>} : memref<81920xf32, #tpu.memory_space<vmem>>, vector<16xf32>,
          %swap3A_650 = vector.shape_cast %swap3A_649 : vector<16xf32> to vector<16xf32>
          %swap3A_651 = vector.shape_cast %broadcast_in_dim3A_3 : vector<16xf32> to vector<16xf32>
          tpu.vector_store %run_scoped3A[%swap3A_648], %swap3A_651 {add = true, strides = array<i32>} : memref<81920xf32, #tpu.memory_space<vmem>>, vector<16xf32>,
          %slice3A_652 = vector.extract_strided_slice %mul3A_82 {offsets = [11], sizes = [1], strides = [1]} : vector<16xi32> to vector<1xi32>
          %squeeze3A_653 = vector.extract %slice3A_652[0] : i32 from vector<1xi32>
          %mul3A_654 = arith.constant 16 : i32
          %mul3A_655 = arith.muli %scan3A_72, %mul3A_654 : i32
          %add3A_656 = arith.constant 11 : i32
          %add3A_657 = arith.addi %mul3A_655, %add3A_656 : i32
          %add3A_658 = arith.constant 0 : i32
          %add3A_659 = arith.addi %squeeze3A_653, %add3A_658 : i32
          %get3A_660 = arith.index_cast %add3A_657 : i32 to index
          %get3A_661 = arith.constant 0 : index
          %get3A_662 = tpu.vector_load %arg6[%get3A_660, %get3A_661] {strides = array<i32>} : memref<64x64xf32, #tpu.memory_space<vmem>>, vector<1x16xf32>,
          %get3A_663 = vector.shape_cast %get3A_662 : vector<1x16xf32> to vector<16xf32>
          %swap3A_664 = arith.index_cast %add3A_659 : i32 to index
          %swap3A_665 = tpu.vector_load %run_scoped3A[%swap3A_664] {strides = array<i32>} : memref<81920xf32, #tpu.memory_space<vmem>>, vector<16xf32>,
          %swap3A_666 = vector.shape_cast %swap3A_665 : vector<16xf32> to vector<16xf32>
          %swap3A_667 = vector.shape_cast %get3A_663 : vector<16xf32> to vector<16xf32>
          tpu.vector_store %run_scoped3A[%swap3A_664], %swap3A_667 {add = true, strides = array<i32>} : memref<81920xf32, #tpu.memory_space<vmem>>, vector<16xf32>,
          %add3A_668 = arith.constant 16 : i32
          %add3A_669 = arith.addi %squeeze3A_653, %add3A_668 : i32
          %get3A_670 = arith.index_cast %add3A_657 : i32 to index
          %get3A_671 = arith.constant 16 : index
          %get3A_672 = tpu.vector_load %arg6[%get3A_670, %get3A_671] {strides = array<i32>} : memref<64x64xf32, #tpu.memory_space<vmem>>, vector<1x16xf32>,
          %get3A_673 = vector.shape_cast %get3A_672 : vector<1x16xf32> to vector<16xf32>
          %swap3A_674 = arith.index_cast %add3A_669 : i32 to index
          %swap3A_675 = tpu.vector_load %run_scoped3A[%swap3A_674] {strides = array<i32>} : memref<81920xf32, #tpu.memory_space<vmem>>, vector<16xf32>,
          %swap3A_676 = vector.shape_cast %swap3A_675 : vector<16xf32> to vector<16xf32>
          %swap3A_677 = vector.shape_cast %get3A_673 : vector<16xf32> to vector<16xf32>
          tpu.vector_store %run_scoped3A[%swap3A_674], %swap3A_677 {add = true, strides = array<i32>} : memref<81920xf32, #tpu.memory_space<vmem>>, vector<16xf32>,
          %add3A_678 = arith.constant 32 : i32
          %add3A_679 = arith.addi %squeeze3A_653, %add3A_678 : i32
          %get3A_680 = arith.index_cast %add3A_657 : i32 to index
          %get3A_681 = arith.constant 32 : index
          %get3A_682 = tpu.vector_load %arg6[%get3A_680, %get3A_681] {strides = array<i32>} : memref<64x64xf32, #tpu.memory_space<vmem>>, vector<1x16xf32>,
          %get3A_683 = vector.shape_cast %get3A_682 : vector<1x16xf32> to vector<16xf32>
          %swap3A_684 = arith.index_cast %add3A_679 : i32 to index
          %swap3A_685 = tpu.vector_load %run_scoped3A[%swap3A_684] {strides = array<i32>} : memref<81920xf32, #tpu.memory_space<vmem>>, vector<16xf32>,
          %swap3A_686 = vector.shape_cast %swap3A_685 : vector<16xf32> to vector<16xf32>
          %swap3A_687 = vector.shape_cast %get3A_683 : vector<16xf32> to vector<16xf32>
          tpu.vector_store %run_scoped3A[%swap3A_684], %swap3A_687 {add = true, strides = array<i32>} : memref<81920xf32, #tpu.memory_space<vmem>>, vector<16xf32>,
          %add3A_688 = arith.constant 48 : i32
          %add3A_689 = arith.addi %squeeze3A_653, %add3A_688 : i32
          %get3A_690 = arith.index_cast %add3A_657 : i32 to index
          %get3A_691 = arith.constant 48 : index
          %get3A_692 = tpu.vector_load %arg6[%get3A_690, %get3A_691] {strides = array<i32>} : memref<64x64xf32, #tpu.memory_space<vmem>>, vector<1x16xf32>,
          %get3A_693 = vector.shape_cast %get3A_692 : vector<1x16xf32> to vector<16xf32>
          %swap3A_694 = arith.index_cast %add3A_689 : i32 to index
          %swap3A_695 = tpu.vector_load %run_scoped3A[%swap3A_694] {strides = array<i32>} : memref<81920xf32, #tpu.memory_space<vmem>>, vector<16xf32>,
          %swap3A_696 = vector.shape_cast %swap3A_695 : vector<16xf32> to vector<16xf32>
          %swap3A_697 = vector.shape_cast %get3A_693 : vector<16xf32> to vector<16xf32>
          tpu.vector_store %run_scoped3A[%swap3A_694], %swap3A_697 {add = true, strides = array<i32>} : memref<81920xf32, #tpu.memory_space<vmem>>, vector<16xf32>,
          %add3A_698 = arith.constant 64 : i32
          %add3A_699 = arith.addi %squeeze3A_653, %add3A_698 : i32
          %swap3A_700 = arith.index_cast %add3A_699 : i32 to index
          %swap3A_701 = tpu.vector_load %run_scoped3A[%swap3A_700] {strides = array<i32>} : memref<81920xf32, #tpu.memory_space<vmem>>, vector<16xf32>,
          %swap3A_702 = vector.shape_cast %swap3A_701 : vector<16xf32> to vector<16xf32>
          %swap3A_703 = vector.shape_cast %broadcast_in_dim3A_3 : vector<16xf32> to vector<16xf32>
          tpu.vector_store %run_scoped3A[%swap3A_700], %swap3A_703 {add = true, strides = array<i32>} : memref<81920xf32, #tpu.memory_space<vmem>>, vector<16xf32>,
          %slice3A_704 = vector.extract_strided_slice %mul3A_82 {offsets = [12], sizes = [1], strides = [1]} : vector<16xi32> to vector<1xi32>
          %squeeze3A_705 = vector.extract %slice3A_704[0] : i32 from vector<1xi32>
          %mul3A_706 = arith.constant 16 : i32
          %mul3A_707 = arith.muli %scan3A_72, %mul3A_706 : i32
          %add3A_708 = arith.constant 12 : i32
          %add3A_709 = arith.addi %mul3A_707, %add3A_708 : i32
          %add3A_710 = arith.constant 0 : i32
          %add3A_711 = arith.addi %squeeze3A_705, %add3A_710 : i32
          %get3A_712 = arith.index_cast %add3A_709 : i32 to index
          %get3A_713 = arith.constant 0 : index
          %get3A_714 = tpu.vector_load %arg6[%get3A_712, %get3A_713] {strides = array<i32>} : memref<64x64xf32, #tpu.memory_space<vmem>>, vector<1x16xf32>,
          %get3A_715 = vector.shape_cast %get3A_714 : vector<1x16xf32> to vector<16xf32>
          %swap3A_716 = arith.index_cast %add3A_711 : i32 to index
          %swap3A_717 = tpu.vector_load %run_scoped3A[%swap3A_716] {strides = array<i32>} : memref<81920xf32, #tpu.memory_space<vmem>>, vector<16xf32>,
          %swap3A_718 = vector.shape_cast %swap3A_717 : vector<16xf32> to vector<16xf32>
          %swap3A_719 = vector.shape_cast %get3A_715 : vector<16xf32> to vector<16xf32>
          tpu.vector_store %run_scoped3A[%swap3A_716], %swap3A_719 {add = true, strides = array<i32>} : memref<81920xf32, #tpu.memory_space<vmem>>, vector<16xf32>,
          %add3A_720 = arith.constant 16 : i32
          %add3A_721 = arith.addi %squeeze3A_705, %add3A_720 : i32
          %get3A_722 = arith.index_cast %add3A_709 : i32 to index
          %get3A_723 = arith.constant 16 : index
          %get3A_724 = tpu.vector_load %arg6[%get3A_722, %get3A_723] {strides = array<i32>} : memref<64x64xf32, #tpu.memory_space<vmem>>, vector<1x16xf32>,
          %get3A_725 = vector.shape_cast %get3A_724 : vector<1x16xf32> to vector<16xf32>
          %swap3A_726 = arith.index_cast %add3A_721 : i32 to index
          %swap3A_727 = tpu.vector_load %run_scoped3A[%swap3A_726] {strides = array<i32>} : memref<81920xf32, #tpu.memory_space<vmem>>, vector<16xf32>,
          %swap3A_728 = vector.shape_cast %swap3A_727 : vector<16xf32> to vector<16xf32>
          %swap3A_729 = vector.shape_cast %get3A_725 : vector<16xf32> to vector<16xf32>
          tpu.vector_store %run_scoped3A[%swap3A_726], %swap3A_729 {add = true, strides = array<i32>} : memref<81920xf32, #tpu.memory_space<vmem>>, vector<16xf32>,
          %add3A_730 = arith.constant 32 : i32
          %add3A_731 = arith.addi %squeeze3A_705, %add3A_730 : i32
          %get3A_732 = arith.index_cast %add3A_709 : i32 to index
          %get3A_733 = arith.constant 32 : index
          %get3A_734 = tpu.vector_load %arg6[%get3A_732, %get3A_733] {strides = array<i32>} : memref<64x64xf32, #tpu.memory_space<vmem>>, vector<1x16xf32>,
          %get3A_735 = vector.shape_cast %get3A_734 : vector<1x16xf32> to vector<16xf32>
          %swap3A_736 = arith.index_cast %add3A_731 : i32 to index
          %swap3A_737 = tpu.vector_load %run_scoped3A[%swap3A_736] {strides = array<i32>} : memref<81920xf32, #tpu.memory_space<vmem>>, vector<16xf32>,
          %swap3A_738 = vector.shape_cast %swap3A_737 : vector<16xf32> to vector<16xf32>
          %swap3A_739 = vector.shape_cast %get3A_735 : vector<16xf32> to vector<16xf32>
          tpu.vector_store %run_scoped3A[%swap3A_736], %swap3A_739 {add = true, strides = array<i32>} : memref<81920xf32, #tpu.memory_space<vmem>>, vector<16xf32>,
          %add3A_740 = arith.constant 48 : i32
          %add3A_741 = arith.addi %squeeze3A_705, %add3A_740 : i32
          %get3A_742 = arith.index_cast %add3A_709 : i32 to index
          %get3A_743 = arith.constant 48 : index
          %get3A_744 = tpu.vector_load %arg6[%get3A_742, %get3A_743] {strides = array<i32>} : memref<64x64xf32, #tpu.memory_space<vmem>>, vector<1x16xf32>,
          %get3A_745 = vector.shape_cast %get3A_744 : vector<1x16xf32> to vector<16xf32>
          %swap3A_746 = arith.index_cast %add3A_741 : i32 to index
          %swap3A_747 = tpu.vector_load %run_scoped3A[%swap3A_746] {strides = array<i32>} : memref<81920xf32, #tpu.memory_space<vmem>>, vector<16xf32>,
          %swap3A_748 = vector.shape_cast %swap3A_747 : vector<16xf32> to vector<16xf32>
          %swap3A_749 = vector.shape_cast %get3A_745 : vector<16xf32> to vector<16xf32>
          tpu.vector_store %run_scoped3A[%swap3A_746], %swap3A_749 {add = true, strides = array<i32>} : memref<81920xf32, #tpu.memory_space<vmem>>, vector<16xf32>,
          %add3A_750 = arith.constant 64 : i32
          %add3A_751 = arith.addi %squeeze3A_705, %add3A_750 : i32
          %swap3A_752 = arith.index_cast %add3A_751 : i32 to index
          %swap3A_753 = tpu.vector_load %run_scoped3A[%swap3A_752] {strides = array<i32>} : memref<81920xf32, #tpu.memory_space<vmem>>, vector<16xf32>,
          %swap3A_754 = vector.shape_cast %swap3A_753 : vector<16xf32> to vector<16xf32>
          %swap3A_755 = vector.shape_cast %broadcast_in_dim3A_3 : vector<16xf32> to vector<16xf32>
          tpu.vector_store %run_scoped3A[%swap3A_752], %swap3A_755 {add = true, strides = array<i32>} : memref<81920xf32, #tpu.memory_space<vmem>>, vector<16xf32>,
          %slice3A_756 = vector.extract_strided_slice %mul3A_82 {offsets = [13], sizes = [1], strides = [1]} : vector<16xi32> to vector<1xi32>
          %squeeze3A_757 = vector.extract %slice3A_756[0] : i32 from vector<1xi32>
          %mul3A_758 = arith.constant 16 : i32
          %mul3A_759 = arith.muli %scan3A_72, %mul3A_758 : i32
          %add3A_760 = arith.constant 13 : i32
          %add3A_761 = arith.addi %mul3A_759, %add3A_760 : i32
          %add3A_762 = arith.constant 0 : i32
          %add3A_763 = arith.addi %squeeze3A_757, %add3A_762 : i32
          %get3A_764 = arith.index_cast %add3A_761 : i32 to index
          %get3A_765 = arith.constant 0 : index
          %get3A_766 = tpu.vector_load %arg6[%get3A_764, %get3A_765] {strides = array<i32>} : memref<64x64xf32, #tpu.memory_space<vmem>>, vector<1x16xf32>,
          %get3A_767 = vector.shape_cast %get3A_766 : vector<1x16xf32> to vector<16xf32>
          %swap3A_768 = arith.index_cast %add3A_763 : i32 to index
          %swap3A_769 = tpu.vector_load %run_scoped3A[%swap3A_768] {strides = array<i32>} : memref<81920xf32, #tpu.memory_space<vmem>>, vector<16xf32>,
          %swap3A_770 = vector.shape_cast %swap3A_769 : vector<16xf32> to vector<16xf32>
          %swap3A_771 = vector.shape_cast %get3A_767 : vector<16xf32> to vector<16xf32>
          tpu.vector_store %run_scoped3A[%swap3A_768], %swap3A_771 {add = true, strides = array<i32>} : memref<81920xf32, #tpu.memory_space<vmem>>, vector<16xf32>,
          %add3A_772 = arith.constant 16 : i32
          %add3A_773 = arith.addi %squeeze3A_757, %add3A_772 : i32
          %get3A_774 = arith.index_cast %add3A_761 : i32 to index
          %get3A_775 = arith.constant 16 : index
          %get3A_776 = tpu.vector_load %arg6[%get3A_774, %get3A_775] {strides = array<i32>} : memref<64x64xf32, #tpu.memory_space<vmem>>, vector<1x16xf32>,
          %get3A_777 = vector.shape_cast %get3A_776 : vector<1x16xf32> to vector<16xf32>
          %swap3A_778 = arith.index_cast %add3A_773 : i32 to index
          %swap3A_779 = tpu.vector_load %run_scoped3A[%swap3A_778] {strides = array<i32>} : memref<81920xf32, #tpu.memory_space<vmem>>, vector<16xf32>,
          %swap3A_780 = vector.shape_cast %swap3A_779 : vector<16xf32> to vector<16xf32>
          %swap3A_781 = vector.shape_cast %get3A_777 : vector<16xf32> to vector<16xf32>
          tpu.vector_store %run_scoped3A[%swap3A_778], %swap3A_781 {add = true, strides = array<i32>} : memref<81920xf32, #tpu.memory_space<vmem>>, vector<16xf32>,
          %add3A_782 = arith.constant 32 : i32
          %add3A_783 = arith.addi %squeeze3A_757, %add3A_782 : i32
          %get3A_784 = arith.index_cast %add3A_761 : i32 to index
          %get3A_785 = arith.constant 32 : index
          %get3A_786 = tpu.vector_load %arg6[%get3A_784, %get3A_785] {strides = array<i32>} : memref<64x64xf32, #tpu.memory_space<vmem>>, vector<1x16xf32>,
          %get3A_787 = vector.shape_cast %get3A_786 : vector<1x16xf32> to vector<16xf32>
          %swap3A_788 = arith.index_cast %add3A_783 : i32 to index
          %swap3A_789 = tpu.vector_load %run_scoped3A[%swap3A_788] {strides = array<i32>} : memref<81920xf32, #tpu.memory_space<vmem>>, vector<16xf32>,
          %swap3A_790 = vector.shape_cast %swap3A_789 : vector<16xf32> to vector<16xf32>
          %swap3A_791 = vector.shape_cast %get3A_787 : vector<16xf32> to vector<16xf32>
          tpu.vector_store %run_scoped3A[%swap3A_788], %swap3A_791 {add = true, strides = array<i32>} : memref<81920xf32, #tpu.memory_space<vmem>>, vector<16xf32>,
          %add3A_792 = arith.constant 48 : i32
          %add3A_793 = arith.addi %squeeze3A_757, %add3A_792 : i32
          %get3A_794 = arith.index_cast %add3A_761 : i32 to index
          %get3A_795 = arith.constant 48 : index
          %get3A_796 = tpu.vector_load %arg6[%get3A_794, %get3A_795] {strides = array<i32>} : memref<64x64xf32, #tpu.memory_space<vmem>>, vector<1x16xf32>,
          %get3A_797 = vector.shape_cast %get3A_796 : vector<1x16xf32> to vector<16xf32>
          %swap3A_798 = arith.index_cast %add3A_793 : i32 to index
          %swap3A_799 = tpu.vector_load %run_scoped3A[%swap3A_798] {strides = array<i32>} : memref<81920xf32, #tpu.memory_space<vmem>>, vector<16xf32>,
          %swap3A_800 = vector.shape_cast %swap3A_799 : vector<16xf32> to vector<16xf32>
          %swap3A_801 = vector.shape_cast %get3A_797 : vector<16xf32> to vector<16xf32>
          tpu.vector_store %run_scoped3A[%swap3A_798], %swap3A_801 {add = true, strides = array<i32>} : memref<81920xf32, #tpu.memory_space<vmem>>, vector<16xf32>,
          %add3A_802 = arith.constant 64 : i32
          %add3A_803 = arith.addi %squeeze3A_757, %add3A_802 : i32
          %swap3A_804 = arith.index_cast %add3A_803 : i32 to index
          %swap3A_805 = tpu.vector_load %run_scoped3A[%swap3A_804] {strides = array<i32>} : memref<81920xf32, #tpu.memory_space<vmem>>, vector<16xf32>,
          %swap3A_806 = vector.shape_cast %swap3A_805 : vector<16xf32> to vector<16xf32>
          %swap3A_807 = vector.shape_cast %broadcast_in_dim3A_3 : vector<16xf32> to vector<16xf32>
          tpu.vector_store %run_scoped3A[%swap3A_804], %swap3A_807 {add = true, strides = array<i32>} : memref<81920xf32, #tpu.memory_space<vmem>>, vector<16xf32>,
          %slice3A_808 = vector.extract_strided_slice %mul3A_82 {offsets = [14], sizes = [1], strides = [1]} : vector<16xi32> to vector<1xi32>
          %squeeze3A_809 = vector.extract %slice3A_808[0] : i32 from vector<1xi32>
          %mul3A_810 = arith.constant 16 : i32
          %mul3A_811 = arith.muli %scan3A_72, %mul3A_810 : i32
          %add3A_812 = arith.constant 14 : i32
          %add3A_813 = arith.addi %mul3A_811, %add3A_812 : i32
          %add3A_814 = arith.constant 0 : i32
          %add3A_815 = arith.addi %squeeze3A_809, %add3A_814 : i32
          %get3A_816 = arith.index_cast %add3A_813 : i32 to index
          %get3A_817 = arith.constant 0 : index
          %get3A_818 = tpu.vector_load %arg6[%get3A_816, %get3A_817] {strides = array<i32>} : memref<64x64xf32, #tpu.memory_space<vmem>>, vector<1x16xf32>,
          %get3A_819 = vector.shape_cast %get3A_818 : vector<1x16xf32> to vector<16xf32>
          %swap3A_820 = arith.index_cast %add3A_815 : i32 to index
          %swap3A_821 = tpu.vector_load %run_scoped3A[%swap3A_820] {strides = array<i32>} : memref<81920xf32, #tpu.memory_space<vmem>>, vector<16xf32>,
          %swap3A_822 = vector.shape_cast %swap3A_821 : vector<16xf32> to vector<16xf32>
          %swap3A_823 = vector.shape_cast %get3A_819 : vector<16xf32> to vector<16xf32>
          tpu.vector_store %run_scoped3A[%swap3A_820], %swap3A_823 {add = true, strides = array<i32>} : memref<81920xf32, #tpu.memory_space<vmem>>, vector<16xf32>,
          %add3A_824 = arith.constant 16 : i32
          %add3A_825 = arith.addi %squeeze3A_809, %add3A_824 : i32
          %get3A_826 = arith.index_cast %add3A_813 : i32 to index
          %get3A_827 = arith.constant 16 : index
          %get3A_828 = tpu.vector_load %arg6[%get3A_826, %get3A_827] {strides = array<i32>} : memref<64x64xf32, #tpu.memory_space<vmem>>, vector<1x16xf32>,
          %get3A_829 = vector.shape_cast %get3A_828 : vector<1x16xf32> to vector<16xf32>
          %swap3A_830 = arith.index_cast %add3A_825 : i32 to index
          %swap3A_831 = tpu.vector_load %run_scoped3A[%swap3A_830] {strides = array<i32>} : memref<81920xf32, #tpu.memory_space<vmem>>, vector<16xf32>,
          %swap3A_832 = vector.shape_cast %swap3A_831 : vector<16xf32> to vector<16xf32>
          %swap3A_833 = vector.shape_cast %get3A_829 : vector<16xf32> to vector<16xf32>
          tpu.vector_store %run_scoped3A[%swap3A_830], %swap3A_833 {add = true, strides = array<i32>} : memref<81920xf32, #tpu.memory_space<vmem>>, vector<16xf32>,
          %add3A_834 = arith.constant 32 : i32
          %add3A_835 = arith.addi %squeeze3A_809, %add3A_834 : i32
          %get3A_836 = arith.index_cast %add3A_813 : i32 to index
          %get3A_837 = arith.constant 32 : index
          %get3A_838 = tpu.vector_load %arg6[%get3A_836, %get3A_837] {strides = array<i32>} : memref<64x64xf32, #tpu.memory_space<vmem>>, vector<1x16xf32>,
          %get3A_839 = vector.shape_cast %get3A_838 : vector<1x16xf32> to vector<16xf32>
          %swap3A_840 = arith.index_cast %add3A_835 : i32 to index
          %swap3A_841 = tpu.vector_load %run_scoped3A[%swap3A_840] {strides = array<i32>} : memref<81920xf32, #tpu.memory_space<vmem>>, vector<16xf32>,
          %swap3A_842 = vector.shape_cast %swap3A_841 : vector<16xf32> to vector<16xf32>
          %swap3A_843 = vector.shape_cast %get3A_839 : vector<16xf32> to vector<16xf32>
          tpu.vector_store %run_scoped3A[%swap3A_840], %swap3A_843 {add = true, strides = array<i32>} : memref<81920xf32, #tpu.memory_space<vmem>>, vector<16xf32>,
          %add3A_844 = arith.constant 48 : i32
          %add3A_845 = arith.addi %squeeze3A_809, %add3A_844 : i32
          %get3A_846 = arith.index_cast %add3A_813 : i32 to index
          %get3A_847 = arith.constant 48 : index
          %get3A_848 = tpu.vector_load %arg6[%get3A_846, %get3A_847] {strides = array<i32>} : memref<64x64xf32, #tpu.memory_space<vmem>>, vector<1x16xf32>,
          %get3A_849 = vector.shape_cast %get3A_848 : vector<1x16xf32> to vector<16xf32>
          %swap3A_850 = arith.index_cast %add3A_845 : i32 to index
          %swap3A_851 = tpu.vector_load %run_scoped3A[%swap3A_850] {strides = array<i32>} : memref<81920xf32, #tpu.memory_space<vmem>>, vector<16xf32>,
          %swap3A_852 = vector.shape_cast %swap3A_851 : vector<16xf32> to vector<16xf32>
          %swap3A_853 = vector.shape_cast %get3A_849 : vector<16xf32> to vector<16xf32>
          tpu.vector_store %run_scoped3A[%swap3A_850], %swap3A_853 {add = true, strides = array<i32>} : memref<81920xf32, #tpu.memory_space<vmem>>, vector<16xf32>,
          %add3A_854 = arith.constant 64 : i32
          %add3A_855 = arith.addi %squeeze3A_809, %add3A_854 : i32
          %swap3A_856 = arith.index_cast %add3A_855 : i32 to index
          %swap3A_857 = tpu.vector_load %run_scoped3A[%swap3A_856] {strides = array<i32>} : memref<81920xf32, #tpu.memory_space<vmem>>, vector<16xf32>,
          %swap3A_858 = vector.shape_cast %swap3A_857 : vector<16xf32> to vector<16xf32>
          %swap3A_859 = vector.shape_cast %broadcast_in_dim3A_3 : vector<16xf32> to vector<16xf32>
          tpu.vector_store %run_scoped3A[%swap3A_856], %swap3A_859 {add = true, strides = array<i32>} : memref<81920xf32, #tpu.memory_space<vmem>>, vector<16xf32>,
          %slice3A_860 = vector.extract_strided_slice %mul3A_82 {offsets = [15], sizes = [1], strides = [1]} : vector<16xi32> to vector<1xi32>
          %squeeze3A_861 = vector.extract %slice3A_860[0] : i32 from vector<1xi32>
          %mul3A_862 = arith.constant 16 : i32
          %mul3A_863 = arith.muli %scan3A_72, %mul3A_862 : i32
          %add3A_864 = arith.constant 15 : i32
          %add3A_865 = arith.addi %mul3A_863, %add3A_864 : i32
          %add3A_866 = arith.constant 0 : i32
          %add3A_867 = arith.addi %squeeze3A_861, %add3A_866 : i32
          %get3A_868 = arith.index_cast %add3A_865 : i32 to index
          %get3A_869 = arith.constant 0 : index
          %get3A_870 = tpu.vector_load %arg6[%get3A_868, %get3A_869] {strides = array<i32>} : memref<64x64xf32, #tpu.memory_space<vmem>>, vector<1x16xf32>,
          %get3A_871 = vector.shape_cast %get3A_870 : vector<1x16xf32> to vector<16xf32>
          %swap3A_872 = arith.index_cast %add3A_867 : i32 to index
          %swap3A_873 = tpu.vector_load %run_scoped3A[%swap3A_872] {strides = array<i32>} : memref<81920xf32, #tpu.memory_space<vmem>>, vector<16xf32>,
          %swap3A_874 = vector.shape_cast %swap3A_873 : vector<16xf32> to vector<16xf32>
          %swap3A_875 = vector.shape_cast %get3A_871 : vector<16xf32> to vector<16xf32>
          tpu.vector_store %run_scoped3A[%swap3A_872], %swap3A_875 {add = true, strides = array<i32>} : memref<81920xf32, #tpu.memory_space<vmem>>, vector<16xf32>,
          %add3A_876 = arith.constant 16 : i32
          %add3A_877 = arith.addi %squeeze3A_861, %add3A_876 : i32
          %get3A_878 = arith.index_cast %add3A_865 : i32 to index
          %get3A_879 = arith.constant 16 : index
          %get3A_880 = tpu.vector_load %arg6[%get3A_878, %get3A_879] {strides = array<i32>} : memref<64x64xf32, #tpu.memory_space<vmem>>, vector<1x16xf32>,
          %get3A_881 = vector.shape_cast %get3A_880 : vector<1x16xf32> to vector<16xf32>
          %swap3A_882 = arith.index_cast %add3A_877 : i32 to index
          %swap3A_883 = tpu.vector_load %run_scoped3A[%swap3A_882] {strides = array<i32>} : memref<81920xf32, #tpu.memory_space<vmem>>, vector<16xf32>,
          %swap3A_884 = vector.shape_cast %swap3A_883 : vector<16xf32> to vector<16xf32>
          %swap3A_885 = vector.shape_cast %get3A_881 : vector<16xf32> to vector<16xf32>
          tpu.vector_store %run_scoped3A[%swap3A_882], %swap3A_885 {add = true, strides = array<i32>} : memref<81920xf32, #tpu.memory_space<vmem>>, vector<16xf32>,
          %add3A_886 = arith.constant 32 : i32
          %add3A_887 = arith.addi %squeeze3A_861, %add3A_886 : i32
          %get3A_888 = arith.index_cast %add3A_865 : i32 to index
          %get3A_889 = arith.constant 32 : index
          %get3A_890 = tpu.vector_load %arg6[%get3A_888, %get3A_889] {strides = array<i32>} : memref<64x64xf32, #tpu.memory_space<vmem>>, vector<1x16xf32>,
          %get3A_891 = vector.shape_cast %get3A_890 : vector<1x16xf32> to vector<16xf32>
          %swap3A_892 = arith.index_cast %add3A_887 : i32 to index
          %swap3A_893 = tpu.vector_load %run_scoped3A[%swap3A_892] {strides = array<i32>} : memref<81920xf32, #tpu.memory_space<vmem>>, vector<16xf32>,
          %swap3A_894 = vector.shape_cast %swap3A_893 : vector<16xf32> to vector<16xf32>
          %swap3A_895 = vector.shape_cast %get3A_891 : vector<16xf32> to vector<16xf32>
          tpu.vector_store %run_scoped3A[%swap3A_892], %swap3A_895 {add = true, strides = array<i32>} : memref<81920xf32, #tpu.memory_space<vmem>>, vector<16xf32>,
          %add3A_896 = arith.constant 48 : i32
          %add3A_897 = arith.addi %squeeze3A_861, %add3A_896 : i32
          %get3A_898 = arith.index_cast %add3A_865 : i32 to index
          %get3A_899 = arith.constant 48 : index
          %get3A_900 = tpu.vector_load %arg6[%get3A_898, %get3A_899] {strides = array<i32>} : memref<64x64xf32, #tpu.memory_space<vmem>>, vector<1x16xf32>,
          %get3A_901 = vector.shape_cast %get3A_900 : vector<1x16xf32> to vector<16xf32>
          %swap3A_902 = arith.index_cast %add3A_897 : i32 to index
          %swap3A_903 = tpu.vector_load %run_scoped3A[%swap3A_902] {strides = array<i32>} : memref<81920xf32, #tpu.memory_space<vmem>>, vector<16xf32>,
          %swap3A_904 = vector.shape_cast %swap3A_903 : vector<16xf32> to vector<16xf32>
          %swap3A_905 = vector.shape_cast %get3A_901 : vector<16xf32> to vector<16xf32>
          tpu.vector_store %run_scoped3A[%swap3A_902], %swap3A_905 {add = true, strides = array<i32>} : memref<81920xf32, #tpu.memory_space<vmem>>, vector<16xf32>,
          %add3A_906 = arith.constant 64 : i32
          %add3A_907 = arith.addi %squeeze3A_861, %add3A_906 : i32
          %swap3A_908 = arith.index_cast %add3A_907 : i32 to index
          %swap3A_909 = tpu.vector_load %run_scoped3A[%swap3A_908] {strides = array<i32>} : memref<81920xf32, #tpu.memory_space<vmem>>, vector<16xf32>,
          %swap3A_910 = vector.shape_cast %swap3A_909 : vector<16xf32> to vector<16xf32>
          %swap3A_911 = vector.shape_cast %broadcast_in_dim3A_3 : vector<16xf32> to vector<16xf32>
          tpu.vector_store %run_scoped3A[%swap3A_908], %swap3A_911 {add = true, strides = array<i32>} : memref<81920xf32, #tpu.memory_space<vmem>>, vector<16xf32>,
        }
        %scan3A_46 = arith.constant 4 : i32
        %dma_wait3A_47 = arith.constant 0 : i32
        %dma_wait3A_48 = tpu.memref_slice %arg2[%mul3A_2, %dma_wait3A_47] : memref<102400x64xf32, #tpu.memory_space<hbm>> -> memref<64x64xf32, #tpu.memory_space<hbm>>
        %dma_wait3A_49 = arith.constant 0 : i32
        %dma_wait3A_50 = tpu.memref_slice %arg2[%mul3A_2, %dma_wait3A_49] : memref<102400x64xf32, #tpu.memory_space<hbm>> -> memref<64x64xf32, #tpu.memory_space<hbm>>
        tpu.wait_dma2 semaphore(%arg10 : memref<!tpu.dma_semaphore, #tpu.memory_space<semaphore_mem>>) src(%dma_wait3A_50 : memref<64x64xf32, #tpu.memory_space<hbm>>) dst(%arg7 : memref<64x64xf32, #tpu.memory_space<vmem>>)
        %mul3A_51 = arith.constant 2 : i32
        %mul3A_52 = arith.muli %mul3A_51, %scan3A_23 : i32
        %add3A_53 = arith.constant 2 : i32
        %add3A_54 = arith.addi %mul3A_52, %add3A_53 : i32
        %mul3A_55 = arith.constant 64 : i32
        %mul3A_56 = arith.muli %add3A_54, %mul3A_55 : i32
        %add3A_57 = arith.addi %mul3A_2, %mul3A_56 : i32
        %dma_start3A_58 = arith.constant 0 : i32
        %dma_start3A_59 = tpu.memref_slice %arg2[%add3A_57, %dma_start3A_58] : memref<102400x64xf32, #tpu.memory_space<hbm>> -> memref<64x64xf32, #tpu.memory_space<hbm>>
        %dma_start3A_60 = arith.constant 0 : i32
        %dma_start3A_61 = tpu.memref_slice %arg2[%add3A_57, %dma_start3A_60] : memref<102400x64xf32, #tpu.memory_space<hbm>> -> memref<64x64xf32, #tpu.memory_space<hbm>>
        tpu.enqueue_dma source(%dma_start3A_61 : memref<64x64xf32, #tpu.memory_space<hbm>>) target(%arg6 : memref<64x64xf32, #tpu.memory_space<vmem>>) target_semaphore(%arg9 : memref<!tpu.dma_semaphore, #tpu.memory_space<semaphore_mem>>)
        %mul3A_62 = arith.constant 2 : i32
        %mul3A_63 = arith.muli %mul3A_62, %scan3A_23 : i32
        %add3A_64 = arith.constant 1 : i32
        %add3A_65 = arith.addi %mul3A_63, %add3A_64 : i32
        %scan3A_66 = arith.constant 0 : i32
        %scan3A_67 = arith.constant 0 : i32
        %scan3A_68 = arith.constant 4 : i32
        %scan3A_69 = arith.addi %scan3A_67, %scan3A_68 : i32
        %scan3A_70 = arith.constant 1 : i32
        scf.for %scan3A_72 = %scan3A_67 to %scan3A_69 step %scan3A_70  : i32 {
          %mul3A_73 = arith.constant 64 : i32
          %mul3A_74 = arith.muli %add3A_65, %mul3A_73 : i32
          %mul3A_75 = arith.constant 16 : i32
          %mul3A_76 = arith.muli %scan3A_72, %mul3A_75 : i32
          %add3A_77 = arith.addi %mul3A_74, %mul3A_76 : i32
          %get3A = arith.index_cast %add3A_77 : i32 to index
          %get3A_78 = tpu.vector_load %arg8[%get3A] {strides = array<i32>} : memref<3200xi32, #tpu.memory_space<vmem>>, vector<16xi32>,
          %get3A_79 = vector.shape_cast %get3A_78 : vector<16xi32> to vector<16xi32>
          %mul3A_80 = arith.constant 80 : i32
          %mul3A_81 = vector.broadcast %mul3A_80 : i32 to vector<16xi32>
          %mul3A_82 = arith.muli %get3A_79, %mul3A_81 : vector<16xi32>
          %slice3A = vector.extract_strided_slice %mul3A_82 {offsets = [0], sizes = [1], strides = [1]} : vector<16xi32> to vector<1xi32>
          %squeeze3A = vector.extract %slice3A[0] : i32 from vector<1xi32>
          %mul3A_83 = arith.constant 16 : i32
          %mul3A_84 = arith.muli %scan3A_72, %mul3A_83 : i32
          %add3A_85 = arith.constant 0 : i32
          %add3A_86 = arith.addi %mul3A_84, %add3A_85 : i32
          %add3A_87 = arith.constant 0 : i32
          %add3A_88 = arith.addi %squeeze3A, %add3A_87 : i32
          %get3A_89 = arith.index_cast %add3A_86 : i32 to index
          %get3A_90 = arith.constant 0 : index
          %get3A_91 = tpu.vector_load %arg7[%get3A_89, %get3A_90] {strides = array<i32>} : memref<64x64xf32, #tpu.memory_space<vmem>>, vector<1x16xf32>,
          %get3A_92 = vector.shape_cast %get3A_91 : vector<1x16xf32> to vector<16xf32>
          %swap3A = arith.index_cast %add3A_88 : i32 to index
          %swap3A_93 = tpu.vector_load %run_scoped3A[%swap3A] {strides = array<i32>} : memref<81920xf32, #tpu.memory_space<vmem>>, vector<16xf32>,
          %swap3A_94 = vector.shape_cast %swap3A_93 : vector<16xf32> to vector<16xf32>
          %swap3A_95 = vector.shape_cast %get3A_92 : vector<16xf32> to vector<16xf32>
          tpu.vector_store %run_scoped3A[%swap3A], %swap3A_95 {add = true, strides = array<i32>} : memref<81920xf32, #tpu.memory_space<vmem>>, vector<16xf32>,
          %add3A_96 = arith.constant 16 : i32
          %add3A_97 = arith.addi %squeeze3A, %add3A_96 : i32
          %get3A_98 = arith.index_cast %add3A_86 : i32 to index
          %get3A_99 = arith.constant 16 : index
          %get3A_100 = tpu.vector_load %arg7[%get3A_98, %get3A_99] {strides = array<i32>} : memref<64x64xf32, #tpu.memory_space<vmem>>, vector<1x16xf32>,
          %get3A_101 = vector.shape_cast %get3A_100 : vector<1x16xf32> to vector<16xf32>
          %swap3A_102 = arith.index_cast %add3A_97 : i32 to index
          %swap3A_103 = tpu.vector_load %run_scoped3A[%swap3A_102] {strides = array<i32>} : memref<81920xf32, #tpu.memory_space<vmem>>, vector<16xf32>,
          %swap3A_104 = vector.shape_cast %swap3A_103 : vector<16xf32> to vector<16xf32>
          %swap3A_105 = vector.shape_cast %get3A_101 : vector<16xf32> to vector<16xf32>
          tpu.vector_store %run_scoped3A[%swap3A_102], %swap3A_105 {add = true, strides = array<i32>} : memref<81920xf32, #tpu.memory_space<vmem>>, vector<16xf32>,
          %add3A_106 = arith.constant 32 : i32
          %add3A_107 = arith.addi %squeeze3A, %add3A_106 : i32
          %get3A_108 = arith.index_cast %add3A_86 : i32 to index
          %get3A_109 = arith.constant 32 : index
          %get3A_110 = tpu.vector_load %arg7[%get3A_108, %get3A_109] {strides = array<i32>} : memref<64x64xf32, #tpu.memory_space<vmem>>, vector<1x16xf32>,
          %get3A_111 = vector.shape_cast %get3A_110 : vector<1x16xf32> to vector<16xf32>
          %swap3A_112 = arith.index_cast %add3A_107 : i32 to index
          %swap3A_113 = tpu.vector_load %run_scoped3A[%swap3A_112] {strides = array<i32>} : memref<81920xf32, #tpu.memory_space<vmem>>, vector<16xf32>,
          %swap3A_114 = vector.shape_cast %swap3A_113 : vector<16xf32> to vector<16xf32>
          %swap3A_115 = vector.shape_cast %get3A_111 : vector<16xf32> to vector<16xf32>
          tpu.vector_store %run_scoped3A[%swap3A_112], %swap3A_115 {add = true, strides = array<i32>} : memref<81920xf32, #tpu.memory_space<vmem>>, vector<16xf32>,
          %add3A_116 = arith.constant 48 : i32
          %add3A_117 = arith.addi %squeeze3A, %add3A_116 : i32
          %get3A_118 = arith.index_cast %add3A_86 : i32 to index
          %get3A_119 = arith.constant 48 : index
          %get3A_120 = tpu.vector_load %arg7[%get3A_118, %get3A_119] {strides = array<i32>} : memref<64x64xf32, #tpu.memory_space<vmem>>, vector<1x16xf32>,
          %get3A_121 = vector.shape_cast %get3A_120 : vector<1x16xf32> to vector<16xf32>
          %swap3A_122 = arith.index_cast %add3A_117 : i32 to index
          %swap3A_123 = tpu.vector_load %run_scoped3A[%swap3A_122] {strides = array<i32>} : memref<81920xf32, #tpu.memory_space<vmem>>, vector<16xf32>,
          %swap3A_124 = vector.shape_cast %swap3A_123 : vector<16xf32> to vector<16xf32>
          %swap3A_125 = vector.shape_cast %get3A_121 : vector<16xf32> to vector<16xf32>
          tpu.vector_store %run_scoped3A[%swap3A_122], %swap3A_125 {add = true, strides = array<i32>} : memref<81920xf32, #tpu.memory_space<vmem>>, vector<16xf32>,
          %add3A_126 = arith.constant 64 : i32
          %add3A_127 = arith.addi %squeeze3A, %add3A_126 : i32
          %swap3A_128 = arith.index_cast %add3A_127 : i32 to index
          %swap3A_129 = tpu.vector_load %run_scoped3A[%swap3A_128] {strides = array<i32>} : memref<81920xf32, #tpu.memory_space<vmem>>, vector<16xf32>,
          %swap3A_130 = vector.shape_cast %swap3A_129 : vector<16xf32> to vector<16xf32>
          %swap3A_131 = vector.shape_cast %broadcast_in_dim3A_3 : vector<16xf32> to vector<16xf32>
          tpu.vector_store %run_scoped3A[%swap3A_128], %swap3A_131 {add = true, strides = array<i32>} : memref<81920xf32, #tpu.memory_space<vmem>>, vector<16xf32>,
          %slice3A_132 = vector.extract_strided_slice %mul3A_82 {offsets = [1], sizes = [1], strides = [1]} : vector<16xi32> to vector<1xi32>
          %squeeze3A_133 = vector.extract %slice3A_132[0] : i32 from vector<1xi32>
          %mul3A_134 = arith.constant 16 : i32
          %mul3A_135 = arith.muli %scan3A_72, %mul3A_134 : i32
          %add3A_136 = arith.constant 1 : i32
          %add3A_137 = arith.addi %mul3A_135, %add3A_136 : i32
          %add3A_138 = arith.constant 0 : i32
          %add3A_139 = arith.addi %squeeze3A_133, %add3A_138 : i32
          %get3A_140 = arith.index_cast %add3A_137 : i32 to index
          %get3A_141 = arith.constant 0 : index
          %get3A_142 = tpu.vector_load %arg7[%get3A_140, %get3A_141] {strides = array<i32>} : memref<64x64xf32, #tpu.memory_space<vmem>>, vector<1x16xf32>,
          %get3A_143 = vector.shape_cast %get3A_142 : vector<1x16xf32> to vector<16xf32>
          %swap3A_144 = arith.index_cast %add3A_139 : i32 to index
          %swap3A_145 = tpu.vector_load %run_scoped3A[%swap3A_144] {strides = array<i32>} : memref<81920xf32, #tpu.memory_space<vmem>>, vector<16xf32>,
          %swap3A_146 = vector.shape_cast %swap3A_145 : vector<16xf32> to vector<16xf32>
          %swap3A_147 = vector.shape_cast %get3A_143 : vector<16xf32> to vector<16xf32>
          tpu.vector_store %run_scoped3A[%swap3A_144], %swap3A_147 {add = true, strides = array<i32>} : memref<81920xf32, #tpu.memory_space<vmem>>, vector<16xf32>,
          %add3A_148 = arith.constant 16 : i32
          %add3A_149 = arith.addi %squeeze3A_133, %add3A_148 : i32
          %get3A_150 = arith.index_cast %add3A_137 : i32 to index
          %get3A_151 = arith.constant 16 : index
          %get3A_152 = tpu.vector_load %arg7[%get3A_150, %get3A_151] {strides = array<i32>} : memref<64x64xf32, #tpu.memory_space<vmem>>, vector<1x16xf32>,
          %get3A_153 = vector.shape_cast %get3A_152 : vector<1x16xf32> to vector<16xf32>
          %swap3A_154 = arith.index_cast %add3A_149 : i32 to index
          %swap3A_155 = tpu.vector_load %run_scoped3A[%swap3A_154] {strides = array<i32>} : memref<81920xf32, #tpu.memory_space<vmem>>, vector<16xf32>,
          %swap3A_156 = vector.shape_cast %swap3A_155 : vector<16xf32> to vector<16xf32>
          %swap3A_157 = vector.shape_cast %get3A_153 : vector<16xf32> to vector<16xf32>
          tpu.vector_store %run_scoped3A[%swap3A_154], %swap3A_157 {add = true, strides = array<i32>} : memref<81920xf32, #tpu.memory_space<vmem>>, vector<16xf32>,
          %add3A_158 = arith.constant 32 : i32
          %add3A_159 = arith.addi %squeeze3A_133, %add3A_158 : i32
          %get3A_160 = arith.index_cast %add3A_137 : i32 to index
          %get3A_161 = arith.constant 32 : index
          %get3A_162 = tpu.vector_load %arg7[%get3A_160, %get3A_161] {strides = array<i32>} : memref<64x64xf32, #tpu.memory_space<vmem>>, vector<1x16xf32>,
          %get3A_163 = vector.shape_cast %get3A_162 : vector<1x16xf32> to vector<16xf32>
          %swap3A_164 = arith.index_cast %add3A_159 : i32 to index
          %swap3A_165 = tpu.vector_load %run_scoped3A[%swap3A_164] {strides = array<i32>} : memref<81920xf32, #tpu.memory_space<vmem>>, vector<16xf32>,
          %swap3A_166 = vector.shape_cast %swap3A_165 : vector<16xf32> to vector<16xf32>
          %swap3A_167 = vector.shape_cast %get3A_163 : vector<16xf32> to vector<16xf32>
          tpu.vector_store %run_scoped3A[%swap3A_164], %swap3A_167 {add = true, strides = array<i32>} : memref<81920xf32, #tpu.memory_space<vmem>>, vector<16xf32>,
          %add3A_168 = arith.constant 48 : i32
          %add3A_169 = arith.addi %squeeze3A_133, %add3A_168 : i32
          %get3A_170 = arith.index_cast %add3A_137 : i32 to index
          %get3A_171 = arith.constant 48 : index
          %get3A_172 = tpu.vector_load %arg7[%get3A_170, %get3A_171] {strides = array<i32>} : memref<64x64xf32, #tpu.memory_space<vmem>>, vector<1x16xf32>,
          %get3A_173 = vector.shape_cast %get3A_172 : vector<1x16xf32> to vector<16xf32>
          %swap3A_174 = arith.index_cast %add3A_169 : i32 to index
          %swap3A_175 = tpu.vector_load %run_scoped3A[%swap3A_174] {strides = array<i32>} : memref<81920xf32, #tpu.memory_space<vmem>>, vector<16xf32>,
          %swap3A_176 = vector.shape_cast %swap3A_175 : vector<16xf32> to vector<16xf32>
          %swap3A_177 = vector.shape_cast %get3A_173 : vector<16xf32> to vector<16xf32>
          tpu.vector_store %run_scoped3A[%swap3A_174], %swap3A_177 {add = true, strides = array<i32>} : memref<81920xf32, #tpu.memory_space<vmem>>, vector<16xf32>,
          %add3A_178 = arith.constant 64 : i32
          %add3A_179 = arith.addi %squeeze3A_133, %add3A_178 : i32
          %swap3A_180 = arith.index_cast %add3A_179 : i32 to index
          %swap3A_181 = tpu.vector_load %run_scoped3A[%swap3A_180] {strides = array<i32>} : memref<81920xf32, #tpu.memory_space<vmem>>, vector<16xf32>,
          %swap3A_182 = vector.shape_cast %swap3A_181 : vector<16xf32> to vector<16xf32>
          %swap3A_183 = vector.shape_cast %broadcast_in_dim3A_3 : vector<16xf32> to vector<16xf32>
          tpu.vector_store %run_scoped3A[%swap3A_180], %swap3A_183 {add = true, strides = array<i32>} : memref<81920xf32, #tpu.memory_space<vmem>>, vector<16xf32>,
          %slice3A_184 = vector.extract_strided_slice %mul3A_82 {offsets = [2], sizes = [1], strides = [1]} : vector<16xi32> to vector<1xi32>
          %squeeze3A_185 = vector.extract %slice3A_184[0] : i32 from vector<1xi32>
          %mul3A_186 = arith.constant 16 : i32
          %mul3A_187 = arith.muli %scan3A_72, %mul3A_186 : i32
          %add3A_188 = arith.constant 2 : i32
          %add3A_189 = arith.addi %mul3A_187, %add3A_188 : i32
          %add3A_190 = arith.constant 0 : i32
          %add3A_191 = arith.addi %squeeze3A_185, %add3A_190 : i32
          %get3A_192 = arith.index_cast %add3A_189 : i32 to index
          %get3A_193 = arith.constant 0 : index
          %get3A_194 = tpu.vector_load %arg7[%get3A_192, %get3A_193] {strides = array<i32>} : memref<64x64xf32, #tpu.memory_space<vmem>>, vector<1x16xf32>,
          %get3A_195 = vector.shape_cast %get3A_194 : vector<1x16xf32> to vector<16xf32>
          %swap3A_196 = arith.index_cast %add3A_191 : i32 to index
          %swap3A_197 = tpu.vector_load %run_scoped3A[%swap3A_196] {strides = array<i32>} : memref<81920xf32, #tpu.memory_space<vmem>>, vector<16xf32>,
          %swap3A_198 = vector.shape_cast %swap3A_197 : vector<16xf32> to vector<16xf32>
          %swap3A_199 = vector.shape_cast %get3A_195 : vector<16xf32> to vector<16xf32>
          tpu.vector_store %run_scoped3A[%swap3A_196], %swap3A_199 {add = true, strides = array<i32>} : memref<81920xf32, #tpu.memory_space<vmem>>, vector<16xf32>,
          %add3A_200 = arith.constant 16 : i32
          %add3A_201 = arith.addi %squeeze3A_185, %add3A_200 : i32
          %get3A_202 = arith.index_cast %add3A_189 : i32 to index
          %get3A_203 = arith.constant 16 : index
          %get3A_204 = tpu.vector_load %arg7[%get3A_202, %get3A_203] {strides = array<i32>} : memref<64x64xf32, #tpu.memory_space<vmem>>, vector<1x16xf32>,
          %get3A_205 = vector.shape_cast %get3A_204 : vector<1x16xf32> to vector<16xf32>
          %swap3A_206 = arith.index_cast %add3A_201 : i32 to index
          %swap3A_207 = tpu.vector_load %run_scoped3A[%swap3A_206] {strides = array<i32>} : memref<81920xf32, #tpu.memory_space<vmem>>, vector<16xf32>,
          %swap3A_208 = vector.shape_cast %swap3A_207 : vector<16xf32> to vector<16xf32>
          %swap3A_209 = vector.shape_cast %get3A_205 : vector<16xf32> to vector<16xf32>
          tpu.vector_store %run_scoped3A[%swap3A_206], %swap3A_209 {add = true, strides = array<i32>} : memref<81920xf32, #tpu.memory_space<vmem>>, vector<16xf32>,
          %add3A_210 = arith.constant 32 : i32
          %add3A_211 = arith.addi %squeeze3A_185, %add3A_210 : i32
          %get3A_212 = arith.index_cast %add3A_189 : i32 to index
          %get3A_213 = arith.constant 32 : index
          %get3A_214 = tpu.vector_load %arg7[%get3A_212, %get3A_213] {strides = array<i32>} : memref<64x64xf32, #tpu.memory_space<vmem>>, vector<1x16xf32>,
          %get3A_215 = vector.shape_cast %get3A_214 : vector<1x16xf32> to vector<16xf32>
          %swap3A_216 = arith.index_cast %add3A_211 : i32 to index
          %swap3A_217 = tpu.vector_load %run_scoped3A[%swap3A_216] {strides = array<i32>} : memref<81920xf32, #tpu.memory_space<vmem>>, vector<16xf32>,
          %swap3A_218 = vector.shape_cast %swap3A_217 : vector<16xf32> to vector<16xf32>
          %swap3A_219 = vector.shape_cast %get3A_215 : vector<16xf32> to vector<16xf32>
          tpu.vector_store %run_scoped3A[%swap3A_216], %swap3A_219 {add = true, strides = array<i32>} : memref<81920xf32, #tpu.memory_space<vmem>>, vector<16xf32>,
          %add3A_220 = arith.constant 48 : i32
          %add3A_221 = arith.addi %squeeze3A_185, %add3A_220 : i32
          %get3A_222 = arith.index_cast %add3A_189 : i32 to index
          %get3A_223 = arith.constant 48 : index
          %get3A_224 = tpu.vector_load %arg7[%get3A_222, %get3A_223] {strides = array<i32>} : memref<64x64xf32, #tpu.memory_space<vmem>>, vector<1x16xf32>,
          %get3A_225 = vector.shape_cast %get3A_224 : vector<1x16xf32> to vector<16xf32>
          %swap3A_226 = arith.index_cast %add3A_221 : i32 to index
          %swap3A_227 = tpu.vector_load %run_scoped3A[%swap3A_226] {strides = array<i32>} : memref<81920xf32, #tpu.memory_space<vmem>>, vector<16xf32>,
          %swap3A_228 = vector.shape_cast %swap3A_227 : vector<16xf32> to vector<16xf32>
          %swap3A_229 = vector.shape_cast %get3A_225 : vector<16xf32> to vector<16xf32>
          tpu.vector_store %run_scoped3A[%swap3A_226], %swap3A_229 {add = true, strides = array<i32>} : memref<81920xf32, #tpu.memory_space<vmem>>, vector<16xf32>,
          %add3A_230 = arith.constant 64 : i32
          %add3A_231 = arith.addi %squeeze3A_185, %add3A_230 : i32
          %swap3A_232 = arith.index_cast %add3A_231 : i32 to index
          %swap3A_233 = tpu.vector_load %run_scoped3A[%swap3A_232] {strides = array<i32>} : memref<81920xf32, #tpu.memory_space<vmem>>, vector<16xf32>,
          %swap3A_234 = vector.shape_cast %swap3A_233 : vector<16xf32> to vector<16xf32>
          %swap3A_235 = vector.shape_cast %broadcast_in_dim3A_3 : vector<16xf32> to vector<16xf32>
          tpu.vector_store %run_scoped3A[%swap3A_232], %swap3A_235 {add = true, strides = array<i32>} : memref<81920xf32, #tpu.memory_space<vmem>>, vector<16xf32>,
          %slice3A_236 = vector.extract_strided_slice %mul3A_82 {offsets = [3], sizes = [1], strides = [1]} : vector<16xi32> to vector<1xi32>
          %squeeze3A_237 = vector.extract %slice3A_236[0] : i32 from vector<1xi32>
          %mul3A_238 = arith.constant 16 : i32
          %mul3A_239 = arith.muli %scan3A_72, %mul3A_238 : i32
          %add3A_240 = arith.constant 3 : i32
          %add3A_241 = arith.addi %mul3A_239, %add3A_240 : i32
          %add3A_242 = arith.constant 0 : i32
          %add3A_243 = arith.addi %squeeze3A_237, %add3A_242 : i32
          %get3A_244 = arith.index_cast %add3A_241 : i32 to index
          %get3A_245 = arith.constant 0 : index
          %get3A_246 = tpu.vector_load %arg7[%get3A_244, %get3A_245] {strides = array<i32>} : memref<64x64xf32, #tpu.memory_space<vmem>>, vector<1x16xf32>,
          %get3A_247 = vector.shape_cast %get3A_246 : vector<1x16xf32> to vector<16xf32>
          %swap3A_248 = arith.index_cast %add3A_243 : i32 to index
          %swap3A_249 = tpu.vector_load %run_scoped3A[%swap3A_248] {strides = array<i32>} : memref<81920xf32, #tpu.memory_space<vmem>>, vector<16xf32>,
          %swap3A_250 = vector.shape_cast %swap3A_249 : vector<16xf32> to vector<16xf32>
          %swap3A_251 = vector.shape_cast %get3A_247 : vector<16xf32> to vector<16xf32>
          tpu.vector_store %run_scoped3A[%swap3A_248], %swap3A_251 {add = true, strides = array<i32>} : memref<81920xf32, #tpu.memory_space<vmem>>, vector<16xf32>,
          %add3A_252 = arith.constant 16 : i32
          %add3A_253 = arith.addi %squeeze3A_237, %add3A_252 : i32
          %get3A_254 = arith.index_cast %add3A_241 : i32 to index
          %get3A_255 = arith.constant 16 : index
          %get3A_256 = tpu.vector_load %arg7[%get3A_254, %get3A_255] {strides = array<i32>} : memref<64x64xf32, #tpu.memory_space<vmem>>, vector<1x16xf32>,
          %get3A_257 = vector.shape_cast %get3A_256 : vector<1x16xf32> to vector<16xf32>
          %swap3A_258 = arith.index_cast %add3A_253 : i32 to index
          %swap3A_259 = tpu.vector_load %run_scoped3A[%swap3A_258] {strides = array<i32>} : memref<81920xf32, #tpu.memory_space<vmem>>, vector<16xf32>,
          %swap3A_260 = vector.shape_cast %swap3A_259 : vector<16xf32> to vector<16xf32>
          %swap3A_261 = vector.shape_cast %get3A_257 : vector<16xf32> to vector<16xf32>
          tpu.vector_store %run_scoped3A[%swap3A_258], %swap3A_261 {add = true, strides = array<i32>} : memref<81920xf32, #tpu.memory_space<vmem>>, vector<16xf32>,
          %add3A_262 = arith.constant 32 : i32
          %add3A_263 = arith.addi %squeeze3A_237, %add3A_262 : i32
          %get3A_264 = arith.index_cast %add3A_241 : i32 to index
          %get3A_265 = arith.constant 32 : index
          %get3A_266 = tpu.vector_load %arg7[%get3A_264, %get3A_265] {strides = array<i32>} : memref<64x64xf32, #tpu.memory_space<vmem>>, vector<1x16xf32>,
          %get3A_267 = vector.shape_cast %get3A_266 : vector<1x16xf32> to vector<16xf32>
          %swap3A_268 = arith.index_cast %add3A_263 : i32 to index
          %swap3A_269 = tpu.vector_load %run_scoped3A[%swap3A_268] {strides = array<i32>} : memref<81920xf32, #tpu.memory_space<vmem>>, vector<16xf32>,
          %swap3A_270 = vector.shape_cast %swap3A_269 : vector<16xf32> to vector<16xf32>
          %swap3A_271 = vector.shape_cast %get3A_267 : vector<16xf32> to vector<16xf32>
          tpu.vector_store %run_scoped3A[%swap3A_268], %swap3A_271 {add = true, strides = array<i32>} : memref<81920xf32, #tpu.memory_space<vmem>>, vector<16xf32>,
          %add3A_272 = arith.constant 48 : i32
          %add3A_273 = arith.addi %squeeze3A_237, %add3A_272 : i32
          %get3A_274 = arith.index_cast %add3A_241 : i32 to index
          %get3A_275 = arith.constant 48 : index
          %get3A_276 = tpu.vector_load %arg7[%get3A_274, %get3A_275] {strides = array<i32>} : memref<64x64xf32, #tpu.memory_space<vmem>>, vector<1x16xf32>,
          %get3A_277 = vector.shape_cast %get3A_276 : vector<1x16xf32> to vector<16xf32>
          %swap3A_278 = arith.index_cast %add3A_273 : i32 to index
          %swap3A_279 = tpu.vector_load %run_scoped3A[%swap3A_278] {strides = array<i32>} : memref<81920xf32, #tpu.memory_space<vmem>>, vector<16xf32>,
          %swap3A_280 = vector.shape_cast %swap3A_279 : vector<16xf32> to vector<16xf32>
          %swap3A_281 = vector.shape_cast %get3A_277 : vector<16xf32> to vector<16xf32>
          tpu.vector_store %run_scoped3A[%swap3A_278], %swap3A_281 {add = true, strides = array<i32>} : memref<81920xf32, #tpu.memory_space<vmem>>, vector<16xf32>,
          %add3A_282 = arith.constant 64 : i32
          %add3A_283 = arith.addi %squeeze3A_237, %add3A_282 : i32
          %swap3A_284 = arith.index_cast %add3A_283 : i32 to index
          %swap3A_285 = tpu.vector_load %run_scoped3A[%swap3A_284] {strides = array<i32>} : memref<81920xf32, #tpu.memory_space<vmem>>, vector<16xf32>,
          %swap3A_286 = vector.shape_cast %swap3A_285 : vector<16xf32> to vector<16xf32>
          %swap3A_287 = vector.shape_cast %broadcast_in_dim3A_3 : vector<16xf32> to vector<16xf32>
          tpu.vector_store %run_scoped3A[%swap3A_284], %swap3A_287 {add = true, strides = array<i32>} : memref<81920xf32, #tpu.memory_space<vmem>>, vector<16xf32>,
          %slice3A_288 = vector.extract_strided_slice %mul3A_82 {offsets = [4], sizes = [1], strides = [1]} : vector<16xi32> to vector<1xi32>
          %squeeze3A_289 = vector.extract %slice3A_288[0] : i32 from vector<1xi32>
          %mul3A_290 = arith.constant 16 : i32
          %mul3A_291 = arith.muli %scan3A_72, %mul3A_290 : i32
          %add3A_292 = arith.constant 4 : i32
          %add3A_293 = arith.addi %mul3A_291, %add3A_292 : i32
          %add3A_294 = arith.constant 0 : i32
          %add3A_295 = arith.addi %squeeze3A_289, %add3A_294 : i32
          %get3A_296 = arith.index_cast %add3A_293 : i32 to index
          %get3A_297 = arith.constant 0 : index
          %get3A_298 = tpu.vector_load %arg7[%get3A_296, %get3A_297] {strides = array<i32>} : memref<64x64xf32, #tpu.memory_space<vmem>>, vector<1x16xf32>,
          %get3A_299 = vector.shape_cast %get3A_298 : vector<1x16xf32> to vector<16xf32>
          %swap3A_300 = arith.index_cast %add3A_295 : i32 to index
          %swap3A_301 = tpu.vector_load %run_scoped3A[%swap3A_300] {strides = array<i32>} : memref<81920xf32, #tpu.memory_space<vmem>>, vector<16xf32>,
          %swap3A_302 = vector.shape_cast %swap3A_301 : vector<16xf32> to vector<16xf32>
          %swap3A_303 = vector.shape_cast %get3A_299 : vector<16xf32> to vector<16xf32>
          tpu.vector_store %run_scoped3A[%swap3A_300], %swap3A_303 {add = true, strides = array<i32>} : memref<81920xf32, #tpu.memory_space<vmem>>, vector<16xf32>,
          %add3A_304 = arith.constant 16 : i32
          %add3A_305 = arith.addi %squeeze3A_289, %add3A_304 : i32
          %get3A_306 = arith.index_cast %add3A_293 : i32 to index
          %get3A_307 = arith.constant 16 : index
          %get3A_308 = tpu.vector_load %arg7[%get3A_306, %get3A_307] {strides = array<i32>} : memref<64x64xf32, #tpu.memory_space<vmem>>, vector<1x16xf32>,
          %get3A_309 = vector.shape_cast %get3A_308 : vector<1x16xf32> to vector<16xf32>
          %swap3A_310 = arith.index_cast %add3A_305 : i32 to index
          %swap3A_311 = tpu.vector_load %run_scoped3A[%swap3A_310] {strides = array<i32>} : memref<81920xf32, #tpu.memory_space<vmem>>, vector<16xf32>,
          %swap3A_312 = vector.shape_cast %swap3A_311 : vector<16xf32> to vector<16xf32>
          %swap3A_313 = vector.shape_cast %get3A_309 : vector<16xf32> to vector<16xf32>
          tpu.vector_store %run_scoped3A[%swap3A_310], %swap3A_313 {add = true, strides = array<i32>} : memref<81920xf32, #tpu.memory_space<vmem>>, vector<16xf32>,
          %add3A_314 = arith.constant 32 : i32
          %add3A_315 = arith.addi %squeeze3A_289, %add3A_314 : i32
          %get3A_316 = arith.index_cast %add3A_293 : i32 to index
          %get3A_317 = arith.constant 32 : index
          %get3A_318 = tpu.vector_load %arg7[%get3A_316, %get3A_317] {strides = array<i32>} : memref<64x64xf32, #tpu.memory_space<vmem>>, vector<1x16xf32>,
          %get3A_319 = vector.shape_cast %get3A_318 : vector<1x16xf32> to vector<16xf32>
          %swap3A_320 = arith.index_cast %add3A_315 : i32 to index
          %swap3A_321 = tpu.vector_load %run_scoped3A[%swap3A_320] {strides = array<i32>} : memref<81920xf32, #tpu.memory_space<vmem>>, vector<16xf32>,
          %swap3A_322 = vector.shape_cast %swap3A_321 : vector<16xf32> to vector<16xf32>
          %swap3A_323 = vector.shape_cast %get3A_319 : vector<16xf32> to vector<16xf32>
          tpu.vector_store %run_scoped3A[%swap3A_320], %swap3A_323 {add = true, strides = array<i32>} : memref<81920xf32, #tpu.memory_space<vmem>>, vector<16xf32>,
          %add3A_324 = arith.constant 48 : i32
          %add3A_325 = arith.addi %squeeze3A_289, %add3A_324 : i32
          %get3A_326 = arith.index_cast %add3A_293 : i32 to index
          %get3A_327 = arith.constant 48 : index
          %get3A_328 = tpu.vector_load %arg7[%get3A_326, %get3A_327] {strides = array<i32>} : memref<64x64xf32, #tpu.memory_space<vmem>>, vector<1x16xf32>,
          %get3A_329 = vector.shape_cast %get3A_328 : vector<1x16xf32> to vector<16xf32>
          %swap3A_330 = arith.index_cast %add3A_325 : i32 to index
          %swap3A_331 = tpu.vector_load %run_scoped3A[%swap3A_330] {strides = array<i32>} : memref<81920xf32, #tpu.memory_space<vmem>>, vector<16xf32>,
          %swap3A_332 = vector.shape_cast %swap3A_331 : vector<16xf32> to vector<16xf32>
          %swap3A_333 = vector.shape_cast %get3A_329 : vector<16xf32> to vector<16xf32>
          tpu.vector_store %run_scoped3A[%swap3A_330], %swap3A_333 {add = true, strides = array<i32>} : memref<81920xf32, #tpu.memory_space<vmem>>, vector<16xf32>,
          %add3A_334 = arith.constant 64 : i32
          %add3A_335 = arith.addi %squeeze3A_289, %add3A_334 : i32
          %swap3A_336 = arith.index_cast %add3A_335 : i32 to index
          %swap3A_337 = tpu.vector_load %run_scoped3A[%swap3A_336] {strides = array<i32>} : memref<81920xf32, #tpu.memory_space<vmem>>, vector<16xf32>,
          %swap3A_338 = vector.shape_cast %swap3A_337 : vector<16xf32> to vector<16xf32>
          %swap3A_339 = vector.shape_cast %broadcast_in_dim3A_3 : vector<16xf32> to vector<16xf32>
          tpu.vector_store %run_scoped3A[%swap3A_336], %swap3A_339 {add = true, strides = array<i32>} : memref<81920xf32, #tpu.memory_space<vmem>>, vector<16xf32>,
          %slice3A_340 = vector.extract_strided_slice %mul3A_82 {offsets = [5], sizes = [1], strides = [1]} : vector<16xi32> to vector<1xi32>
          %squeeze3A_341 = vector.extract %slice3A_340[0] : i32 from vector<1xi32>
          %mul3A_342 = arith.constant 16 : i32
          %mul3A_343 = arith.muli %scan3A_72, %mul3A_342 : i32
          %add3A_344 = arith.constant 5 : i32
          %add3A_345 = arith.addi %mul3A_343, %add3A_344 : i32
          %add3A_346 = arith.constant 0 : i32
          %add3A_347 = arith.addi %squeeze3A_341, %add3A_346 : i32
          %get3A_348 = arith.index_cast %add3A_345 : i32 to index
          %get3A_349 = arith.constant 0 : index
          %get3A_350 = tpu.vector_load %arg7[%get3A_348, %get3A_349] {strides = array<i32>} : memref<64x64xf32, #tpu.memory_space<vmem>>, vector<1x16xf32>,
          %get3A_351 = vector.shape_cast %get3A_350 : vector<1x16xf32> to vector<16xf32>
          %swap3A_352 = arith.index_cast %add3A_347 : i32 to index
          %swap3A_353 = tpu.vector_load %run_scoped3A[%swap3A_352] {strides = array<i32>} : memref<81920xf32, #tpu.memory_space<vmem>>, vector<16xf32>,
          %swap3A_354 = vector.shape_cast %swap3A_353 : vector<16xf32> to vector<16xf32>
          %swap3A_355 = vector.shape_cast %get3A_351 : vector<16xf32> to vector<16xf32>
          tpu.vector_store %run_scoped3A[%swap3A_352], %swap3A_355 {add = true, strides = array<i32>} : memref<81920xf32, #tpu.memory_space<vmem>>, vector<16xf32>,
          %add3A_356 = arith.constant 16 : i32
          %add3A_357 = arith.addi %squeeze3A_341, %add3A_356 : i32
          %get3A_358 = arith.index_cast %add3A_345 : i32 to index
          %get3A_359 = arith.constant 16 : index
          %get3A_360 = tpu.vector_load %arg7[%get3A_358, %get3A_359] {strides = array<i32>} : memref<64x64xf32, #tpu.memory_space<vmem>>, vector<1x16xf32>,
          %get3A_361 = vector.shape_cast %get3A_360 : vector<1x16xf32> to vector<16xf32>
          %swap3A_362 = arith.index_cast %add3A_357 : i32 to index
          %swap3A_363 = tpu.vector_load %run_scoped3A[%swap3A_362] {strides = array<i32>} : memref<81920xf32, #tpu.memory_space<vmem>>, vector<16xf32>,
          %swap3A_364 = vector.shape_cast %swap3A_363 : vector<16xf32> to vector<16xf32>
          %swap3A_365 = vector.shape_cast %get3A_361 : vector<16xf32> to vector<16xf32>
          tpu.vector_store %run_scoped3A[%swap3A_362], %swap3A_365 {add = true, strides = array<i32>} : memref<81920xf32, #tpu.memory_space<vmem>>, vector<16xf32>,
          %add3A_366 = arith.constant 32 : i32
          %add3A_367 = arith.addi %squeeze3A_341, %add3A_366 : i32
          %get3A_368 = arith.index_cast %add3A_345 : i32 to index
          %get3A_369 = arith.constant 32 : index
          %get3A_370 = tpu.vector_load %arg7[%get3A_368, %get3A_369] {strides = array<i32>} : memref<64x64xf32, #tpu.memory_space<vmem>>, vector<1x16xf32>,
          %get3A_371 = vector.shape_cast %get3A_370 : vector<1x16xf32> to vector<16xf32>
          %swap3A_372 = arith.index_cast %add3A_367 : i32 to index
          %swap3A_373 = tpu.vector_load %run_scoped3A[%swap3A_372] {strides = array<i32>} : memref<81920xf32, #tpu.memory_space<vmem>>, vector<16xf32>,
          %swap3A_374 = vector.shape_cast %swap3A_373 : vector<16xf32> to vector<16xf32>
          %swap3A_375 = vector.shape_cast %get3A_371 : vector<16xf32> to vector<16xf32>
          tpu.vector_store %run_scoped3A[%swap3A_372], %swap3A_375 {add = true, strides = array<i32>} : memref<81920xf32, #tpu.memory_space<vmem>>, vector<16xf32>,
          %add3A_376 = arith.constant 48 : i32
          %add3A_377 = arith.addi %squeeze3A_341, %add3A_376 : i32
          %get3A_378 = arith.index_cast %add3A_345 : i32 to index
          %get3A_379 = arith.constant 48 : index
          %get3A_380 = tpu.vector_load %arg7[%get3A_378, %get3A_379] {strides = array<i32>} : memref<64x64xf32, #tpu.memory_space<vmem>>, vector<1x16xf32>,
          %get3A_381 = vector.shape_cast %get3A_380 : vector<1x16xf32> to vector<16xf32>
          %swap3A_382 = arith.index_cast %add3A_377 : i32 to index
          %swap3A_383 = tpu.vector_load %run_scoped3A[%swap3A_382] {strides = array<i32>} : memref<81920xf32, #tpu.memory_space<vmem>>, vector<16xf32>,
          %swap3A_384 = vector.shape_cast %swap3A_383 : vector<16xf32> to vector<16xf32>
          %swap3A_385 = vector.shape_cast %get3A_381 : vector<16xf32> to vector<16xf32>
          tpu.vector_store %run_scoped3A[%swap3A_382], %swap3A_385 {add = true, strides = array<i32>} : memref<81920xf32, #tpu.memory_space<vmem>>, vector<16xf32>,
          %add3A_386 = arith.constant 64 : i32
          %add3A_387 = arith.addi %squeeze3A_341, %add3A_386 : i32
          %swap3A_388 = arith.index_cast %add3A_387 : i32 to index
          %swap3A_389 = tpu.vector_load %run_scoped3A[%swap3A_388] {strides = array<i32>} : memref<81920xf32, #tpu.memory_space<vmem>>, vector<16xf32>,
          %swap3A_390 = vector.shape_cast %swap3A_389 : vector<16xf32> to vector<16xf32>
          %swap3A_391 = vector.shape_cast %broadcast_in_dim3A_3 : vector<16xf32> to vector<16xf32>
          tpu.vector_store %run_scoped3A[%swap3A_388], %swap3A_391 {add = true, strides = array<i32>} : memref<81920xf32, #tpu.memory_space<vmem>>, vector<16xf32>,
          %slice3A_392 = vector.extract_strided_slice %mul3A_82 {offsets = [6], sizes = [1], strides = [1]} : vector<16xi32> to vector<1xi32>
          %squeeze3A_393 = vector.extract %slice3A_392[0] : i32 from vector<1xi32>
          %mul3A_394 = arith.constant 16 : i32
          %mul3A_395 = arith.muli %scan3A_72, %mul3A_394 : i32
          %add3A_396 = arith.constant 6 : i32
          %add3A_397 = arith.addi %mul3A_395, %add3A_396 : i32
          %add3A_398 = arith.constant 0 : i32
          %add3A_399 = arith.addi %squeeze3A_393, %add3A_398 : i32
          %get3A_400 = arith.index_cast %add3A_397 : i32 to index
          %get3A_401 = arith.constant 0 : index
          %get3A_402 = tpu.vector_load %arg7[%get3A_400, %get3A_401] {strides = array<i32>} : memref<64x64xf32, #tpu.memory_space<vmem>>, vector<1x16xf32>,
          %get3A_403 = vector.shape_cast %get3A_402 : vector<1x16xf32> to vector<16xf32>
          %swap3A_404 = arith.index_cast %add3A_399 : i32 to index
          %swap3A_405 = tpu.vector_load %run_scoped3A[%swap3A_404] {strides = array<i32>} : memref<81920xf32, #tpu.memory_space<vmem>>, vector<16xf32>,
          %swap3A_406 = vector.shape_cast %swap3A_405 : vector<16xf32> to vector<16xf32>
          %swap3A_407 = vector.shape_cast %get3A_403 : vector<16xf32> to vector<16xf32>
          tpu.vector_store %run_scoped3A[%swap3A_404], %swap3A_407 {add = true, strides = array<i32>} : memref<81920xf32, #tpu.memory_space<vmem>>, vector<16xf32>,
          %add3A_408 = arith.constant 16 : i32
          %add3A_409 = arith.addi %squeeze3A_393, %add3A_408 : i32
          %get3A_410 = arith.index_cast %add3A_397 : i32 to index
          %get3A_411 = arith.constant 16 : index
          %get3A_412 = tpu.vector_load %arg7[%get3A_410, %get3A_411] {strides = array<i32>} : memref<64x64xf32, #tpu.memory_space<vmem>>, vector<1x16xf32>,
          %get3A_413 = vector.shape_cast %get3A_412 : vector<1x16xf32> to vector<16xf32>
          %swap3A_414 = arith.index_cast %add3A_409 : i32 to index
          %swap3A_415 = tpu.vector_load %run_scoped3A[%swap3A_414] {strides = array<i32>} : memref<81920xf32, #tpu.memory_space<vmem>>, vector<16xf32>,
          %swap3A_416 = vector.shape_cast %swap3A_415 : vector<16xf32> to vector<16xf32>
          %swap3A_417 = vector.shape_cast %get3A_413 : vector<16xf32> to vector<16xf32>
          tpu.vector_store %run_scoped3A[%swap3A_414], %swap3A_417 {add = true, strides = array<i32>} : memref<81920xf32, #tpu.memory_space<vmem>>, vector<16xf32>,
          %add3A_418 = arith.constant 32 : i32
          %add3A_419 = arith.addi %squeeze3A_393, %add3A_418 : i32
          %get3A_420 = arith.index_cast %add3A_397 : i32 to index
          %get3A_421 = arith.constant 32 : index
          %get3A_422 = tpu.vector_load %arg7[%get3A_420, %get3A_421] {strides = array<i32>} : memref<64x64xf32, #tpu.memory_space<vmem>>, vector<1x16xf32>,
          %get3A_423 = vector.shape_cast %get3A_422 : vector<1x16xf32> to vector<16xf32>
          %swap3A_424 = arith.index_cast %add3A_419 : i32 to index
          %swap3A_425 = tpu.vector_load %run_scoped3A[%swap3A_424] {strides = array<i32>} : memref<81920xf32, #tpu.memory_space<vmem>>, vector<16xf32>,
          %swap3A_426 = vector.shape_cast %swap3A_425 : vector<16xf32> to vector<16xf32>
          %swap3A_427 = vector.shape_cast %get3A_423 : vector<16xf32> to vector<16xf32>
          tpu.vector_store %run_scoped3A[%swap3A_424], %swap3A_427 {add = true, strides = array<i32>} : memref<81920xf32, #tpu.memory_space<vmem>>, vector<16xf32>,
          %add3A_428 = arith.constant 48 : i32
          %add3A_429 = arith.addi %squeeze3A_393, %add3A_428 : i32
          %get3A_430 = arith.index_cast %add3A_397 : i32 to index
          %get3A_431 = arith.constant 48 : index
          %get3A_432 = tpu.vector_load %arg7[%get3A_430, %get3A_431] {strides = array<i32>} : memref<64x64xf32, #tpu.memory_space<vmem>>, vector<1x16xf32>,
          %get3A_433 = vector.shape_cast %get3A_432 : vector<1x16xf32> to vector<16xf32>
          %swap3A_434 = arith.index_cast %add3A_429 : i32 to index
          %swap3A_435 = tpu.vector_load %run_scoped3A[%swap3A_434] {strides = array<i32>} : memref<81920xf32, #tpu.memory_space<vmem>>, vector<16xf32>,
          %swap3A_436 = vector.shape_cast %swap3A_435 : vector<16xf32> to vector<16xf32>
          %swap3A_437 = vector.shape_cast %get3A_433 : vector<16xf32> to vector<16xf32>
          tpu.vector_store %run_scoped3A[%swap3A_434], %swap3A_437 {add = true, strides = array<i32>} : memref<81920xf32, #tpu.memory_space<vmem>>, vector<16xf32>,
          %add3A_438 = arith.constant 64 : i32
          %add3A_439 = arith.addi %squeeze3A_393, %add3A_438 : i32
          %swap3A_440 = arith.index_cast %add3A_439 : i32 to index
          %swap3A_441 = tpu.vector_load %run_scoped3A[%swap3A_440] {strides = array<i32>} : memref<81920xf32, #tpu.memory_space<vmem>>, vector<16xf32>,
          %swap3A_442 = vector.shape_cast %swap3A_441 : vector<16xf32> to vector<16xf32>
          %swap3A_443 = vector.shape_cast %broadcast_in_dim3A_3 : vector<16xf32> to vector<16xf32>
          tpu.vector_store %run_scoped3A[%swap3A_440], %swap3A_443 {add = true, strides = array<i32>} : memref<81920xf32, #tpu.memory_space<vmem>>, vector<16xf32>,
          %slice3A_444 = vector.extract_strided_slice %mul3A_82 {offsets = [7], sizes = [1], strides = [1]} : vector<16xi32> to vector<1xi32>
          %squeeze3A_445 = vector.extract %slice3A_444[0] : i32 from vector<1xi32>
          %mul3A_446 = arith.constant 16 : i32
          %mul3A_447 = arith.muli %scan3A_72, %mul3A_446 : i32
          %add3A_448 = arith.constant 7 : i32
          %add3A_449 = arith.addi %mul3A_447, %add3A_448 : i32
          %add3A_450 = arith.constant 0 : i32
          %add3A_451 = arith.addi %squeeze3A_445, %add3A_450 : i32
          %get3A_452 = arith.index_cast %add3A_449 : i32 to index
          %get3A_453 = arith.constant 0 : index
          %get3A_454 = tpu.vector_load %arg7[%get3A_452, %get3A_453] {strides = array<i32>} : memref<64x64xf32, #tpu.memory_space<vmem>>, vector<1x16xf32>,
          %get3A_455 = vector.shape_cast %get3A_454 : vector<1x16xf32> to vector<16xf32>
          %swap3A_456 = arith.index_cast %add3A_451 : i32 to index
          %swap3A_457 = tpu.vector_load %run_scoped3A[%swap3A_456] {strides = array<i32>} : memref<81920xf32, #tpu.memory_space<vmem>>, vector<16xf32>,
          %swap3A_458 = vector.shape_cast %swap3A_457 : vector<16xf32> to vector<16xf32>
          %swap3A_459 = vector.shape_cast %get3A_455 : vector<16xf32> to vector<16xf32>
          tpu.vector_store %run_scoped3A[%swap3A_456], %swap3A_459 {add = true, strides = array<i32>} : memref<81920xf32, #tpu.memory_space<vmem>>, vector<16xf32>,
          %add3A_460 = arith.constant 16 : i32
          %add3A_461 = arith.addi %squeeze3A_445, %add3A_460 : i32
          %get3A_462 = arith.index_cast %add3A_449 : i32 to index
          %get3A_463 = arith.constant 16 : index
          %get3A_464 = tpu.vector_load %arg7[%get3A_462, %get3A_463] {strides = array<i32>} : memref<64x64xf32, #tpu.memory_space<vmem>>, vector<1x16xf32>,
          %get3A_465 = vector.shape_cast %get3A_464 : vector<1x16xf32> to vector<16xf32>
          %swap3A_466 = arith.index_cast %add3A_461 : i32 to index
          %swap3A_467 = tpu.vector_load %run_scoped3A[%swap3A_466] {strides = array<i32>} : memref<81920xf32, #tpu.memory_space<vmem>>, vector<16xf32>,
          %swap3A_468 = vector.shape_cast %swap3A_467 : vector<16xf32> to vector<16xf32>
          %swap3A_469 = vector.shape_cast %get3A_465 : vector<16xf32> to vector<16xf32>
          tpu.vector_store %run_scoped3A[%swap3A_466], %swap3A_469 {add = true, strides = array<i32>} : memref<81920xf32, #tpu.memory_space<vmem>>, vector<16xf32>,
          %add3A_470 = arith.constant 32 : i32
          %add3A_471 = arith.addi %squeeze3A_445, %add3A_470 : i32
          %get3A_472 = arith.index_cast %add3A_449 : i32 to index
          %get3A_473 = arith.constant 32 : index
          %get3A_474 = tpu.vector_load %arg7[%get3A_472, %get3A_473] {strides = array<i32>} : memref<64x64xf32, #tpu.memory_space<vmem>>, vector<1x16xf32>,
          %get3A_475 = vector.shape_cast %get3A_474 : vector<1x16xf32> to vector<16xf32>
          %swap3A_476 = arith.index_cast %add3A_471 : i32 to index
          %swap3A_477 = tpu.vector_load %run_scoped3A[%swap3A_476] {strides = array<i32>} : memref<81920xf32, #tpu.memory_space<vmem>>, vector<16xf32>,
          %swap3A_478 = vector.shape_cast %swap3A_477 : vector<16xf32> to vector<16xf32>
          %swap3A_479 = vector.shape_cast %get3A_475 : vector<16xf32> to vector<16xf32>
          tpu.vector_store %run_scoped3A[%swap3A_476], %swap3A_479 {add = true, strides = array<i32>} : memref<81920xf32, #tpu.memory_space<vmem>>, vector<16xf32>,
          %add3A_480 = arith.constant 48 : i32
          %add3A_481 = arith.addi %squeeze3A_445, %add3A_480 : i32
          %get3A_482 = arith.index_cast %add3A_449 : i32 to index
          %get3A_483 = arith.constant 48 : index
          %get3A_484 = tpu.vector_load %arg7[%get3A_482, %get3A_483] {strides = array<i32>} : memref<64x64xf32, #tpu.memory_space<vmem>>, vector<1x16xf32>,
          %get3A_485 = vector.shape_cast %get3A_484 : vector<1x16xf32> to vector<16xf32>
          %swap3A_486 = arith.index_cast %add3A_481 : i32 to index
          %swap3A_487 = tpu.vector_load %run_scoped3A[%swap3A_486] {strides = array<i32>} : memref<81920xf32, #tpu.memory_space<vmem>>, vector<16xf32>,
          %swap3A_488 = vector.shape_cast %swap3A_487 : vector<16xf32> to vector<16xf32>
          %swap3A_489 = vector.shape_cast %get3A_485 : vector<16xf32> to vector<16xf32>
          tpu.vector_store %run_scoped3A[%swap3A_486], %swap3A_489 {add = true, strides = array<i32>} : memref<81920xf32, #tpu.memory_space<vmem>>, vector<16xf32>,
          %add3A_490 = arith.constant 64 : i32
          %add3A_491 = arith.addi %squeeze3A_445, %add3A_490 : i32
          %swap3A_492 = arith.index_cast %add3A_491 : i32 to index
          %swap3A_493 = tpu.vector_load %run_scoped3A[%swap3A_492] {strides = array<i32>} : memref<81920xf32, #tpu.memory_space<vmem>>, vector<16xf32>,
          %swap3A_494 = vector.shape_cast %swap3A_493 : vector<16xf32> to vector<16xf32>
          %swap3A_495 = vector.shape_cast %broadcast_in_dim3A_3 : vector<16xf32> to vector<16xf32>
          tpu.vector_store %run_scoped3A[%swap3A_492], %swap3A_495 {add = true, strides = array<i32>} : memref<81920xf32, #tpu.memory_space<vmem>>, vector<16xf32>,
          %slice3A_496 = vector.extract_strided_slice %mul3A_82 {offsets = [8], sizes = [1], strides = [1]} : vector<16xi32> to vector<1xi32>
          %squeeze3A_497 = vector.extract %slice3A_496[0] : i32 from vector<1xi32>
          %mul3A_498 = arith.constant 16 : i32
          %mul3A_499 = arith.muli %scan3A_72, %mul3A_498 : i32
          %add3A_500 = arith.constant 8 : i32
          %add3A_501 = arith.addi %mul3A_499, %add3A_500 : i32
          %add3A_502 = arith.constant 0 : i32
          %add3A_503 = arith.addi %squeeze3A_497, %add3A_502 : i32
          %get3A_504 = arith.index_cast %add3A_501 : i32 to index
          %get3A_505 = arith.constant 0 : index
          %get3A_506 = tpu.vector_load %arg7[%get3A_504, %get3A_505] {strides = array<i32>} : memref<64x64xf32, #tpu.memory_space<vmem>>, vector<1x16xf32>,
          %get3A_507 = vector.shape_cast %get3A_506 : vector<1x16xf32> to vector<16xf32>
          %swap3A_508 = arith.index_cast %add3A_503 : i32 to index
          %swap3A_509 = tpu.vector_load %run_scoped3A[%swap3A_508] {strides = array<i32>} : memref<81920xf32, #tpu.memory_space<vmem>>, vector<16xf32>,
          %swap3A_510 = vector.shape_cast %swap3A_509 : vector<16xf32> to vector<16xf32>
          %swap3A_511 = vector.shape_cast %get3A_507 : vector<16xf32> to vector<16xf32>
          tpu.vector_store %run_scoped3A[%swap3A_508], %swap3A_511 {add = true, strides = array<i32>} : memref<81920xf32, #tpu.memory_space<vmem>>, vector<16xf32>,
          %add3A_512 = arith.constant 16 : i32
          %add3A_513 = arith.addi %squeeze3A_497, %add3A_512 : i32
          %get3A_514 = arith.index_cast %add3A_501 : i32 to index
          %get3A_515 = arith.constant 16 : index
          %get3A_516 = tpu.vector_load %arg7[%get3A_514, %get3A_515] {strides = array<i32>} : memref<64x64xf32, #tpu.memory_space<vmem>>, vector<1x16xf32>,
          %get3A_517 = vector.shape_cast %get3A_516 : vector<1x16xf32> to vector<16xf32>
          %swap3A_518 = arith.index_cast %add3A_513 : i32 to index
          %swap3A_519 = tpu.vector_load %run_scoped3A[%swap3A_518] {strides = array<i32>} : memref<81920xf32, #tpu.memory_space<vmem>>, vector<16xf32>,
          %swap3A_520 = vector.shape_cast %swap3A_519 : vector<16xf32> to vector<16xf32>
          %swap3A_521 = vector.shape_cast %get3A_517 : vector<16xf32> to vector<16xf32>
          tpu.vector_store %run_scoped3A[%swap3A_518], %swap3A_521 {add = true, strides = array<i32>} : memref<81920xf32, #tpu.memory_space<vmem>>, vector<16xf32>,
          %add3A_522 = arith.constant 32 : i32
          %add3A_523 = arith.addi %squeeze3A_497, %add3A_522 : i32
          %get3A_524 = arith.index_cast %add3A_501 : i32 to index
          %get3A_525 = arith.constant 32 : index
          %get3A_526 = tpu.vector_load %arg7[%get3A_524, %get3A_525] {strides = array<i32>} : memref<64x64xf32, #tpu.memory_space<vmem>>, vector<1x16xf32>,
          %get3A_527 = vector.shape_cast %get3A_526 : vector<1x16xf32> to vector<16xf32>
          %swap3A_528 = arith.index_cast %add3A_523 : i32 to index
          %swap3A_529 = tpu.vector_load %run_scoped3A[%swap3A_528] {strides = array<i32>} : memref<81920xf32, #tpu.memory_space<vmem>>, vector<16xf32>,
          %swap3A_530 = vector.shape_cast %swap3A_529 : vector<16xf32> to vector<16xf32>
          %swap3A_531 = vector.shape_cast %get3A_527 : vector<16xf32> to vector<16xf32>
          tpu.vector_store %run_scoped3A[%swap3A_528], %swap3A_531 {add = true, strides = array<i32>} : memref<81920xf32, #tpu.memory_space<vmem>>, vector<16xf32>,
          %add3A_532 = arith.constant 48 : i32
          %add3A_533 = arith.addi %squeeze3A_497, %add3A_532 : i32
          %get3A_534 = arith.index_cast %add3A_501 : i32 to index
          %get3A_535 = arith.constant 48 : index
          %get3A_536 = tpu.vector_load %arg7[%get3A_534, %get3A_535] {strides = array<i32>} : memref<64x64xf32, #tpu.memory_space<vmem>>, vector<1x16xf32>,
          %get3A_537 = vector.shape_cast %get3A_536 : vector<1x16xf32> to vector<16xf32>
          %swap3A_538 = arith.index_cast %add3A_533 : i32 to index
          %swap3A_539 = tpu.vector_load %run_scoped3A[%swap3A_538] {strides = array<i32>} : memref<81920xf32, #tpu.memory_space<vmem>>, vector<16xf32>,
          %swap3A_540 = vector.shape_cast %swap3A_539 : vector<16xf32> to vector<16xf32>
          %swap3A_541 = vector.shape_cast %get3A_537 : vector<16xf32> to vector<16xf32>
          tpu.vector_store %run_scoped3A[%swap3A_538], %swap3A_541 {add = true, strides = array<i32>} : memref<81920xf32, #tpu.memory_space<vmem>>, vector<16xf32>,
          %add3A_542 = arith.constant 64 : i32
          %add3A_543 = arith.addi %squeeze3A_497, %add3A_542 : i32
          %swap3A_544 = arith.index_cast %add3A_543 : i32 to index
          %swap3A_545 = tpu.vector_load %run_scoped3A[%swap3A_544] {strides = array<i32>} : memref<81920xf32, #tpu.memory_space<vmem>>, vector<16xf32>,
          %swap3A_546 = vector.shape_cast %swap3A_545 : vector<16xf32> to vector<16xf32>
          %swap3A_547 = vector.shape_cast %broadcast_in_dim3A_3 : vector<16xf32> to vector<16xf32>
          tpu.vector_store %run_scoped3A[%swap3A_544], %swap3A_547 {add = true, strides = array<i32>} : memref<81920xf32, #tpu.memory_space<vmem>>, vector<16xf32>,
          %slice3A_548 = vector.extract_strided_slice %mul3A_82 {offsets = [9], sizes = [1], strides = [1]} : vector<16xi32> to vector<1xi32>
          %squeeze3A_549 = vector.extract %slice3A_548[0] : i32 from vector<1xi32>
          %mul3A_550 = arith.constant 16 : i32
          %mul3A_551 = arith.muli %scan3A_72, %mul3A_550 : i32
          %add3A_552 = arith.constant 9 : i32
          %add3A_553 = arith.addi %mul3A_551, %add3A_552 : i32
          %add3A_554 = arith.constant 0 : i32
          %add3A_555 = arith.addi %squeeze3A_549, %add3A_554 : i32
          %get3A_556 = arith.index_cast %add3A_553 : i32 to index
          %get3A_557 = arith.constant 0 : index
          %get3A_558 = tpu.vector_load %arg7[%get3A_556, %get3A_557] {strides = array<i32>} : memref<64x64xf32, #tpu.memory_space<vmem>>, vector<1x16xf32>,
          %get3A_559 = vector.shape_cast %get3A_558 : vector<1x16xf32> to vector<16xf32>
          %swap3A_560 = arith.index_cast %add3A_555 : i32 to index
          %swap3A_561 = tpu.vector_load %run_scoped3A[%swap3A_560] {strides = array<i32>} : memref<81920xf32, #tpu.memory_space<vmem>>, vector<16xf32>,
          %swap3A_562 = vector.shape_cast %swap3A_561 : vector<16xf32> to vector<16xf32>
          %swap3A_563 = vector.shape_cast %get3A_559 : vector<16xf32> to vector<16xf32>
          tpu.vector_store %run_scoped3A[%swap3A_560], %swap3A_563 {add = true, strides = array<i32>} : memref<81920xf32, #tpu.memory_space<vmem>>, vector<16xf32>,
          %add3A_564 = arith.constant 16 : i32
          %add3A_565 = arith.addi %squeeze3A_549, %add3A_564 : i32
          %get3A_566 = arith.index_cast %add3A_553 : i32 to index
          %get3A_567 = arith.constant 16 : index
          %get3A_568 = tpu.vector_load %arg7[%get3A_566, %get3A_567] {strides = array<i32>} : memref<64x64xf32, #tpu.memory_space<vmem>>, vector<1x16xf32>,
          %get3A_569 = vector.shape_cast %get3A_568 : vector<1x16xf32> to vector<16xf32>
          %swap3A_570 = arith.index_cast %add3A_565 : i32 to index
          %swap3A_571 = tpu.vector_load %run_scoped3A[%swap3A_570] {strides = array<i32>} : memref<81920xf32, #tpu.memory_space<vmem>>, vector<16xf32>,
          %swap3A_572 = vector.shape_cast %swap3A_571 : vector<16xf32> to vector<16xf32>
          %swap3A_573 = vector.shape_cast %get3A_569 : vector<16xf32> to vector<16xf32>
          tpu.vector_store %run_scoped3A[%swap3A_570], %swap3A_573 {add = true, strides = array<i32>} : memref<81920xf32, #tpu.memory_space<vmem>>, vector<16xf32>,
          %add3A_574 = arith.constant 32 : i32
          %add3A_575 = arith.addi %squeeze3A_549, %add3A_574 : i32
          %get3A_576 = arith.index_cast %add3A_553 : i32 to index
          %get3A_577 = arith.constant 32 : index
          %get3A_578 = tpu.vector_load %arg7[%get3A_576, %get3A_577] {strides = array<i32>} : memref<64x64xf32, #tpu.memory_space<vmem>>, vector<1x16xf32>,
          %get3A_579 = vector.shape_cast %get3A_578 : vector<1x16xf32> to vector<16xf32>
          %swap3A_580 = arith.index_cast %add3A_575 : i32 to index
          %swap3A_581 = tpu.vector_load %run_scoped3A[%swap3A_580] {strides = array<i32>} : memref<81920xf32, #tpu.memory_space<vmem>>, vector<16xf32>,
          %swap3A_582 = vector.shape_cast %swap3A_581 : vector<16xf32> to vector<16xf32>
          %swap3A_583 = vector.shape_cast %get3A_579 : vector<16xf32> to vector<16xf32>
          tpu.vector_store %run_scoped3A[%swap3A_580], %swap3A_583 {add = true, strides = array<i32>} : memref<81920xf32, #tpu.memory_space<vmem>>, vector<16xf32>,
          %add3A_584 = arith.constant 48 : i32
          %add3A_585 = arith.addi %squeeze3A_549, %add3A_584 : i32
          %get3A_586 = arith.index_cast %add3A_553 : i32 to index
          %get3A_587 = arith.constant 48 : index
          %get3A_588 = tpu.vector_load %arg7[%get3A_586, %get3A_587] {strides = array<i32>} : memref<64x64xf32, #tpu.memory_space<vmem>>, vector<1x16xf32>,
          %get3A_589 = vector.shape_cast %get3A_588 : vector<1x16xf32> to vector<16xf32>
          %swap3A_590 = arith.index_cast %add3A_585 : i32 to index
          %swap3A_591 = tpu.vector_load %run_scoped3A[%swap3A_590] {strides = array<i32>} : memref<81920xf32, #tpu.memory_space<vmem>>, vector<16xf32>,
          %swap3A_592 = vector.shape_cast %swap3A_591 : vector<16xf32> to vector<16xf32>
          %swap3A_593 = vector.shape_cast %get3A_589 : vector<16xf32> to vector<16xf32>
          tpu.vector_store %run_scoped3A[%swap3A_590], %swap3A_593 {add = true, strides = array<i32>} : memref<81920xf32, #tpu.memory_space<vmem>>, vector<16xf32>,
          %add3A_594 = arith.constant 64 : i32
          %add3A_595 = arith.addi %squeeze3A_549, %add3A_594 : i32
          %swap3A_596 = arith.index_cast %add3A_595 : i32 to index
          %swap3A_597 = tpu.vector_load %run_scoped3A[%swap3A_596] {strides = array<i32>} : memref<81920xf32, #tpu.memory_space<vmem>>, vector<16xf32>,
          %swap3A_598 = vector.shape_cast %swap3A_597 : vector<16xf32> to vector<16xf32>
          %swap3A_599 = vector.shape_cast %broadcast_in_dim3A_3 : vector<16xf32> to vector<16xf32>
          tpu.vector_store %run_scoped3A[%swap3A_596], %swap3A_599 {add = true, strides = array<i32>} : memref<81920xf32, #tpu.memory_space<vmem>>, vector<16xf32>,
          %slice3A_600 = vector.extract_strided_slice %mul3A_82 {offsets = [10], sizes = [1], strides = [1]} : vector<16xi32> to vector<1xi32>
          %squeeze3A_601 = vector.extract %slice3A_600[0] : i32 from vector<1xi32>
          %mul3A_602 = arith.constant 16 : i32
          %mul3A_603 = arith.muli %scan3A_72, %mul3A_602 : i32
          %add3A_604 = arith.constant 10 : i32
          %add3A_605 = arith.addi %mul3A_603, %add3A_604 : i32
          %add3A_606 = arith.constant 0 : i32
          %add3A_607 = arith.addi %squeeze3A_601, %add3A_606 : i32
          %get3A_608 = arith.index_cast %add3A_605 : i32 to index
          %get3A_609 = arith.constant 0 : index
          %get3A_610 = tpu.vector_load %arg7[%get3A_608, %get3A_609] {strides = array<i32>} : memref<64x64xf32, #tpu.memory_space<vmem>>, vector<1x16xf32>,
          %get3A_611 = vector.shape_cast %get3A_610 : vector<1x16xf32> to vector<16xf32>
          %swap3A_612 = arith.index_cast %add3A_607 : i32 to index
          %swap3A_613 = tpu.vector_load %run_scoped3A[%swap3A_612] {strides = array<i32>} : memref<81920xf32, #tpu.memory_space<vmem>>, vector<16xf32>,
          %swap3A_614 = vector.shape_cast %swap3A_613 : vector<16xf32> to vector<16xf32>
          %swap3A_615 = vector.shape_cast %get3A_611 : vector<16xf32> to vector<16xf32>
          tpu.vector_store %run_scoped3A[%swap3A_612], %swap3A_615 {add = true, strides = array<i32>} : memref<81920xf32, #tpu.memory_space<vmem>>, vector<16xf32>,
          %add3A_616 = arith.constant 16 : i32
          %add3A_617 = arith.addi %squeeze3A_601, %add3A_616 : i32
          %get3A_618 = arith.index_cast %add3A_605 : i32 to index
          %get3A_619 = arith.constant 16 : index
          %get3A_620 = tpu.vector_load %arg7[%get3A_618, %get3A_619] {strides = array<i32>} : memref<64x64xf32, #tpu.memory_space<vmem>>, vector<1x16xf32>,
          %get3A_621 = vector.shape_cast %get3A_620 : vector<1x16xf32> to vector<16xf32>
          %swap3A_622 = arith.index_cast %add3A_617 : i32 to index
          %swap3A_623 = tpu.vector_load %run_scoped3A[%swap3A_622] {strides = array<i32>} : memref<81920xf32, #tpu.memory_space<vmem>>, vector<16xf32>,
          %swap3A_624 = vector.shape_cast %swap3A_623 : vector<16xf32> to vector<16xf32>
          %swap3A_625 = vector.shape_cast %get3A_621 : vector<16xf32> to vector<16xf32>
          tpu.vector_store %run_scoped3A[%swap3A_622], %swap3A_625 {add = true, strides = array<i32>} : memref<81920xf32, #tpu.memory_space<vmem>>, vector<16xf32>,
          %add3A_626 = arith.constant 32 : i32
          %add3A_627 = arith.addi %squeeze3A_601, %add3A_626 : i32
          %get3A_628 = arith.index_cast %add3A_605 : i32 to index
          %get3A_629 = arith.constant 32 : index
          %get3A_630 = tpu.vector_load %arg7[%get3A_628, %get3A_629] {strides = array<i32>} : memref<64x64xf32, #tpu.memory_space<vmem>>, vector<1x16xf32>,
          %get3A_631 = vector.shape_cast %get3A_630 : vector<1x16xf32> to vector<16xf32>
          %swap3A_632 = arith.index_cast %add3A_627 : i32 to index
          %swap3A_633 = tpu.vector_load %run_scoped3A[%swap3A_632] {strides = array<i32>} : memref<81920xf32, #tpu.memory_space<vmem>>, vector<16xf32>,
          %swap3A_634 = vector.shape_cast %swap3A_633 : vector<16xf32> to vector<16xf32>
          %swap3A_635 = vector.shape_cast %get3A_631 : vector<16xf32> to vector<16xf32>
          tpu.vector_store %run_scoped3A[%swap3A_632], %swap3A_635 {add = true, strides = array<i32>} : memref<81920xf32, #tpu.memory_space<vmem>>, vector<16xf32>,
          %add3A_636 = arith.constant 48 : i32
          %add3A_637 = arith.addi %squeeze3A_601, %add3A_636 : i32
          %get3A_638 = arith.index_cast %add3A_605 : i32 to index
          %get3A_639 = arith.constant 48 : index
          %get3A_640 = tpu.vector_load %arg7[%get3A_638, %get3A_639] {strides = array<i32>} : memref<64x64xf32, #tpu.memory_space<vmem>>, vector<1x16xf32>,
          %get3A_641 = vector.shape_cast %get3A_640 : vector<1x16xf32> to vector<16xf32>
          %swap3A_642 = arith.index_cast %add3A_637 : i32 to index
          %swap3A_643 = tpu.vector_load %run_scoped3A[%swap3A_642] {strides = array<i32>} : memref<81920xf32, #tpu.memory_space<vmem>>, vector<16xf32>,
          %swap3A_644 = vector.shape_cast %swap3A_643 : vector<16xf32> to vector<16xf32>
          %swap3A_645 = vector.shape_cast %get3A_641 : vector<16xf32> to vector<16xf32>
          tpu.vector_store %run_scoped3A[%swap3A_642], %swap3A_645 {add = true, strides = array<i32>} : memref<81920xf32, #tpu.memory_space<vmem>>, vector<16xf32>,
          %add3A_646 = arith.constant 64 : i32
          %add3A_647 = arith.addi %squeeze3A_601, %add3A_646 : i32
          %swap3A_648 = arith.index_cast %add3A_647 : i32 to index
          %swap3A_649 = tpu.vector_load %run_scoped3A[%swap3A_648] {strides = array<i32>} : memref<81920xf32, #tpu.memory_space<vmem>>, vector<16xf32>,
          %swap3A_650 = vector.shape_cast %swap3A_649 : vector<16xf32> to vector<16xf32>
          %swap3A_651 = vector.shape_cast %broadcast_in_dim3A_3 : vector<16xf32> to vector<16xf32>
          tpu.vector_store %run_scoped3A[%swap3A_648], %swap3A_651 {add = true, strides = array<i32>} : memref<81920xf32, #tpu.memory_space<vmem>>, vector<16xf32>,
          %slice3A_652 = vector.extract_strided_slice %mul3A_82 {offsets = [11], sizes = [1], strides = [1]} : vector<16xi32> to vector<1xi32>
          %squeeze3A_653 = vector.extract %slice3A_652[0] : i32 from vector<1xi32>
          %mul3A_654 = arith.constant 16 : i32
          %mul3A_655 = arith.muli %scan3A_72, %mul3A_654 : i32
          %add3A_656 = arith.constant 11 : i32
          %add3A_657 = arith.addi %mul3A_655, %add3A_656 : i32
          %add3A_658 = arith.constant 0 : i32
          %add3A_659 = arith.addi %squeeze3A_653, %add3A_658 : i32
          %get3A_660 = arith.index_cast %add3A_657 : i32 to index
          %get3A_661 = arith.constant 0 : index
          %get3A_662 = tpu.vector_load %arg7[%get3A_660, %get3A_661] {strides = array<i32>} : memref<64x64xf32, #tpu.memory_space<vmem>>, vector<1x16xf32>,
          %get3A_663 = vector.shape_cast %get3A_662 : vector<1x16xf32> to vector<16xf32>
          %swap3A_664 = arith.index_cast %add3A_659 : i32 to index
          %swap3A_665 = tpu.vector_load %run_scoped3A[%swap3A_664] {strides = array<i32>} : memref<81920xf32, #tpu.memory_space<vmem>>, vector<16xf32>,
          %swap3A_666 = vector.shape_cast %swap3A_665 : vector<16xf32> to vector<16xf32>
          %swap3A_667 = vector.shape_cast %get3A_663 : vector<16xf32> to vector<16xf32>
          tpu.vector_store %run_scoped3A[%swap3A_664], %swap3A_667 {add = true, strides = array<i32>} : memref<81920xf32, #tpu.memory_space<vmem>>, vector<16xf32>,
          %add3A_668 = arith.constant 16 : i32
          %add3A_669 = arith.addi %squeeze3A_653, %add3A_668 : i32
          %get3A_670 = arith.index_cast %add3A_657 : i32 to index
          %get3A_671 = arith.constant 16 : index
          %get3A_672 = tpu.vector_load %arg7[%get3A_670, %get3A_671] {strides = array<i32>} : memref<64x64xf32, #tpu.memory_space<vmem>>, vector<1x16xf32>,
          %get3A_673 = vector.shape_cast %get3A_672 : vector<1x16xf32> to vector<16xf32>
          %swap3A_674 = arith.index_cast %add3A_669 : i32 to index
          %swap3A_675 = tpu.vector_load %run_scoped3A[%swap3A_674] {strides = array<i32>} : memref<81920xf32, #tpu.memory_space<vmem>>, vector<16xf32>,
          %swap3A_676 = vector.shape_cast %swap3A_675 : vector<16xf32> to vector<16xf32>
          %swap3A_677 = vector.shape_cast %get3A_673 : vector<16xf32> to vector<16xf32>
          tpu.vector_store %run_scoped3A[%swap3A_674], %swap3A_677 {add = true, strides = array<i32>} : memref<81920xf32, #tpu.memory_space<vmem>>, vector<16xf32>,
          %add3A_678 = arith.constant 32 : i32
          %add3A_679 = arith.addi %squeeze3A_653, %add3A_678 : i32
          %get3A_680 = arith.index_cast %add3A_657 : i32 to index
          %get3A_681 = arith.constant 32 : index
          %get3A_682 = tpu.vector_load %arg7[%get3A_680, %get3A_681] {strides = array<i32>} : memref<64x64xf32, #tpu.memory_space<vmem>>, vector<1x16xf32>,
          %get3A_683 = vector.shape_cast %get3A_682 : vector<1x16xf32> to vector<16xf32>
          %swap3A_684 = arith.index_cast %add3A_679 : i32 to index
          %swap3A_685 = tpu.vector_load %run_scoped3A[%swap3A_684] {strides = array<i32>} : memref<81920xf32, #tpu.memory_space<vmem>>, vector<16xf32>,
          %swap3A_686 = vector.shape_cast %swap3A_685 : vector<16xf32> to vector<16xf32>
          %swap3A_687 = vector.shape_cast %get3A_683 : vector<16xf32> to vector<16xf32>
          tpu.vector_store %run_scoped3A[%swap3A_684], %swap3A_687 {add = true, strides = array<i32>} : memref<81920xf32, #tpu.memory_space<vmem>>, vector<16xf32>,
          %add3A_688 = arith.constant 48 : i32
          %add3A_689 = arith.addi %squeeze3A_653, %add3A_688 : i32
          %get3A_690 = arith.index_cast %add3A_657 : i32 to index
          %get3A_691 = arith.constant 48 : index
          %get3A_692 = tpu.vector_load %arg7[%get3A_690, %get3A_691] {strides = array<i32>} : memref<64x64xf32, #tpu.memory_space<vmem>>, vector<1x16xf32>,
          %get3A_693 = vector.shape_cast %get3A_692 : vector<1x16xf32> to vector<16xf32>
          %swap3A_694 = arith.index_cast %add3A_689 : i32 to index
          %swap3A_695 = tpu.vector_load %run_scoped3A[%swap3A_694] {strides = array<i32>} : memref<81920xf32, #tpu.memory_space<vmem>>, vector<16xf32>,
          %swap3A_696 = vector.shape_cast %swap3A_695 : vector<16xf32> to vector<16xf32>
          %swap3A_697 = vector.shape_cast %get3A_693 : vector<16xf32> to vector<16xf32>
          tpu.vector_store %run_scoped3A[%swap3A_694], %swap3A_697 {add = true, strides = array<i32>} : memref<81920xf32, #tpu.memory_space<vmem>>, vector<16xf32>,
          %add3A_698 = arith.constant 64 : i32
          %add3A_699 = arith.addi %squeeze3A_653, %add3A_698 : i32
          %swap3A_700 = arith.index_cast %add3A_699 : i32 to index
          %swap3A_701 = tpu.vector_load %run_scoped3A[%swap3A_700] {strides = array<i32>} : memref<81920xf32, #tpu.memory_space<vmem>>, vector<16xf32>,
          %swap3A_702 = vector.shape_cast %swap3A_701 : vector<16xf32> to vector<16xf32>
          %swap3A_703 = vector.shape_cast %broadcast_in_dim3A_3 : vector<16xf32> to vector<16xf32>
          tpu.vector_store %run_scoped3A[%swap3A_700], %swap3A_703 {add = true, strides = array<i32>} : memref<81920xf32, #tpu.memory_space<vmem>>, vector<16xf32>,
          %slice3A_704 = vector.extract_strided_slice %mul3A_82 {offsets = [12], sizes = [1], strides = [1]} : vector<16xi32> to vector<1xi32>
          %squeeze3A_705 = vector.extract %slice3A_704[0] : i32 from vector<1xi32>
          %mul3A_706 = arith.constant 16 : i32
          %mul3A_707 = arith.muli %scan3A_72, %mul3A_706 : i32
          %add3A_708 = arith.constant 12 : i32
          %add3A_709 = arith.addi %mul3A_707, %add3A_708 : i32
          %add3A_710 = arith.constant 0 : i32
          %add3A_711 = arith.addi %squeeze3A_705, %add3A_710 : i32
          %get3A_712 = arith.index_cast %add3A_709 : i32 to index
          %get3A_713 = arith.constant 0 : index
          %get3A_714 = tpu.vector_load %arg7[%get3A_712, %get3A_713] {strides = array<i32>} : memref<64x64xf32, #tpu.memory_space<vmem>>, vector<1x16xf32>,
          %get3A_715 = vector.shape_cast %get3A_714 : vector<1x16xf32> to vector<16xf32>
          %swap3A_716 = arith.index_cast %add3A_711 : i32 to index
          %swap3A_717 = tpu.vector_load %run_scoped3A[%swap3A_716] {strides = array<i32>} : memref<81920xf32, #tpu.memory_space<vmem>>, vector<16xf32>,
          %swap3A_718 = vector.shape_cast %swap3A_717 : vector<16xf32> to vector<16xf32>
          %swap3A_719 = vector.shape_cast %get3A_715 : vector<16xf32> to vector<16xf32>
          tpu.vector_store %run_scoped3A[%swap3A_716], %swap3A_719 {add = true, strides = array<i32>} : memref<81920xf32, #tpu.memory_space<vmem>>, vector<16xf32>,
          %add3A_720 = arith.constant 16 : i32
          %add3A_721 = arith.addi %squeeze3A_705, %add3A_720 : i32
          %get3A_722 = arith.index_cast %add3A_709 : i32 to index
          %get3A_723 = arith.constant 16 : index
          %get3A_724 = tpu.vector_load %arg7[%get3A_722, %get3A_723] {strides = array<i32>} : memref<64x64xf32, #tpu.memory_space<vmem>>, vector<1x16xf32>,
          %get3A_725 = vector.shape_cast %get3A_724 : vector<1x16xf32> to vector<16xf32>
          %swap3A_726 = arith.index_cast %add3A_721 : i32 to index
          %swap3A_727 = tpu.vector_load %run_scoped3A[%swap3A_726] {strides = array<i32>} : memref<81920xf32, #tpu.memory_space<vmem>>, vector<16xf32>,
          %swap3A_728 = vector.shape_cast %swap3A_727 : vector<16xf32> to vector<16xf32>
          %swap3A_729 = vector.shape_cast %get3A_725 : vector<16xf32> to vector<16xf32>
          tpu.vector_store %run_scoped3A[%swap3A_726], %swap3A_729 {add = true, strides = array<i32>} : memref<81920xf32, #tpu.memory_space<vmem>>, vector<16xf32>,
          %add3A_730 = arith.constant 32 : i32
          %add3A_731 = arith.addi %squeeze3A_705, %add3A_730 : i32
          %get3A_732 = arith.index_cast %add3A_709 : i32 to index
          %get3A_733 = arith.constant 32 : index
          %get3A_734 = tpu.vector_load %arg7[%get3A_732, %get3A_733] {strides = array<i32>} : memref<64x64xf32, #tpu.memory_space<vmem>>, vector<1x16xf32>,
          %get3A_735 = vector.shape_cast %get3A_734 : vector<1x16xf32> to vector<16xf32>
          %swap3A_736 = arith.index_cast %add3A_731 : i32 to index
          %swap3A_737 = tpu.vector_load %run_scoped3A[%swap3A_736] {strides = array<i32>} : memref<81920xf32, #tpu.memory_space<vmem>>, vector<16xf32>,
          %swap3A_738 = vector.shape_cast %swap3A_737 : vector<16xf32> to vector<16xf32>
          %swap3A_739 = vector.shape_cast %get3A_735 : vector<16xf32> to vector<16xf32>
          tpu.vector_store %run_scoped3A[%swap3A_736], %swap3A_739 {add = true, strides = array<i32>} : memref<81920xf32, #tpu.memory_space<vmem>>, vector<16xf32>,
          %add3A_740 = arith.constant 48 : i32
          %add3A_741 = arith.addi %squeeze3A_705, %add3A_740 : i32
          %get3A_742 = arith.index_cast %add3A_709 : i32 to index
          %get3A_743 = arith.constant 48 : index
          %get3A_744 = tpu.vector_load %arg7[%get3A_742, %get3A_743] {strides = array<i32>} : memref<64x64xf32, #tpu.memory_space<vmem>>, vector<1x16xf32>,
          %get3A_745 = vector.shape_cast %get3A_744 : vector<1x16xf32> to vector<16xf32>
          %swap3A_746 = arith.index_cast %add3A_741 : i32 to index
          %swap3A_747 = tpu.vector_load %run_scoped3A[%swap3A_746] {strides = array<i32>} : memref<81920xf32, #tpu.memory_space<vmem>>, vector<16xf32>,
          %swap3A_748 = vector.shape_cast %swap3A_747 : vector<16xf32> to vector<16xf32>
          %swap3A_749 = vector.shape_cast %get3A_745 : vector<16xf32> to vector<16xf32>
          tpu.vector_store %run_scoped3A[%swap3A_746], %swap3A_749 {add = true, strides = array<i32>} : memref<81920xf32, #tpu.memory_space<vmem>>, vector<16xf32>,
          %add3A_750 = arith.constant 64 : i32
          %add3A_751 = arith.addi %squeeze3A_705, %add3A_750 : i32
          %swap3A_752 = arith.index_cast %add3A_751 : i32 to index
          %swap3A_753 = tpu.vector_load %run_scoped3A[%swap3A_752] {strides = array<i32>} : memref<81920xf32, #tpu.memory_space<vmem>>, vector<16xf32>,
          %swap3A_754 = vector.shape_cast %swap3A_753 : vector<16xf32> to vector<16xf32>
          %swap3A_755 = vector.shape_cast %broadcast_in_dim3A_3 : vector<16xf32> to vector<16xf32>
          tpu.vector_store %run_scoped3A[%swap3A_752], %swap3A_755 {add = true, strides = array<i32>} : memref<81920xf32, #tpu.memory_space<vmem>>, vector<16xf32>,
          %slice3A_756 = vector.extract_strided_slice %mul3A_82 {offsets = [13], sizes = [1], strides = [1]} : vector<16xi32> to vector<1xi32>
          %squeeze3A_757 = vector.extract %slice3A_756[0] : i32 from vector<1xi32>
          %mul3A_758 = arith.constant 16 : i32
          %mul3A_759 = arith.muli %scan3A_72, %mul3A_758 : i32
          %add3A_760 = arith.constant 13 : i32
          %add3A_761 = arith.addi %mul3A_759, %add3A_760 : i32
          %add3A_762 = arith.constant 0 : i32
          %add3A_763 = arith.addi %squeeze3A_757, %add3A_762 : i32
          %get3A_764 = arith.index_cast %add3A_761 : i32 to index
          %get3A_765 = arith.constant 0 : index
          %get3A_766 = tpu.vector_load %arg7[%get3A_764, %get3A_765] {strides = array<i32>} : memref<64x64xf32, #tpu.memory_space<vmem>>, vector<1x16xf32>,
          %get3A_767 = vector.shape_cast %get3A_766 : vector<1x16xf32> to vector<16xf32>
          %swap3A_768 = arith.index_cast %add3A_763 : i32 to index
          %swap3A_769 = tpu.vector_load %run_scoped3A[%swap3A_768] {strides = array<i32>} : memref<81920xf32, #tpu.memory_space<vmem>>, vector<16xf32>,
          %swap3A_770 = vector.shape_cast %swap3A_769 : vector<16xf32> to vector<16xf32>
          %swap3A_771 = vector.shape_cast %get3A_767 : vector<16xf32> to vector<16xf32>
          tpu.vector_store %run_scoped3A[%swap3A_768], %swap3A_771 {add = true, strides = array<i32>} : memref<81920xf32, #tpu.memory_space<vmem>>, vector<16xf32>,
          %add3A_772 = arith.constant 16 : i32
          %add3A_773 = arith.addi %squeeze3A_757, %add3A_772 : i32
          %get3A_774 = arith.index_cast %add3A_761 : i32 to index
          %get3A_775 = arith.constant 16 : index
          %get3A_776 = tpu.vector_load %arg7[%get3A_774, %get3A_775] {strides = array<i32>} : memref<64x64xf32, #tpu.memory_space<vmem>>, vector<1x16xf32>,
          %get3A_777 = vector.shape_cast %get3A_776 : vector<1x16xf32> to vector<16xf32>
          %swap3A_778 = arith.index_cast %add3A_773 : i32 to index
          %swap3A_779 = tpu.vector_load %run_scoped3A[%swap3A_778] {strides = array<i32>} : memref<81920xf32, #tpu.memory_space<vmem>>, vector<16xf32>,
          %swap3A_780 = vector.shape_cast %swap3A_779 : vector<16xf32> to vector<16xf32>
          %swap3A_781 = vector.shape_cast %get3A_777 : vector<16xf32> to vector<16xf32>
          tpu.vector_store %run_scoped3A[%swap3A_778], %swap3A_781 {add = true, strides = array<i32>} : memref<81920xf32, #tpu.memory_space<vmem>>, vector<16xf32>,
          %add3A_782 = arith.constant 32 : i32
          %add3A_783 = arith.addi %squeeze3A_757, %add3A_782 : i32
          %get3A_784 = arith.index_cast %add3A_761 : i32 to index
          %get3A_785 = arith.constant 32 : index
          %get3A_786 = tpu.vector_load %arg7[%get3A_784, %get3A_785] {strides = array<i32>} : memref<64x64xf32, #tpu.memory_space<vmem>>, vector<1x16xf32>,
          %get3A_787 = vector.shape_cast %get3A_786 : vector<1x16xf32> to vector<16xf32>
          %swap3A_788 = arith.index_cast %add3A_783 : i32 to index
          %swap3A_789 = tpu.vector_load %run_scoped3A[%swap3A_788] {strides = array<i32>} : memref<81920xf32, #tpu.memory_space<vmem>>, vector<16xf32>,
          %swap3A_790 = vector.shape_cast %swap3A_789 : vector<16xf32> to vector<16xf32>
          %swap3A_791 = vector.shape_cast %get3A_787 : vector<16xf32> to vector<16xf32>
          tpu.vector_store %run_scoped3A[%swap3A_788], %swap3A_791 {add = true, strides = array<i32>} : memref<81920xf32, #tpu.memory_space<vmem>>, vector<16xf32>,
          %add3A_792 = arith.constant 48 : i32
          %add3A_793 = arith.addi %squeeze3A_757, %add3A_792 : i32
          %get3A_794 = arith.index_cast %add3A_761 : i32 to index
          %get3A_795 = arith.constant 48 : index
          %get3A_796 = tpu.vector_load %arg7[%get3A_794, %get3A_795] {strides = array<i32>} : memref<64x64xf32, #tpu.memory_space<vmem>>, vector<1x16xf32>,
          %get3A_797 = vector.shape_cast %get3A_796 : vector<1x16xf32> to vector<16xf32>
          %swap3A_798 = arith.index_cast %add3A_793 : i32 to index
          %swap3A_799 = tpu.vector_load %run_scoped3A[%swap3A_798] {strides = array<i32>} : memref<81920xf32, #tpu.memory_space<vmem>>, vector<16xf32>,
          %swap3A_800 = vector.shape_cast %swap3A_799 : vector<16xf32> to vector<16xf32>
          %swap3A_801 = vector.shape_cast %get3A_797 : vector<16xf32> to vector<16xf32>
          tpu.vector_store %run_scoped3A[%swap3A_798], %swap3A_801 {add = true, strides = array<i32>} : memref<81920xf32, #tpu.memory_space<vmem>>, vector<16xf32>,
          %add3A_802 = arith.constant 64 : i32
          %add3A_803 = arith.addi %squeeze3A_757, %add3A_802 : i32
          %swap3A_804 = arith.index_cast %add3A_803 : i32 to index
          %swap3A_805 = tpu.vector_load %run_scoped3A[%swap3A_804] {strides = array<i32>} : memref<81920xf32, #tpu.memory_space<vmem>>, vector<16xf32>,
          %swap3A_806 = vector.shape_cast %swap3A_805 : vector<16xf32> to vector<16xf32>
          %swap3A_807 = vector.shape_cast %broadcast_in_dim3A_3 : vector<16xf32> to vector<16xf32>
          tpu.vector_store %run_scoped3A[%swap3A_804], %swap3A_807 {add = true, strides = array<i32>} : memref<81920xf32, #tpu.memory_space<vmem>>, vector<16xf32>,
          %slice3A_808 = vector.extract_strided_slice %mul3A_82 {offsets = [14], sizes = [1], strides = [1]} : vector<16xi32> to vector<1xi32>
          %squeeze3A_809 = vector.extract %slice3A_808[0] : i32 from vector<1xi32>
          %mul3A_810 = arith.constant 16 : i32
          %mul3A_811 = arith.muli %scan3A_72, %mul3A_810 : i32
          %add3A_812 = arith.constant 14 : i32
          %add3A_813 = arith.addi %mul3A_811, %add3A_812 : i32
          %add3A_814 = arith.constant 0 : i32
          %add3A_815 = arith.addi %squeeze3A_809, %add3A_814 : i32
          %get3A_816 = arith.index_cast %add3A_813 : i32 to index
          %get3A_817 = arith.constant 0 : index
          %get3A_818 = tpu.vector_load %arg7[%get3A_816, %get3A_817] {strides = array<i32>} : memref<64x64xf32, #tpu.memory_space<vmem>>, vector<1x16xf32>,
          %get3A_819 = vector.shape_cast %get3A_818 : vector<1x16xf32> to vector<16xf32>
          %swap3A_820 = arith.index_cast %add3A_815 : i32 to index
          %swap3A_821 = tpu.vector_load %run_scoped3A[%swap3A_820] {strides = array<i32>} : memref<81920xf32, #tpu.memory_space<vmem>>, vector<16xf32>,
          %swap3A_822 = vector.shape_cast %swap3A_821 : vector<16xf32> to vector<16xf32>
          %swap3A_823 = vector.shape_cast %get3A_819 : vector<16xf32> to vector<16xf32>
          tpu.vector_store %run_scoped3A[%swap3A_820], %swap3A_823 {add = true, strides = array<i32>} : memref<81920xf32, #tpu.memory_space<vmem>>, vector<16xf32>,
          %add3A_824 = arith.constant 16 : i32
          %add3A_825 = arith.addi %squeeze3A_809, %add3A_824 : i32
          %get3A_826 = arith.index_cast %add3A_813 : i32 to index
          %get3A_827 = arith.constant 16 : index
          %get3A_828 = tpu.vector_load %arg7[%get3A_826, %get3A_827] {strides = array<i32>} : memref<64x64xf32, #tpu.memory_space<vmem>>, vector<1x16xf32>,
          %get3A_829 = vector.shape_cast %get3A_828 : vector<1x16xf32> to vector<16xf32>
          %swap3A_830 = arith.index_cast %add3A_825 : i32 to index
          %swap3A_831 = tpu.vector_load %run_scoped3A[%swap3A_830] {strides = array<i32>} : memref<81920xf32, #tpu.memory_space<vmem>>, vector<16xf32>,
          %swap3A_832 = vector.shape_cast %swap3A_831 : vector<16xf32> to vector<16xf32>
          %swap3A_833 = vector.shape_cast %get3A_829 : vector<16xf32> to vector<16xf32>
          tpu.vector_store %run_scoped3A[%swap3A_830], %swap3A_833 {add = true, strides = array<i32>} : memref<81920xf32, #tpu.memory_space<vmem>>, vector<16xf32>,
          %add3A_834 = arith.constant 32 : i32
          %add3A_835 = arith.addi %squeeze3A_809, %add3A_834 : i32
          %get3A_836 = arith.index_cast %add3A_813 : i32 to index
          %get3A_837 = arith.constant 32 : index
          %get3A_838 = tpu.vector_load %arg7[%get3A_836, %get3A_837] {strides = array<i32>} : memref<64x64xf32, #tpu.memory_space<vmem>>, vector<1x16xf32>,
          %get3A_839 = vector.shape_cast %get3A_838 : vector<1x16xf32> to vector<16xf32>
          %swap3A_840 = arith.index_cast %add3A_835 : i32 to index
          %swap3A_841 = tpu.vector_load %run_scoped3A[%swap3A_840] {strides = array<i32>} : memref<81920xf32, #tpu.memory_space<vmem>>, vector<16xf32>,
          %swap3A_842 = vector.shape_cast %swap3A_841 : vector<16xf32> to vector<16xf32>
          %swap3A_843 = vector.shape_cast %get3A_839 : vector<16xf32> to vector<16xf32>
          tpu.vector_store %run_scoped3A[%swap3A_840], %swap3A_843 {add = true, strides = array<i32>} : memref<81920xf32, #tpu.memory_space<vmem>>, vector<16xf32>,
          %add3A_844 = arith.constant 48 : i32
          %add3A_845 = arith.addi %squeeze3A_809, %add3A_844 : i32
          %get3A_846 = arith.index_cast %add3A_813 : i32 to index
          %get3A_847 = arith.constant 48 : index
          %get3A_848 = tpu.vector_load %arg7[%get3A_846, %get3A_847] {strides = array<i32>} : memref<64x64xf32, #tpu.memory_space<vmem>>, vector<1x16xf32>,
          %get3A_849 = vector.shape_cast %get3A_848 : vector<1x16xf32> to vector<16xf32>
          %swap3A_850 = arith.index_cast %add3A_845 : i32 to index
          %swap3A_851 = tpu.vector_load %run_scoped3A[%swap3A_850] {strides = array<i32>} : memref<81920xf32, #tpu.memory_space<vmem>>, vector<16xf32>,
          %swap3A_852 = vector.shape_cast %swap3A_851 : vector<16xf32> to vector<16xf32>
          %swap3A_853 = vector.shape_cast %get3A_849 : vector<16xf32> to vector<16xf32>
          tpu.vector_store %run_scoped3A[%swap3A_850], %swap3A_853 {add = true, strides = array<i32>} : memref<81920xf32, #tpu.memory_space<vmem>>, vector<16xf32>,
          %add3A_854 = arith.constant 64 : i32
          %add3A_855 = arith.addi %squeeze3A_809, %add3A_854 : i32
          %swap3A_856 = arith.index_cast %add3A_855 : i32 to index
          %swap3A_857 = tpu.vector_load %run_scoped3A[%swap3A_856] {strides = array<i32>} : memref<81920xf32, #tpu.memory_space<vmem>>, vector<16xf32>,
          %swap3A_858 = vector.shape_cast %swap3A_857 : vector<16xf32> to vector<16xf32>
          %swap3A_859 = vector.shape_cast %broadcast_in_dim3A_3 : vector<16xf32> to vector<16xf32>
          tpu.vector_store %run_scoped3A[%swap3A_856], %swap3A_859 {add = true, strides = array<i32>} : memref<81920xf32, #tpu.memory_space<vmem>>, vector<16xf32>,
          %slice3A_860 = vector.extract_strided_slice %mul3A_82 {offsets = [15], sizes = [1], strides = [1]} : vector<16xi32> to vector<1xi32>
          %squeeze3A_861 = vector.extract %slice3A_860[0] : i32 from vector<1xi32>
          %mul3A_862 = arith.constant 16 : i32
          %mul3A_863 = arith.muli %scan3A_72, %mul3A_862 : i32
          %add3A_864 = arith.constant 15 : i32
          %add3A_865 = arith.addi %mul3A_863, %add3A_864 : i32
          %add3A_866 = arith.constant 0 : i32
          %add3A_867 = arith.addi %squeeze3A_861, %add3A_866 : i32
          %get3A_868 = arith.index_cast %add3A_865 : i32 to index
          %get3A_869 = arith.constant 0 : index
          %get3A_870 = tpu.vector_load %arg7[%get3A_868, %get3A_869] {strides = array<i32>} : memref<64x64xf32, #tpu.memory_space<vmem>>, vector<1x16xf32>,
          %get3A_871 = vector.shape_cast %get3A_870 : vector<1x16xf32> to vector<16xf32>
          %swap3A_872 = arith.index_cast %add3A_867 : i32 to index
          %swap3A_873 = tpu.vector_load %run_scoped3A[%swap3A_872] {strides = array<i32>} : memref<81920xf32, #tpu.memory_space<vmem>>, vector<16xf32>,
          %swap3A_874 = vector.shape_cast %swap3A_873 : vector<16xf32> to vector<16xf32>
          %swap3A_875 = vector.shape_cast %get3A_871 : vector<16xf32> to vector<16xf32>
          tpu.vector_store %run_scoped3A[%swap3A_872], %swap3A_875 {add = true, strides = array<i32>} : memref<81920xf32, #tpu.memory_space<vmem>>, vector<16xf32>,
          %add3A_876 = arith.constant 16 : i32
          %add3A_877 = arith.addi %squeeze3A_861, %add3A_876 : i32
          %get3A_878 = arith.index_cast %add3A_865 : i32 to index
          %get3A_879 = arith.constant 16 : index
          %get3A_880 = tpu.vector_load %arg7[%get3A_878, %get3A_879] {strides = array<i32>} : memref<64x64xf32, #tpu.memory_space<vmem>>, vector<1x16xf32>,
          %get3A_881 = vector.shape_cast %get3A_880 : vector<1x16xf32> to vector<16xf32>
          %swap3A_882 = arith.index_cast %add3A_877 : i32 to index
          %swap3A_883 = tpu.vector_load %run_scoped3A[%swap3A_882] {strides = array<i32>} : memref<81920xf32, #tpu.memory_space<vmem>>, vector<16xf32>,
          %swap3A_884 = vector.shape_cast %swap3A_883 : vector<16xf32> to vector<16xf32>
          %swap3A_885 = vector.shape_cast %get3A_881 : vector<16xf32> to vector<16xf32>
          tpu.vector_store %run_scoped3A[%swap3A_882], %swap3A_885 {add = true, strides = array<i32>} : memref<81920xf32, #tpu.memory_space<vmem>>, vector<16xf32>,
          %add3A_886 = arith.constant 32 : i32
          %add3A_887 = arith.addi %squeeze3A_861, %add3A_886 : i32
          %get3A_888 = arith.index_cast %add3A_865 : i32 to index
          %get3A_889 = arith.constant 32 : index
          %get3A_890 = tpu.vector_load %arg7[%get3A_888, %get3A_889] {strides = array<i32>} : memref<64x64xf32, #tpu.memory_space<vmem>>, vector<1x16xf32>,
          %get3A_891 = vector.shape_cast %get3A_890 : vector<1x16xf32> to vector<16xf32>
          %swap3A_892 = arith.index_cast %add3A_887 : i32 to index
          %swap3A_893 = tpu.vector_load %run_scoped3A[%swap3A_892] {strides = array<i32>} : memref<81920xf32, #tpu.memory_space<vmem>>, vector<16xf32>,
          %swap3A_894 = vector.shape_cast %swap3A_893 : vector<16xf32> to vector<16xf32>
          %swap3A_895 = vector.shape_cast %get3A_891 : vector<16xf32> to vector<16xf32>
          tpu.vector_store %run_scoped3A[%swap3A_892], %swap3A_895 {add = true, strides = array<i32>} : memref<81920xf32, #tpu.memory_space<vmem>>, vector<16xf32>,
          %add3A_896 = arith.constant 48 : i32
          %add3A_897 = arith.addi %squeeze3A_861, %add3A_896 : i32
          %get3A_898 = arith.index_cast %add3A_865 : i32 to index
          %get3A_899 = arith.constant 48 : index
          %get3A_900 = tpu.vector_load %arg7[%get3A_898, %get3A_899] {strides = array<i32>} : memref<64x64xf32, #tpu.memory_space<vmem>>, vector<1x16xf32>,
          %get3A_901 = vector.shape_cast %get3A_900 : vector<1x16xf32> to vector<16xf32>
          %swap3A_902 = arith.index_cast %add3A_897 : i32 to index
          %swap3A_903 = tpu.vector_load %run_scoped3A[%swap3A_902] {strides = array<i32>} : memref<81920xf32, #tpu.memory_space<vmem>>, vector<16xf32>,
          %swap3A_904 = vector.shape_cast %swap3A_903 : vector<16xf32> to vector<16xf32>
          %swap3A_905 = vector.shape_cast %get3A_901 : vector<16xf32> to vector<16xf32>
          tpu.vector_store %run_scoped3A[%swap3A_902], %swap3A_905 {add = true, strides = array<i32>} : memref<81920xf32, #tpu.memory_space<vmem>>, vector<16xf32>,
          %add3A_906 = arith.constant 64 : i32
          %add3A_907 = arith.addi %squeeze3A_861, %add3A_906 : i32
          %swap3A_908 = arith.index_cast %add3A_907 : i32 to index
          %swap3A_909 = tpu.vector_load %run_scoped3A[%swap3A_908] {strides = array<i32>} : memref<81920xf32, #tpu.memory_space<vmem>>, vector<16xf32>,
          %swap3A_910 = vector.shape_cast %swap3A_909 : vector<16xf32> to vector<16xf32>
          %swap3A_911 = vector.shape_cast %broadcast_in_dim3A_3 : vector<16xf32> to vector<16xf32>
          tpu.vector_store %run_scoped3A[%swap3A_908], %swap3A_911 {add = true, strides = array<i32>} : memref<81920xf32, #tpu.memory_space<vmem>>, vector<16xf32>,
        }
        %scan3A_71 = arith.constant 4 : i32
      }
      %scan3A_13 = arith.constant 25 : i32
      %dma_wait3A = arith.constant 0 : i32
      %dma_wait3A_14 = tpu.memref_slice %arg2[%mul3A_2, %dma_wait3A] : memref<102400x64xf32, #tpu.memory_space<hbm>> -> memref<64x64xf32, #tpu.memory_space<hbm>>
      %dma_wait3A_15 = arith.constant 0 : i32
      %dma_wait3A_16 = tpu.memref_slice %arg2[%mul3A_2, %dma_wait3A_15] : memref<102400x64xf32, #tpu.memory_space<hbm>> -> memref<64x64xf32, #tpu.memory_space<hbm>>
      tpu.wait_dma2 semaphore(%arg9 : memref<!tpu.dma_semaphore, #tpu.memory_space<semaphore_mem>>) src(%dma_wait3A_16 : memref<64x64xf32, #tpu.memory_space<hbm>>) dst(%arg6 : memref<64x64xf32, #tpu.memory_space<vmem>>)
      %scan3A_17 = arith.constant 0 : i32
      %scan3A_18 = arith.constant 0 : i32
      %scan3A_19 = arith.constant 4 : i32
      %scan3A_20 = arith.addi %scan3A_18, %scan3A_19 : i32
      %scan3A_21 = arith.constant 1 : i32
      scf.for %scan3A_23 = %scan3A_18 to %scan3A_20 step %scan3A_21  : i32 {
        %mul3A_24 = arith.constant 16 : i32
        %mul3A_25 = arith.muli %scan3A_23, %mul3A_24 : i32
        %add3A_26 = arith.constant 3136 : i32
        %add3A_27 = arith.addi %add3A_26, %mul3A_25 : i32
        %get3A = arith.index_cast %add3A_27 : i32 to index
        %get3A_28 = tpu.vector_load %arg8[%get3A] {strides = array<i32>} : memref<3200xi32, #tpu.memory_space<vmem>>, vector<16xi32>,
        %get3A_29 = vector.shape_cast %get3A_28 : vector<16xi32> to vector<16xi32>
        %mul3A_30 = arith.constant 80 : i32
        %mul3A_31 = vector.broadcast %mul3A_30 : i32 to vector<16xi32>
        %mul3A_32 = arith.muli %get3A_29, %mul3A_31 : vector<16xi32>
        %slice3A = vector.extract_strided_slice %mul3A_32 {offsets = [0], sizes = [1], strides = [1]} : vector<16xi32> to vector<1xi32>
        %squeeze3A = vector.extract %slice3A[0] : i32 from vector<1xi32>
        %mul3A_33 = arith.constant 16 : i32
        %mul3A_34 = arith.muli %scan3A_23, %mul3A_33 : i32
        %add3A_35 = arith.constant 0 : i32
        %add3A_36 = arith.addi %mul3A_34, %add3A_35 : i32
        %add3A_37 = arith.constant 0 : i32
        %add3A_38 = arith.addi %squeeze3A, %add3A_37 : i32
        %get3A_39 = arith.index_cast %add3A_36 : i32 to index
        %get3A_40 = arith.constant 0 : index
        %get3A_41 = tpu.vector_load %arg6[%get3A_39, %get3A_40] {strides = array<i32>} : memref<64x64xf32, #tpu.memory_space<vmem>>, vector<1x16xf32>,
        %get3A_42 = vector.shape_cast %get3A_41 : vector<1x16xf32> to vector<16xf32>
        %swap3A = arith.index_cast %add3A_38 : i32 to index
        %swap3A_43 = tpu.vector_load %run_scoped3A[%swap3A] {strides = array<i32>} : memref<81920xf32, #tpu.memory_space<vmem>>, vector<16xf32>,
        %swap3A_44 = vector.shape_cast %swap3A_43 : vector<16xf32> to vector<16xf32>
        %swap3A_45 = vector.shape_cast %get3A_42 : vector<16xf32> to vector<16xf32>
        tpu.vector_store %run_scoped3A[%swap3A], %swap3A_45 {add = true, strides = array<i32>} : memref<81920xf32, #tpu.memory_space<vmem>>, vector<16xf32>,
        %add3A_46 = arith.constant 16 : i32
        %add3A_47 = arith.addi %squeeze3A, %add3A_46 : i32
        %get3A_48 = arith.index_cast %add3A_36 : i32 to index
        %get3A_49 = arith.constant 16 : index
        %get3A_50 = tpu.vector_load %arg6[%get3A_48, %get3A_49] {strides = array<i32>} : memref<64x64xf32, #tpu.memory_space<vmem>>, vector<1x16xf32>,
        %get3A_51 = vector.shape_cast %get3A_50 : vector<1x16xf32> to vector<16xf32>
        %swap3A_52 = arith.index_cast %add3A_47 : i32 to index
        %swap3A_53 = tpu.vector_load %run_scoped3A[%swap3A_52] {strides = array<i32>} : memref<81920xf32, #tpu.memory_space<vmem>>, vector<16xf32>,
        %swap3A_54 = vector.shape_cast %swap3A_53 : vector<16xf32> to vector<16xf32>
        %swap3A_55 = vector.shape_cast %get3A_51 : vector<16xf32> to vector<16xf32>
        tpu.vector_store %run_scoped3A[%swap3A_52], %swap3A_55 {add = true, strides = array<i32>} : memref<81920xf32, #tpu.memory_space<vmem>>, vector<16xf32>,
        %add3A_56 = arith.constant 32 : i32
        %add3A_57 = arith.addi %squeeze3A, %add3A_56 : i32
        %get3A_58 = arith.index_cast %add3A_36 : i32 to index
        %get3A_59 = arith.constant 32 : index
        %get3A_60 = tpu.vector_load %arg6[%get3A_58, %get3A_59] {strides = array<i32>} : memref<64x64xf32, #tpu.memory_space<vmem>>, vector<1x16xf32>,
        %get3A_61 = vector.shape_cast %get3A_60 : vector<1x16xf32> to vector<16xf32>
        %swap3A_62 = arith.index_cast %add3A_57 : i32 to index
        %swap3A_63 = tpu.vector_load %run_scoped3A[%swap3A_62] {strides = array<i32>} : memref<81920xf32, #tpu.memory_space<vmem>>, vector<16xf32>,
        %swap3A_64 = vector.shape_cast %swap3A_63 : vector<16xf32> to vector<16xf32>
        %swap3A_65 = vector.shape_cast %get3A_61 : vector<16xf32> to vector<16xf32>
        tpu.vector_store %run_scoped3A[%swap3A_62], %swap3A_65 {add = true, strides = array<i32>} : memref<81920xf32, #tpu.memory_space<vmem>>, vector<16xf32>,
        %add3A_66 = arith.constant 48 : i32
        %add3A_67 = arith.addi %squeeze3A, %add3A_66 : i32
        %get3A_68 = arith.index_cast %add3A_36 : i32 to index
        %get3A_69 = arith.constant 48 : index
        %get3A_70 = tpu.vector_load %arg6[%get3A_68, %get3A_69] {strides = array<i32>} : memref<64x64xf32, #tpu.memory_space<vmem>>, vector<1x16xf32>,
        %get3A_71 = vector.shape_cast %get3A_70 : vector<1x16xf32> to vector<16xf32>
        %swap3A_72 = arith.index_cast %add3A_67 : i32 to index
        %swap3A_73 = tpu.vector_load %run_scoped3A[%swap3A_72] {strides = array<i32>} : memref<81920xf32, #tpu.memory_space<vmem>>, vector<16xf32>,
        %swap3A_74 = vector.shape_cast %swap3A_73 : vector<16xf32> to vector<16xf32>
        %swap3A_75 = vector.shape_cast %get3A_71 : vector<16xf32> to vector<16xf32>
        tpu.vector_store %run_scoped3A[%swap3A_72], %swap3A_75 {add = true, strides = array<i32>} : memref<81920xf32, #tpu.memory_space<vmem>>, vector<16xf32>,
        %add3A_76 = arith.constant 64 : i32
        %add3A_77 = arith.addi %squeeze3A, %add3A_76 : i32
        %swap3A_78 = arith.index_cast %add3A_77 : i32 to index
        %swap3A_79 = tpu.vector_load %run_scoped3A[%swap3A_78] {strides = array<i32>} : memref<81920xf32, #tpu.memory_space<vmem>>, vector<16xf32>,
        %swap3A_80 = vector.shape_cast %swap3A_79 : vector<16xf32> to vector<16xf32>
        %swap3A_81 = vector.shape_cast %broadcast_in_dim3A_3 : vector<16xf32> to vector<16xf32>
        tpu.vector_store %run_scoped3A[%swap3A_78], %swap3A_81 {add = true, strides = array<i32>} : memref<81920xf32, #tpu.memory_space<vmem>>, vector<16xf32>,
        %slice3A_82 = vector.extract_strided_slice %mul3A_32 {offsets = [1], sizes = [1], strides = [1]} : vector<16xi32> to vector<1xi32>
        %squeeze3A_83 = vector.extract %slice3A_82[0] : i32 from vector<1xi32>
        %mul3A_84 = arith.constant 16 : i32
        %mul3A_85 = arith.muli %scan3A_23, %mul3A_84 : i32
        %add3A_86 = arith.constant 1 : i32
        %add3A_87 = arith.addi %mul3A_85, %add3A_86 : i32
        %add3A_88 = arith.constant 0 : i32
        %add3A_89 = arith.addi %squeeze3A_83, %add3A_88 : i32
        %get3A_90 = arith.index_cast %add3A_87 : i32 to index
        %get3A_91 = arith.constant 0 : index
        %get3A_92 = tpu.vector_load %arg6[%get3A_90, %get3A_91] {strides = array<i32>} : memref<64x64xf32, #tpu.memory_space<vmem>>, vector<1x16xf32>,
        %get3A_93 = vector.shape_cast %get3A_92 : vector<1x16xf32> to vector<16xf32>
        %swap3A_94 = arith.index_cast %add3A_89 : i32 to index
        %swap3A_95 = tpu.vector_load %run_scoped3A[%swap3A_94] {strides = array<i32>} : memref<81920xf32, #tpu.memory_space<vmem>>, vector<16xf32>,
        %swap3A_96 = vector.shape_cast %swap3A_95 : vector<16xf32> to vector<16xf32>
        %swap3A_97 = vector.shape_cast %get3A_93 : vector<16xf32> to vector<16xf32>
        tpu.vector_store %run_scoped3A[%swap3A_94], %swap3A_97 {add = true, strides = array<i32>} : memref<81920xf32, #tpu.memory_space<vmem>>, vector<16xf32>,
        %add3A_98 = arith.constant 16 : i32
        %add3A_99 = arith.addi %squeeze3A_83, %add3A_98 : i32
        %get3A_100 = arith.index_cast %add3A_87 : i32 to index
        %get3A_101 = arith.constant 16 : index
        %get3A_102 = tpu.vector_load %arg6[%get3A_100, %get3A_101] {strides = array<i32>} : memref<64x64xf32, #tpu.memory_space<vmem>>, vector<1x16xf32>,
        %get3A_103 = vector.shape_cast %get3A_102 : vector<1x16xf32> to vector<16xf32>
        %swap3A_104 = arith.index_cast %add3A_99 : i32 to index
        %swap3A_105 = tpu.vector_load %run_scoped3A[%swap3A_104] {strides = array<i32>} : memref<81920xf32, #tpu.memory_space<vmem>>, vector<16xf32>,
        %swap3A_106 = vector.shape_cast %swap3A_105 : vector<16xf32> to vector<16xf32>
        %swap3A_107 = vector.shape_cast %get3A_103 : vector<16xf32> to vector<16xf32>
        tpu.vector_store %run_scoped3A[%swap3A_104], %swap3A_107 {add = true, strides = array<i32>} : memref<81920xf32, #tpu.memory_space<vmem>>, vector<16xf32>,
        %add3A_108 = arith.constant 32 : i32
        %add3A_109 = arith.addi %squeeze3A_83, %add3A_108 : i32
        %get3A_110 = arith.index_cast %add3A_87 : i32 to index
        %get3A_111 = arith.constant 32 : index
        %get3A_112 = tpu.vector_load %arg6[%get3A_110, %get3A_111] {strides = array<i32>} : memref<64x64xf32, #tpu.memory_space<vmem>>, vector<1x16xf32>,
        %get3A_113 = vector.shape_cast %get3A_112 : vector<1x16xf32> to vector<16xf32>
        %swap3A_114 = arith.index_cast %add3A_109 : i32 to index
        %swap3A_115 = tpu.vector_load %run_scoped3A[%swap3A_114] {strides = array<i32>} : memref<81920xf32, #tpu.memory_space<vmem>>, vector<16xf32>,
        %swap3A_116 = vector.shape_cast %swap3A_115 : vector<16xf32> to vector<16xf32>
        %swap3A_117 = vector.shape_cast %get3A_113 : vector<16xf32> to vector<16xf32>
        tpu.vector_store %run_scoped3A[%swap3A_114], %swap3A_117 {add = true, strides = array<i32>} : memref<81920xf32, #tpu.memory_space<vmem>>, vector<16xf32>,
        %add3A_118 = arith.constant 48 : i32
        %add3A_119 = arith.addi %squeeze3A_83, %add3A_118 : i32
        %get3A_120 = arith.index_cast %add3A_87 : i32 to index
        %get3A_121 = arith.constant 48 : index
        %get3A_122 = tpu.vector_load %arg6[%get3A_120, %get3A_121] {strides = array<i32>} : memref<64x64xf32, #tpu.memory_space<vmem>>, vector<1x16xf32>,
        %get3A_123 = vector.shape_cast %get3A_122 : vector<1x16xf32> to vector<16xf32>
        %swap3A_124 = arith.index_cast %add3A_119 : i32 to index
        %swap3A_125 = tpu.vector_load %run_scoped3A[%swap3A_124] {strides = array<i32>} : memref<81920xf32, #tpu.memory_space<vmem>>, vector<16xf32>,
        %swap3A_126 = vector.shape_cast %swap3A_125 : vector<16xf32> to vector<16xf32>
        %swap3A_127 = vector.shape_cast %get3A_123 : vector<16xf32> to vector<16xf32>
        tpu.vector_store %run_scoped3A[%swap3A_124], %swap3A_127 {add = true, strides = array<i32>} : memref<81920xf32, #tpu.memory_space<vmem>>, vector<16xf32>,
        %add3A_128 = arith.constant 64 : i32
        %add3A_129 = arith.addi %squeeze3A_83, %add3A_128 : i32
        %swap3A_130 = arith.index_cast %add3A_129 : i32 to index
        %swap3A_131 = tpu.vector_load %run_scoped3A[%swap3A_130] {strides = array<i32>} : memref<81920xf32, #tpu.memory_space<vmem>>, vector<16xf32>,
        %swap3A_132 = vector.shape_cast %swap3A_131 : vector<16xf32> to vector<16xf32>
        %swap3A_133 = vector.shape_cast %broadcast_in_dim3A_3 : vector<16xf32> to vector<16xf32>
        tpu.vector_store %run_scoped3A[%swap3A_130], %swap3A_133 {add = true, strides = array<i32>} : memref<81920xf32, #tpu.memory_space<vmem>>, vector<16xf32>,
        %slice3A_134 = vector.extract_strided_slice %mul3A_32 {offsets = [2], sizes = [1], strides = [1]} : vector<16xi32> to vector<1xi32>
        %squeeze3A_135 = vector.extract %slice3A_134[0] : i32 from vector<1xi32>
        %mul3A_136 = arith.constant 16 : i32
        %mul3A_137 = arith.muli %scan3A_23, %mul3A_136 : i32
        %add3A_138 = arith.constant 2 : i32
        %add3A_139 = arith.addi %mul3A_137, %add3A_138 : i32
        %add3A_140 = arith.constant 0 : i32
        %add3A_141 = arith.addi %squeeze3A_135, %add3A_140 : i32
        %get3A_142 = arith.index_cast %add3A_139 : i32 to index
        %get3A_143 = arith.constant 0 : index
        %get3A_144 = tpu.vector_load %arg6[%get3A_142, %get3A_143] {strides = array<i32>} : memref<64x64xf32, #tpu.memory_space<vmem>>, vector<1x16xf32>,
        %get3A_145 = vector.shape_cast %get3A_144 : vector<1x16xf32> to vector<16xf32>
        %swap3A_146 = arith.index_cast %add3A_141 : i32 to index
        %swap3A_147 = tpu.vector_load %run_scoped3A[%swap3A_146] {strides = array<i32>} : memref<81920xf32, #tpu.memory_space<vmem>>, vector<16xf32>,
        %swap3A_148 = vector.shape_cast %swap3A_147 : vector<16xf32> to vector<16xf32>
        %swap3A_149 = vector.shape_cast %get3A_145 : vector<16xf32> to vector<16xf32>
        tpu.vector_store %run_scoped3A[%swap3A_146], %swap3A_149 {add = true, strides = array<i32>} : memref<81920xf32, #tpu.memory_space<vmem>>, vector<16xf32>,
        %add3A_150 = arith.constant 16 : i32
        %add3A_151 = arith.addi %squeeze3A_135, %add3A_150 : i32
        %get3A_152 = arith.index_cast %add3A_139 : i32 to index
        %get3A_153 = arith.constant 16 : index
        %get3A_154 = tpu.vector_load %arg6[%get3A_152, %get3A_153] {strides = array<i32>} : memref<64x64xf32, #tpu.memory_space<vmem>>, vector<1x16xf32>,
        %get3A_155 = vector.shape_cast %get3A_154 : vector<1x16xf32> to vector<16xf32>
        %swap3A_156 = arith.index_cast %add3A_151 : i32 to index
        %swap3A_157 = tpu.vector_load %run_scoped3A[%swap3A_156] {strides = array<i32>} : memref<81920xf32, #tpu.memory_space<vmem>>, vector<16xf32>,
        %swap3A_158 = vector.shape_cast %swap3A_157 : vector<16xf32> to vector<16xf32>
        %swap3A_159 = vector.shape_cast %get3A_155 : vector<16xf32> to vector<16xf32>
        tpu.vector_store %run_scoped3A[%swap3A_156], %swap3A_159 {add = true, strides = array<i32>} : memref<81920xf32, #tpu.memory_space<vmem>>, vector<16xf32>,
        %add3A_160 = arith.constant 32 : i32
        %add3A_161 = arith.addi %squeeze3A_135, %add3A_160 : i32
        %get3A_162 = arith.index_cast %add3A_139 : i32 to index
        %get3A_163 = arith.constant 32 : index
        %get3A_164 = tpu.vector_load %arg6[%get3A_162, %get3A_163] {strides = array<i32>} : memref<64x64xf32, #tpu.memory_space<vmem>>, vector<1x16xf32>,
        %get3A_165 = vector.shape_cast %get3A_164 : vector<1x16xf32> to vector<16xf32>
        %swap3A_166 = arith.index_cast %add3A_161 : i32 to index
        %swap3A_167 = tpu.vector_load %run_scoped3A[%swap3A_166] {strides = array<i32>} : memref<81920xf32, #tpu.memory_space<vmem>>, vector<16xf32>,
        %swap3A_168 = vector.shape_cast %swap3A_167 : vector<16xf32> to vector<16xf32>
        %swap3A_169 = vector.shape_cast %get3A_165 : vector<16xf32> to vector<16xf32>
        tpu.vector_store %run_scoped3A[%swap3A_166], %swap3A_169 {add = true, strides = array<i32>} : memref<81920xf32, #tpu.memory_space<vmem>>, vector<16xf32>,
        %add3A_170 = arith.constant 48 : i32
        %add3A_171 = arith.addi %squeeze3A_135, %add3A_170 : i32
        %get3A_172 = arith.index_cast %add3A_139 : i32 to index
        %get3A_173 = arith.constant 48 : index
        %get3A_174 = tpu.vector_load %arg6[%get3A_172, %get3A_173] {strides = array<i32>} : memref<64x64xf32, #tpu.memory_space<vmem>>, vector<1x16xf32>,
        %get3A_175 = vector.shape_cast %get3A_174 : vector<1x16xf32> to vector<16xf32>
        %swap3A_176 = arith.index_cast %add3A_171 : i32 to index
        %swap3A_177 = tpu.vector_load %run_scoped3A[%swap3A_176] {strides = array<i32>} : memref<81920xf32, #tpu.memory_space<vmem>>, vector<16xf32>,
        %swap3A_178 = vector.shape_cast %swap3A_177 : vector<16xf32> to vector<16xf32>
        %swap3A_179 = vector.shape_cast %get3A_175 : vector<16xf32> to vector<16xf32>
        tpu.vector_store %run_scoped3A[%swap3A_176], %swap3A_179 {add = true, strides = array<i32>} : memref<81920xf32, #tpu.memory_space<vmem>>, vector<16xf32>,
        %add3A_180 = arith.constant 64 : i32
        %add3A_181 = arith.addi %squeeze3A_135, %add3A_180 : i32
        %swap3A_182 = arith.index_cast %add3A_181 : i32 to index
        %swap3A_183 = tpu.vector_load %run_scoped3A[%swap3A_182] {strides = array<i32>} : memref<81920xf32, #tpu.memory_space<vmem>>, vector<16xf32>,
        %swap3A_184 = vector.shape_cast %swap3A_183 : vector<16xf32> to vector<16xf32>
        %swap3A_185 = vector.shape_cast %broadcast_in_dim3A_3 : vector<16xf32> to vector<16xf32>
        tpu.vector_store %run_scoped3A[%swap3A_182], %swap3A_185 {add = true, strides = array<i32>} : memref<81920xf32, #tpu.memory_space<vmem>>, vector<16xf32>,
        %slice3A_186 = vector.extract_strided_slice %mul3A_32 {offsets = [3], sizes = [1], strides = [1]} : vector<16xi32> to vector<1xi32>
        %squeeze3A_187 = vector.extract %slice3A_186[0] : i32 from vector<1xi32>
        %mul3A_188 = arith.constant 16 : i32
        %mul3A_189 = arith.muli %scan3A_23, %mul3A_188 : i32
        %add3A_190 = arith.constant 3 : i32
        %add3A_191 = arith.addi %mul3A_189, %add3A_190 : i32
        %add3A_192 = arith.constant 0 : i32
        %add3A_193 = arith.addi %squeeze3A_187, %add3A_192 : i32
        %get3A_194 = arith.index_cast %add3A_191 : i32 to index
        %get3A_195 = arith.constant 0 : index
        %get3A_196 = tpu.vector_load %arg6[%get3A_194, %get3A_195] {strides = array<i32>} : memref<64x64xf32, #tpu.memory_space<vmem>>, vector<1x16xf32>,
        %get3A_197 = vector.shape_cast %get3A_196 : vector<1x16xf32> to vector<16xf32>
        %swap3A_198 = arith.index_cast %add3A_193 : i32 to index
        %swap3A_199 = tpu.vector_load %run_scoped3A[%swap3A_198] {strides = array<i32>} : memref<81920xf32, #tpu.memory_space<vmem>>, vector<16xf32>,
        %swap3A_200 = vector.shape_cast %swap3A_199 : vector<16xf32> to vector<16xf32>
        %swap3A_201 = vector.shape_cast %get3A_197 : vector<16xf32> to vector<16xf32>
        tpu.vector_store %run_scoped3A[%swap3A_198], %swap3A_201 {add = true, strides = array<i32>} : memref<81920xf32, #tpu.memory_space<vmem>>, vector<16xf32>,
        %add3A_202 = arith.constant 16 : i32
        %add3A_203 = arith.addi %squeeze3A_187, %add3A_202 : i32
        %get3A_204 = arith.index_cast %add3A_191 : i32 to index
        %get3A_205 = arith.constant 16 : index
        %get3A_206 = tpu.vector_load %arg6[%get3A_204, %get3A_205] {strides = array<i32>} : memref<64x64xf32, #tpu.memory_space<vmem>>, vector<1x16xf32>,
        %get3A_207 = vector.shape_cast %get3A_206 : vector<1x16xf32> to vector<16xf32>
        %swap3A_208 = arith.index_cast %add3A_203 : i32 to index
        %swap3A_209 = tpu.vector_load %run_scoped3A[%swap3A_208] {strides = array<i32>} : memref<81920xf32, #tpu.memory_space<vmem>>, vector<16xf32>,
        %swap3A_210 = vector.shape_cast %swap3A_209 : vector<16xf32> to vector<16xf32>
        %swap3A_211 = vector.shape_cast %get3A_207 : vector<16xf32> to vector<16xf32>
        tpu.vector_store %run_scoped3A[%swap3A_208], %swap3A_211 {add = true, strides = array<i32>} : memref<81920xf32, #tpu.memory_space<vmem>>, vector<16xf32>,
        %add3A_212 = arith.constant 32 : i32
        %add3A_213 = arith.addi %squeeze3A_187, %add3A_212 : i32
        %get3A_214 = arith.index_cast %add3A_191 : i32 to index
        %get3A_215 = arith.constant 32 : index
        %get3A_216 = tpu.vector_load %arg6[%get3A_214, %get3A_215] {strides = array<i32>} : memref<64x64xf32, #tpu.memory_space<vmem>>, vector<1x16xf32>,
        %get3A_217 = vector.shape_cast %get3A_216 : vector<1x16xf32> to vector<16xf32>
        %swap3A_218 = arith.index_cast %add3A_213 : i32 to index
        %swap3A_219 = tpu.vector_load %run_scoped3A[%swap3A_218] {strides = array<i32>} : memref<81920xf32, #tpu.memory_space<vmem>>, vector<16xf32>,
        %swap3A_220 = vector.shape_cast %swap3A_219 : vector<16xf32> to vector<16xf32>
        %swap3A_221 = vector.shape_cast %get3A_217 : vector<16xf32> to vector<16xf32>
        tpu.vector_store %run_scoped3A[%swap3A_218], %swap3A_221 {add = true, strides = array<i32>} : memref<81920xf32, #tpu.memory_space<vmem>>, vector<16xf32>,
        %add3A_222 = arith.constant 48 : i32
        %add3A_223 = arith.addi %squeeze3A_187, %add3A_222 : i32
        %get3A_224 = arith.index_cast %add3A_191 : i32 to index
        %get3A_225 = arith.constant 48 : index
        %get3A_226 = tpu.vector_load %arg6[%get3A_224, %get3A_225] {strides = array<i32>} : memref<64x64xf32, #tpu.memory_space<vmem>>, vector<1x16xf32>,
        %get3A_227 = vector.shape_cast %get3A_226 : vector<1x16xf32> to vector<16xf32>
        %swap3A_228 = arith.index_cast %add3A_223 : i32 to index
        %swap3A_229 = tpu.vector_load %run_scoped3A[%swap3A_228] {strides = array<i32>} : memref<81920xf32, #tpu.memory_space<vmem>>, vector<16xf32>,
        %swap3A_230 = vector.shape_cast %swap3A_229 : vector<16xf32> to vector<16xf32>
        %swap3A_231 = vector.shape_cast %get3A_227 : vector<16xf32> to vector<16xf32>
        tpu.vector_store %run_scoped3A[%swap3A_228], %swap3A_231 {add = true, strides = array<i32>} : memref<81920xf32, #tpu.memory_space<vmem>>, vector<16xf32>,
        %add3A_232 = arith.constant 64 : i32
        %add3A_233 = arith.addi %squeeze3A_187, %add3A_232 : i32
        %swap3A_234 = arith.index_cast %add3A_233 : i32 to index
        %swap3A_235 = tpu.vector_load %run_scoped3A[%swap3A_234] {strides = array<i32>} : memref<81920xf32, #tpu.memory_space<vmem>>, vector<16xf32>,
        %swap3A_236 = vector.shape_cast %swap3A_235 : vector<16xf32> to vector<16xf32>
        %swap3A_237 = vector.shape_cast %broadcast_in_dim3A_3 : vector<16xf32> to vector<16xf32>
        tpu.vector_store %run_scoped3A[%swap3A_234], %swap3A_237 {add = true, strides = array<i32>} : memref<81920xf32, #tpu.memory_space<vmem>>, vector<16xf32>,
        %slice3A_238 = vector.extract_strided_slice %mul3A_32 {offsets = [4], sizes = [1], strides = [1]} : vector<16xi32> to vector<1xi32>
        %squeeze3A_239 = vector.extract %slice3A_238[0] : i32 from vector<1xi32>
        %mul3A_240 = arith.constant 16 : i32
        %mul3A_241 = arith.muli %scan3A_23, %mul3A_240 : i32
        %add3A_242 = arith.constant 4 : i32
        %add3A_243 = arith.addi %mul3A_241, %add3A_242 : i32
        %add3A_244 = arith.constant 0 : i32
        %add3A_245 = arith.addi %squeeze3A_239, %add3A_244 : i32
        %get3A_246 = arith.index_cast %add3A_243 : i32 to index
        %get3A_247 = arith.constant 0 : index
        %get3A_248 = tpu.vector_load %arg6[%get3A_246, %get3A_247] {strides = array<i32>} : memref<64x64xf32, #tpu.memory_space<vmem>>, vector<1x16xf32>,
        %get3A_249 = vector.shape_cast %get3A_248 : vector<1x16xf32> to vector<16xf32>
        %swap3A_250 = arith.index_cast %add3A_245 : i32 to index
        %swap3A_251 = tpu.vector_load %run_scoped3A[%swap3A_250] {strides = array<i32>} : memref<81920xf32, #tpu.memory_space<vmem>>, vector<16xf32>,
        %swap3A_252 = vector.shape_cast %swap3A_251 : vector<16xf32> to vector<16xf32>
        %swap3A_253 = vector.shape_cast %get3A_249 : vector<16xf32> to vector<16xf32>
        tpu.vector_store %run_scoped3A[%swap3A_250], %swap3A_253 {add = true, strides = array<i32>} : memref<81920xf32, #tpu.memory_space<vmem>>, vector<16xf32>,
        %add3A_254 = arith.constant 16 : i32
        %add3A_255 = arith.addi %squeeze3A_239, %add3A_254 : i32
        %get3A_256 = arith.index_cast %add3A_243 : i32 to index
        %get3A_257 = arith.constant 16 : index
        %get3A_258 = tpu.vector_load %arg6[%get3A_256, %get3A_257] {strides = array<i32>} : memref<64x64xf32, #tpu.memory_space<vmem>>, vector<1x16xf32>,
        %get3A_259 = vector.shape_cast %get3A_258 : vector<1x16xf32> to vector<16xf32>
        %swap3A_260 = arith.index_cast %add3A_255 : i32 to index
        %swap3A_261 = tpu.vector_load %run_scoped3A[%swap3A_260] {strides = array<i32>} : memref<81920xf32, #tpu.memory_space<vmem>>, vector<16xf32>,
        %swap3A_262 = vector.shape_cast %swap3A_261 : vector<16xf32> to vector<16xf32>
        %swap3A_263 = vector.shape_cast %get3A_259 : vector<16xf32> to vector<16xf32>
        tpu.vector_store %run_scoped3A[%swap3A_260], %swap3A_263 {add = true, strides = array<i32>} : memref<81920xf32, #tpu.memory_space<vmem>>, vector<16xf32>,
        %add3A_264 = arith.constant 32 : i32
        %add3A_265 = arith.addi %squeeze3A_239, %add3A_264 : i32
        %get3A_266 = arith.index_cast %add3A_243 : i32 to index
        %get3A_267 = arith.constant 32 : index
        %get3A_268 = tpu.vector_load %arg6[%get3A_266, %get3A_267] {strides = array<i32>} : memref<64x64xf32, #tpu.memory_space<vmem>>, vector<1x16xf32>,
        %get3A_269 = vector.shape_cast %get3A_268 : vector<1x16xf32> to vector<16xf32>
        %swap3A_270 = arith.index_cast %add3A_265 : i32 to index
        %swap3A_271 = tpu.vector_load %run_scoped3A[%swap3A_270] {strides = array<i32>} : memref<81920xf32, #tpu.memory_space<vmem>>, vector<16xf32>,
        %swap3A_272 = vector.shape_cast %swap3A_271 : vector<16xf32> to vector<16xf32>
        %swap3A_273 = vector.shape_cast %get3A_269 : vector<16xf32> to vector<16xf32>
        tpu.vector_store %run_scoped3A[%swap3A_270], %swap3A_273 {add = true, strides = array<i32>} : memref<81920xf32, #tpu.memory_space<vmem>>, vector<16xf32>,
        %add3A_274 = arith.constant 48 : i32
        %add3A_275 = arith.addi %squeeze3A_239, %add3A_274 : i32
        %get3A_276 = arith.index_cast %add3A_243 : i32 to index
        %get3A_277 = arith.constant 48 : index
        %get3A_278 = tpu.vector_load %arg6[%get3A_276, %get3A_277] {strides = array<i32>} : memref<64x64xf32, #tpu.memory_space<vmem>>, vector<1x16xf32>,
        %get3A_279 = vector.shape_cast %get3A_278 : vector<1x16xf32> to vector<16xf32>
        %swap3A_280 = arith.index_cast %add3A_275 : i32 to index
        %swap3A_281 = tpu.vector_load %run_scoped3A[%swap3A_280] {strides = array<i32>} : memref<81920xf32, #tpu.memory_space<vmem>>, vector<16xf32>,
        %swap3A_282 = vector.shape_cast %swap3A_281 : vector<16xf32> to vector<16xf32>
        %swap3A_283 = vector.shape_cast %get3A_279 : vector<16xf32> to vector<16xf32>
        tpu.vector_store %run_scoped3A[%swap3A_280], %swap3A_283 {add = true, strides = array<i32>} : memref<81920xf32, #tpu.memory_space<vmem>>, vector<16xf32>,
        %add3A_284 = arith.constant 64 : i32
        %add3A_285 = arith.addi %squeeze3A_239, %add3A_284 : i32
        %swap3A_286 = arith.index_cast %add3A_285 : i32 to index
        %swap3A_287 = tpu.vector_load %run_scoped3A[%swap3A_286] {strides = array<i32>} : memref<81920xf32, #tpu.memory_space<vmem>>, vector<16xf32>,
        %swap3A_288 = vector.shape_cast %swap3A_287 : vector<16xf32> to vector<16xf32>
        %swap3A_289 = vector.shape_cast %broadcast_in_dim3A_3 : vector<16xf32> to vector<16xf32>
        tpu.vector_store %run_scoped3A[%swap3A_286], %swap3A_289 {add = true, strides = array<i32>} : memref<81920xf32, #tpu.memory_space<vmem>>, vector<16xf32>,
        %slice3A_290 = vector.extract_strided_slice %mul3A_32 {offsets = [5], sizes = [1], strides = [1]} : vector<16xi32> to vector<1xi32>
        %squeeze3A_291 = vector.extract %slice3A_290[0] : i32 from vector<1xi32>
        %mul3A_292 = arith.constant 16 : i32
        %mul3A_293 = arith.muli %scan3A_23, %mul3A_292 : i32
        %add3A_294 = arith.constant 5 : i32
        %add3A_295 = arith.addi %mul3A_293, %add3A_294 : i32
        %add3A_296 = arith.constant 0 : i32
        %add3A_297 = arith.addi %squeeze3A_291, %add3A_296 : i32
        %get3A_298 = arith.index_cast %add3A_295 : i32 to index
        %get3A_299 = arith.constant 0 : index
        %get3A_300 = tpu.vector_load %arg6[%get3A_298, %get3A_299] {strides = array<i32>} : memref<64x64xf32, #tpu.memory_space<vmem>>, vector<1x16xf32>,
        %get3A_301 = vector.shape_cast %get3A_300 : vector<1x16xf32> to vector<16xf32>
        %swap3A_302 = arith.index_cast %add3A_297 : i32 to index
        %swap3A_303 = tpu.vector_load %run_scoped3A[%swap3A_302] {strides = array<i32>} : memref<81920xf32, #tpu.memory_space<vmem>>, vector<16xf32>,
        %swap3A_304 = vector.shape_cast %swap3A_303 : vector<16xf32> to vector<16xf32>
        %swap3A_305 = vector.shape_cast %get3A_301 : vector<16xf32> to vector<16xf32>
        tpu.vector_store %run_scoped3A[%swap3A_302], %swap3A_305 {add = true, strides = array<i32>} : memref<81920xf32, #tpu.memory_space<vmem>>, vector<16xf32>,
        %add3A_306 = arith.constant 16 : i32
        %add3A_307 = arith.addi %squeeze3A_291, %add3A_306 : i32
        %get3A_308 = arith.index_cast %add3A_295 : i32 to index
        %get3A_309 = arith.constant 16 : index
        %get3A_310 = tpu.vector_load %arg6[%get3A_308, %get3A_309] {strides = array<i32>} : memref<64x64xf32, #tpu.memory_space<vmem>>, vector<1x16xf32>,
        %get3A_311 = vector.shape_cast %get3A_310 : vector<1x16xf32> to vector<16xf32>
        %swap3A_312 = arith.index_cast %add3A_307 : i32 to index
        %swap3A_313 = tpu.vector_load %run_scoped3A[%swap3A_312] {strides = array<i32>} : memref<81920xf32, #tpu.memory_space<vmem>>, vector<16xf32>,
        %swap3A_314 = vector.shape_cast %swap3A_313 : vector<16xf32> to vector<16xf32>
        %swap3A_315 = vector.shape_cast %get3A_311 : vector<16xf32> to vector<16xf32>
        tpu.vector_store %run_scoped3A[%swap3A_312], %swap3A_315 {add = true, strides = array<i32>} : memref<81920xf32, #tpu.memory_space<vmem>>, vector<16xf32>,
        %add3A_316 = arith.constant 32 : i32
        %add3A_317 = arith.addi %squeeze3A_291, %add3A_316 : i32
        %get3A_318 = arith.index_cast %add3A_295 : i32 to index
        %get3A_319 = arith.constant 32 : index
        %get3A_320 = tpu.vector_load %arg6[%get3A_318, %get3A_319] {strides = array<i32>} : memref<64x64xf32, #tpu.memory_space<vmem>>, vector<1x16xf32>,
        %get3A_321 = vector.shape_cast %get3A_320 : vector<1x16xf32> to vector<16xf32>
        %swap3A_322 = arith.index_cast %add3A_317 : i32 to index
        %swap3A_323 = tpu.vector_load %run_scoped3A[%swap3A_322] {strides = array<i32>} : memref<81920xf32, #tpu.memory_space<vmem>>, vector<16xf32>,
        %swap3A_324 = vector.shape_cast %swap3A_323 : vector<16xf32> to vector<16xf32>
        %swap3A_325 = vector.shape_cast %get3A_321 : vector<16xf32> to vector<16xf32>
        tpu.vector_store %run_scoped3A[%swap3A_322], %swap3A_325 {add = true, strides = array<i32>} : memref<81920xf32, #tpu.memory_space<vmem>>, vector<16xf32>,
        %add3A_326 = arith.constant 48 : i32
        %add3A_327 = arith.addi %squeeze3A_291, %add3A_326 : i32
        %get3A_328 = arith.index_cast %add3A_295 : i32 to index
        %get3A_329 = arith.constant 48 : index
        %get3A_330 = tpu.vector_load %arg6[%get3A_328, %get3A_329] {strides = array<i32>} : memref<64x64xf32, #tpu.memory_space<vmem>>, vector<1x16xf32>,
        %get3A_331 = vector.shape_cast %get3A_330 : vector<1x16xf32> to vector<16xf32>
        %swap3A_332 = arith.index_cast %add3A_327 : i32 to index
        %swap3A_333 = tpu.vector_load %run_scoped3A[%swap3A_332] {strides = array<i32>} : memref<81920xf32, #tpu.memory_space<vmem>>, vector<16xf32>,
        %swap3A_334 = vector.shape_cast %swap3A_333 : vector<16xf32> to vector<16xf32>
        %swap3A_335 = vector.shape_cast %get3A_331 : vector<16xf32> to vector<16xf32>
        tpu.vector_store %run_scoped3A[%swap3A_332], %swap3A_335 {add = true, strides = array<i32>} : memref<81920xf32, #tpu.memory_space<vmem>>, vector<16xf32>,
        %add3A_336 = arith.constant 64 : i32
        %add3A_337 = arith.addi %squeeze3A_291, %add3A_336 : i32
        %swap3A_338 = arith.index_cast %add3A_337 : i32 to index
        %swap3A_339 = tpu.vector_load %run_scoped3A[%swap3A_338] {strides = array<i32>} : memref<81920xf32, #tpu.memory_space<vmem>>, vector<16xf32>,
        %swap3A_340 = vector.shape_cast %swap3A_339 : vector<16xf32> to vector<16xf32>
        %swap3A_341 = vector.shape_cast %broadcast_in_dim3A_3 : vector<16xf32> to vector<16xf32>
        tpu.vector_store %run_scoped3A[%swap3A_338], %swap3A_341 {add = true, strides = array<i32>} : memref<81920xf32, #tpu.memory_space<vmem>>, vector<16xf32>,
        %slice3A_342 = vector.extract_strided_slice %mul3A_32 {offsets = [6], sizes = [1], strides = [1]} : vector<16xi32> to vector<1xi32>
        %squeeze3A_343 = vector.extract %slice3A_342[0] : i32 from vector<1xi32>
        %mul3A_344 = arith.constant 16 : i32
        %mul3A_345 = arith.muli %scan3A_23, %mul3A_344 : i32
        %add3A_346 = arith.constant 6 : i32
        %add3A_347 = arith.addi %mul3A_345, %add3A_346 : i32
        %add3A_348 = arith.constant 0 : i32
        %add3A_349 = arith.addi %squeeze3A_343, %add3A_348 : i32
        %get3A_350 = arith.index_cast %add3A_347 : i32 to index
        %get3A_351 = arith.constant 0 : index
        %get3A_352 = tpu.vector_load %arg6[%get3A_350, %get3A_351] {strides = array<i32>} : memref<64x64xf32, #tpu.memory_space<vmem>>, vector<1x16xf32>,
        %get3A_353 = vector.shape_cast %get3A_352 : vector<1x16xf32> to vector<16xf32>
        %swap3A_354 = arith.index_cast %add3A_349 : i32 to index
        %swap3A_355 = tpu.vector_load %run_scoped3A[%swap3A_354] {strides = array<i32>} : memref<81920xf32, #tpu.memory_space<vmem>>, vector<16xf32>,
        %swap3A_356 = vector.shape_cast %swap3A_355 : vector<16xf32> to vector<16xf32>
        %swap3A_357 = vector.shape_cast %get3A_353 : vector<16xf32> to vector<16xf32>
        tpu.vector_store %run_scoped3A[%swap3A_354], %swap3A_357 {add = true, strides = array<i32>} : memref<81920xf32, #tpu.memory_space<vmem>>, vector<16xf32>,
        %add3A_358 = arith.constant 16 : i32
        %add3A_359 = arith.addi %squeeze3A_343, %add3A_358 : i32
        %get3A_360 = arith.index_cast %add3A_347 : i32 to index
        %get3A_361 = arith.constant 16 : index
        %get3A_362 = tpu.vector_load %arg6[%get3A_360, %get3A_361] {strides = array<i32>} : memref<64x64xf32, #tpu.memory_space<vmem>>, vector<1x16xf32>,
        %get3A_363 = vector.shape_cast %get3A_362 : vector<1x16xf32> to vector<16xf32>
        %swap3A_364 = arith.index_cast %add3A_359 : i32 to index
        %swap3A_365 = tpu.vector_load %run_scoped3A[%swap3A_364] {strides = array<i32>} : memref<81920xf32, #tpu.memory_space<vmem>>, vector<16xf32>,
        %swap3A_366 = vector.shape_cast %swap3A_365 : vector<16xf32> to vector<16xf32>
        %swap3A_367 = vector.shape_cast %get3A_363 : vector<16xf32> to vector<16xf32>
        tpu.vector_store %run_scoped3A[%swap3A_364], %swap3A_367 {add = true, strides = array<i32>} : memref<81920xf32, #tpu.memory_space<vmem>>, vector<16xf32>,
        %add3A_368 = arith.constant 32 : i32
        %add3A_369 = arith.addi %squeeze3A_343, %add3A_368 : i32
        %get3A_370 = arith.index_cast %add3A_347 : i32 to index
        %get3A_371 = arith.constant 32 : index
        %get3A_372 = tpu.vector_load %arg6[%get3A_370, %get3A_371] {strides = array<i32>} : memref<64x64xf32, #tpu.memory_space<vmem>>, vector<1x16xf32>,
        %get3A_373 = vector.shape_cast %get3A_372 : vector<1x16xf32> to vector<16xf32>
        %swap3A_374 = arith.index_cast %add3A_369 : i32 to index
        %swap3A_375 = tpu.vector_load %run_scoped3A[%swap3A_374] {strides = array<i32>} : memref<81920xf32, #tpu.memory_space<vmem>>, vector<16xf32>,
        %swap3A_376 = vector.shape_cast %swap3A_375 : vector<16xf32> to vector<16xf32>
        %swap3A_377 = vector.shape_cast %get3A_373 : vector<16xf32> to vector<16xf32>
        tpu.vector_store %run_scoped3A[%swap3A_374], %swap3A_377 {add = true, strides = array<i32>} : memref<81920xf32, #tpu.memory_space<vmem>>, vector<16xf32>,
        %add3A_378 = arith.constant 48 : i32
        %add3A_379 = arith.addi %squeeze3A_343, %add3A_378 : i32
        %get3A_380 = arith.index_cast %add3A_347 : i32 to index
        %get3A_381 = arith.constant 48 : index
        %get3A_382 = tpu.vector_load %arg6[%get3A_380, %get3A_381] {strides = array<i32>} : memref<64x64xf32, #tpu.memory_space<vmem>>, vector<1x16xf32>,
        %get3A_383 = vector.shape_cast %get3A_382 : vector<1x16xf32> to vector<16xf32>
        %swap3A_384 = arith.index_cast %add3A_379 : i32 to index
        %swap3A_385 = tpu.vector_load %run_scoped3A[%swap3A_384] {strides = array<i32>} : memref<81920xf32, #tpu.memory_space<vmem>>, vector<16xf32>,
        %swap3A_386 = vector.shape_cast %swap3A_385 : vector<16xf32> to vector<16xf32>
        %swap3A_387 = vector.shape_cast %get3A_383 : vector<16xf32> to vector<16xf32>
        tpu.vector_store %run_scoped3A[%swap3A_384], %swap3A_387 {add = true, strides = array<i32>} : memref<81920xf32, #tpu.memory_space<vmem>>, vector<16xf32>,
        %add3A_388 = arith.constant 64 : i32
        %add3A_389 = arith.addi %squeeze3A_343, %add3A_388 : i32
        %swap3A_390 = arith.index_cast %add3A_389 : i32 to index
        %swap3A_391 = tpu.vector_load %run_scoped3A[%swap3A_390] {strides = array<i32>} : memref<81920xf32, #tpu.memory_space<vmem>>, vector<16xf32>,
        %swap3A_392 = vector.shape_cast %swap3A_391 : vector<16xf32> to vector<16xf32>
        %swap3A_393 = vector.shape_cast %broadcast_in_dim3A_3 : vector<16xf32> to vector<16xf32>
        tpu.vector_store %run_scoped3A[%swap3A_390], %swap3A_393 {add = true, strides = array<i32>} : memref<81920xf32, #tpu.memory_space<vmem>>, vector<16xf32>,
        %slice3A_394 = vector.extract_strided_slice %mul3A_32 {offsets = [7], sizes = [1], strides = [1]} : vector<16xi32> to vector<1xi32>
        %squeeze3A_395 = vector.extract %slice3A_394[0] : i32 from vector<1xi32>
        %mul3A_396 = arith.constant 16 : i32
        %mul3A_397 = arith.muli %scan3A_23, %mul3A_396 : i32
        %add3A_398 = arith.constant 7 : i32
        %add3A_399 = arith.addi %mul3A_397, %add3A_398 : i32
        %add3A_400 = arith.constant 0 : i32
        %add3A_401 = arith.addi %squeeze3A_395, %add3A_400 : i32
        %get3A_402 = arith.index_cast %add3A_399 : i32 to index
        %get3A_403 = arith.constant 0 : index
        %get3A_404 = tpu.vector_load %arg6[%get3A_402, %get3A_403] {strides = array<i32>} : memref<64x64xf32, #tpu.memory_space<vmem>>, vector<1x16xf32>,
        %get3A_405 = vector.shape_cast %get3A_404 : vector<1x16xf32> to vector<16xf32>
        %swap3A_406 = arith.index_cast %add3A_401 : i32 to index
        %swap3A_407 = tpu.vector_load %run_scoped3A[%swap3A_406] {strides = array<i32>} : memref<81920xf32, #tpu.memory_space<vmem>>, vector<16xf32>,
        %swap3A_408 = vector.shape_cast %swap3A_407 : vector<16xf32> to vector<16xf32>
        %swap3A_409 = vector.shape_cast %get3A_405 : vector<16xf32> to vector<16xf32>
        tpu.vector_store %run_scoped3A[%swap3A_406], %swap3A_409 {add = true, strides = array<i32>} : memref<81920xf32, #tpu.memory_space<vmem>>, vector<16xf32>,
        %add3A_410 = arith.constant 16 : i32
        %add3A_411 = arith.addi %squeeze3A_395, %add3A_410 : i32
        %get3A_412 = arith.index_cast %add3A_399 : i32 to index
        %get3A_413 = arith.constant 16 : index
        %get3A_414 = tpu.vector_load %arg6[%get3A_412, %get3A_413] {strides = array<i32>} : memref<64x64xf32, #tpu.memory_space<vmem>>, vector<1x16xf32>,
        %get3A_415 = vector.shape_cast %get3A_414 : vector<1x16xf32> to vector<16xf32>
        %swap3A_416 = arith.index_cast %add3A_411 : i32 to index
        %swap3A_417 = tpu.vector_load %run_scoped3A[%swap3A_416] {strides = array<i32>} : memref<81920xf32, #tpu.memory_space<vmem>>, vector<16xf32>,
        %swap3A_418 = vector.shape_cast %swap3A_417 : vector<16xf32> to vector<16xf32>
        %swap3A_419 = vector.shape_cast %get3A_415 : vector<16xf32> to vector<16xf32>
        tpu.vector_store %run_scoped3A[%swap3A_416], %swap3A_419 {add = true, strides = array<i32>} : memref<81920xf32, #tpu.memory_space<vmem>>, vector<16xf32>,
        %add3A_420 = arith.constant 32 : i32
        %add3A_421 = arith.addi %squeeze3A_395, %add3A_420 : i32
        %get3A_422 = arith.index_cast %add3A_399 : i32 to index
        %get3A_423 = arith.constant 32 : index
        %get3A_424 = tpu.vector_load %arg6[%get3A_422, %get3A_423] {strides = array<i32>} : memref<64x64xf32, #tpu.memory_space<vmem>>, vector<1x16xf32>,
        %get3A_425 = vector.shape_cast %get3A_424 : vector<1x16xf32> to vector<16xf32>
        %swap3A_426 = arith.index_cast %add3A_421 : i32 to index
        %swap3A_427 = tpu.vector_load %run_scoped3A[%swap3A_426] {strides = array<i32>} : memref<81920xf32, #tpu.memory_space<vmem>>, vector<16xf32>,
        %swap3A_428 = vector.shape_cast %swap3A_427 : vector<16xf32> to vector<16xf32>
        %swap3A_429 = vector.shape_cast %get3A_425 : vector<16xf32> to vector<16xf32>
        tpu.vector_store %run_scoped3A[%swap3A_426], %swap3A_429 {add = true, strides = array<i32>} : memref<81920xf32, #tpu.memory_space<vmem>>, vector<16xf32>,
        %add3A_430 = arith.constant 48 : i32
        %add3A_431 = arith.addi %squeeze3A_395, %add3A_430 : i32
        %get3A_432 = arith.index_cast %add3A_399 : i32 to index
        %get3A_433 = arith.constant 48 : index
        %get3A_434 = tpu.vector_load %arg6[%get3A_432, %get3A_433] {strides = array<i32>} : memref<64x64xf32, #tpu.memory_space<vmem>>, vector<1x16xf32>,
        %get3A_435 = vector.shape_cast %get3A_434 : vector<1x16xf32> to vector<16xf32>
        %swap3A_436 = arith.index_cast %add3A_431 : i32 to index
        %swap3A_437 = tpu.vector_load %run_scoped3A[%swap3A_436] {strides = array<i32>} : memref<81920xf32, #tpu.memory_space<vmem>>, vector<16xf32>,
        %swap3A_438 = vector.shape_cast %swap3A_437 : vector<16xf32> to vector<16xf32>
        %swap3A_439 = vector.shape_cast %get3A_435 : vector<16xf32> to vector<16xf32>
        tpu.vector_store %run_scoped3A[%swap3A_436], %swap3A_439 {add = true, strides = array<i32>} : memref<81920xf32, #tpu.memory_space<vmem>>, vector<16xf32>,
        %add3A_440 = arith.constant 64 : i32
        %add3A_441 = arith.addi %squeeze3A_395, %add3A_440 : i32
        %swap3A_442 = arith.index_cast %add3A_441 : i32 to index
        %swap3A_443 = tpu.vector_load %run_scoped3A[%swap3A_442] {strides = array<i32>} : memref<81920xf32, #tpu.memory_space<vmem>>, vector<16xf32>,
        %swap3A_444 = vector.shape_cast %swap3A_443 : vector<16xf32> to vector<16xf32>
        %swap3A_445 = vector.shape_cast %broadcast_in_dim3A_3 : vector<16xf32> to vector<16xf32>
        tpu.vector_store %run_scoped3A[%swap3A_442], %swap3A_445 {add = true, strides = array<i32>} : memref<81920xf32, #tpu.memory_space<vmem>>, vector<16xf32>,
        %slice3A_446 = vector.extract_strided_slice %mul3A_32 {offsets = [8], sizes = [1], strides = [1]} : vector<16xi32> to vector<1xi32>
        %squeeze3A_447 = vector.extract %slice3A_446[0] : i32 from vector<1xi32>
        %mul3A_448 = arith.constant 16 : i32
        %mul3A_449 = arith.muli %scan3A_23, %mul3A_448 : i32
        %add3A_450 = arith.constant 8 : i32
        %add3A_451 = arith.addi %mul3A_449, %add3A_450 : i32
        %add3A_452 = arith.constant 0 : i32
        %add3A_453 = arith.addi %squeeze3A_447, %add3A_452 : i32
        %get3A_454 = arith.index_cast %add3A_451 : i32 to index
        %get3A_455 = arith.constant 0 : index
        %get3A_456 = tpu.vector_load %arg6[%get3A_454, %get3A_455] {strides = array<i32>} : memref<64x64xf32, #tpu.memory_space<vmem>>, vector<1x16xf32>,
        %get3A_457 = vector.shape_cast %get3A_456 : vector<1x16xf32> to vector<16xf32>
        %swap3A_458 = arith.index_cast %add3A_453 : i32 to index
        %swap3A_459 = tpu.vector_load %run_scoped3A[%swap3A_458] {strides = array<i32>} : memref<81920xf32, #tpu.memory_space<vmem>>, vector<16xf32>,
        %swap3A_460 = vector.shape_cast %swap3A_459 : vector<16xf32> to vector<16xf32>
        %swap3A_461 = vector.shape_cast %get3A_457 : vector<16xf32> to vector<16xf32>
        tpu.vector_store %run_scoped3A[%swap3A_458], %swap3A_461 {add = true, strides = array<i32>} : memref<81920xf32, #tpu.memory_space<vmem>>, vector<16xf32>,
        %add3A_462 = arith.constant 16 : i32
        %add3A_463 = arith.addi %squeeze3A_447, %add3A_462 : i32
        %get3A_464 = arith.index_cast %add3A_451 : i32 to index
        %get3A_465 = arith.constant 16 : index
        %get3A_466 = tpu.vector_load %arg6[%get3A_464, %get3A_465] {strides = array<i32>} : memref<64x64xf32, #tpu.memory_space<vmem>>, vector<1x16xf32>,
        %get3A_467 = vector.shape_cast %get3A_466 : vector<1x16xf32> to vector<16xf32>
        %swap3A_468 = arith.index_cast %add3A_463 : i32 to index
        %swap3A_469 = tpu.vector_load %run_scoped3A[%swap3A_468] {strides = array<i32>} : memref<81920xf32, #tpu.memory_space<vmem>>, vector<16xf32>,
        %swap3A_470 = vector.shape_cast %swap3A_469 : vector<16xf32> to vector<16xf32>
        %swap3A_471 = vector.shape_cast %get3A_467 : vector<16xf32> to vector<16xf32>
        tpu.vector_store %run_scoped3A[%swap3A_468], %swap3A_471 {add = true, strides = array<i32>} : memref<81920xf32, #tpu.memory_space<vmem>>, vector<16xf32>,
        %add3A_472 = arith.constant 32 : i32
        %add3A_473 = arith.addi %squeeze3A_447, %add3A_472 : i32
        %get3A_474 = arith.index_cast %add3A_451 : i32 to index
        %get3A_475 = arith.constant 32 : index
        %get3A_476 = tpu.vector_load %arg6[%get3A_474, %get3A_475] {strides = array<i32>} : memref<64x64xf32, #tpu.memory_space<vmem>>, vector<1x16xf32>,
        %get3A_477 = vector.shape_cast %get3A_476 : vector<1x16xf32> to vector<16xf32>
        %swap3A_478 = arith.index_cast %add3A_473 : i32 to index
        %swap3A_479 = tpu.vector_load %run_scoped3A[%swap3A_478] {strides = array<i32>} : memref<81920xf32, #tpu.memory_space<vmem>>, vector<16xf32>,
        %swap3A_480 = vector.shape_cast %swap3A_479 : vector<16xf32> to vector<16xf32>
        %swap3A_481 = vector.shape_cast %get3A_477 : vector<16xf32> to vector<16xf32>
        tpu.vector_store %run_scoped3A[%swap3A_478], %swap3A_481 {add = true, strides = array<i32>} : memref<81920xf32, #tpu.memory_space<vmem>>, vector<16xf32>,
        %add3A_482 = arith.constant 48 : i32
        %add3A_483 = arith.addi %squeeze3A_447, %add3A_482 : i32
        %get3A_484 = arith.index_cast %add3A_451 : i32 to index
        %get3A_485 = arith.constant 48 : index
        %get3A_486 = tpu.vector_load %arg6[%get3A_484, %get3A_485] {strides = array<i32>} : memref<64x64xf32, #tpu.memory_space<vmem>>, vector<1x16xf32>,
        %get3A_487 = vector.shape_cast %get3A_486 : vector<1x16xf32> to vector<16xf32>
        %swap3A_488 = arith.index_cast %add3A_483 : i32 to index
        %swap3A_489 = tpu.vector_load %run_scoped3A[%swap3A_488] {strides = array<i32>} : memref<81920xf32, #tpu.memory_space<vmem>>, vector<16xf32>,
        %swap3A_490 = vector.shape_cast %swap3A_489 : vector<16xf32> to vector<16xf32>
        %swap3A_491 = vector.shape_cast %get3A_487 : vector<16xf32> to vector<16xf32>
        tpu.vector_store %run_scoped3A[%swap3A_488], %swap3A_491 {add = true, strides = array<i32>} : memref<81920xf32, #tpu.memory_space<vmem>>, vector<16xf32>,
        %add3A_492 = arith.constant 64 : i32
        %add3A_493 = arith.addi %squeeze3A_447, %add3A_492 : i32
        %swap3A_494 = arith.index_cast %add3A_493 : i32 to index
        %swap3A_495 = tpu.vector_load %run_scoped3A[%swap3A_494] {strides = array<i32>} : memref<81920xf32, #tpu.memory_space<vmem>>, vector<16xf32>,
        %swap3A_496 = vector.shape_cast %swap3A_495 : vector<16xf32> to vector<16xf32>
        %swap3A_497 = vector.shape_cast %broadcast_in_dim3A_3 : vector<16xf32> to vector<16xf32>
        tpu.vector_store %run_scoped3A[%swap3A_494], %swap3A_497 {add = true, strides = array<i32>} : memref<81920xf32, #tpu.memory_space<vmem>>, vector<16xf32>,
        %slice3A_498 = vector.extract_strided_slice %mul3A_32 {offsets = [9], sizes = [1], strides = [1]} : vector<16xi32> to vector<1xi32>
        %squeeze3A_499 = vector.extract %slice3A_498[0] : i32 from vector<1xi32>
        %mul3A_500 = arith.constant 16 : i32
        %mul3A_501 = arith.muli %scan3A_23, %mul3A_500 : i32
        %add3A_502 = arith.constant 9 : i32
        %add3A_503 = arith.addi %mul3A_501, %add3A_502 : i32
        %add3A_504 = arith.constant 0 : i32
        %add3A_505 = arith.addi %squeeze3A_499, %add3A_504 : i32
        %get3A_506 = arith.index_cast %add3A_503 : i32 to index
        %get3A_507 = arith.constant 0 : index
        %get3A_508 = tpu.vector_load %arg6[%get3A_506, %get3A_507] {strides = array<i32>} : memref<64x64xf32, #tpu.memory_space<vmem>>, vector<1x16xf32>,
        %get3A_509 = vector.shape_cast %get3A_508 : vector<1x16xf32> to vector<16xf32>
        %swap3A_510 = arith.index_cast %add3A_505 : i32 to index
        %swap3A_511 = tpu.vector_load %run_scoped3A[%swap3A_510] {strides = array<i32>} : memref<81920xf32, #tpu.memory_space<vmem>>, vector<16xf32>,
        %swap3A_512 = vector.shape_cast %swap3A_511 : vector<16xf32> to vector<16xf32>
        %swap3A_513 = vector.shape_cast %get3A_509 : vector<16xf32> to vector<16xf32>
        tpu.vector_store %run_scoped3A[%swap3A_510], %swap3A_513 {add = true, strides = array<i32>} : memref<81920xf32, #tpu.memory_space<vmem>>, vector<16xf32>,
        %add3A_514 = arith.constant 16 : i32
        %add3A_515 = arith.addi %squeeze3A_499, %add3A_514 : i32
        %get3A_516 = arith.index_cast %add3A_503 : i32 to index
        %get3A_517 = arith.constant 16 : index
        %get3A_518 = tpu.vector_load %arg6[%get3A_516, %get3A_517] {strides = array<i32>} : memref<64x64xf32, #tpu.memory_space<vmem>>, vector<1x16xf32>,
        %get3A_519 = vector.shape_cast %get3A_518 : vector<1x16xf32> to vector<16xf32>
        %swap3A_520 = arith.index_cast %add3A_515 : i32 to index
        %swap3A_521 = tpu.vector_load %run_scoped3A[%swap3A_520] {strides = array<i32>} : memref<81920xf32, #tpu.memory_space<vmem>>, vector<16xf32>,
        %swap3A_522 = vector.shape_cast %swap3A_521 : vector<16xf32> to vector<16xf32>
        %swap3A_523 = vector.shape_cast %get3A_519 : vector<16xf32> to vector<16xf32>
        tpu.vector_store %run_scoped3A[%swap3A_520], %swap3A_523 {add = true, strides = array<i32>} : memref<81920xf32, #tpu.memory_space<vmem>>, vector<16xf32>,
        %add3A_524 = arith.constant 32 : i32
        %add3A_525 = arith.addi %squeeze3A_499, %add3A_524 : i32
        %get3A_526 = arith.index_cast %add3A_503 : i32 to index
        %get3A_527 = arith.constant 32 : index
        %get3A_528 = tpu.vector_load %arg6[%get3A_526, %get3A_527] {strides = array<i32>} : memref<64x64xf32, #tpu.memory_space<vmem>>, vector<1x16xf32>,
        %get3A_529 = vector.shape_cast %get3A_528 : vector<1x16xf32> to vector<16xf32>
        %swap3A_530 = arith.index_cast %add3A_525 : i32 to index
        %swap3A_531 = tpu.vector_load %run_scoped3A[%swap3A_530] {strides = array<i32>} : memref<81920xf32, #tpu.memory_space<vmem>>, vector<16xf32>,
        %swap3A_532 = vector.shape_cast %swap3A_531 : vector<16xf32> to vector<16xf32>
        %swap3A_533 = vector.shape_cast %get3A_529 : vector<16xf32> to vector<16xf32>
        tpu.vector_store %run_scoped3A[%swap3A_530], %swap3A_533 {add = true, strides = array<i32>} : memref<81920xf32, #tpu.memory_space<vmem>>, vector<16xf32>,
        %add3A_534 = arith.constant 48 : i32
        %add3A_535 = arith.addi %squeeze3A_499, %add3A_534 : i32
        %get3A_536 = arith.index_cast %add3A_503 : i32 to index
        %get3A_537 = arith.constant 48 : index
        %get3A_538 = tpu.vector_load %arg6[%get3A_536, %get3A_537] {strides = array<i32>} : memref<64x64xf32, #tpu.memory_space<vmem>>, vector<1x16xf32>,
        %get3A_539 = vector.shape_cast %get3A_538 : vector<1x16xf32> to vector<16xf32>
        %swap3A_540 = arith.index_cast %add3A_535 : i32 to index
        %swap3A_541 = tpu.vector_load %run_scoped3A[%swap3A_540] {strides = array<i32>} : memref<81920xf32, #tpu.memory_space<vmem>>, vector<16xf32>,
        %swap3A_542 = vector.shape_cast %swap3A_541 : vector<16xf32> to vector<16xf32>
        %swap3A_543 = vector.shape_cast %get3A_539 : vector<16xf32> to vector<16xf32>
        tpu.vector_store %run_scoped3A[%swap3A_540], %swap3A_543 {add = true, strides = array<i32>} : memref<81920xf32, #tpu.memory_space<vmem>>, vector<16xf32>,
        %add3A_544 = arith.constant 64 : i32
        %add3A_545 = arith.addi %squeeze3A_499, %add3A_544 : i32
        %swap3A_546 = arith.index_cast %add3A_545 : i32 to index
        %swap3A_547 = tpu.vector_load %run_scoped3A[%swap3A_546] {strides = array<i32>} : memref<81920xf32, #tpu.memory_space<vmem>>, vector<16xf32>,
        %swap3A_548 = vector.shape_cast %swap3A_547 : vector<16xf32> to vector<16xf32>
        %swap3A_549 = vector.shape_cast %broadcast_in_dim3A_3 : vector<16xf32> to vector<16xf32>
        tpu.vector_store %run_scoped3A[%swap3A_546], %swap3A_549 {add = true, strides = array<i32>} : memref<81920xf32, #tpu.memory_space<vmem>>, vector<16xf32>,
        %slice3A_550 = vector.extract_strided_slice %mul3A_32 {offsets = [10], sizes = [1], strides = [1]} : vector<16xi32> to vector<1xi32>
        %squeeze3A_551 = vector.extract %slice3A_550[0] : i32 from vector<1xi32>
        %mul3A_552 = arith.constant 16 : i32
        %mul3A_553 = arith.muli %scan3A_23, %mul3A_552 : i32
        %add3A_554 = arith.constant 10 : i32
        %add3A_555 = arith.addi %mul3A_553, %add3A_554 : i32
        %add3A_556 = arith.constant 0 : i32
        %add3A_557 = arith.addi %squeeze3A_551, %add3A_556 : i32
        %get3A_558 = arith.index_cast %add3A_555 : i32 to index
        %get3A_559 = arith.constant 0 : index
        %get3A_560 = tpu.vector_load %arg6[%get3A_558, %get3A_559] {strides = array<i32>} : memref<64x64xf32, #tpu.memory_space<vmem>>, vector<1x16xf32>,
        %get3A_561 = vector.shape_cast %get3A_560 : vector<1x16xf32> to vector<16xf32>
        %swap3A_562 = arith.index_cast %add3A_557 : i32 to index
        %swap3A_563 = tpu.vector_load %run_scoped3A[%swap3A_562] {strides = array<i32>} : memref<81920xf32, #tpu.memory_space<vmem>>, vector<16xf32>,
        %swap3A_564 = vector.shape_cast %swap3A_563 : vector<16xf32> to vector<16xf32>
        %swap3A_565 = vector.shape_cast %get3A_561 : vector<16xf32> to vector<16xf32>
        tpu.vector_store %run_scoped3A[%swap3A_562], %swap3A_565 {add = true, strides = array<i32>} : memref<81920xf32, #tpu.memory_space<vmem>>, vector<16xf32>,
        %add3A_566 = arith.constant 16 : i32
        %add3A_567 = arith.addi %squeeze3A_551, %add3A_566 : i32
        %get3A_568 = arith.index_cast %add3A_555 : i32 to index
        %get3A_569 = arith.constant 16 : index
        %get3A_570 = tpu.vector_load %arg6[%get3A_568, %get3A_569] {strides = array<i32>} : memref<64x64xf32, #tpu.memory_space<vmem>>, vector<1x16xf32>,
        %get3A_571 = vector.shape_cast %get3A_570 : vector<1x16xf32> to vector<16xf32>
        %swap3A_572 = arith.index_cast %add3A_567 : i32 to index
        %swap3A_573 = tpu.vector_load %run_scoped3A[%swap3A_572] {strides = array<i32>} : memref<81920xf32, #tpu.memory_space<vmem>>, vector<16xf32>,
        %swap3A_574 = vector.shape_cast %swap3A_573 : vector<16xf32> to vector<16xf32>
        %swap3A_575 = vector.shape_cast %get3A_571 : vector<16xf32> to vector<16xf32>
        tpu.vector_store %run_scoped3A[%swap3A_572], %swap3A_575 {add = true, strides = array<i32>} : memref<81920xf32, #tpu.memory_space<vmem>>, vector<16xf32>,
        %add3A_576 = arith.constant 32 : i32
        %add3A_577 = arith.addi %squeeze3A_551, %add3A_576 : i32
        %get3A_578 = arith.index_cast %add3A_555 : i32 to index
        %get3A_579 = arith.constant 32 : index
        %get3A_580 = tpu.vector_load %arg6[%get3A_578, %get3A_579] {strides = array<i32>} : memref<64x64xf32, #tpu.memory_space<vmem>>, vector<1x16xf32>,
        %get3A_581 = vector.shape_cast %get3A_580 : vector<1x16xf32> to vector<16xf32>
        %swap3A_582 = arith.index_cast %add3A_577 : i32 to index
        %swap3A_583 = tpu.vector_load %run_scoped3A[%swap3A_582] {strides = array<i32>} : memref<81920xf32, #tpu.memory_space<vmem>>, vector<16xf32>,
        %swap3A_584 = vector.shape_cast %swap3A_583 : vector<16xf32> to vector<16xf32>
        %swap3A_585 = vector.shape_cast %get3A_581 : vector<16xf32> to vector<16xf32>
        tpu.vector_store %run_scoped3A[%swap3A_582], %swap3A_585 {add = true, strides = array<i32>} : memref<81920xf32, #tpu.memory_space<vmem>>, vector<16xf32>,
        %add3A_586 = arith.constant 48 : i32
        %add3A_587 = arith.addi %squeeze3A_551, %add3A_586 : i32
        %get3A_588 = arith.index_cast %add3A_555 : i32 to index
        %get3A_589 = arith.constant 48 : index
        %get3A_590 = tpu.vector_load %arg6[%get3A_588, %get3A_589] {strides = array<i32>} : memref<64x64xf32, #tpu.memory_space<vmem>>, vector<1x16xf32>,
        %get3A_591 = vector.shape_cast %get3A_590 : vector<1x16xf32> to vector<16xf32>
        %swap3A_592 = arith.index_cast %add3A_587 : i32 to index
        %swap3A_593 = tpu.vector_load %run_scoped3A[%swap3A_592] {strides = array<i32>} : memref<81920xf32, #tpu.memory_space<vmem>>, vector<16xf32>,
        %swap3A_594 = vector.shape_cast %swap3A_593 : vector<16xf32> to vector<16xf32>
        %swap3A_595 = vector.shape_cast %get3A_591 : vector<16xf32> to vector<16xf32>
        tpu.vector_store %run_scoped3A[%swap3A_592], %swap3A_595 {add = true, strides = array<i32>} : memref<81920xf32, #tpu.memory_space<vmem>>, vector<16xf32>,
        %add3A_596 = arith.constant 64 : i32
        %add3A_597 = arith.addi %squeeze3A_551, %add3A_596 : i32
        %swap3A_598 = arith.index_cast %add3A_597 : i32 to index
        %swap3A_599 = tpu.vector_load %run_scoped3A[%swap3A_598] {strides = array<i32>} : memref<81920xf32, #tpu.memory_space<vmem>>, vector<16xf32>,
        %swap3A_600 = vector.shape_cast %swap3A_599 : vector<16xf32> to vector<16xf32>
        %swap3A_601 = vector.shape_cast %broadcast_in_dim3A_3 : vector<16xf32> to vector<16xf32>
        tpu.vector_store %run_scoped3A[%swap3A_598], %swap3A_601 {add = true, strides = array<i32>} : memref<81920xf32, #tpu.memory_space<vmem>>, vector<16xf32>,
        %slice3A_602 = vector.extract_strided_slice %mul3A_32 {offsets = [11], sizes = [1], strides = [1]} : vector<16xi32> to vector<1xi32>
        %squeeze3A_603 = vector.extract %slice3A_602[0] : i32 from vector<1xi32>
        %mul3A_604 = arith.constant 16 : i32
        %mul3A_605 = arith.muli %scan3A_23, %mul3A_604 : i32
        %add3A_606 = arith.constant 11 : i32
        %add3A_607 = arith.addi %mul3A_605, %add3A_606 : i32
        %add3A_608 = arith.constant 0 : i32
        %add3A_609 = arith.addi %squeeze3A_603, %add3A_608 : i32
        %get3A_610 = arith.index_cast %add3A_607 : i32 to index
        %get3A_611 = arith.constant 0 : index
        %get3A_612 = tpu.vector_load %arg6[%get3A_610, %get3A_611] {strides = array<i32>} : memref<64x64xf32, #tpu.memory_space<vmem>>, vector<1x16xf32>,
        %get3A_613 = vector.shape_cast %get3A_612 : vector<1x16xf32> to vector<16xf32>
        %swap3A_614 = arith.index_cast %add3A_609 : i32 to index
        %swap3A_615 = tpu.vector_load %run_scoped3A[%swap3A_614] {strides = array<i32>} : memref<81920xf32, #tpu.memory_space<vmem>>, vector<16xf32>,
        %swap3A_616 = vector.shape_cast %swap3A_615 : vector<16xf32> to vector<16xf32>
        %swap3A_617 = vector.shape_cast %get3A_613 : vector<16xf32> to vector<16xf32>
        tpu.vector_store %run_scoped3A[%swap3A_614], %swap3A_617 {add = true, strides = array<i32>} : memref<81920xf32, #tpu.memory_space<vmem>>, vector<16xf32>,
        %add3A_618 = arith.constant 16 : i32
        %add3A_619 = arith.addi %squeeze3A_603, %add3A_618 : i32
        %get3A_620 = arith.index_cast %add3A_607 : i32 to index
        %get3A_621 = arith.constant 16 : index
        %get3A_622 = tpu.vector_load %arg6[%get3A_620, %get3A_621] {strides = array<i32>} : memref<64x64xf32, #tpu.memory_space<vmem>>, vector<1x16xf32>,
        %get3A_623 = vector.shape_cast %get3A_622 : vector<1x16xf32> to vector<16xf32>
        %swap3A_624 = arith.index_cast %add3A_619 : i32 to index
        %swap3A_625 = tpu.vector_load %run_scoped3A[%swap3A_624] {strides = array<i32>} : memref<81920xf32, #tpu.memory_space<vmem>>, vector<16xf32>,
        %swap3A_626 = vector.shape_cast %swap3A_625 : vector<16xf32> to vector<16xf32>
        %swap3A_627 = vector.shape_cast %get3A_623 : vector<16xf32> to vector<16xf32>
        tpu.vector_store %run_scoped3A[%swap3A_624], %swap3A_627 {add = true, strides = array<i32>} : memref<81920xf32, #tpu.memory_space<vmem>>, vector<16xf32>,
        %add3A_628 = arith.constant 32 : i32
        %add3A_629 = arith.addi %squeeze3A_603, %add3A_628 : i32
        %get3A_630 = arith.index_cast %add3A_607 : i32 to index
        %get3A_631 = arith.constant 32 : index
        %get3A_632 = tpu.vector_load %arg6[%get3A_630, %get3A_631] {strides = array<i32>} : memref<64x64xf32, #tpu.memory_space<vmem>>, vector<1x16xf32>,
        %get3A_633 = vector.shape_cast %get3A_632 : vector<1x16xf32> to vector<16xf32>
        %swap3A_634 = arith.index_cast %add3A_629 : i32 to index
        %swap3A_635 = tpu.vector_load %run_scoped3A[%swap3A_634] {strides = array<i32>} : memref<81920xf32, #tpu.memory_space<vmem>>, vector<16xf32>,
        %swap3A_636 = vector.shape_cast %swap3A_635 : vector<16xf32> to vector<16xf32>
        %swap3A_637 = vector.shape_cast %get3A_633 : vector<16xf32> to vector<16xf32>
        tpu.vector_store %run_scoped3A[%swap3A_634], %swap3A_637 {add = true, strides = array<i32>} : memref<81920xf32, #tpu.memory_space<vmem>>, vector<16xf32>,
        %add3A_638 = arith.constant 48 : i32
        %add3A_639 = arith.addi %squeeze3A_603, %add3A_638 : i32
        %get3A_640 = arith.index_cast %add3A_607 : i32 to index
        %get3A_641 = arith.constant 48 : index
        %get3A_642 = tpu.vector_load %arg6[%get3A_640, %get3A_641] {strides = array<i32>} : memref<64x64xf32, #tpu.memory_space<vmem>>, vector<1x16xf32>,
        %get3A_643 = vector.shape_cast %get3A_642 : vector<1x16xf32> to vector<16xf32>
        %swap3A_644 = arith.index_cast %add3A_639 : i32 to index
        %swap3A_645 = tpu.vector_load %run_scoped3A[%swap3A_644] {strides = array<i32>} : memref<81920xf32, #tpu.memory_space<vmem>>, vector<16xf32>,
        %swap3A_646 = vector.shape_cast %swap3A_645 : vector<16xf32> to vector<16xf32>
        %swap3A_647 = vector.shape_cast %get3A_643 : vector<16xf32> to vector<16xf32>
        tpu.vector_store %run_scoped3A[%swap3A_644], %swap3A_647 {add = true, strides = array<i32>} : memref<81920xf32, #tpu.memory_space<vmem>>, vector<16xf32>,
        %add3A_648 = arith.constant 64 : i32
        %add3A_649 = arith.addi %squeeze3A_603, %add3A_648 : i32
        %swap3A_650 = arith.index_cast %add3A_649 : i32 to index
        %swap3A_651 = tpu.vector_load %run_scoped3A[%swap3A_650] {strides = array<i32>} : memref<81920xf32, #tpu.memory_space<vmem>>, vector<16xf32>,
        %swap3A_652 = vector.shape_cast %swap3A_651 : vector<16xf32> to vector<16xf32>
        %swap3A_653 = vector.shape_cast %broadcast_in_dim3A_3 : vector<16xf32> to vector<16xf32>
        tpu.vector_store %run_scoped3A[%swap3A_650], %swap3A_653 {add = true, strides = array<i32>} : memref<81920xf32, #tpu.memory_space<vmem>>, vector<16xf32>,
        %slice3A_654 = vector.extract_strided_slice %mul3A_32 {offsets = [12], sizes = [1], strides = [1]} : vector<16xi32> to vector<1xi32>
        %squeeze3A_655 = vector.extract %slice3A_654[0] : i32 from vector<1xi32>
        %mul3A_656 = arith.constant 16 : i32
        %mul3A_657 = arith.muli %scan3A_23, %mul3A_656 : i32
        %add3A_658 = arith.constant 12 : i32
        %add3A_659 = arith.addi %mul3A_657, %add3A_658 : i32
        %add3A_660 = arith.constant 0 : i32
        %add3A_661 = arith.addi %squeeze3A_655, %add3A_660 : i32
        %get3A_662 = arith.index_cast %add3A_659 : i32 to index
        %get3A_663 = arith.constant 0 : index
        %get3A_664 = tpu.vector_load %arg6[%get3A_662, %get3A_663] {strides = array<i32>} : memref<64x64xf32, #tpu.memory_space<vmem>>, vector<1x16xf32>,
        %get3A_665 = vector.shape_cast %get3A_664 : vector<1x16xf32> to vector<16xf32>
        %swap3A_666 = arith.index_cast %add3A_661 : i32 to index
        %swap3A_667 = tpu.vector_load %run_scoped3A[%swap3A_666] {strides = array<i32>} : memref<81920xf32, #tpu.memory_space<vmem>>, vector<16xf32>,
        %swap3A_668 = vector.shape_cast %swap3A_667 : vector<16xf32> to vector<16xf32>
        %swap3A_669 = vector.shape_cast %get3A_665 : vector<16xf32> to vector<16xf32>
        tpu.vector_store %run_scoped3A[%swap3A_666], %swap3A_669 {add = true, strides = array<i32>} : memref<81920xf32, #tpu.memory_space<vmem>>, vector<16xf32>,
        %add3A_670 = arith.constant 16 : i32
        %add3A_671 = arith.addi %squeeze3A_655, %add3A_670 : i32
        %get3A_672 = arith.index_cast %add3A_659 : i32 to index
        %get3A_673 = arith.constant 16 : index
        %get3A_674 = tpu.vector_load %arg6[%get3A_672, %get3A_673] {strides = array<i32>} : memref<64x64xf32, #tpu.memory_space<vmem>>, vector<1x16xf32>,
        %get3A_675 = vector.shape_cast %get3A_674 : vector<1x16xf32> to vector<16xf32>
        %swap3A_676 = arith.index_cast %add3A_671 : i32 to index
        %swap3A_677 = tpu.vector_load %run_scoped3A[%swap3A_676] {strides = array<i32>} : memref<81920xf32, #tpu.memory_space<vmem>>, vector<16xf32>,
        %swap3A_678 = vector.shape_cast %swap3A_677 : vector<16xf32> to vector<16xf32>
        %swap3A_679 = vector.shape_cast %get3A_675 : vector<16xf32> to vector<16xf32>
        tpu.vector_store %run_scoped3A[%swap3A_676], %swap3A_679 {add = true, strides = array<i32>} : memref<81920xf32, #tpu.memory_space<vmem>>, vector<16xf32>,
        %add3A_680 = arith.constant 32 : i32
        %add3A_681 = arith.addi %squeeze3A_655, %add3A_680 : i32
        %get3A_682 = arith.index_cast %add3A_659 : i32 to index
        %get3A_683 = arith.constant 32 : index
        %get3A_684 = tpu.vector_load %arg6[%get3A_682, %get3A_683] {strides = array<i32>} : memref<64x64xf32, #tpu.memory_space<vmem>>, vector<1x16xf32>,
        %get3A_685 = vector.shape_cast %get3A_684 : vector<1x16xf32> to vector<16xf32>
        %swap3A_686 = arith.index_cast %add3A_681 : i32 to index
        %swap3A_687 = tpu.vector_load %run_scoped3A[%swap3A_686] {strides = array<i32>} : memref<81920xf32, #tpu.memory_space<vmem>>, vector<16xf32>,
        %swap3A_688 = vector.shape_cast %swap3A_687 : vector<16xf32> to vector<16xf32>
        %swap3A_689 = vector.shape_cast %get3A_685 : vector<16xf32> to vector<16xf32>
        tpu.vector_store %run_scoped3A[%swap3A_686], %swap3A_689 {add = true, strides = array<i32>} : memref<81920xf32, #tpu.memory_space<vmem>>, vector<16xf32>,
        %add3A_690 = arith.constant 48 : i32
        %add3A_691 = arith.addi %squeeze3A_655, %add3A_690 : i32
        %get3A_692 = arith.index_cast %add3A_659 : i32 to index
        %get3A_693 = arith.constant 48 : index
        %get3A_694 = tpu.vector_load %arg6[%get3A_692, %get3A_693] {strides = array<i32>} : memref<64x64xf32, #tpu.memory_space<vmem>>, vector<1x16xf32>,
        %get3A_695 = vector.shape_cast %get3A_694 : vector<1x16xf32> to vector<16xf32>
        %swap3A_696 = arith.index_cast %add3A_691 : i32 to index
        %swap3A_697 = tpu.vector_load %run_scoped3A[%swap3A_696] {strides = array<i32>} : memref<81920xf32, #tpu.memory_space<vmem>>, vector<16xf32>,
        %swap3A_698 = vector.shape_cast %swap3A_697 : vector<16xf32> to vector<16xf32>
        %swap3A_699 = vector.shape_cast %get3A_695 : vector<16xf32> to vector<16xf32>
        tpu.vector_store %run_scoped3A[%swap3A_696], %swap3A_699 {add = true, strides = array<i32>} : memref<81920xf32, #tpu.memory_space<vmem>>, vector<16xf32>,
        %add3A_700 = arith.constant 64 : i32
        %add3A_701 = arith.addi %squeeze3A_655, %add3A_700 : i32
        %swap3A_702 = arith.index_cast %add3A_701 : i32 to index
        %swap3A_703 = tpu.vector_load %run_scoped3A[%swap3A_702] {strides = array<i32>} : memref<81920xf32, #tpu.memory_space<vmem>>, vector<16xf32>,
        %swap3A_704 = vector.shape_cast %swap3A_703 : vector<16xf32> to vector<16xf32>
        %swap3A_705 = vector.shape_cast %broadcast_in_dim3A_3 : vector<16xf32> to vector<16xf32>
        tpu.vector_store %run_scoped3A[%swap3A_702], %swap3A_705 {add = true, strides = array<i32>} : memref<81920xf32, #tpu.memory_space<vmem>>, vector<16xf32>,
        %slice3A_706 = vector.extract_strided_slice %mul3A_32 {offsets = [13], sizes = [1], strides = [1]} : vector<16xi32> to vector<1xi32>
        %squeeze3A_707 = vector.extract %slice3A_706[0] : i32 from vector<1xi32>
        %mul3A_708 = arith.constant 16 : i32
        %mul3A_709 = arith.muli %scan3A_23, %mul3A_708 : i32
        %add3A_710 = arith.constant 13 : i32
        %add3A_711 = arith.addi %mul3A_709, %add3A_710 : i32
        %add3A_712 = arith.constant 0 : i32
        %add3A_713 = arith.addi %squeeze3A_707, %add3A_712 : i32
        %get3A_714 = arith.index_cast %add3A_711 : i32 to index
        %get3A_715 = arith.constant 0 : index
        %get3A_716 = tpu.vector_load %arg6[%get3A_714, %get3A_715] {strides = array<i32>} : memref<64x64xf32, #tpu.memory_space<vmem>>, vector<1x16xf32>,
        %get3A_717 = vector.shape_cast %get3A_716 : vector<1x16xf32> to vector<16xf32>
        %swap3A_718 = arith.index_cast %add3A_713 : i32 to index
        %swap3A_719 = tpu.vector_load %run_scoped3A[%swap3A_718] {strides = array<i32>} : memref<81920xf32, #tpu.memory_space<vmem>>, vector<16xf32>,
        %swap3A_720 = vector.shape_cast %swap3A_719 : vector<16xf32> to vector<16xf32>
        %swap3A_721 = vector.shape_cast %get3A_717 : vector<16xf32> to vector<16xf32>
        tpu.vector_store %run_scoped3A[%swap3A_718], %swap3A_721 {add = true, strides = array<i32>} : memref<81920xf32, #tpu.memory_space<vmem>>, vector<16xf32>,
        %add3A_722 = arith.constant 16 : i32
        %add3A_723 = arith.addi %squeeze3A_707, %add3A_722 : i32
        %get3A_724 = arith.index_cast %add3A_711 : i32 to index
        %get3A_725 = arith.constant 16 : index
        %get3A_726 = tpu.vector_load %arg6[%get3A_724, %get3A_725] {strides = array<i32>} : memref<64x64xf32, #tpu.memory_space<vmem>>, vector<1x16xf32>,
        %get3A_727 = vector.shape_cast %get3A_726 : vector<1x16xf32> to vector<16xf32>
        %swap3A_728 = arith.index_cast %add3A_723 : i32 to index
        %swap3A_729 = tpu.vector_load %run_scoped3A[%swap3A_728] {strides = array<i32>} : memref<81920xf32, #tpu.memory_space<vmem>>, vector<16xf32>,
        %swap3A_730 = vector.shape_cast %swap3A_729 : vector<16xf32> to vector<16xf32>
        %swap3A_731 = vector.shape_cast %get3A_727 : vector<16xf32> to vector<16xf32>
        tpu.vector_store %run_scoped3A[%swap3A_728], %swap3A_731 {add = true, strides = array<i32>} : memref<81920xf32, #tpu.memory_space<vmem>>, vector<16xf32>,
        %add3A_732 = arith.constant 32 : i32
        %add3A_733 = arith.addi %squeeze3A_707, %add3A_732 : i32
        %get3A_734 = arith.index_cast %add3A_711 : i32 to index
        %get3A_735 = arith.constant 32 : index
        %get3A_736 = tpu.vector_load %arg6[%get3A_734, %get3A_735] {strides = array<i32>} : memref<64x64xf32, #tpu.memory_space<vmem>>, vector<1x16xf32>,
        %get3A_737 = vector.shape_cast %get3A_736 : vector<1x16xf32> to vector<16xf32>
        %swap3A_738 = arith.index_cast %add3A_733 : i32 to index
        %swap3A_739 = tpu.vector_load %run_scoped3A[%swap3A_738] {strides = array<i32>} : memref<81920xf32, #tpu.memory_space<vmem>>, vector<16xf32>,
        %swap3A_740 = vector.shape_cast %swap3A_739 : vector<16xf32> to vector<16xf32>
        %swap3A_741 = vector.shape_cast %get3A_737 : vector<16xf32> to vector<16xf32>
        tpu.vector_store %run_scoped3A[%swap3A_738], %swap3A_741 {add = true, strides = array<i32>} : memref<81920xf32, #tpu.memory_space<vmem>>, vector<16xf32>,
        %add3A_742 = arith.constant 48 : i32
        %add3A_743 = arith.addi %squeeze3A_707, %add3A_742 : i32
        %get3A_744 = arith.index_cast %add3A_711 : i32 to index
        %get3A_745 = arith.constant 48 : index
        %get3A_746 = tpu.vector_load %arg6[%get3A_744, %get3A_745] {strides = array<i32>} : memref<64x64xf32, #tpu.memory_space<vmem>>, vector<1x16xf32>,
        %get3A_747 = vector.shape_cast %get3A_746 : vector<1x16xf32> to vector<16xf32>
        %swap3A_748 = arith.index_cast %add3A_743 : i32 to index
        %swap3A_749 = tpu.vector_load %run_scoped3A[%swap3A_748] {strides = array<i32>} : memref<81920xf32, #tpu.memory_space<vmem>>, vector<16xf32>,
        %swap3A_750 = vector.shape_cast %swap3A_749 : vector<16xf32> to vector<16xf32>
        %swap3A_751 = vector.shape_cast %get3A_747 : vector<16xf32> to vector<16xf32>
        tpu.vector_store %run_scoped3A[%swap3A_748], %swap3A_751 {add = true, strides = array<i32>} : memref<81920xf32, #tpu.memory_space<vmem>>, vector<16xf32>,
        %add3A_752 = arith.constant 64 : i32
        %add3A_753 = arith.addi %squeeze3A_707, %add3A_752 : i32
        %swap3A_754 = arith.index_cast %add3A_753 : i32 to index
        %swap3A_755 = tpu.vector_load %run_scoped3A[%swap3A_754] {strides = array<i32>} : memref<81920xf32, #tpu.memory_space<vmem>>, vector<16xf32>,
        %swap3A_756 = vector.shape_cast %swap3A_755 : vector<16xf32> to vector<16xf32>
        %swap3A_757 = vector.shape_cast %broadcast_in_dim3A_3 : vector<16xf32> to vector<16xf32>
        tpu.vector_store %run_scoped3A[%swap3A_754], %swap3A_757 {add = true, strides = array<i32>} : memref<81920xf32, #tpu.memory_space<vmem>>, vector<16xf32>,
        %slice3A_758 = vector.extract_strided_slice %mul3A_32 {offsets = [14], sizes = [1], strides = [1]} : vector<16xi32> to vector<1xi32>
        %squeeze3A_759 = vector.extract %slice3A_758[0] : i32 from vector<1xi32>
        %mul3A_760 = arith.constant 16 : i32
        %mul3A_761 = arith.muli %scan3A_23, %mul3A_760 : i32
        %add3A_762 = arith.constant 14 : i32
        %add3A_763 = arith.addi %mul3A_761, %add3A_762 : i32
        %add3A_764 = arith.constant 0 : i32
        %add3A_765 = arith.addi %squeeze3A_759, %add3A_764 : i32
        %get3A_766 = arith.index_cast %add3A_763 : i32 to index
        %get3A_767 = arith.constant 0 : index
        %get3A_768 = tpu.vector_load %arg6[%get3A_766, %get3A_767] {strides = array<i32>} : memref<64x64xf32, #tpu.memory_space<vmem>>, vector<1x16xf32>,
        %get3A_769 = vector.shape_cast %get3A_768 : vector<1x16xf32> to vector<16xf32>
        %swap3A_770 = arith.index_cast %add3A_765 : i32 to index
        %swap3A_771 = tpu.vector_load %run_scoped3A[%swap3A_770] {strides = array<i32>} : memref<81920xf32, #tpu.memory_space<vmem>>, vector<16xf32>,
        %swap3A_772 = vector.shape_cast %swap3A_771 : vector<16xf32> to vector<16xf32>
        %swap3A_773 = vector.shape_cast %get3A_769 : vector<16xf32> to vector<16xf32>
        tpu.vector_store %run_scoped3A[%swap3A_770], %swap3A_773 {add = true, strides = array<i32>} : memref<81920xf32, #tpu.memory_space<vmem>>, vector<16xf32>,
        %add3A_774 = arith.constant 16 : i32
        %add3A_775 = arith.addi %squeeze3A_759, %add3A_774 : i32
        %get3A_776 = arith.index_cast %add3A_763 : i32 to index
        %get3A_777 = arith.constant 16 : index
        %get3A_778 = tpu.vector_load %arg6[%get3A_776, %get3A_777] {strides = array<i32>} : memref<64x64xf32, #tpu.memory_space<vmem>>, vector<1x16xf32>,
        %get3A_779 = vector.shape_cast %get3A_778 : vector<1x16xf32> to vector<16xf32>
        %swap3A_780 = arith.index_cast %add3A_775 : i32 to index
        %swap3A_781 = tpu.vector_load %run_scoped3A[%swap3A_780] {strides = array<i32>} : memref<81920xf32, #tpu.memory_space<vmem>>, vector<16xf32>,
        %swap3A_782 = vector.shape_cast %swap3A_781 : vector<16xf32> to vector<16xf32>
        %swap3A_783 = vector.shape_cast %get3A_779 : vector<16xf32> to vector<16xf32>
        tpu.vector_store %run_scoped3A[%swap3A_780], %swap3A_783 {add = true, strides = array<i32>} : memref<81920xf32, #tpu.memory_space<vmem>>, vector<16xf32>,
        %add3A_784 = arith.constant 32 : i32
        %add3A_785 = arith.addi %squeeze3A_759, %add3A_784 : i32
        %get3A_786 = arith.index_cast %add3A_763 : i32 to index
        %get3A_787 = arith.constant 32 : index
        %get3A_788 = tpu.vector_load %arg6[%get3A_786, %get3A_787] {strides = array<i32>} : memref<64x64xf32, #tpu.memory_space<vmem>>, vector<1x16xf32>,
        %get3A_789 = vector.shape_cast %get3A_788 : vector<1x16xf32> to vector<16xf32>
        %swap3A_790 = arith.index_cast %add3A_785 : i32 to index
        %swap3A_791 = tpu.vector_load %run_scoped3A[%swap3A_790] {strides = array<i32>} : memref<81920xf32, #tpu.memory_space<vmem>>, vector<16xf32>,
        %swap3A_792 = vector.shape_cast %swap3A_791 : vector<16xf32> to vector<16xf32>
        %swap3A_793 = vector.shape_cast %get3A_789 : vector<16xf32> to vector<16xf32>
        tpu.vector_store %run_scoped3A[%swap3A_790], %swap3A_793 {add = true, strides = array<i32>} : memref<81920xf32, #tpu.memory_space<vmem>>, vector<16xf32>,
        %add3A_794 = arith.constant 48 : i32
        %add3A_795 = arith.addi %squeeze3A_759, %add3A_794 : i32
        %get3A_796 = arith.index_cast %add3A_763 : i32 to index
        %get3A_797 = arith.constant 48 : index
        %get3A_798 = tpu.vector_load %arg6[%get3A_796, %get3A_797] {strides = array<i32>} : memref<64x64xf32, #tpu.memory_space<vmem>>, vector<1x16xf32>,
        %get3A_799 = vector.shape_cast %get3A_798 : vector<1x16xf32> to vector<16xf32>
        %swap3A_800 = arith.index_cast %add3A_795 : i32 to index
        %swap3A_801 = tpu.vector_load %run_scoped3A[%swap3A_800] {strides = array<i32>} : memref<81920xf32, #tpu.memory_space<vmem>>, vector<16xf32>,
        %swap3A_802 = vector.shape_cast %swap3A_801 : vector<16xf32> to vector<16xf32>
        %swap3A_803 = vector.shape_cast %get3A_799 : vector<16xf32> to vector<16xf32>
        tpu.vector_store %run_scoped3A[%swap3A_800], %swap3A_803 {add = true, strides = array<i32>} : memref<81920xf32, #tpu.memory_space<vmem>>, vector<16xf32>,
        %add3A_804 = arith.constant 64 : i32
        %add3A_805 = arith.addi %squeeze3A_759, %add3A_804 : i32
        %swap3A_806 = arith.index_cast %add3A_805 : i32 to index
        %swap3A_807 = tpu.vector_load %run_scoped3A[%swap3A_806] {strides = array<i32>} : memref<81920xf32, #tpu.memory_space<vmem>>, vector<16xf32>,
        %swap3A_808 = vector.shape_cast %swap3A_807 : vector<16xf32> to vector<16xf32>
        %swap3A_809 = vector.shape_cast %broadcast_in_dim3A_3 : vector<16xf32> to vector<16xf32>
        tpu.vector_store %run_scoped3A[%swap3A_806], %swap3A_809 {add = true, strides = array<i32>} : memref<81920xf32, #tpu.memory_space<vmem>>, vector<16xf32>,
        %slice3A_810 = vector.extract_strided_slice %mul3A_32 {offsets = [15], sizes = [1], strides = [1]} : vector<16xi32> to vector<1xi32>
        %squeeze3A_811 = vector.extract %slice3A_810[0] : i32 from vector<1xi32>
        %mul3A_812 = arith.constant 16 : i32
        %mul3A_813 = arith.muli %scan3A_23, %mul3A_812 : i32
        %add3A_814 = arith.constant 15 : i32
        %add3A_815 = arith.addi %mul3A_813, %add3A_814 : i32
        %add3A_816 = arith.constant 0 : i32
        %add3A_817 = arith.addi %squeeze3A_811, %add3A_816 : i32
        %get3A_818 = arith.index_cast %add3A_815 : i32 to index
        %get3A_819 = arith.constant 0 : index
        %get3A_820 = tpu.vector_load %arg6[%get3A_818, %get3A_819] {strides = array<i32>} : memref<64x64xf32, #tpu.memory_space<vmem>>, vector<1x16xf32>,
        %get3A_821 = vector.shape_cast %get3A_820 : vector<1x16xf32> to vector<16xf32>
        %swap3A_822 = arith.index_cast %add3A_817 : i32 to index
        %swap3A_823 = tpu.vector_load %run_scoped3A[%swap3A_822] {strides = array<i32>} : memref<81920xf32, #tpu.memory_space<vmem>>, vector<16xf32>,
        %swap3A_824 = vector.shape_cast %swap3A_823 : vector<16xf32> to vector<16xf32>
        %swap3A_825 = vector.shape_cast %get3A_821 : vector<16xf32> to vector<16xf32>
        tpu.vector_store %run_scoped3A[%swap3A_822], %swap3A_825 {add = true, strides = array<i32>} : memref<81920xf32, #tpu.memory_space<vmem>>, vector<16xf32>,
        %add3A_826 = arith.constant 16 : i32
        %add3A_827 = arith.addi %squeeze3A_811, %add3A_826 : i32
        %get3A_828 = arith.index_cast %add3A_815 : i32 to index
        %get3A_829 = arith.constant 16 : index
        %get3A_830 = tpu.vector_load %arg6[%get3A_828, %get3A_829] {strides = array<i32>} : memref<64x64xf32, #tpu.memory_space<vmem>>, vector<1x16xf32>,
        %get3A_831 = vector.shape_cast %get3A_830 : vector<1x16xf32> to vector<16xf32>
        %swap3A_832 = arith.index_cast %add3A_827 : i32 to index
        %swap3A_833 = tpu.vector_load %run_scoped3A[%swap3A_832] {strides = array<i32>} : memref<81920xf32, #tpu.memory_space<vmem>>, vector<16xf32>,
        %swap3A_834 = vector.shape_cast %swap3A_833 : vector<16xf32> to vector<16xf32>
        %swap3A_835 = vector.shape_cast %get3A_831 : vector<16xf32> to vector<16xf32>
        tpu.vector_store %run_scoped3A[%swap3A_832], %swap3A_835 {add = true, strides = array<i32>} : memref<81920xf32, #tpu.memory_space<vmem>>, vector<16xf32>,
        %add3A_836 = arith.constant 32 : i32
        %add3A_837 = arith.addi %squeeze3A_811, %add3A_836 : i32
        %get3A_838 = arith.index_cast %add3A_815 : i32 to index
        %get3A_839 = arith.constant 32 : index
        %get3A_840 = tpu.vector_load %arg6[%get3A_838, %get3A_839] {strides = array<i32>} : memref<64x64xf32, #tpu.memory_space<vmem>>, vector<1x16xf32>,
        %get3A_841 = vector.shape_cast %get3A_840 : vector<1x16xf32> to vector<16xf32>
        %swap3A_842 = arith.index_cast %add3A_837 : i32 to index
        %swap3A_843 = tpu.vector_load %run_scoped3A[%swap3A_842] {strides = array<i32>} : memref<81920xf32, #tpu.memory_space<vmem>>, vector<16xf32>,
        %swap3A_844 = vector.shape_cast %swap3A_843 : vector<16xf32> to vector<16xf32>
        %swap3A_845 = vector.shape_cast %get3A_841 : vector<16xf32> to vector<16xf32>
        tpu.vector_store %run_scoped3A[%swap3A_842], %swap3A_845 {add = true, strides = array<i32>} : memref<81920xf32, #tpu.memory_space<vmem>>, vector<16xf32>,
        %add3A_846 = arith.constant 48 : i32
        %add3A_847 = arith.addi %squeeze3A_811, %add3A_846 : i32
        %get3A_848 = arith.index_cast %add3A_815 : i32 to index
        %get3A_849 = arith.constant 48 : index
        %get3A_850 = tpu.vector_load %arg6[%get3A_848, %get3A_849] {strides = array<i32>} : memref<64x64xf32, #tpu.memory_space<vmem>>, vector<1x16xf32>,
        %get3A_851 = vector.shape_cast %get3A_850 : vector<1x16xf32> to vector<16xf32>
        %swap3A_852 = arith.index_cast %add3A_847 : i32 to index
        %swap3A_853 = tpu.vector_load %run_scoped3A[%swap3A_852] {strides = array<i32>} : memref<81920xf32, #tpu.memory_space<vmem>>, vector<16xf32>,
        %swap3A_854 = vector.shape_cast %swap3A_853 : vector<16xf32> to vector<16xf32>
        %swap3A_855 = vector.shape_cast %get3A_851 : vector<16xf32> to vector<16xf32>
        tpu.vector_store %run_scoped3A[%swap3A_852], %swap3A_855 {add = true, strides = array<i32>} : memref<81920xf32, #tpu.memory_space<vmem>>, vector<16xf32>,
        %add3A_856 = arith.constant 64 : i32
        %add3A_857 = arith.addi %squeeze3A_811, %add3A_856 : i32
        %swap3A_858 = arith.index_cast %add3A_857 : i32 to index
        %swap3A_859 = tpu.vector_load %run_scoped3A[%swap3A_858] {strides = array<i32>} : memref<81920xf32, #tpu.memory_space<vmem>>, vector<16xf32>,
        %swap3A_860 = vector.shape_cast %swap3A_859 : vector<16xf32> to vector<16xf32>
        %swap3A_861 = vector.shape_cast %broadcast_in_dim3A_3 : vector<16xf32> to vector<16xf32>
        tpu.vector_store %run_scoped3A[%swap3A_858], %swap3A_861 {add = true, strides = array<i32>} : memref<81920xf32, #tpu.memory_space<vmem>>, vector<16xf32>,
      }
      %scan3A_22 = arith.constant 4 : i32
      "tpu.region"() ({
        %run_scoped3A_23 = tpu.sem_alloc : memref<!tpu.dma_semaphore, #tpu.memory_space<semaphore_mem>>
        %dma_start3A_24 = arith.constant 0 : i32
        %dma_start3A_25 = tpu.memref_slice %arg5[%add3A, %dma_start3A_24] : memref<32x81920xf32, #tpu.memory_space<hbm>> -> memref<1x81920xf32, #tpu.memory_space<hbm>>
        %dma_start3A_26 = tpu.memref_squeeze %dma_start3A_25 : memref<1x81920xf32, #tpu.memory_space<hbm>> -> memref<81920xf32, #tpu.memory_space<hbm>>
        %dma_start3A_27 = arith.constant 0 : i32
        %dma_start3A_28 = tpu.memref_slice %arg5[%add3A, %dma_start3A_27] : memref<32x81920xf32, #tpu.memory_space<hbm>> -> memref<1x81920xf32, #tpu.memory_space<hbm>>
        %dma_start3A_29 = tpu.memref_squeeze %dma_start3A_28 : memref<1x81920xf32, #tpu.memory_space<hbm>> -> memref<81920xf32, #tpu.memory_space<hbm>>
        tpu.enqueue_dma source(%run_scoped3A : memref<81920xf32, #tpu.memory_space<vmem>>) target(%dma_start3A_29 : memref<81920xf32, #tpu.memory_space<hbm>>) target_semaphore(%run_scoped3A_23 : memref<!tpu.dma_semaphore, #tpu.memory_space<semaphore_mem>>)
        %dma_wait3A_30 = arith.constant 0 : i32
        %dma_wait3A_31 = tpu.memref_slice %arg5[%add3A, %dma_wait3A_30] : memref<32x81920xf32, #tpu.memory_space<hbm>> -> memref<1x81920xf32, #tpu.memory_space<hbm>>
        %dma_wait3A_32 = tpu.memref_squeeze %dma_wait3A_31 : memref<1x81920xf32, #tpu.memory_space<hbm>> -> memref<81920xf32, #tpu.memory_space<hbm>>
        %dma_wait3A_33 = arith.constant 0 : i32
        %dma_wait3A_34 = tpu.memref_slice %arg5[%add3A, %dma_wait3A_33] : memref<32x81920xf32, #tpu.memory_space<hbm>> -> memref<1x81920xf32, #tpu.memory_space<hbm>>
        %dma_wait3A_35 = tpu.memref_squeeze %dma_wait3A_34 : memref<1x81920xf32, #tpu.memory_space<hbm>> -> memref<81920xf32, #tpu.memory_space<hbm>>
        tpu.wait_dma2 semaphore(%run_scoped3A_23 : memref<!tpu.dma_semaphore, #tpu.memory_space<semaphore_mem>>) src(%run_scoped3A : memref<81920xf32, #tpu.memory_space<vmem>>) dst(%dma_wait3A_35 : memref<81920xf32, #tpu.memory_space<hbm>>)
        tpu.yield
      }) : () -> ()
      tpu.yield
    }) : () -> ()
    return
  }
}

module attributes {stable_mosaic.version = 14 : i64} {
  func.func @_proto_body(%arg0: memref<1024x80xf32, #tpu.memory_space<vmem>>, %arg1: memref<1024x64xf32, #tpu.memory_space<vmem>>) attributes {dimension_semantics = [], scalar_prefetch = 0 : i64, scratch_operands = 0 : i64, tpu.core_type = #tpu.core_type<tc>} {
    %get3A = arith.constant 0 : index
    %get3A_0 = arith.constant 0 : index
    %get3A_1 = vector.load %arg0[%get3A, %get3A_0] : memref<1024x80xf32, #tpu.memory_space<vmem>>, vector<1024x80xf32>
    %slice3A = vector.extract_strided_slice %get3A_1 {offsets = [0, 0], sizes = [1024, 64], strides = [1, 1]} : vector<1024x80xf32> to vector<1024x64xf32>
    %slice3A_2 = vector.extract_strided_slice %get3A_1 {offsets = [0, 64], sizes = [1024, 16], strides = [1, 1]} : vector<1024x80xf32> to vector<1024x16xf32>
    %reduce_sum3A = arith.constant dense<0.000000e+00> : vector<1024xf32>
    %reduce_sum3A_3 = vector.multi_reduction <add>, %slice3A_2, %reduce_sum3A [1] : vector<1024x16xf32> to vector<1024xf32>
    %broadcast_in_dim3A = vector.shape_cast %reduce_sum3A_3 : vector<1024xf32> to vector<1024x1xf32>
    %mul3A = arith.constant 6.250000e-02 : f32
    %mul3A_4 = vector.broadcast %mul3A : f32 to vector<1024x1xf32>
    %mul3A_5 = arith.mulf %broadcast_in_dim3A, %mul3A_4 : vector<1024x1xf32>
    %max3A = arith.constant 1.000000e+00 : f32
    %max3A_6 = vector.broadcast %max3A : f32 to vector<1024x1xf32>
    %max3A_7 = arith.maximumf %mul3A_5, %max3A_6 : vector<1024x1xf32>
    %div3A = vector.broadcast %max3A_7 : vector<1024x1xf32> to vector<1024x64xf32>
    %div3A_8 = arith.divf %slice3A, %div3A : vector<1024x64xf32>
    %mul3A_9 = arith.mulf %div3A_8, %div3A_8 : vector<1024x64xf32>
    %reduce_sum3A_10 = arith.constant dense<0.000000e+00> : vector<1024xf32>
    %reduce_sum3A_11 = vector.multi_reduction <add>, %mul3A_9, %reduce_sum3A_10 [1] : vector<1024x64xf32> to vector<1024xf32>
    %broadcast_in_dim3A_12 = vector.shape_cast %reduce_sum3A_11 : vector<1024xf32> to vector<1024x1xf32>
    %sqrt3A = math.sqrt %broadcast_in_dim3A_12 : vector<1024x1xf32>
    %max3A_13 = arith.constant 9.99999993E-9 : f32
    %max3A_14 = vector.broadcast %max3A_13 : f32 to vector<1024x1xf32>
    %max3A_15 = arith.maximumf %sqrt3A, %max3A_14 : vector<1024x1xf32>
    %div3A_16 = vector.broadcast %max3A_15 : vector<1024x1xf32> to vector<1024x64xf32>
    %div3A_17 = arith.divf %div3A_8, %div3A_16 : vector<1024x64xf32>
    %swap3A = arith.constant 0 : index
    %swap3A_18 = arith.constant 0 : index
    %swap3A_19 = vector.load %arg1[%swap3A, %swap3A_18] : memref<1024x64xf32, #tpu.memory_space<vmem>>, vector<1024x64xf32>
    tpu.vector_store %arg1[%swap3A, %swap3A_18], %div3A_17 {strides = array<i32>} : memref<1024x64xf32, #tpu.memory_space<vmem>>, vector<1024x64xf32>,
    return
  }
}

module attributes {stable_mosaic.version = 14 : i64} {
  func.func @_tc_body(%arg0: i32, %arg1: memref<1024x64xf32, #tpu.memory_space<vmem>>, %arg2: memref<1024x64xf32, #tpu.memory_space<vmem>>, %arg3: memref<1024x1xi32, #tpu.memory_space<vmem>>, %arg4: memref<1x1xf32, #tpu.memory_space<smem>>) attributes {dimension_semantics = [#tpu.dimension_semantics<arbitrary>], iteration_bounds = array<i64: 4>, scalar_prefetch = 0 : i64, scratch_operands = 0 : i64, tpu.core_type = #tpu.core_type<tc>, window_params = [{pipeline_mode = #tpu.pipeline_mode<synchronous>, transform_indices = @transform_0, window_bounds = array<i64: 1024, 64>}, {transform_indices = @transform_1, window_bounds = array<i64: 1024, 64>}, {transform_indices = @transform_2, window_bounds = array<i64: 1024, 1>}, {transform_indices = @transform_3, window_bounds = array<i64: 1, 1>}]} {
    %get3A = arith.constant 0 : index
    %get3A_0 = arith.constant 0 : index
    %get3A_1 = vector.load %arg1[%get3A, %get3A_0] : memref<1024x64xf32, #tpu.memory_space<vmem>>, vector<1024x64xf32>
    %get3A_2 = arith.constant 0 : index
    %get3A_3 = arith.constant 0 : index
    %get3A_4 = vector.load %arg2[%get3A_2, %get3A_3] : memref<1024x64xf32, #tpu.memory_space<vmem>>, vector<1024x64xf32>
    %mul3A = arith.mulf %get3A_4, %get3A_4 : vector<1024x64xf32>
    %reduce_sum3A = arith.constant dense<0.000000e+00> : vector<1024xf32>
    %reduce_sum3A_5 = vector.multi_reduction <add>, %mul3A, %reduce_sum3A [1] : vector<1024x64xf32> to vector<1024xf32>
    %broadcast_in_dim3A = vector.shape_cast %reduce_sum3A_5 : vector<1024xf32> to vector<1024x1xf32>
    %sqrt3A = math.sqrt %broadcast_in_dim3A : vector<1024x1xf32>
    %max3A = arith.constant 9.99999993E-9 : f32
    %max3A_6 = vector.broadcast %max3A : f32 to vector<1024x1xf32>
    %max3A_7 = arith.maximumf %sqrt3A, %max3A_6 : vector<1024x1xf32>
    %div3A = vector.broadcast %max3A_7 : vector<1024x1xf32> to vector<1024x64xf32>
    %div3A_8 = arith.divf %get3A_4, %div3A : vector<1024x64xf32>
    %dot_general3A = arith.constant dense<0.000000e+00> : vector<1024x1024xf32>
    %dot_general3A_9 = tpu.matmul %div3A_8, %get3A_1, %dot_general3A {dimension_numbers = #tpu.dot_dimension_numbers<[1], [1], [0], [0], [0, 0, 1, 0], [], []>, transpose_lhs_hint = false} : vector<1024x64xf32>, vector<1024x64xf32>, vector<1024x1024xf32> -> vector<1024x1024xf32>
    %iota3A = tpu.iota {dimensions = array<i32: 1>} : vector<1024x1024xi32>
    %lt3A = arith.constant 1000 : i32
    %lt3A_10 = vector.broadcast %lt3A : i32 to vector<1024x1024xi32>
    %lt3A_11 = arith.cmpi slt, %iota3A, %lt3A_10 : vector<1024x1024xi32>
    %jit3A = arith.constant 0xFF800000 : f32
    %broadcast_in_dim3A_12 = vector.broadcast %jit3A : f32 to vector<1024x1024xf32>
    %select_n3A = arith.select %lt3A_11, %dot_general3A_9, %broadcast_in_dim3A_12 : vector<1024x1024xi1>, vector<1024x1024xf32>
    %reduce_max3A = arith.constant dense<0xFF800000> : vector<1024xf32>
    %reduce_max3A_13 = vector.multi_reduction <maximumf>, %select_n3A, %reduce_max3A [1] : vector<1024x1024xf32> to vector<1024xf32>
    %broadcast_in_dim3A_14 = vector.shape_cast %reduce_max3A_13 : vector<1024xf32> to vector<1024x1xf32>
    %eq3A = vector.broadcast %broadcast_in_dim3A_14 : vector<1024x1xf32> to vector<1024x1024xf32>
    %eq3A_15 = arith.cmpf oeq, %select_n3A, %eq3A : vector<1024x1024xf32>
    %jit3A_16 = arith.constant 1073741824 : i32
    %broadcast_in_dim3A_17 = vector.broadcast %jit3A_16 : i32 to vector<1024x1024xi32>
    %select_n3A_18 = arith.select %eq3A_15, %iota3A, %broadcast_in_dim3A_17 : vector<1024x1024xi1>, vector<1024x1024xi32>
    %reduce_min3A = arith.constant dense<2147483647> : vector<1024xi32>
    %reduce_min3A_19 = vector.multi_reduction <minsi>, %select_n3A_18, %reduce_min3A [1] : vector<1024x1024xi32> to vector<1024xi32>
    %broadcast_in_dim3A_20 = vector.shape_cast %reduce_min3A_19 : vector<1024xi32> to vector<1024x1xi32>
    %get3A_21 = arith.constant 0 : index
    %get3A_22 = arith.constant 0 : index
    %get3A_23 = vector.load %arg3[%get3A_21, %get3A_22] : memref<1024x1xi32, #tpu.memory_space<vmem>>, vector<1024x1xi32>
    %eq3A_24 = arith.cmpi eq, %broadcast_in_dim3A_20, %get3A_23 : vector<1024x1xi32>
    %convert_element_type3A = arith.extui %eq3A_24 : vector<1024x1xi1> to vector<1024x1xi32>
    %convert_element_type3A_25 = arith.sitofp %convert_element_type3A : vector<1024x1xi32> to vector<1024x1xf32>
    %reduce_sum3A_26 = vector.shape_cast %convert_element_type3A_25 : vector<1024x1xf32> to vector<1x1024x1xf32>
    %reduce_sum3A_27 = arith.constant dense<0.000000e+00> : vector<1xf32>
    %reduce_sum3A_28 = vector.multi_reduction <add>, %reduce_sum3A_26, %reduce_sum3A_27 [1, 2] : vector<1x1024x1xf32> to vector<1xf32>
    %reduce_sum3A_29 = vector.shape_cast %reduce_sum3A_28 : vector<1xf32> to vector<1x1x1xf32>
    %reduce_sum3A_30 = vector.extract %reduce_sum3A_29[0, 0, 0] : f32 from vector<1x1x1xf32>
    %mul3A_31 = arith.constant 2.44140625E-4 : f32
    %mul3A_32 = arith.mulf %reduce_sum3A_30, %mul3A_31 : f32
    %eq3A_33 = arith.constant 0 : i32
    %eq3A_34 = arith.cmpi eq, %arg0, %eq3A_33 : i32
    %convert_element_type3A_35 = arith.extui %eq3A_34 : i1 to i32
    %cond3A = arith.constant 0 : i32
    %cond3A_36 = arith.cmpi ne, %convert_element_type3A_35, %cond3A : i32
    scf.if %cond3A_36 {
      %swap3A_42 = arith.constant 0.000000e+00 : f32
      %swap3A_43 = arith.constant 0 : index
      %swap3A_44 = arith.constant 0 : index
      %swap3A_45 = memref.load %arg4[%swap3A_43, %swap3A_44] : memref<1x1xf32, #tpu.memory_space<smem>>
      memref.store %swap3A_42, %arg4[%swap3A_43, %swap3A_44] : memref<1x1xf32, #tpu.memory_space<smem>>
    } else {
    }
    %get3A_37 = arith.constant 0 : index
    %get3A_38 = arith.constant 0 : index
    %get3A_39 = memref.load %arg4[%get3A_37, %get3A_38] : memref<1x1xf32, #tpu.memory_space<smem>>
    %add3A = arith.addf %get3A_39, %mul3A_32 : f32
    %swap3A = arith.constant 0 : index
    %swap3A_40 = arith.constant 0 : index
    %swap3A_41 = memref.load %arg4[%swap3A, %swap3A_40] : memref<1x1xf32, #tpu.memory_space<smem>>
    memref.store %add3A, %arg4[%swap3A, %swap3A_40] : memref<1x1xf32, #tpu.memory_space<smem>>
    return
  }
  func.func @transform_0(%arg0: i32) -> (i32, i32) {
    %c0_i32 = arith.constant 0 : i32
    %c0_i32_0 = arith.constant 0 : i32
    %c0_i32_1 = arith.constant 0 : i32
    return %c0_i32, %c0_i32_0 : i32, i32
  }
  func.func @transform_1(%arg0: i32) -> (i32, i32) {
    %c0_i32 = arith.constant 0 : i32
    %c0_i32_0 = arith.constant 0 : i32
    return %arg0, %c0_i32 : i32, i32
  }
  func.func @transform_2(%arg0: i32) -> (i32, i32) {
    %c0_i32 = arith.constant 0 : i32
    %c0_i32_0 = arith.constant 0 : i32
    return %arg0, %c0_i32 : i32, i32
  }
  func.func @transform_3(%arg0: i32) -> (i32, i32) {
    %c0_i32 = arith.constant 0 : i32
    %c0_i32_0 = arith.constant 0 : i32
    %c0_i32_1 = arith.constant 0 : i32
    return %c0_i32, %c0_i32_0 : i32, i32
  }
}

</mosaic_0001>

<sc_bundles>
// kernel: kernel.6.cloned.1.call-start
scs
__scs_entry_jumppad:
0x0: {  	(pc) =	sbr.rel $0x88, $3  }
0x1: {  	(tag) =	ssettag $0x0;
	lr =	simm.s32 $0x1  }
0x2: {  	[smem:$0x3F9D] =	sst lr;
	_ =	strace $0xD0000000  }
0x3: {  	_ = 	snop  }
0x4: {  	_ = 	snop  }
0x5: {  	_ = 	snop  }
0x6: {  	_ = 	snop  }
0x7: {  	_ = 	snop  }
__scs_overlays_trampoline_lowered:
0x8: {  	[smem:$0x3FAC] =	sst s0  }
0x9: {  	[smem:$0x3FAD] =	sst s1  }
0xa: {  	[smem:$0x3FAE] =	sst s2  }
0xb: {  	[smem:$0x3FAF] =	sst s3  }
0xc: {  	[smem:$0x3FB0] =	sst s4  }
0xd: {  	[smem:$0x3FB1] =	sst s5  }
0xe: {  	[smem:$0x3FB2] =	sst s6  }
0xf: {  	[smem:$0x3FB3] =	sst s7  }
0x10: {  	[smem:$0x3FB4] =	sst s8  }
0x11: {  	[smem:$0x3FB5] =	sst s9;
	s0 =	simm.s32 @!p0 $0x0  }
0x12: {  	s1 =	sld [smem:$0x3F9B];
	s0 =	simm.s32 @p0 $0x1  }
0x13: {  	[smem:$0x3FB6] =	sst s0;
	s0 =	simm.s32 @!p1 $0x0  }
0x14: {  	s2 =	sld [smem:$0x3F9A];
	s0 =	simm.s32 @p1 $0x1  }
0x15: {  	[smem:$0x3FB7] =	sst s0;
	s0 =	simm.s32 @!p2 $0x0  }
0x16: {  	s3 =	sld [smem:$0x3FDB];
	s0 =	simm.s32 @p2 $0x1  }
0x17: {  	s4 =	simm.s32 $0x1BF5;
	[smem:$0x3FB9] =	sst s0  }
0x18: {  	s0 =	sld [smem:$0x3F9C];
	_ =	swait.ge [sflag:s4], $0x0  }
0x19: {  	s7 =	sld [smem:$0x3F9D]  }
0x1a: {  	s8 =	sadd.s32 $0xFFFFE003, lr  }
0x1b: {  	s9 =	sadd.s32 $0xFFFFFEF7, lr;
	s5 =	simm.s32 $0xFFFFFFFF;
	p2 =	slt.u32 s8, $0xFFFFF086  }
0x1c: {  	p1 =	slt.u32 s9, $0xF7A;
	s5 =	simm.s32 @!p2 $0x0  }
0x1d: {  	s5 =	simm.s32 @p1 $0x1;
	p0 =	seq.s32 s7, s2  }
0x1e: {  	s7 =	smul.u32 @!p0 $0xF7A, s2;
	p2 =	seq.s32 @!p0 s5, $0x0  }
0x1f: {  	s9 =	smul.u32 $0xF7A, s1;
	s8 =	simm.s32 @!p0 $0x1BF5;
	p2 =	por !p2, p0  }
0x20: {  	[sflag:s8] =	ssyncset.s32 @!p0 $0xFFFFF086;
	s6 =	sadd.s32 @!p0 s3, s7;
	s7 =	simm.s32 @!p0 $0x108  }
0x21: {  	s3 =	sadd.s32 s3, s9;
	s6 =	sadd.s32 @!p0 $0x88, s6;
	s7 =	simm.s32 @p2 $0x1082  }
0x22: {  	[simem:s7], [sflag:s8] =	dma.local @!p0 [hbm:s6], $0xF7A  }
0x23: {  	s9 =	sor.u32 $0xD0000000, s2;
	s6 =	simm.s32 $0x108;
	_ =	swait.ge @!p0 [sflag:s8], $0x0  }
0x24: {  	s3 =	sadd.s32 $0x88, s3;
	s6 =	simm.s32 @!p1 $0x1082;
	[sflag:s4] =	ssyncset.s32 $0xFFFFF086  }
0x25: {  	[simem:s6], [sflag:s4] =	dma.local [hbm:s3], $0xF7A  }
0x26: {  	[smem:$0x3F9D] =	sst s1;
	(tag) =	ssettag s2;
	_ =	strace s9  }
0x27: {  	s1 =	sld [smem:$0x3FAD]  }
0x28: {  	s2 =	sld [smem:$0x3FAE]  }
0x29: {  	s4 =	sld [smem:$0x3FB0]  }
0x2a: {  	p0 =	seq.s32 s5, $0x0;
	s5 =	sld [smem:$0x3FB1]  }
0x2b: {  	s6 =	sld [smem:$0x3FB2]  }
0x2c: {  	s7 =	sld [smem:$0x3FB3]  }
0x2d: {  	s3 =	simm.s32 $0x108;
	s8 =	sld [smem:$0x3FB4]  }
0x2e: {  	s3 =	simm.s32 @!p0 $0x1082;
	s9 =	sld [smem:$0x3FB5]  }
0x2f: {  	lr =	sadd.s32 s0, s3;
	s0 =	sld [smem:$0x3FAC]  }
0x30: {  	s3 =	sld [smem:$0x3FAF]  }
0x31: {  	[smem:$0x3FB8] =	sst s10  }
0x32: {  	s10 =	sld [smem:$0x3FB6];
	_ =	sdelay $0x3  }
0x33: {  	p0 =	seq.s32 s10, $0x1;
	s10 =	sld [smem:$0x3FB8];
	_ =	sdelay $0x3  }
0x34: {  	[smem:$0x3FB8] =	sst s10  }
0x35: {  	s10 =	sld [smem:$0x3FB7];
	_ =	sdelay $0x3  }
0x36: {  	p1 =	seq.s32 s10, $0x1;
	s10 =	sld [smem:$0x3FB8];
	_ =	sdelay $0x3  }
0x37: {  	[smem:$0x3FB8] =	sst s10  }
0x38: {  	s10 =	sld [smem:$0x3FB9]  }
0x39: {  	_ = 	snop;
	(pc) =	sbr.ind lr, $3  }
0x3a: {  	_ = 	snop  }
0x3b: {  	_ = 	snop  }
0x3c: {  	p2 =	seq.s32 s10, $0x1;
	s10 =	sld [smem:$0x3FB8]  }
0x3d: {  	_ =	shalt  }
0x3e: {  	_ =	shalt  }
0x3f: {  	_ =	shalt  }
0x40: {  	_ =	shalt  }
0x41: {  	_ =	shalt  }
0x42: {  	_ =	shalt  }
0x43: {  	_ =	shalt  }
0x44: {  	_ =	shalt  }
0x45: {  	_ =	shalt  }
0x46: {  	_ =	shalt  }
0x47: {  	_ =	shalt  }
0x48: {  	_ =	shalt  }
0x49: {  	_ =	shalt  }
0x4a: {  	_ =	shalt  }
0x4b: {  	_ =	shalt  }
0x4c: {  	_ =	shalt  }
0x4d: {  	_ =	shalt  }
0x4e: {  	_ =	shalt  }
0x4f: {  	_ =	shalt  }
0x50: {  	_ =	shalt  }
0x51: {  	_ =	shalt  }
0x52: {  	_ =	shalt  }
0x53: {  	_ =	shalt  }
0x54: {  	_ =	shalt  }
0x55: {  	_ =	shalt  }
0x56: {  	_ =	shalt  }
0x57: {  	_ =	shalt  }
0x58: {  	_ =	shalt  }
0x59: {  	_ =	shalt  }
0x5a: {  	_ =	shalt  }
0x5b: {  	_ =	shalt  }
0x5c: {  	_ =	shalt  }
0x5d: {  	_ =	shalt  }
0x5e: {  	_ =	shalt  }
0x5f: {  	_ =	shalt  }
0x60: {  	_ =	shalt  }
0x61: {  	_ =	shalt  }
0x62: {  	_ =	shalt  }
0x63: {  	_ =	shalt  }
0x64: {  	_ =	shalt  }
0x65: {  	_ =	shalt  }
0x66: {  	_ =	shalt  }
0x67: {  	_ =	shalt  }
0x68: {  	_ =	shalt  }
0x69: {  	_ =	shalt  }
0x6a: {  	_ =	shalt  }
0x6b: {  	_ =	shalt  }
0x6c: {  	_ =	shalt  }
0x6d: {  	_ =	shalt  }
0x6e: {  	_ =	shalt  }
0x6f: {  	_ =	shalt  }
0x70: {  	_ =	shalt  }
0x71: {  	_ =	shalt  }
0x72: {  	_ =	shalt  }
0x73: {  	_ =	shalt  }
0x74: {  	_ =	shalt  }
0x75: {  	_ =	shalt  }
0x76: {  	_ =	shalt  }
0x77: {  	_ =	shalt  }
0x78: {  	_ =	shalt  }
0x79: {  	_ =	shalt  }
0x7a: {  	_ =	shalt  }
0x7b: {  	_ =	shalt  }
0x7c: {  	_ =	shalt  }
0x7d: {  	_ =	shalt  }
0x7e: {  	_ =	shalt  }
0x7f: {  	_ =	shalt  }
0x80: {  	_ =	shalt  }
0x81: {  	_ =	shalt  }
0x82: {  	_ =	shalt  }
0x83: {  	_ =	shalt  }
0x84: {  	_ =	shalt  }
0x85: {  	_ =	shalt  }
0x86: {  	_ =	shalt  }
0x87: {  	_ =	shalt  }
.Lfunc_end0:
.L_simem_size_0:
called_computation_lowered:
.L_overlay_start_0:
0x88: {  	s2 =	sld [smem:$0x3FD9]  }
0x89: {  	s3 =	sld [smem:$0x3FFE];
	_ =	sdelay $0x1  }
0x8a: {  	s1 =	srdreg.scid  }
0x8b: {  	s0 =	sand.u32 $0x1, s1  }
0x8c: {  	s16 =	sshll.u32 s0, $0xA;
	s2 =	sadd.s32 s3, s2  }
0x8d: {  	s2 =	sadd.s32 s2, s16  }
0x8e: {  	[smem:$0x3FC4] =	sst s2  }
0x8f: {  	_ = 	snop  }
0x90: {  	(tm) =	ssettm $0x1  }
0x91: {  	s17 =	sld [smem:$0x3FFB];
	_ =	sdelay $0x3  }
0x92: {  	_ =	strace s17  }
0x93: {  	s2 =	sld [smem:$0x3FFC];
	_ =	sdelay $0x3  }
0x94: {  	_ =	strace s2  }
0x95: {  	s2 =	sld [smem:$0x3FFD];
	_ =	sdelay $0x3  }
0x96: {  	_ =	strace s2  }
0x97: {  	_ =	strace $0x8FFFFFFF  }
0x98: {  	s18 =	sld [smem:$0x3FDB];
	_ =	sdelay $0x1  }
0x99: {  	s19 =	simm.s32 $_scs_section_size  }
0x9a: {  	s4 =	simm.s32 $_size__tile_overlayer_lowered;
	s5 =	simm.s32 $_tile_overlayer_lowered  }
0x9b: {  	s22 =	simm.s32 $0x1BFF;
	s21 =	sshll.u32 s5, $0x1;
	s2 =	sadd.s32 s19, s18  }
0x9c: {  	s6 =	simm.s32 $0x0;
	s20 =	sshll.u32 s4, $0x1;
	s4 =	sadd.s32 s21, s2  }
0x9d: {  	[timem:s6], [sflag:s22] =	dma.local [hbm:s4], s20  }
0x9e: {  	_ =	swait.ge [sflag:s22], s20  }
0x9f: {  	s3 =	ssub.s32 $0x0, s20;
	[sflag:s22] =	ssyncset.done $0x0  }
0xa0: {  	[sflag:s22] =	ssyncadd.s32 s3;
	_ =	sdelay $0x1  }
0xa1: {  	s23 =	simm.s32 $0x1B8B  }
0xa2: {  	_ =	swait.ge [sflag:s23], $0x1  }
0xa3: {  	[sflag:s23] =	ssyncset.done $0x0  }
0xa4: {  	s25 =	simm.s32 $0x1B8E;
	s24 =	sld [smem:$0x3FFE];
	[sflag:s23] =	ssyncadd.s32 $0xFFFFFFFF  }
0xa5: {  	s26 =	simm.s32 $execute0_lowered;
	[smem:$0x3FD2] =	sst s25  }
0xa6: {  	s4 =	sshll.u32 s26, $0x1;
	_ =	strace $0x80000046;
	[dreg:$0x1] =	wrdreg $0xFFFFFFFF  }
0xa7: {  	s28 =	simm.s32 $_size_execute0_lowered;
	s2 =	sadd.s32 s2, s4;
	[dreg:$0x0] =	wrdreg $0x0  }
0xa8: {  	s4 =	sshll.u32 s28, $0x1;
	[dreg:$0x2] =	wrdreg s2  }
0xa9: {  	[dreg:$0x3] =	wrdreg s4  }
0xaa: {  	[dreg:$0x4] =	wrdreg $0xC0  }
0xab: {  	_ =	task [dreg:s6], $0x5FFFF  }
0xac: {  	[dreg:$0x1] =	wrdreg $0xFFFFFFFF  }
0xad: {  	[dreg:$0x0] =	wrdreg $0x60  }
0xae: {  	[dreg:$0x2] =	wrdreg s24  }
0xaf: {  	[dreg:$0x3] =	wrdreg $0x9  }
0xb0: {  	_ =	task.clear_ibuf [dreg:s6], $0x4FFFF;
	_ =	strace $0x90000046  }
0xb1: {  	s29 =	simm.s32 $0x9;
	_ =	strace $0x80000048  }
0xb2: {  	_ =	swait.ge [sflag:s29], $0x1  }
0xb3: {  	[sflag:s29] =	ssyncadd.s32 $0xFFFFFFFF  }
0xb4: {  	_ =	strace $0x90000048  }
0xb5: {  	_ =	sfence  }
0xb6: {  	s30 =	sld [smem:$0x0];
	_ =	sdelay $0x2  }
0xb7: {  	s31 =	sshll.u32 s1, $0xD;
	s1 =	sshrl.u32 s1, $0x2  }
0xb8: {  	s3 =	sand.u32 $0x4000, s31;
	s1 =	sadd.s32 s1, s30  }
0xb9: {  	s0 =	sor.u32 s3, s0;
	s1 =	sshll.u32 s1, $0x11  }
0xba: {  	s0 =	sor.u32 s1, s0  }
0xbb: {  	s0 =	sadd.s32 $0x8F2B, s0  }
0xbc: {  	[sflag:s0] =	ssyncadd.remote.s32 $0x1  }
0xbd: {  	_ =	sfence.sel $0xFFFF  }
0xbe: {  	[dreg:$0x0] =	wrdreg $0xFFFFFFFF;
	(pc) =	sbr.abs _section_cstart, $3  }
0xbf: {  	[dreg:$0x1] =	wrdreg $0xFFFFFFFF  }
0xc0: {  	_ =	task.clear_ibuf [dreg:s6], $0x2FFFF;
	_ =	strace $0x9FFFFFFF  }
0xc1: {  	(tm) =	ssettm $0x7FFFFFFF  }
tec
execute0_lowered:
.L_overlay_start_1:
0x0: {  	(tag) =	ssettag $0x1  }
0x1: {  	s0 =	srdreg.scid  }
0x2: {  	s7 =	rddreg [dreg:$0x0];
	s1 =	stileid.u32  }
0x3: {  	s2 =	simm.s32 $0x0;
	s12 =	simm.s32 $0x4C80;
	s13 =	simm.s32 $0x1  }
0x4: {  	s14 =	simm.s32 $0x2000;
	s15 =	simm.s32 $0x2;
	s16 =	simm.s32 $0x80  }
0x5: {  	s17 =	simm.s32 $0x400;
	s6 =	sand.u32 $0x1, s0;
	s0 =	rddreg [dreg:$0x1]  }
0x6: {  	s18 =	simm.s32 $0x0;
	[smem:$0x7FF] =	sst s2;
	s3 =	sshll.u32 s6, $0x4  }
0x7: {  	s10 =	sshll.u32 s1, $0x7;
	_ =	strace $0x80000047;
	s8 =	sor.u32 s1, s3  }
0x8: {  	s6 =	ssub.s32 $0x2, s6;
	s3 =	smul.u32 $0xC80, s8;
	s4 =	sshrl.u32 s8, $0x3  }
0x9: {  	s10 =	sand.u32 $0x380, s10;
	s31 =	sshrl.u32 s6, $0x1;
	s9 =	smul.u32 $0xA0000, s4  }
0xa: {  	s8 =	smul.u32 $0xC800, s8;
	s4 =	sadd.s32 $0x187600, s7;
	s5 =	sshrl.u32 s3, $0x3  }
0xb: {  	s11 =	sadd.s32 s5, s7;
	s5 =	sadd.s32 $0x3E00, s7;
	s9 =	sor.u32 s10, s9  }
0xc: {  	s10 =	ssub.s32 s6, s31;
	s9 =	sshrl.u32 s9, $0x3;
	s6 =	sadd.s32 $0xC00, s11  }
0xd: {  	s10 =	smax.u32 s10, $0x1;
	s11 =	simm.s32 $0x3;
	s9 =	sadd.s32 s9, s7  }
0xe: {  	v0 =	vimm.f32 $1.000000000e+00;
	s7 =	sadd.s32 s4, s8;
	s8 =	sadd.s32 $0x80, s3;
	s9 =	sadd.s32 $0x6600, s9  }
.LBB2_1:
0xf: {  	s19 =	simm.s32 $0x4000  }
0x10: {  	[tilespmem:s19], [sflag:$0x3] =	stream.linear.gather [hbm4b:s6+s2], $0xC80, $0x38;
	[tilespmem:$0x18C80] =	vst v63  }
0x11: {  	_ =	swait.ge [sflag:s11], $0xC80  }
0x12: {  	[sflag:s11] =	ssyncset.done $0x0  }
0x13: {  	[sflag:s11] =	ssyncadd.s32 $0xFFFFF380  }
0x14: {  	[tilespmem:s12], [sflag:$0x3] =	stream.linear.gather [hbm4b:s5+s2], $0x14000, $0x38;
	[tilespmem:$0x18C80] =	vst v63  }
0x15: {  	_ =	swait.ge [sflag:s11], $0x14000  }
0x16: {  	[sflag:s11] =	ssyncset.done $0x0  }
0x17: {  	s20 =	simm.s32 $0x4040;
	s21 =	simm.s32 $0x0;
	[sflag:s11] =	ssyncadd.s32 $0xFFFEC000  }
0x18: {  	[tilespmem:s2], [sflag:$0x1] =	stream.linear.gather [hbm4b:s7+s2], $0x2000, $0x38;
	[tilespmem:$0x18C80] =	vst v63  }
.LBB2_2:
0x19: {  	s22 =	sshll.u32 s21, $0x7  }
0x1a: {  	s23 =	sadd.s32 s22, s3  }
0x1b: {  	_ =	swait.ge [sflag:s13], $0x2000;
	s23 =	sshll.u32 s23, $0x4  }
0x1c: {  	v1 =	vmov s19;
	[sflag:s13] =	ssyncset.done $0x0;
	s23 =	sadd.s32 s4, s23  }
0x1d: {  	[sflag:s13] =	ssyncadd.s32 $0xFFFFE000;
	s24 =	sadd.s32 $0x400, s23;
	s23 =	simm.s32 $0x0  }
0x1e: {  	[tilespmem:s14], [sflag:$0x2] =	stream.linear.gather [hbm4b:s24+s23], $0x2000, $0x38;
	[tilespmem:$0x18C80] =	vst v63  }
0x1f: {  	s24 =	simm.s32 $0x400  }
.LBB2_3:
0x20: {  	s25 =	sshra.s32 s23, $0x2  }
0x21: {  	v2 =	vld.idx.msk [tilespmem:v1+s25+$0x0 ss:$0x1], $0xffff;
	_ =	sdelay $0x4  }
0x22: {  	v2 =	vmul.u32 $0x50, v2;
	_ =	sdelay $0x1  }
0x23: {  	(v2sf) =	vpush v2, $0x0;
	_ =	sdelay $0xa  }
0x24: {  	v3 =	vld [tilespmem:s24+$0xFFFFFC00];
	_ =	sdelay $0x3  }
0x25: {  	s31 =	spop (v2sf)  }
0x26: {  	[tilespmem:s31+$0x4C80] =	vst.add.f32.msk $0xffff, v3  }
0x27: {  	v3 =	vld [tilespmem:s24+$0xFFFFFC10];
	_ =	sdelay $0x4  }
0x28: {  	[tilespmem:s31+$0x4C90] =	vst.add.f32.msk $0xffff, v3  }
0x29: {  	v3 =	vld [tilespmem:s24+$0xFFFFFC20]  }
0x2a: {  	(v2sf) =	vpush v2, $0x1;
	_ =	sdelay $0x3  }
0x2b: {  	[tilespmem:s31+$0x4CA0] =	vst.add.f32.msk $0xffff, v3  }
0x2c: {  	v3 =	vld [tilespmem:s24+$0xFFFFFC30];
	_ =	sdelay $0x3  }
0x2d: {  	[tilespmem:s31+$0x4CC0] =	vst.add.f32.msk $0xffff, v0  }
0x2e: {  	[tilespmem:s31+$0x4CB0] =	vst.add.f32.msk $0xffff, v3  }
0x2f: {  	v3 =	vld [tilespmem:s24+$0xFFFFFC80];
	_ =	sdelay $0x3  }
0x30: {  	s26 =	spop (v2sf)  }
0x31: {  	[tilespmem:s26+$0x4C80] =	vst.add.f32.msk $0xffff, v3  }
0x32: {  	v3 =	vld [tilespmem:s24+$0xFFFFFC90];
	_ =	sdelay $0x4  }
0x33: {  	[tilespmem:s26+$0x4C90] =	vst.add.f32.msk $0xffff, v3  }
0x34: {  	v3 =	vld [tilespmem:s24+$0xFFFFFCA0]  }
0x35: {  	(v2sf) =	vpush v2, $0x2;
	_ =	sdelay $0x3  }
0x36: {  	[tilespmem:s26+$0x4CA0] =	vst.add.f32.msk $0xffff, v3  }
0x37: {  	v3 =	vld [tilespmem:s24+$0xFFFFFCB0];
	_ =	sdelay $0x3  }
0x38: {  	[tilespmem:s26+$0x4CC0] =	vst.add.f32.msk $0xffff, v0  }
0x39: {  	[tilespmem:s26+$0x4CB0] =	vst.add.f32.msk $0xffff, v3  }
0x3a: {  	v3 =	vld [tilespmem:s24+$0xFFFFFD00];
	_ =	sdelay $0x3  }
0x3b: {  	s28 =	spop (v2sf)  }
0x3c: {  	[tilespmem:s28+$0x4C80] =	vst.add.f32.msk $0xffff, v3  }
0x3d: {  	v3 =	vld [tilespmem:s24+$0xFFFFFD10];
	_ =	sdelay $0x4  }
0x3e: {  	[tilespmem:s28+$0x4C90] =	vst.add.f32.msk $0xffff, v3  }
0x3f: {  	v3 =	vld [tilespmem:s24+$0xFFFFFD20]  }
0x40: {  	(v2sf) =	vpush v2, $0x3;
	_ =	sdelay $0x3  }
0x41: {  	[tilespmem:s28+$0x4CA0] =	vst.add.f32.msk $0xffff, v3  }
0x42: {  	v3 =	vld [tilespmem:s24+$0xFFFFFD30];
	_ =	sdelay $0x3  }
0x43: {  	[tilespmem:s28+$0x4CC0] =	vst.add.f32.msk $0xffff, v0  }
0x44: {  	[tilespmem:s28+$0x4CB0] =	vst.add.f32.msk $0xffff, v3  }
0x45: {  	v3 =	vld [tilespmem:s24+$0xFFFFFD80];
	_ =	sdelay $0x3  }
0x46: {  	s29 =	spop (v2sf)  }
0x47: {  	[tilespmem:s29+$0x4C80] =	vst.add.f32.msk $0xffff, v3  }
0x48: {  	v3 =	vld [tilespmem:s24+$0xFFFFFD90];
	_ =	sdelay $0x4  }
0x49: {  	[tilespmem:s29+$0x4C90] =	vst.add.f32.msk $0xffff, v3  }
0x4a: {  	v3 =	vld [tilespmem:s24+$0xFFFFFDA0]  }
0x4b: {  	(v2sf) =	vpush v2, $0x4;
	_ =	sdelay $0x3  }
0x4c: {  	[tilespmem:s29+$0x4CA0] =	vst.add.f32.msk $0xffff, v3  }
0x4d: {  	v3 =	vld [tilespmem:s24+$0xFFFFFDB0];
	_ =	sdelay $0x3  }
0x4e: {  	[tilespmem:s29+$0x4CC0] =	vst.add.f32.msk $0xffff, v0  }
0x4f: {  	[tilespmem:s29+$0x4CB0] =	vst.add.f32.msk $0xffff, v3  }
0x50: {  	v3 =	vld [tilespmem:s24+$0xFFFFFE00];
	_ =	sdelay $0x3  }
0x51: {  	s30 =	spop (v2sf)  }
0x52: {  	[tilespmem:s30+$0x4C80] =	vst.add.f32.msk $0xffff, v3  }
0x53: {  	v3 =	vld [tilespmem:s24+$0xFFFFFE10];
	_ =	sdelay $0x4  }
0x54: {  	[tilespmem:s30+$0x4C90] =	vst.add.f32.msk $0xffff, v3  }
0x55: {  	v3 =	vld [tilespmem:s24+$0xFFFFFE20]  }
0x56: {  	(v2sf) =	vpush v2, $0x5;
	_ =	sdelay $0x3  }
0x57: {  	[tilespmem:s30+$0x4CA0] =	vst.add.f32.msk $0xffff, v3  }
0x58: {  	v3 =	vld [tilespmem:s24+$0xFFFFFE30];
	_ =	sdelay $0x3  }
0x59: {  	[tilespmem:s30+$0x4CC0] =	vst.add.f32.msk $0xffff, v0  }
0x5a: {  	[tilespmem:s30+$0x4CB0] =	vst.add.f32.msk $0xffff, v3  }
0x5b: {  	v3 =	vld [tilespmem:s24+$0xFFFFFE80];
	_ =	sdelay $0x3  }
0x5c: {  	s31 =	spop (v2sf)  }
0x5d: {  	[tilespmem:s31+$0x4C80] =	vst.add.f32.msk $0xffff, v3  }
0x5e: {  	v3 =	vld [tilespmem:s24+$0xFFFFFE90];
	_ =	sdelay $0x4  }
0x5f: {  	[tilespmem:s31+$0x4C90] =	vst.add.f32.msk $0xffff, v3  }
0x60: {  	v3 =	vld [tilespmem:s24+$0xFFFFFEA0]  }
0x61: {  	(v2sf) =	vpush v2, $0x6;
	_ =	sdelay $0x3  }
0x62: {  	[tilespmem:s31+$0x4CA0] =	vst.add.f32.msk $0xffff, v3  }
0x63: {  	v3 =	vld [tilespmem:s24+$0xFFFFFEB0];
	_ =	sdelay $0x3  }
0x64: {  	[tilespmem:s31+$0x4CC0] =	vst.add.f32.msk $0xffff, v0  }
0x65: {  	[tilespmem:s31+$0x4CB0] =	vst.add.f32.msk $0xffff, v3  }
0x66: {  	v3 =	vld [tilespmem:s24+$0xFFFFFF00];
	_ =	sdelay $0x3  }
0x67: {  	s26 =	spop (v2sf)  }
0x68: {  	[tilespmem:s26+$0x4C80] =	vst.add.f32.msk $0xffff, v3  }
0x69: {  	v3 =	vld [tilespmem:s24+$0xFFFFFF10];
	_ =	sdelay $0x4  }
0x6a: {  	[tilespmem:s26+$0x4C90] =	vst.add.f32.msk $0xffff, v3  }
0x6b: {  	v3 =	vld [tilespmem:s24+$0xFFFFFF20]  }
0x6c: {  	(v2sf) =	vpush v2, $0x7;
	_ =	sdelay $0x3  }
0x6d: {  	[tilespmem:s26+$0x4CA0] =	vst.add.f32.msk $0xffff, v3  }
0x6e: {  	v3 =	vld [tilespmem:s24+$0xFFFFFF30];
	_ =	sdelay $0x3  }
0x6f: {  	[tilespmem:s26+$0x4CC0] =	vst.add.f32.msk $0xffff, v0  }
0x70: {  	[tilespmem:s26+$0x4CB0] =	vst.add.f32.msk $0xffff, v3  }
0x71: {  	v3 =	vld [tilespmem:s24+$0xFFFFFF80];
	_ =	sdelay $0x3  }
0x72: {  	s28 =	spop (v2sf)  }
0x73: {  	[tilespmem:s28+$0x4C80] =	vst.add.f32.msk $0xffff, v3  }
0x74: {  	v3 =	vld [tilespmem:s24+$0xFFFFFF90];
	_ =	sdelay $0x4  }
0x75: {  	[tilespmem:s28+$0x4C90] =	vst.add.f32.msk $0xffff, v3  }
0x76: {  	v3 =	vld [tilespmem:s24+$0xFFFFFFA0]  }
0x77: {  	(v2sf) =	vpush v2, $0x8;
	_ =	sdelay $0x3  }
0x78: {  	[tilespmem:s28+$0x4CA0] =	vst.add.f32.msk $0xffff, v3  }
0x79: {  	v3 =	vld [tilespmem:s24+$0xFFFFFFB0];
	_ =	sdelay $0x3  }
0x7a: {  	[tilespmem:s28+$0x4CC0] =	vst.add.f32.msk $0xffff, v0  }
0x7b: {  	[tilespmem:s28+$0x4CB0] =	vst.add.f32.msk $0xffff, v3  }
0x7c: {  	v3 =	vld [tilespmem:s24+$0x0];
	_ =	sdelay $0x3  }
0x7d: {  	s29 =	spop (v2sf)  }
0x7e: {  	[tilespmem:s29+$0x4C80] =	vst.add.f32.msk $0xffff, v3  }
0x7f: {  	v3 =	vld [tilespmem:s24+$0x10];
	_ =	sdelay $0x4  }
0x80: {  	[tilespmem:s29+$0x4C90] =	vst.add.f32.msk $0xffff, v3  }
0x81: {  	v3 =	vld [tilespmem:s24+$0x20]  }
0x82: {  	(v2sf) =	vpush v2, $0x9;
	_ =	sdelay $0x3  }
0x83: {  	[tilespmem:s29+$0x4CA0] =	vst.add.f32.msk $0xffff, v3  }
0x84: {  	v3 =	vld [tilespmem:s24+$0x30];
	_ =	sdelay $0x3  }
0x85: {  	[tilespmem:s29+$0x4CC0] =	vst.add.f32.msk $0xffff, v0  }
0x86: {  	[tilespmem:s29+$0x4CB0] =	vst.add.f32.msk $0xffff, v3  }
0x87: {  	v3 =	vld [tilespmem:s24+$0x80];
	_ =	sdelay $0x3  }
0x88: {  	s30 =	spop (v2sf)  }
0x89: {  	[tilespmem:s30+$0x4C80] =	vst.add.f32.msk $0xffff, v3  }
0x8a: {  	v3 =	vld [tilespmem:s24+$0x90];
	_ =	sdelay $0x4  }
0x8b: {  	[tilespmem:s30+$0x4C90] =	vst.add.f32.msk $0xffff, v3  }
0x8c: {  	v3 =	vld [tilespmem:s24+$0xA0]  }
0x8d: {  	(v2sf) =	vpush v2, $0xA;
	_ =	sdelay $0x3  }
0x8e: {  	[tilespmem:s30+$0x4CA0] =	vst.add.f32.msk $0xffff, v3  }
0x8f: {  	v3 =	vld [tilespmem:s24+$0xB0];
	_ =	sdelay $0x3  }
0x90: {  	[tilespmem:s30+$0x4CC0] =	vst.add.f32.msk $0xffff, v0  }
0x91: {  	[tilespmem:s30+$0x4CB0] =	vst.add.f32.msk $0xffff, v3  }
0x92: {  	v3 =	vld [tilespmem:s24+$0x100];
	_ =	sdelay $0x3  }
0x93: {  	s31 =	spop (v2sf)  }
0x94: {  	[tilespmem:s31+$0x4C80] =	vst.add.f32.msk $0xffff, v3  }
0x95: {  	v3 =	vld [tilespmem:s24+$0x110];
	_ =	sdelay $0x4  }
0x96: {  	[tilespmem:s31+$0x4C90] =	vst.add.f32.msk $0xffff, v3  }
0x97: {  	v3 =	vld [tilespmem:s24+$0x120]  }
0x98: {  	(v2sf) =	vpush v2, $0xB;
	_ =	sdelay $0x3  }
0x99: {  	[tilespmem:s31+$0x4CA0] =	vst.add.f32.msk $0xffff, v3  }
0x9a: {  	v3 =	vld [tilespmem:s24+$0x130];
	_ =	sdelay $0x3  }
0x9b: {  	[tilespmem:s31+$0x4CC0] =	vst.add.f32.msk $0xffff, v0  }
0x9c: {  	[tilespmem:s31+$0x4CB0] =	vst.add.f32.msk $0xffff, v3  }
0x9d: {  	v3 =	vld [tilespmem:s24+$0x180];
	_ =	sdelay $0x3  }
0x9e: {  	s26 =	spop (v2sf)  }
0x9f: {  	[tilespmem:s26+$0x4C80] =	vst.add.f32.msk $0xffff, v3  }
0xa0: {  	v3 =	vld [tilespmem:s24+$0x190];
	_ =	sdelay $0x4  }
0xa1: {  	[tilespmem:s26+$0x4C90] =	vst.add.f32.msk $0xffff, v3  }
0xa2: {  	v3 =	vld [tilespmem:s24+$0x1A0]  }
0xa3: {  	(v2sf) =	vpush v2, $0xC;
	_ =	sdelay $0x3  }
0xa4: {  	[tilespmem:s26+$0x4CA0] =	vst.add.f32.msk $0xffff, v3  }
0xa5: {  	v3 =	vld [tilespmem:s24+$0x1B0];
	_ =	sdelay $0x3  }
0xa6: {  	[tilespmem:s26+$0x4CC0] =	vst.add.f32.msk $0xffff, v0  }
0xa7: {  	[tilespmem:s26+$0x4CB0] =	vst.add.f32.msk $0xffff, v3  }
0xa8: {  	v3 =	vld [tilespmem:s24+$0x200];
	_ =	sdelay $0x3  }
0xa9: {  	s28 =	spop (v2sf)  }
0xaa: {  	[tilespmem:s28+$0x4C80] =	vst.add.f32.msk $0xffff, v3  }
0xab: {  	v3 =	vld [tilespmem:s24+$0x210];
	_ =	sdelay $0x4  }
0xac: {  	[tilespmem:s28+$0x4C90] =	vst.add.f32.msk $0xffff, v3  }
0xad: {  	v3 =	vld [tilespmem:s24+$0x220]  }
0xae: {  	(v2sf) =	vpush v2, $0xD;
	_ =	sdelay $0x3  }
0xaf: {  	[tilespmem:s28+$0x4CA0] =	vst.add.f32.msk $0xffff, v3  }
0xb0: {  	v3 =	vld [tilespmem:s24+$0x230];
	_ =	sdelay $0x3  }
0xb1: {  	[tilespmem:s28+$0x4CC0] =	vst.add.f32.msk $0xffff, v0  }
0xb2: {  	[tilespmem:s28+$0x4CB0] =	vst.add.f32.msk $0xffff, v3  }
0xb3: {  	v3 =	vld [tilespmem:s24+$0x280];
	_ =	sdelay $0x3  }
0xb4: {  	s29 =	spop (v2sf)  }
0xb5: {  	[tilespmem:s29+$0x4C80] =	vst.add.f32.msk $0xffff, v3  }
0xb6: {  	v3 =	vld [tilespmem:s24+$0x290];
	_ =	sdelay $0x4  }
0xb7: {  	[tilespmem:s29+$0x4C90] =	vst.add.f32.msk $0xffff, v3  }
0xb8: {  	v3 =	vld [tilespmem:s24+$0x2A0]  }
0xb9: {  	(v2sf) =	vpush v2, $0xE;
	_ =	sdelay $0x3  }
0xba: {  	[tilespmem:s29+$0x4CA0] =	vst.add.f32.msk $0xffff, v3  }
0xbb: {  	v3 =	vld [tilespmem:s24+$0x2B0];
	_ =	sdelay $0x3  }
0xbc: {  	[tilespmem:s29+$0x4CC0] =	vst.add.f32.msk $0xffff, v0  }
0xbd: {  	[tilespmem:s29+$0x4CB0] =	vst.add.f32.msk $0xffff, v3  }
0xbe: {  	v3 =	vld [tilespmem:s24+$0x300];
	_ =	sdelay $0x3  }
0xbf: {  	s30 =	spop (v2sf)  }
0xc0: {  	[tilespmem:s30+$0x4C80] =	vst.add.f32.msk $0xffff, v3  }
0xc1: {  	v3 =	vld [tilespmem:s24+$0x310];
	_ =	sdelay $0x4  }
0xc2: {  	[tilespmem:s30+$0x4C90] =	vst.add.f32.msk $0xffff, v3  }
0xc3: {  	v3 =	vld [tilespmem:s24+$0x320]  }
0xc4: {  	(v2sf) =	vpush v2, $0xF;
	_ =	sdelay $0x3  }
0xc5: {  	[tilespmem:s30+$0x4CA0] =	vst.add.f32.msk $0xffff, v3  }
0xc6: {  	v2 =	vld [tilespmem:s24+$0x330];
	_ =	sdelay $0x3  }
0xc7: {  	[tilespmem:s30+$0x4CC0] =	vst.add.f32.msk $0xffff, v0  }
0xc8: {  	[tilespmem:s30+$0x4CB0] =	vst.add.f32.msk $0xffff, v2  }
0xc9: {  	v2 =	vld [tilespmem:s24+$0x380];
	_ =	sdelay $0x3  }
0xca: {  	s31 =	spop (v2sf)  }
0xcb: {  	[tilespmem:s31+$0x4C80] =	vst.add.f32.msk $0xffff, v2  }
0xcc: {  	v2 =	vld [tilespmem:s24+$0x390];
	_ =	sdelay $0x4  }
0xcd: {  	[tilespmem:s31+$0x4C90] =	vst.add.f32.msk $0xffff, v2  }
0xce: {  	v2 =	vld [tilespmem:s24+$0x3A0];
	_ =	sdelay $0x4  }
0xcf: {  	[tilespmem:s31+$0x4CA0] =	vst.add.f32.msk $0xffff, v2  }
0xd0: {  	p0 =	sne.s32 s23, $0xC0;
	v2 =	vld [tilespmem:s24+$0x3B0]  }
.Ltmp0:
0xd1: {  	_ = 	snop;
	(pc) =	sbr.rel @p0 .LBB2_3-.Ltmp0, $3  }
0xd2: {  	_ =	sdelay $0x1  }
0xd3: {  	[tilespmem:s31+$0x4CC0] =	vst.add.f32.msk $0xffff, v0  }
0xd4: {  	s23 =	sadd.s32 $0x40, s23;
	s24 =	sadd.s32 $0x800, s24;
	[tilespmem:s31+$0x4CB0] =	vst.add.f32.msk $0xffff, v2  }
0xd5: {  	_ =	swait.ge [sflag:s15], $0x2000;
	s22 =	sadd.s32 s22, s8  }
0xd6: {  	v1 =	vmov s20;
	[sflag:s15] =	ssyncset.done $0x0;
	s22 =	sshll.u32 s22, $0x4  }
0xd7: {  	[sflag:s15] =	ssyncadd.s32 $0xFFFFE000;
	s23 =	sadd.s32 s4, s22;
	s22 =	simm.s32 $0x0  }
0xd8: {  	[tilespmem:s22], [sflag:$0x1] =	stream.linear.gather [hbm4b:s23+s22], $0x2000, $0x38;
	[tilespmem:$0x18C80] =	vst v63  }
0xd9: {  	s23 =	simm.s32 $0x2400  }
.LBB2_5:
0xda: {  	s24 =	sshra.s32 s22, $0x2  }
0xdb: {  	v2 =	vld.idx.msk [tilespmem:v1+s24+$0x0 ss:$0x1], $0xffff;
	_ =	sdelay $0x4  }
0xdc: {  	v2 =	vmul.u32 $0x50, v2;
	_ =	sdelay $0x1  }
0xdd: {  	(v2sf) =	vpush v2, $0x0;
	_ =	sdelay $0xa  }
0xde: {  	v3 =	vld [tilespmem:s23+$0xFFFFFC00];
	_ =	sdelay $0x3  }
0xdf: {  	s28 =	spop (v2sf)  }
0xe0: {  	[tilespmem:s28+$0x4C80] =	vst.add.f32.msk $0xffff, v3  }
0xe1: {  	v3 =	vld [tilespmem:s23+$0xFFFFFC10];
	_ =	sdelay $0x4  }
0xe2: {  	[tilespmem:s28+$0x4C90] =	vst.add.f32.msk $0xffff, v3  }
0xe3: {  	v3 =	vld [tilespmem:s23+$0xFFFFFC20]  }
0xe4: {  	(v2sf) =	vpush v2, $0x1;
	_ =	sdelay $0x3  }
0xe5: {  	[tilespmem:s28+$0x4CA0] =	vst.add.f32.msk $0xffff, v3  }
0xe6: {  	v3 =	vld [tilespmem:s23+$0xFFFFFC30];
	_ =	sdelay $0x3  }
0xe7: {  	[tilespmem:s28+$0x4CC0] =	vst.add.f32.msk $0xffff, v0  }
0xe8: {  	[tilespmem:s28+$0x4CB0] =	vst.add.f32.msk $0xffff, v3  }
0xe9: {  	v3 =	vld [tilespmem:s23+$0xFFFFFC80];
	_ =	sdelay $0x3  }
0xea: {  	s29 =	spop (v2sf)  }
0xeb: {  	[tilespmem:s29+$0x4C80] =	vst.add.f32.msk $0xffff, v3  }
0xec: {  	v3 =	vld [tilespmem:s23+$0xFFFFFC90];
	_ =	sdelay $0x4  }
0xed: {  	[tilespmem:s29+$0x4C90] =	vst.add.f32.msk $0xffff, v3  }
0xee: {  	v3 =	vld [tilespmem:s23+$0xFFFFFCA0]  }
0xef: {  	(v2sf) =	vpush v2, $0x2;
	_ =	sdelay $0x3  }
0xf0: {  	[tilespmem:s29+$0x4CA0] =	vst.add.f32.msk $0xffff, v3  }
0xf1: {  	v3 =	vld [tilespmem:s23+$0xFFFFFCB0];
	_ =	sdelay $0x3  }
0xf2: {  	[tilespmem:s29+$0x4CC0] =	vst.add.f32.msk $0xffff, v0  }
0xf3: {  	[tilespmem:s29+$0x4CB0] =	vst.add.f32.msk $0xffff, v3  }
0xf4: {  	v3 =	vld [tilespmem:s23+$0xFFFFFD00];
	_ =	sdelay $0x3  }
0xf5: {  	s30 =	spop (v2sf)  }
0xf6: {  	[tilespmem:s30+$0x4C80] =	vst.add.f32.msk $0xffff, v3  }
0xf7: {  	v3 =	vld [tilespmem:s23+$0xFFFFFD10];
	_ =	sdelay $0x4  }
0xf8: {  	[tilespmem:s30+$0x4C90] =	vst.add.f32.msk $0xffff, v3  }
0xf9: {  	v3 =	vld [tilespmem:s23+$0xFFFFFD20]  }
0xfa: {  	(v2sf) =	vpush v2, $0x3;
	_ =	sdelay $0x3  }
0xfb: {  	[tilespmem:s30+$0x4CA0] =	vst.add.f32.msk $0xffff, v3  }
0xfc: {  	v3 =	vld [tilespmem:s23+$0xFFFFFD30];
	_ =	sdelay $0x3  }
0xfd: {  	[tilespmem:s30+$0x4CC0] =	vst.add.f32.msk $0xffff, v0  }
0xfe: {  	[tilespmem:s30+$0x4CB0] =	vst.add.f32.msk $0xffff, v3  }
0xff: {  	v3 =	vld [tilespmem:s23+$0xFFFFFD80];
	_ =	sdelay $0x3  }
0x100: {  	s31 =	spop (v2sf)  }
0x101: {  	[tilespmem:s31+$0x4C80] =	vst.add.f32.msk $0xffff, v3  }
0x102: {  	v3 =	vld [tilespmem:s23+$0xFFFFFD90];
	_ =	sdelay $0x4  }
0x103: {  	[tilespmem:s31+$0x4C90] =	vst.add.f32.msk $0xffff, v3  }
0x104: {  	v3 =	vld [tilespmem:s23+$0xFFFFFDA0]  }
0x105: {  	(v2sf) =	vpush v2, $0x4;
	_ =	sdelay $0x3  }
0x106: {  	[tilespmem:s31+$0x4CA0] =	vst.add.f32.msk $0xffff, v3  }
0x107: {  	v3 =	vld [tilespmem:s23+$0xFFFFFDB0];
	_ =	sdelay $0x3  }
0x108: {  	[tilespmem:s31+$0x4CC0] =	vst.add.f32.msk $0xffff, v0  }
0x109: {  	[tilespmem:s31+$0x4CB0] =	vst.add.f32.msk $0xffff, v3  }
0x10a: {  	v3 =	vld [tilespmem:s23+$0xFFFFFE00];
	_ =	sdelay $0x3  }
0x10b: {  	s25 =	spop (v2sf)  }
0x10c: {  	[tilespmem:s25+$0x4C80] =	vst.add.f32.msk $0xffff, v3  }
0x10d: {  	v3 =	vld [tilespmem:s23+$0xFFFFFE10];
	_ =	sdelay $0x4  }
0x10e: {  	[tilespmem:s25+$0x4C90] =	vst.add.f32.msk $0xffff, v3  }
0x10f: {  	v3 =	vld [tilespmem:s23+$0xFFFFFE20]  }
0x110: {  	(v2sf) =	vpush v2, $0x5;
	_ =	sdelay $0x3  }
0x111: {  	[tilespmem:s25+$0x4CA0] =	vst.add.f32.msk $0xffff, v3  }
0x112: {  	v3 =	vld [tilespmem:s23+$0xFFFFFE30];
	_ =	sdelay $0x3  }
0x113: {  	[tilespmem:s25+$0x4CC0] =	vst.add.f32.msk $0xffff, v0  }
0x114: {  	[tilespmem:s25+$0x4CB0] =	vst.add.f32.msk $0xffff, v3  }
0x115: {  	v3 =	vld [tilespmem:s23+$0xFFFFFE80];
	_ =	sdelay $0x3  }
0x116: {  	s26 =	spop (v2sf)  }
0x117: {  	[tilespmem:s26+$0x4C80] =	vst.add.f32.msk $0xffff, v3  }
0x118: {  	v3 =	vld [tilespmem:s23+$0xFFFFFE90];
	_ =	sdelay $0x4  }
0x119: {  	[tilespmem:s26+$0x4C90] =	vst.add.f32.msk $0xffff, v3  }
0x11a: {  	v3 =	vld [tilespmem:s23+$0xFFFFFEA0]  }
0x11b: {  	(v2sf) =	vpush v2, $0x6;
	_ =	sdelay $0x3  }
0x11c: {  	[tilespmem:s26+$0x4CA0] =	vst.add.f32.msk $0xffff, v3  }
0x11d: {  	v3 =	vld [tilespmem:s23+$0xFFFFFEB0];
	_ =	sdelay $0x3  }
0x11e: {  	[tilespmem:s26+$0x4CC0] =	vst.add.f32.msk $0xffff, v0  }
0x11f: {  	[tilespmem:s26+$0x4CB0] =	vst.add.f32.msk $0xffff, v3  }
0x120: {  	v3 =	vld [tilespmem:s23+$0xFFFFFF00];
	_ =	sdelay $0x3  }
0x121: {  	s28 =	spop (v2sf)  }
0x122: {  	[tilespmem:s28+$0x4C80] =	vst.add.f32.msk $0xffff, v3  }
0x123: {  	v3 =	vld [tilespmem:s23+$0xFFFFFF10];
	_ =	sdelay $0x4  }
0x124: {  	[tilespmem:s28+$0x4C90] =	vst.add.f32.msk $0xffff, v3  }
0x125: {  	v3 =	vld [tilespmem:s23+$0xFFFFFF20]  }
0x126: {  	(v2sf) =	vpush v2, $0x7;
	_ =	sdelay $0x3  }
0x127: {  	[tilespmem:s28+$0x4CA0] =	vst.add.f32.msk $0xffff, v3  }
0x128: {  	v3 =	vld [tilespmem:s23+$0xFFFFFF30];
	_ =	sdelay $0x3  }
0x129: {  	[tilespmem:s28+$0x4CC0] =	vst.add.f32.msk $0xffff, v0  }
0x12a: {  	[tilespmem:s28+$0x4CB0] =	vst.add.f32.msk $0xffff, v3  }
0x12b: {  	v3 =	vld [tilespmem:s23+$0xFFFFFF80];
	_ =	sdelay $0x3  }
0x12c: {  	s29 =	spop (v2sf)  }
0x12d: {  	[tilespmem:s29+$0x4C80] =	vst.add.f32.msk $0xffff, v3  }
0x12e: {  	v3 =	vld [tilespmem:s23+$0xFFFFFF90];
	_ =	sdelay $0x4  }
0x12f: {  	[tilespmem:s29+$0x4C90] =	vst.add.f32.msk $0xffff, v3  }
0x130: {  	v3 =	vld [tilespmem:s23+$0xFFFFFFA0]  }
0x131: {  	(v2sf) =	vpush v2, $0x8;
	_ =	sdelay $0x3  }
0x132: {  	[tilespmem:s29+$0x4CA0] =	vst.add.f32.msk $0xffff, v3  }
0x133: {  	v3 =	vld [tilespmem:s23+$0xFFFFFFB0];
	_ =	sdelay $0x3  }
0x134: {  	[tilespmem:s29+$0x4CC0] =	vst.add.f32.msk $0xffff, v0  }
0x135: {  	[tilespmem:s29+$0x4CB0] =	vst.add.f32.msk $0xffff, v3  }
0x136: {  	v3 =	vld [tilespmem:s23+$0x0];
	_ =	sdelay $0x3  }
0x137: {  	s30 =	spop (v2sf)  }
0x138: {  	[tilespmem:s30+$0x4C80] =	vst.add.f32.msk $0xffff, v3  }
0x139: {  	v3 =	vld [tilespmem:s23+$0x10];
	_ =	sdelay $0x4  }
0x13a: {  	[tilespmem:s30+$0x4C90] =	vst.add.f32.msk $0xffff, v3  }
0x13b: {  	v3 =	vld [tilespmem:s23+$0x20]  }
0x13c: {  	(v2sf) =	vpush v2, $0x9;
	_ =	sdelay $0x3  }
0x13d: {  	[tilespmem:s30+$0x4CA0] =	vst.add.f32.msk $0xffff, v3  }
0x13e: {  	v3 =	vld [tilespmem:s23+$0x30];
	_ =	sdelay $0x3  }
0x13f: {  	[tilespmem:s30+$0x4CC0] =	vst.add.f32.msk $0xffff, v0  }
0x140: {  	[tilespmem:s30+$0x4CB0] =	vst.add.f32.msk $0xffff, v3  }
0x141: {  	v3 =	vld [tilespmem:s23+$0x80];
	_ =	sdelay $0x3  }
0x142: {  	s31 =	spop (v2sf)  }
0x143: {  	[tilespmem:s31+$0x4C80] =	vst.add.f32.msk $0xffff, v3  }
0x144: {  	v3 =	vld [tilespmem:s23+$0x90];
	_ =	sdelay $0x4  }
0x145: {  	[tilespmem:s31+$0x4C90] =	vst.add.f32.msk $0xffff, v3  }
0x146: {  	v3 =	vld [tilespmem:s23+$0xA0]  }
0x147: {  	(v2sf) =	vpush v2, $0xA;
	_ =	sdelay $0x3  }
0x148: {  	[tilespmem:s31+$0x4CA0] =	vst.add.f32.msk $0xffff, v3  }
0x149: {  	v3 =	vld [tilespmem:s23+$0xB0];
	_ =	sdelay $0x3  }
0x14a: {  	[tilespmem:s31+$0x4CC0] =	vst.add.f32.msk $0xffff, v0  }
0x14b: {  	[tilespmem:s31+$0x4CB0] =	vst.add.f32.msk $0xffff, v3  }
0x14c: {  	v3 =	vld [tilespmem:s23+$0x100];
	_ =	sdelay $0x3  }
0x14d: {  	s25 =	spop (v2sf)  }
0x14e: {  	[tilespmem:s25+$0x4C80] =	vst.add.f32.msk $0xffff, v3  }
0x14f: {  	v3 =	vld [tilespmem:s23+$0x110];
	_ =	sdelay $0x4  }
0x150: {  	[tilespmem:s25+$0x4C90] =	vst.add.f32.msk $0xffff, v3  }
0x151: {  	v3 =	vld [tilespmem:s23+$0x120]  }
0x152: {  	(v2sf) =	vpush v2, $0xB;
	_ =	sdelay $0x3  }
0x153: {  	[tilespmem:s25+$0x4CA0] =	vst.add.f32.msk $0xffff, v3  }
0x154: {  	v3 =	vld [tilespmem:s23+$0x130];
	_ =	sdelay $0x3  }
0x155: {  	[tilespmem:s25+$0x4CC0] =	vst.add.f32.msk $0xffff, v0  }
0x156: {  	[tilespmem:s25+$0x4CB0] =	vst.add.f32.msk $0xffff, v3  }
0x157: {  	v3 =	vld [tilespmem:s23+$0x180];
	_ =	sdelay $0x3  }
0x158: {  	s26 =	spop (v2sf)  }
0x159: {  	[tilespmem:s26+$0x4C80] =	vst.add.f32.msk $0xffff, v3  }
0x15a: {  	v3 =	vld [tilespmem:s23+$0x190];
	_ =	sdelay $0x4  }
0x15b: {  	[tilespmem:s26+$0x4C90] =	vst.add.f32.msk $0xffff, v3  }
0x15c: {  	v3 =	vld [tilespmem:s23+$0x1A0]  }
0x15d: {  	(v2sf) =	vpush v2, $0xC;
	_ =	sdelay $0x3  }
0x15e: {  	[tilespmem:s26+$0x4CA0] =	vst.add.f32.msk $0xffff, v3  }
0x15f: {  	v3 =	vld [tilespmem:s23+$0x1B0];
	_ =	sdelay $0x3  }
0x160: {  	[tilespmem:s26+$0x4CC0] =	vst.add.f32.msk $0xffff, v0  }
0x161: {  	[tilespmem:s26+$0x4CB0] =	vst.add.f32.msk $0xffff, v3  }
0x162: {  	v3 =	vld [tilespmem:s23+$0x200];
	_ =	sdelay $0x3  }
0x163: {  	s28 =	spop (v2sf)  }
0x164: {  	[tilespmem:s28+$0x4C80] =	vst.add.f32.msk $0xffff, v3  }
0x165: {  	v3 =	vld [tilespmem:s23+$0x210];
	_ =	sdelay $0x4  }
0x166: {  	[tilespmem:s28+$0x4C90] =	vst.add.f32.msk $0xffff, v3  }
0x167: {  	v3 =	vld [tilespmem:s23+$0x220]  }
0x168: {  	(v2sf) =	vpush v2, $0xD;
	_ =	sdelay $0x3  }
0x169: {  	[tilespmem:s28+$0x4CA0] =	vst.add.f32.msk $0xffff, v3  }
0x16a: {  	v3 =	vld [tilespmem:s23+$0x230];
	_ =	sdelay $0x3  }
0x16b: {  	[tilespmem:s28+$0x4CC0] =	vst.add.f32.msk $0xffff, v0  }
0x16c: {  	[tilespmem:s28+$0x4CB0] =	vst.add.f32.msk $0xffff, v3  }
0x16d: {  	v3 =	vld [tilespmem:s23+$0x280];
	_ =	sdelay $0x3  }
0x16e: {  	s29 =	spop (v2sf)  }
0x16f: {  	[tilespmem:s29+$0x4C80] =	vst.add.f32.msk $0xffff, v3  }
0x170: {  	v3 =	vld [tilespmem:s23+$0x290];
	_ =	sdelay $0x4  }
0x171: {  	[tilespmem:s29+$0x4C90] =	vst.add.f32.msk $0xffff, v3  }
0x172: {  	v3 =	vld [tilespmem:s23+$0x2A0]  }
0x173: {  	(v2sf) =	vpush v2, $0xE;
	_ =	sdelay $0x3  }
0x174: {  	[tilespmem:s29+$0x4CA0] =	vst.add.f32.msk $0xffff, v3  }
0x175: {  	v3 =	vld [tilespmem:s23+$0x2B0];
	_ =	sdelay $0x3  }
0x176: {  	[tilespmem:s29+$0x4CC0] =	vst.add.f32.msk $0xffff, v0  }
0x177: {  	[tilespmem:s29+$0x4CB0] =	vst.add.f32.msk $0xffff, v3  }
0x178: {  	v3 =	vld [tilespmem:s23+$0x300];
	_ =	sdelay $0x3  }
0x179: {  	s30 =	spop (v2sf)  }
0x17a: {  	[tilespmem:s30+$0x4C80] =	vst.add.f32.msk $0xffff, v3  }
0x17b: {  	v3 =	vld [tilespmem:s23+$0x310];
	_ =	sdelay $0x4  }
0x17c: {  	[tilespmem:s30+$0x4C90] =	vst.add.f32.msk $0xffff, v3  }
0x17d: {  	v3 =	vld [tilespmem:s23+$0x320]  }
0x17e: {  	(v2sf) =	vpush v2, $0xF;
	_ =	sdelay $0x3  }
0x17f: {  	[tilespmem:s30+$0x4CA0] =	vst.add.f32.msk $0xffff, v3  }
0x180: {  	v2 =	vld [tilespmem:s23+$0x330];
	_ =	sdelay $0x3  }
0x181: {  	[tilespmem:s30+$0x4CC0] =	vst.add.f32.msk $0xffff, v0  }
0x182: {  	[tilespmem:s30+$0x4CB0] =	vst.add.f32.msk $0xffff, v2  }
0x183: {  	v2 =	vld [tilespmem:s23+$0x380];
	_ =	sdelay $0x3  }
0x184: {  	s31 =	spop (v2sf)  }
0x185: {  	[tilespmem:s31+$0x4C80] =	vst.add.f32.msk $0xffff, v2  }
0x186: {  	v2 =	vld [tilespmem:s23+$0x390];
	_ =	sdelay $0x4  }
0x187: {  	[tilespmem:s31+$0x4C90] =	vst.add.f32.msk $0xffff, v2  }
0x188: {  	v2 =	vld [tilespmem:s23+$0x3A0];
	_ =	sdelay $0x4  }
0x189: {  	[tilespmem:s31+$0x4CA0] =	vst.add.f32.msk $0xffff, v2  }
0x18a: {  	p0 =	sne.s32 s22, $0xC0;
	v2 =	vld [tilespmem:s23+$0x3B0]  }
.Ltmp1:
0x18b: {  	_ = 	snop;
	(pc) =	sbr.rel @p0 .LBB2_5-.Ltmp1, $3  }
0x18c: {  	_ =	sdelay $0x1  }
0x18d: {  	[tilespmem:s31+$0x4CC0] =	vst.add.f32.msk $0xffff, v0  }
0x18e: {  	s22 =	sadd.s32 $0x40, s22;
	s23 =	sadd.s32 $0x800, s23;
	[tilespmem:s31+$0x4CB0] =	vst.add.f32.msk $0xffff, v2  }
0x18f: {  	s21 =	sadd.s32 $0x1, s21  }
0x190: {  	p0 =	sne.s32 s21, $0x19  }
.Ltmp2:
0x191: {  	_ = 	snop;
	(pc) =	sbr.rel @p0 .LBB2_2-.Ltmp2, $2  }
0x192: {  	_ =	sdelay $0x2  }
0x193: {  	s19 =	sadd.s32 $0x80, s19;
	s20 =	sadd.s32 $0x80, s20  }
0x194: {  	_ =	swait.ge [sflag:s13], $0x2000  }
0x195: {  	[sflag:s13] =	ssyncset.done $0x0  }
0x196: {  	s19 =	simm.s32 $0x0;
	s20 =	simm.s32 $0x400;
	[sflag:s13] =	ssyncadd.s32 $0xFFFFE000  }
.LBB2_8:
0x197: {  	s21 =	sshra.s32 s19, $0x2  }
0x198: {  	v1 =	vld [tilespmem:s21+$0x4C40];
	_ =	sdelay $0x4  }
0x199: {  	v1 =	vmul.u32 $0x50, v1;
	_ =	sdelay $0x1  }
0x19a: {  	(v2sf) =	vpush v1, $0x0;
	_ =	sdelay $0xa  }
0x19b: {  	v2 =	vld [tilespmem:s20+$0xFFFFFC00];
	_ =	sdelay $0x3  }
0x19c: {  	s24 =	spop (v2sf)  }
0x19d: {  	[tilespmem:s24+$0x4C80] =	vst.add.f32.msk $0xffff, v2  }
0x19e: {  	v2 =	vld [tilespmem:s20+$0xFFFFFC10];
	_ =	sdelay $0x4  }
0x19f: {  	[tilespmem:s24+$0x4C90] =	vst.add.f32.msk $0xffff, v2  }
0x1a0: {  	v2 =	vld [tilespmem:s20+$0xFFFFFC20]  }
0x1a1: {  	(v2sf) =	vpush v1, $0x1;
	_ =	sdelay $0x3  }
0x1a2: {  	[tilespmem:s24+$0x4CA0] =	vst.add.f32.msk $0xffff, v2  }
0x1a3: {  	v2 =	vld [tilespmem:s20+$0xFFFFFC30];
	_ =	sdelay $0x3  }
0x1a4: {  	[tilespmem:s24+$0x4CC0] =	vst.add.f32.msk $0xffff, v0  }
0x1a5: {  	[tilespmem:s24+$0x4CB0] =	vst.add.f32.msk $0xffff, v2  }
0x1a6: {  	v2 =	vld [tilespmem:s20+$0xFFFFFC80];
	_ =	sdelay $0x3  }
0x1a7: {  	s25 =	spop (v2sf)  }
0x1a8: {  	[tilespmem:s25+$0x4C80] =	vst.add.f32.msk $0xffff, v2  }
0x1a9: {  	v2 =	vld [tilespmem:s20+$0xFFFFFC90];
	_ =	sdelay $0x4  }
0x1aa: {  	[tilespmem:s25+$0x4C90] =	vst.add.f32.msk $0xffff, v2  }
0x1ab: {  	v2 =	vld [tilespmem:s20+$0xFFFFFCA0]  }
0x1ac: {  	(v2sf) =	vpush v1, $0x2;
	_ =	sdelay $0x3  }
0x1ad: {  	[tilespmem:s25+$0x4CA0] =	vst.add.f32.msk $0xffff, v2  }
0x1ae: {  	v2 =	vld [tilespmem:s20+$0xFFFFFCB0];
	_ =	sdelay $0x3  }
0x1af: {  	[tilespmem:s25+$0x4CC0] =	vst.add.f32.msk $0xffff, v0  }
0x1b0: {  	[tilespmem:s25+$0x4CB0] =	vst.add.f32.msk $0xffff, v2  }
0x1b1: {  	v2 =	vld [tilespmem:s20+$0xFFFFFD00];
	_ =	sdelay $0x3  }
0x1b2: {  	s26 =	spop (v2sf)  }
0x1b3: {  	[tilespmem:s26+$0x4C80] =	vst.add.f32.msk $0xffff, v2  }
0x1b4: {  	v2 =	vld [tilespmem:s20+$0xFFFFFD10];
	_ =	sdelay $0x4  }
0x1b5: {  	[tilespmem:s26+$0x4C90] =	vst.add.f32.msk $0xffff, v2  }
0x1b6: {  	v2 =	vld [tilespmem:s20+$0xFFFFFD20]  }
0x1b7: {  	(v2sf) =	vpush v1, $0x3;
	_ =	sdelay $0x3  }
0x1b8: {  	[tilespmem:s26+$0x4CA0] =	vst.add.f32.msk $0xffff, v2  }
0x1b9: {  	v2 =	vld [tilespmem:s20+$0xFFFFFD30];
	_ =	sdelay $0x3  }
0x1ba: {  	[tilespmem:s26+$0x4CC0] =	vst.add.f32.msk $0xffff, v0  }
0x1bb: {  	[tilespmem:s26+$0x4CB0] =	vst.add.f32.msk $0xffff, v2  }
0x1bc: {  	v2 =	vld [tilespmem:s20+$0xFFFFFD80];
	_ =	sdelay $0x3  }
0x1bd: {  	s28 =	spop (v2sf)  }
0x1be: {  	[tilespmem:s28+$0x4C80] =	vst.add.f32.msk $0xffff, v2  }
0x1bf: {  	v2 =	vld [tilespmem:s20+$0xFFFFFD90];
	_ =	sdelay $0x4  }
0x1c0: {  	[tilespmem:s28+$0x4C90] =	vst.add.f32.msk $0xffff, v2  }
0x1c1: {  	v2 =	vld [tilespmem:s20+$0xFFFFFDA0]  }
0x1c2: {  	(v2sf) =	vpush v1, $0x4;
	_ =	sdelay $0x3  }
0x1c3: {  	[tilespmem:s28+$0x4CA0] =	vst.add.f32.msk $0xffff, v2  }
0x1c4: {  	v2 =	vld [tilespmem:s20+$0xFFFFFDB0];
	_ =	sdelay $0x3  }
0x1c5: {  	[tilespmem:s28+$0x4CC0] =	vst.add.f32.msk $0xffff, v0  }
0x1c6: {  	[tilespmem:s28+$0x4CB0] =	vst.add.f32.msk $0xffff, v2  }
0x1c7: {  	v2 =	vld [tilespmem:s20+$0xFFFFFE00];
	_ =	sdelay $0x3  }
0x1c8: {  	s29 =	spop (v2sf)  }
0x1c9: {  	[tilespmem:s29+$0x4C80] =	vst.add.f32.msk $0xffff, v2  }
0x1ca: {  	v2 =	vld [tilespmem:s20+$0xFFFFFE10];
	_ =	sdelay $0x4  }
0x1cb: {  	[tilespmem:s29+$0x4C90] =	vst.add.f32.msk $0xffff, v2  }
0x1cc: {  	v2 =	vld [tilespmem:s20+$0xFFFFFE20]  }
0x1cd: {  	(v2sf) =	vpush v1, $0x5;
	_ =	sdelay $0x3  }
0x1ce: {  	[tilespmem:s29+$0x4CA0] =	vst.add.f32.msk $0xffff, v2  }
0x1cf: {  	v2 =	vld [tilespmem:s20+$0xFFFFFE30];
	_ =	sdelay $0x3  }
0x1d0: {  	[tilespmem:s29+$0x4CC0] =	vst.add.f32.msk $0xffff, v0  }
0x1d1: {  	[tilespmem:s29+$0x4CB0] =	vst.add.f32.msk $0xffff, v2  }
0x1d2: {  	v2 =	vld [tilespmem:s20+$0xFFFFFE80];
	_ =	sdelay $0x3  }
0x1d3: {  	s30 =	spop (v2sf)  }
0x1d4: {  	[tilespmem:s30+$0x4C80] =	vst.add.f32.msk $0xffff, v2  }
0x1d5: {  	v2 =	vld [tilespmem:s20+$0xFFFFFE90];
	_ =	sdelay $0x4  }
0x1d6: {  	[tilespmem:s30+$0x4C90] =	vst.add.f32.msk $0xffff, v2  }
0x1d7: {  	v2 =	vld [tilespmem:s20+$0xFFFFFEA0]  }
0x1d8: {  	(v2sf) =	vpush v1, $0x6;
	_ =	sdelay $0x3  }
0x1d9: {  	[tilespmem:s30+$0x4CA0] =	vst.add.f32.msk $0xffff, v2  }
0x1da: {  	v2 =	vld [tilespmem:s20+$0xFFFFFEB0];
	_ =	sdelay $0x3  }
0x1db: {  	[tilespmem:s30+$0x4CC0] =	vst.add.f32.msk $0xffff, v0  }
0x1dc: {  	[tilespmem:s30+$0x4CB0] =	vst.add.f32.msk $0xffff, v2  }
0x1dd: {  	v2 =	vld [tilespmem:s20+$0xFFFFFF00];
	_ =	sdelay $0x3  }
0x1de: {  	s31 =	spop (v2sf)  }
0x1df: {  	[tilespmem:s31+$0x4C80] =	vst.add.f32.msk $0xffff, v2  }
0x1e0: {  	v2 =	vld [tilespmem:s20+$0xFFFFFF10];
	_ =	sdelay $0x4  }
0x1e1: {  	[tilespmem:s31+$0x4C90] =	vst.add.f32.msk $0xffff, v2  }
0x1e2: {  	v2 =	vld [tilespmem:s20+$0xFFFFFF20]  }
0x1e3: {  	(v2sf) =	vpush v1, $0x7;
	_ =	sdelay $0x3  }
0x1e4: {  	[tilespmem:s31+$0x4CA0] =	vst.add.f32.msk $0xffff, v2  }
0x1e5: {  	v2 =	vld [tilespmem:s20+$0xFFFFFF30];
	_ =	sdelay $0x3  }
0x1e6: {  	[tilespmem:s31+$0x4CC0] =	vst.add.f32.msk $0xffff, v0  }
0x1e7: {  	[tilespmem:s31+$0x4CB0] =	vst.add.f32.msk $0xffff, v2  }
0x1e8: {  	v2 =	vld [tilespmem:s20+$0xFFFFFF80];
	_ =	sdelay $0x3  }
0x1e9: {  	s22 =	spop (v2sf)  }
0x1ea: {  	[tilespmem:s22+$0x4C80] =	vst.add.f32.msk $0xffff, v2  }
0x1eb: {  	v2 =	vld [tilespmem:s20+$0xFFFFFF90];
	_ =	sdelay $0x4  }
0x1ec: {  	[tilespmem:s22+$0x4C90] =	vst.add.f32.msk $0xffff, v2  }
0x1ed: {  	v2 =	vld [tilespmem:s20+$0xFFFFFFA0]  }
0x1ee: {  	(v2sf) =	vpush v1, $0x8;
	_ =	sdelay $0x3  }
0x1ef: {  	[tilespmem:s22+$0x4CA0] =	vst.add.f32.msk $0xffff, v2  }
0x1f0: {  	v2 =	vld [tilespmem:s20+$0xFFFFFFB0];
	_ =	sdelay $0x3  }
0x1f1: {  	[tilespmem:s22+$0x4CC0] =	vst.add.f32.msk $0xffff, v0  }
0x1f2: {  	[tilespmem:s22+$0x4CB0] =	vst.add.f32.msk $0xffff, v2  }
0x1f3: {  	v2 =	vld [tilespmem:s20+$0x0];
	_ =	sdelay $0x3  }
0x1f4: {  	s23 =	spop (v2sf)  }
0x1f5: {  	[tilespmem:s23+$0x4C80] =	vst.add.f32.msk $0xffff, v2  }
0x1f6: {  	v2 =	vld [tilespmem:s20+$0x10];
	_ =	sdelay $0x4  }
0x1f7: {  	[tilespmem:s23+$0x4C90] =	vst.add.f32.msk $0xffff, v2  }
0x1f8: {  	v2 =	vld [tilespmem:s20+$0x20]  }
0x1f9: {  	(v2sf) =	vpush v1, $0x9;
	_ =	sdelay $0x3  }
0x1fa: {  	[tilespmem:s23+$0x4CA0] =	vst.add.f32.msk $0xffff, v2  }
0x1fb: {  	v2 =	vld [tilespmem:s20+$0x30];
	_ =	sdelay $0x3  }
0x1fc: {  	[tilespmem:s23+$0x4CC0] =	vst.add.f32.msk $0xffff, v0  }
0x1fd: {  	[tilespmem:s23+$0x4CB0] =	vst.add.f32.msk $0xffff, v2  }
0x1fe: {  	v2 =	vld [tilespmem:s20+$0x80];
	_ =	sdelay $0x3  }
0x1ff: {  	s24 =	spop (v2sf)  }
0x200: {  	[tilespmem:s24+$0x4C80] =	vst.add.f32.msk $0xffff, v2  }
0x201: {  	v2 =	vld [tilespmem:s20+$0x90];
	_ =	sdelay $0x4  }
0x202: {  	[tilespmem:s24+$0x4C90] =	vst.add.f32.msk $0xffff, v2  }
0x203: {  	v2 =	vld [tilespmem:s20+$0xA0]  }
0x204: {  	(v2sf) =	vpush v1, $0xA;
	_ =	sdelay $0x3  }
0x205: {  	[tilespmem:s24+$0x4CA0] =	vst.add.f32.msk $0xffff, v2  }
0x206: {  	v2 =	vld [tilespmem:s20+$0xB0];
	_ =	sdelay $0x3  }
0x207: {  	[tilespmem:s24+$0x4CC0] =	vst.add.f32.msk $0xffff, v0  }
0x208: {  	[tilespmem:s24+$0x4CB0] =	vst.add.f32.msk $0xffff, v2  }
0x209: {  	v2 =	vld [tilespmem:s20+$0x100];
	_ =	sdelay $0x3  }
0x20a: {  	s25 =	spop (v2sf)  }
0x20b: {  	[tilespmem:s25+$0x4C80] =	vst.add.f32.msk $0xffff, v2  }
0x20c: {  	v2 =	vld [tilespmem:s20+$0x110];
	_ =	sdelay $0x4  }
0x20d: {  	[tilespmem:s25+$0x4C90] =	vst.add.f32.msk $0xffff, v2  }
0x20e: {  	v2 =	vld [tilespmem:s20+$0x120]  }
0x20f: {  	(v2sf) =	vpush v1, $0xB;
	_ =	sdelay $0x3  }
0x210: {  	[tilespmem:s25+$0x4CA0] =	vst.add.f32.msk $0xffff, v2  }
0x211: {  	v2 =	vld [tilespmem:s20+$0x130];
	_ =	sdelay $0x3  }
0x212: {  	[tilespmem:s25+$0x4CC0] =	vst.add.f32.msk $0xffff, v0  }
0x213: {  	[tilespmem:s25+$0x4CB0] =	vst.add.f32.msk $0xffff, v2  }
0x214: {  	v2 =	vld [tilespmem:s20+$0x180];
	_ =	sdelay $0x3  }
0x215: {  	s26 =	spop (v2sf)  }
0x216: {  	[tilespmem:s26+$0x4C80] =	vst.add.f32.msk $0xffff, v2  }
0x217: {  	v2 =	vld [tilespmem:s20+$0x190];
	_ =	sdelay $0x4  }
0x218: {  	[tilespmem:s26+$0x4C90] =	vst.add.f32.msk $0xffff, v2  }
0x219: {  	v2 =	vld [tilespmem:s20+$0x1A0]  }
0x21a: {  	(v2sf) =	vpush v1, $0xC;
	_ =	sdelay $0x3  }
0x21b: {  	[tilespmem:s26+$0x4CA0] =	vst.add.f32.msk $0xffff, v2  }
0x21c: {  	v2 =	vld [tilespmem:s20+$0x1B0];
	_ =	sdelay $0x3  }
0x21d: {  	[tilespmem:s26+$0x4CC0] =	vst.add.f32.msk $0xffff, v0  }
0x21e: {  	[tilespmem:s26+$0x4CB0] =	vst.add.f32.msk $0xffff, v2  }
0x21f: {  	v2 =	vld [tilespmem:s20+$0x200];
	_ =	sdelay $0x3  }
0x220: {  	s28 =	spop (v2sf)  }
0x221: {  	[tilespmem:s28+$0x4C80] =	vst.add.f32.msk $0xffff, v2  }
0x222: {  	v2 =	vld [tilespmem:s20+$0x210];
	_ =	sdelay $0x4  }
0x223: {  	[tilespmem:s28+$0x4C90] =	vst.add.f32.msk $0xffff, v2  }
0x224: {  	v2 =	vld [tilespmem:s20+$0x220]  }
0x225: {  	(v2sf) =	vpush v1, $0xD;
	_ =	sdelay $0x3  }
0x226: {  	[tilespmem:s28+$0x4CA0] =	vst.add.f32.msk $0xffff, v2  }
0x227: {  	v2 =	vld [tilespmem:s20+$0x230];
	_ =	sdelay $0x3  }
0x228: {  	[tilespmem:s28+$0x4CC0] =	vst.add.f32.msk $0xffff, v0  }
0x229: {  	[tilespmem:s28+$0x4CB0] =	vst.add.f32.msk $0xffff, v2  }
0x22a: {  	v2 =	vld [tilespmem:s20+$0x280];
	_ =	sdelay $0x3  }
0x22b: {  	s29 =	spop (v2sf)  }
0x22c: {  	[tilespmem:s29+$0x4C80] =	vst.add.f32.msk $0xffff, v2  }
0x22d: {  	v2 =	vld [tilespmem:s20+$0x290];
	_ =	sdelay $0x4  }
0x22e: {  	[tilespmem:s29+$0x4C90] =	vst.add.f32.msk $0xffff, v2  }
0x22f: {  	v2 =	vld [tilespmem:s20+$0x2A0]  }
0x230: {  	(v2sf) =	vpush v1, $0xE;
	_ =	sdelay $0x3  }
0x231: {  	[tilespmem:s29+$0x4CA0] =	vst.add.f32.msk $0xffff, v2  }
0x232: {  	v2 =	vld [tilespmem:s20+$0x2B0];
	_ =	sdelay $0x3  }
0x233: {  	[tilespmem:s29+$0x4CC0] =	vst.add.f32.msk $0xffff, v0  }
0x234: {  	[tilespmem:s29+$0x4CB0] =	vst.add.f32.msk $0xffff, v2  }
0x235: {  	v2 =	vld [tilespmem:s20+$0x300];
	_ =	sdelay $0x3  }
0x236: {  	s30 =	spop (v2sf)  }
0x237: {  	[tilespmem:s30+$0x4C80] =	vst.add.f32.msk $0xffff, v2  }
0x238: {  	v2 =	vld [tilespmem:s20+$0x310];
	_ =	sdelay $0x4  }
0x239: {  	[tilespmem:s30+$0x4C90] =	vst.add.f32.msk $0xffff, v2  }
0x23a: {  	v2 =	vld [tilespmem:s20+$0x320]  }
0x23b: {  	(v2sf) =	vpush v1, $0xF;
	_ =	sdelay $0x3  }
0x23c: {  	[tilespmem:s30+$0x4CA0] =	vst.add.f32.msk $0xffff, v2  }
0x23d: {  	v1 =	vld [tilespmem:s20+$0x330];
	_ =	sdelay $0x3  }
0x23e: {  	[tilespmem:s30+$0x4CC0] =	vst.add.f32.msk $0xffff, v0  }
0x23f: {  	[tilespmem:s30+$0x4CB0] =	vst.add.f32.msk $0xffff, v1  }
0x240: {  	v1 =	vld [tilespmem:s20+$0x380];
	_ =	sdelay $0x3  }
0x241: {  	s31 =	spop (v2sf)  }
0x242: {  	[tilespmem:s31+$0x4C80] =	vst.add.f32.msk $0xffff, v1  }
0x243: {  	v1 =	vld [tilespmem:s20+$0x390];
	_ =	sdelay $0x4  }
0x244: {  	[tilespmem:s31+$0x4C90] =	vst.add.f32.msk $0xffff, v1  }
0x245: {  	v1 =	vld [tilespmem:s20+$0x3A0];
	_ =	sdelay $0x4  }
0x246: {  	[tilespmem:s31+$0x4CA0] =	vst.add.f32.msk $0xffff, v1  }
0x247: {  	p0 =	sne.s32 s19, $0xC0;
	v1 =	vld [tilespmem:s20+$0x3B0]  }
.Ltmp3:
0x248: {  	_ = 	snop;
	(pc) =	sbr.rel @p0 .LBB2_8-.Ltmp3, $3  }
0x249: {  	_ =	sdelay $0x1  }
0x24a: {  	[tilespmem:s31+$0x4CC0] =	vst.add.f32.msk $0xffff, v0  }
0x24b: {  	s19 =	sadd.s32 $0x40, s19;
	s20 =	sadd.s32 $0x800, s20;
	[tilespmem:s31+$0x4CB0] =	vst.add.f32.msk $0xffff, v1  }
0x24c: {  	s18 =	sadd.s32 $0x1, s18  }
0x24d: {  	p0 =	sne.s32 s18, s10  }
.Ltmp4:
0x24e: {  	_ = 	snop;
	(pc) =	sbr.rel @p0 .LBB2_1-.Ltmp4, $4  }
0x24f: {  	[hbm4b:s9+s16] =	stream.strided.scatter [tilespmem:s12], [sflag:$0x3], $0x14000, s17, s16, $0x38;
	[tilespmem:$0x18C80] =	vst v63  }
0x250: {  	_ =	swait.ge [sflag:s11], $0x14000  }
0x251: {  	[sflag:s11] =	ssyncset.done $0x0  }
0x252: {  	[sflag:s11] =	ssyncadd.s32 $0xFFFEC000  }
0x253: {  	_ =	sfence.sel $0x180000  }
0x254: {  	[bflag:$0x0] =	sbarrier.arrive $0xFFFF  }
0x255: {  	p0 =	sne.s32 s1, $0x0;
	_ =	strace $0x90000047  }
0x256: {  	s0 =	sadd.s32 @!p0 $0x100000, s0;
	[bflag:$0x2] =	sbarrier.arrive $0xFFFF  }
0x257: {  	[sflag:s0] =	ssyncadd.tile.s32 @!p0 $0x1;
	_ =	shalt  }
.Lfunc_end2:
_tile_overlayer_lowered:
.L_overlay_start_2:
0x258: {  	(tag) =	ssettag $0x2  }
0x259: {  	s0 =	rddreg [dreg:$0x0];
	s2 =	stileid.u32  }
0x25a: {  	s1 =	rddreg [dreg:$0x1];
	p0 =	sne.s32 s2, $0x0  }
0x25b: {  	s3 =	rddreg [dreg:$0x2];
	[bflag:$0x3] =	sbarrier.arrive $0xFFFF;
	s2 =	simm.s32 @!p0 $0x1C03  }
0x25c: {  	[timem:s3], [sflag:s2] =	dma.local @!p0 [hbm:s0], s1  }
0x25d: {  	s0 =	simm.s32 @!p0 $0x3  }
0x25e: {  	_ =	swait.ge @!p0 [sflag:s0], s1  }
0x25f: {  	s1 =	ssub.s32 @!p0 $0x0, s1;
	[sflag:s0] =	ssyncset.done @!p0 $0x0  }
0x260: {  	[sflag:s0] =	ssyncadd.s32 @!p0 s1  }
0x261: {  	[bflag:$0x3] =	sbarrier.arrive $0xFFFF  }
0x262: {  	_ =	shalt  }

// kernel: kernel.9.cloned.1.call-start
scs
__scs_entry_jumppad:
0x0: {  	(pc) =	sbr.rel $0x88, $3  }
0x1: {  	(tag) =	ssettag $0x0;
	lr =	simm.s32 $0x1  }
0x2: {  	[smem:$0x3F9D] =	sst lr;
	_ =	strace $0xD0000000  }
0x3: {  	_ = 	snop  }
0x4: {  	_ = 	snop  }
0x5: {  	_ = 	snop  }
0x6: {  	_ = 	snop  }
0x7: {  	_ = 	snop  }
__scs_overlays_trampoline_lowered:
0x8: {  	[smem:$0x3FAC] =	sst s0  }
0x9: {  	[smem:$0x3FAD] =	sst s1  }
0xa: {  	[smem:$0x3FAE] =	sst s2  }
0xb: {  	[smem:$0x3FAF] =	sst s3  }
0xc: {  	[smem:$0x3FB0] =	sst s4  }
0xd: {  	[smem:$0x3FB1] =	sst s5  }
0xe: {  	[smem:$0x3FB2] =	sst s6  }
0xf: {  	[smem:$0x3FB3] =	sst s7  }
0x10: {  	[smem:$0x3FB4] =	sst s8  }
0x11: {  	[smem:$0x3FB5] =	sst s9;
	s0 =	simm.s32 @!p0 $0x0  }
0x12: {  	s1 =	sld [smem:$0x3F9B];
	s0 =	simm.s32 @p0 $0x1  }
0x13: {  	[smem:$0x3FB6] =	sst s0;
	s0 =	simm.s32 @!p1 $0x0  }
0x14: {  	s2 =	sld [smem:$0x3F9A];
	s0 =	simm.s32 @p1 $0x1  }
0x15: {  	[smem:$0x3FB7] =	sst s0;
	s0 =	simm.s32 @!p2 $0x0  }
0x16: {  	s3 =	sld [smem:$0x3FDB];
	s0 =	simm.s32 @p2 $0x1  }
0x17: {  	s4 =	simm.s32 $0x1BF5;
	[smem:$0x3FB9] =	sst s0  }
0x18: {  	s0 =	sld [smem:$0x3F9C];
	_ =	swait.ge [sflag:s4], $0x0  }
0x19: {  	s7 =	sld [smem:$0x3F9D]  }
0x1a: {  	s8 =	sadd.s32 $0xFFFFE003, lr  }
0x1b: {  	s9 =	sadd.s32 $0xFFFFFEF7, lr;
	s5 =	simm.s32 $0xFFFFFFFF;
	p2 =	slt.u32 s8, $0xFFFFF086  }
0x1c: {  	p1 =	slt.u32 s9, $0xF7A;
	s5 =	simm.s32 @!p2 $0x0  }
0x1d: {  	s5 =	simm.s32 @p1 $0x1;
	p0 =	seq.s32 s7, s2  }
0x1e: {  	s7 =	smul.u32 @!p0 $0xF7A, s2;
	p2 =	seq.s32 @!p0 s5, $0x0  }
0x1f: {  	s9 =	smul.u32 $0xF7A, s1;
	s8 =	simm.s32 @!p0 $0x1BF5;
	p2 =	por !p2, p0  }
0x20: {  	[sflag:s8] =	ssyncset.s32 @!p0 $0xFFFFF086;
	s6 =	sadd.s32 @!p0 s3, s7;
	s7 =	simm.s32 @!p0 $0x108  }
0x21: {  	s3 =	sadd.s32 s3, s9;
	s6 =	sadd.s32 @!p0 $0x88, s6;
	s7 =	simm.s32 @p2 $0x1082  }
0x22: {  	[simem:s7], [sflag:s8] =	dma.local @!p0 [hbm:s6], $0xF7A  }
0x23: {  	s9 =	sor.u32 $0xD0000000, s2;
	s6 =	simm.s32 $0x108;
	_ =	swait.ge @!p0 [sflag:s8], $0x0  }
0x24: {  	s3 =	sadd.s32 $0x88, s3;
	s6 =	simm.s32 @!p1 $0x1082;
	[sflag:s4] =	ssyncset.s32 $0xFFFFF086  }
0x25: {  	[simem:s6], [sflag:s4] =	dma.local [hbm:s3], $0xF7A  }
0x26: {  	[smem:$0x3F9D] =	sst s1;
	(tag) =	ssettag s2;
	_ =	strace s9  }
0x27: {  	s1 =	sld [smem:$0x3FAD]  }
0x28: {  	s2 =	sld [smem:$0x3FAE]  }
0x29: {  	s4 =	sld [smem:$0x3FB0]  }
0x2a: {  	p0 =	seq.s32 s5, $0x0;
	s5 =	sld [smem:$0x3FB1]  }
0x2b: {  	s6 =	sld [smem:$0x3FB2]  }
0x2c: {  	s7 =	sld [smem:$0x3FB3]  }
0x2d: {  	s3 =	simm.s32 $0x108;
	s8 =	sld [smem:$0x3FB4]  }
0x2e: {  	s3 =	simm.s32 @!p0 $0x1082;
	s9 =	sld [smem:$0x3FB5]  }
0x2f: {  	lr =	sadd.s32 s0, s3;
	s0 =	sld [smem:$0x3FAC]  }
0x30: {  	s3 =	sld [smem:$0x3FAF]  }
0x31: {  	[smem:$0x3FB8] =	sst s10  }
0x32: {  	s10 =	sld [smem:$0x3FB6];
	_ =	sdelay $0x3  }
0x33: {  	p0 =	seq.s32 s10, $0x1;
	s10 =	sld [smem:$0x3FB8];
	_ =	sdelay $0x3  }
0x34: {  	[smem:$0x3FB8] =	sst s10  }
0x35: {  	s10 =	sld [smem:$0x3FB7];
	_ =	sdelay $0x3  }
0x36: {  	p1 =	seq.s32 s10, $0x1;
	s10 =	sld [smem:$0x3FB8];
	_ =	sdelay $0x3  }
0x37: {  	[smem:$0x3FB8] =	sst s10  }
0x38: {  	s10 =	sld [smem:$0x3FB9]  }
0x39: {  	_ = 	snop;
	(pc) =	sbr.ind lr, $3  }
0x3a: {  	_ = 	snop  }
0x3b: {  	_ = 	snop  }
0x3c: {  	p2 =	seq.s32 s10, $0x1;
	s10 =	sld [smem:$0x3FB8]  }
0x3d: {  	_ =	shalt  }
0x3e: {  	_ =	shalt  }
0x3f: {  	_ =	shalt  }
0x40: {  	_ =	shalt  }
0x41: {  	_ =	shalt  }
0x42: {  	_ =	shalt  }
0x43: {  	_ =	shalt  }
0x44: {  	_ =	shalt  }
0x45: {  	_ =	shalt  }
0x46: {  	_ =	shalt  }
0x47: {  	_ =	shalt  }
0x48: {  	_ =	shalt  }
0x49: {  	_ =	shalt  }
0x4a: {  	_ =	shalt  }
0x4b: {  	_ =	shalt  }
0x4c: {  	_ =	shalt  }
0x4d: {  	_ =	shalt  }
0x4e: {  	_ =	shalt  }
0x4f: {  	_ =	shalt  }
0x50: {  	_ =	shalt  }
0x51: {  	_ =	shalt  }
0x52: {  	_ =	shalt  }
0x53: {  	_ =	shalt  }
0x54: {  	_ =	shalt  }
0x55: {  	_ =	shalt  }
0x56: {  	_ =	shalt  }
0x57: {  	_ =	shalt  }
0x58: {  	_ =	shalt  }
0x59: {  	_ =	shalt  }
0x5a: {  	_ =	shalt  }
0x5b: {  	_ =	shalt  }
0x5c: {  	_ =	shalt  }
0x5d: {  	_ =	shalt  }
0x5e: {  	_ =	shalt  }
0x5f: {  	_ =	shalt  }
0x60: {  	_ =	shalt  }
0x61: {  	_ =	shalt  }
0x62: {  	_ =	shalt  }
0x63: {  	_ =	shalt  }
0x64: {  	_ =	shalt  }
0x65: {  	_ =	shalt  }
0x66: {  	_ =	shalt  }
0x67: {  	_ =	shalt  }
0x68: {  	_ =	shalt  }
0x69: {  	_ =	shalt  }
0x6a: {  	_ =	shalt  }
0x6b: {  	_ =	shalt  }
0x6c: {  	_ =	shalt  }
0x6d: {  	_ =	shalt  }
0x6e: {  	_ =	shalt  }
0x6f: {  	_ =	shalt  }
0x70: {  	_ =	shalt  }
0x71: {  	_ =	shalt  }
0x72: {  	_ =	shalt  }
0x73: {  	_ =	shalt  }
0x74: {  	_ =	shalt  }
0x75: {  	_ =	shalt  }
0x76: {  	_ =	shalt  }
0x77: {  	_ =	shalt  }
0x78: {  	_ =	shalt  }
0x79: {  	_ =	shalt  }
0x7a: {  	_ =	shalt  }
0x7b: {  	_ =	shalt  }
0x7c: {  	_ =	shalt  }
0x7d: {  	_ =	shalt  }
0x7e: {  	_ =	shalt  }
0x7f: {  	_ =	shalt  }
0x80: {  	_ =	shalt  }
0x81: {  	_ =	shalt  }
0x82: {  	_ =	shalt  }
0x83: {  	_ =	shalt  }
0x84: {  	_ =	shalt  }
0x85: {  	_ =	shalt  }
0x86: {  	_ =	shalt  }
0x87: {  	_ =	shalt  }
.Lfunc_end0:
.L_simem_size_0:
called_computation.1_lowered:
.L_overlay_start_0:
0x88: {  	s2 =	sld [smem:$0x3FD9]  }
0x89: {  	s3 =	sld [smem:$0x3FFE];
	_ =	sdelay $0x1  }
0x8a: {  	s1 =	srdreg.scid  }
0x8b: {  	s0 =	sand.u32 $0x1, s1  }
0x8c: {  	s16 =	sshll.u32 s0, $0xA;
	s2 =	sadd.s32 s3, s2  }
0x8d: {  	s2 =	sadd.s32 s2, s16  }
0x8e: {  	[smem:$0x3FC4] =	sst s2  }
0x8f: {  	_ = 	snop  }
0x90: {  	(tm) =	ssettm $0x1  }
0x91: {  	s17 =	sld [smem:$0x3FFB];
	_ =	sdelay $0x3  }
0x92: {  	_ =	strace s17  }
0x93: {  	s2 =	sld [smem:$0x3FFC];
	_ =	sdelay $0x3  }
0x94: {  	_ =	strace s2  }
0x95: {  	s2 =	sld [smem:$0x3FFD];
	_ =	sdelay $0x3  }
0x96: {  	_ =	strace s2  }
0x97: {  	_ =	strace $0x8FFFFFFF  }
0x98: {  	s18 =	sld [smem:$0x3FDB];
	_ =	sdelay $0x1  }
0x99: {  	s19 =	simm.s32 $_scs_section_size  }
0x9a: {  	s4 =	simm.s32 $_size__tile_overlayer_lowered;
	s5 =	simm.s32 $_tile_overlayer_lowered  }
0x9b: {  	s22 =	simm.s32 $0x1BFF;
	s21 =	sshll.u32 s5, $0x1;
	s2 =	sadd.s32 s19, s18  }
0x9c: {  	s6 =	simm.s32 $0x0;
	s20 =	sshll.u32 s4, $0x1;
	s4 =	sadd.s32 s21, s2  }
0x9d: {  	[timem:s6], [sflag:s22] =	dma.local [hbm:s4], s20  }
0x9e: {  	_ =	swait.ge [sflag:s22], s20  }
0x9f: {  	s3 =	ssub.s32 $0x0, s20;
	[sflag:s22] =	ssyncset.done $0x0  }
0xa0: {  	[sflag:s22] =	ssyncadd.s32 s3;
	_ =	sdelay $0x1  }
0xa1: {  	s23 =	simm.s32 $0x1B8B  }
0xa2: {  	_ =	swait.ge [sflag:s23], $0x1  }
0xa3: {  	[sflag:s23] =	ssyncset.done $0x0  }
0xa4: {  	s25 =	simm.s32 $0x1B8E;
	s24 =	sld [smem:$0x3FFE];
	[sflag:s23] =	ssyncadd.s32 $0xFFFFFFFF  }
0xa5: {  	s26 =	simm.s32 $execute0_lowered;
	[smem:$0x3FD2] =	sst s25  }
0xa6: {  	s4 =	sshll.u32 s26, $0x1;
	_ =	strace $0x80000049;
	[dreg:$0x1] =	wrdreg $0xFFFFFFFF  }
0xa7: {  	s28 =	simm.s32 $_size_execute0_lowered;
	s2 =	sadd.s32 s2, s4;
	[dreg:$0x0] =	wrdreg $0x0  }
0xa8: {  	s4 =	sshll.u32 s28, $0x1;
	[dreg:$0x2] =	wrdreg s2  }
0xa9: {  	[dreg:$0x3] =	wrdreg s4  }
0xaa: {  	[dreg:$0x4] =	wrdreg $0xC0  }
0xab: {  	_ =	task [dreg:s6], $0x5FFFF  }
0xac: {  	[dreg:$0x1] =	wrdreg $0xFFFFFFFF  }
0xad: {  	[dreg:$0x0] =	wrdreg $0x60  }
0xae: {  	[dreg:$0x2] =	wrdreg s24  }
0xaf: {  	[dreg:$0x3] =	wrdreg $0x9  }
0xb0: {  	_ =	task.clear_ibuf [dreg:s6], $0x4FFFF;
	_ =	strace $0x90000049  }
0xb1: {  	s29 =	simm.s32 $0x9;
	_ =	strace $0x8000004B  }
0xb2: {  	_ =	swait.ge [sflag:s29], $0x1  }
0xb3: {  	[sflag:s29] =	ssyncadd.s32 $0xFFFFFFFF  }
0xb4: {  	_ =	strace $0x9000004B  }
0xb5: {  	_ =	sfence  }
0xb6: {  	s30 =	sld [smem:$0x0];
	_ =	sdelay $0x2  }
0xb7: {  	s31 =	sshll.u32 s1, $0xD;
	s1 =	sshrl.u32 s1, $0x2  }
0xb8: {  	s3 =	sand.u32 $0x4000, s31;
	s1 =	sadd.s32 s1, s30  }
0xb9: {  	s0 =	sor.u32 s3, s0;
	s1 =	sshll.u32 s1, $0x11  }
0xba: {  	s0 =	sor.u32 s1, s0  }
0xbb: {  	s0 =	sadd.s32 $0x8F2B, s0  }
0xbc: {  	[sflag:s0] =	ssyncadd.remote.s32 $0x1  }
0xbd: {  	_ =	sfence.sel $0xFFFF  }
0xbe: {  	[dreg:$0x0] =	wrdreg $0xFFFFFFFF;
	(pc) =	sbr.abs _section_cstart, $3  }
0xbf: {  	[dreg:$0x1] =	wrdreg $0xFFFFFFFF  }
0xc0: {  	_ =	task.clear_ibuf [dreg:s6], $0x2FFFF;
	_ =	strace $0x9FFFFFFF  }
0xc1: {  	(tm) =	ssettm $0x7FFFFFFF  }
tec
execute0_lowered:
.L_overlay_start_1:
0x0: {  	(tag) =	ssettag $0x1  }
0x1: {  	s0 =	srdreg.scid  }
0x2: {  	s2 =	stileid.u32;
	s4 =	rddreg [dreg:$0x0];
	s0 =	sand.u32 $0x1, s0  }
0x3: {  	s6 =	sadd.s32 $0x6630, s4;
	s7 =	sadd.s32 $0x6640, s4;
	s8 =	sadd.s32 $0x6650, s4  }
0x4: {  	s9 =	sadd.s32 $0x6660, s4;
	s10 =	sadd.s32 $0x6670, s4;
	s11 =	sadd.s32 $0x1A600, s4  }
0x5: {  	s12 =	sadd.s32 $0x1A610, s4;
	s13 =	sadd.s32 $0x1A620, s4;
	s14 =	sadd.s32 $0x1A630, s4  }
0x6: {  	s15 =	sadd.s32 $0x1A640, s4;
	s16 =	sadd.s32 $0x1A650, s4;
	s17 =	sadd.s32 $0x1A660, s4  }
0x7: {  	s18 =	sadd.s32 $0x1A670, s4;
	s19 =	sadd.s32 $0x2E600, s4;
	s20 =	sadd.s32 $0x2E610, s4  }
0x8: {  	s21 =	sadd.s32 $0x2E620, s4;
	s22 =	sadd.s32 $0x2E630, s4;
	s23 =	sadd.s32 $0x2E640, s4  }
0x9: {  	s28 =	sadd.s32 $0x42600, s4;
	s1 =	sshll.u32 s0, $0x4;
	s0 =	ssub.s32 $0x2, s0  }
0xa: {  	s3 =	sor.u32 s2, s1;
	s1 =	simm.s32 $0x0;
	s26 =	sshrl.u32 s0, $0x1  }
0xb: {  	s2 =	smul.u32 $0xA00, s3;
	[smem:$0x7FF] =	sst s1;
	s0 =	ssub.s32 s0, s26  }
0xc: {  	s5 =	smul.u32 $0x140, s3;
	s3 =	sadd.s32 $0x6610, s4;
	[dreg:$0x10] =	wrdreg s0  }
0xd: {  	s29 =	sadd.s32 $0x42610, s4;
	[dreg:$0x12] =	wrdreg s3;
	s0 =	sadd.s32 $0x42650, s4  }
0xe: {  	s30 =	sadd.s32 $0x42620, s4;
	s24 =	sadd.s32 s2, s4;
	[dreg:$0x11] =	wrdreg s0  }
0xf: {  	s31 =	sadd.s32 $0x42630, s4;
	s25 =	sadd.s32 s5, s4;
	[dreg:$0xe] =	wrdreg s24  }
0x10: {  	s26 =	sadd.s32 $0x2E670, s4;
	s0 =	sadd.s32 $0x42660, s4;
	[dreg:$0xf] =	wrdreg s25  }
0x11: {  	s3 =	sadd.s32 $0x42640, s4;
	s5 =	sadd.s32 $0x6620, s4;
	[dreg:$0x13] =	wrdreg s0  }
0x12: {  	s6 =	sadd.s32 s2, s6;
	s7 =	sadd.s32 s2, s7;
	s0 =	rddreg [dreg:$0x12]  }
0x13: {  	s8 =	sadd.s32 s2, s8;
	s9 =	sadd.s32 s2, s9;
	[dreg:$0x4] =	wrdreg s6  }
0x14: {  	s10 =	sadd.s32 s2, s10;
	s11 =	sadd.s32 s2, s11;
	[dreg:$0x5] =	wrdreg s7  }
0x15: {  	s12 =	sadd.s32 s2, s12;
	s24 =	sadd.s32 $0x2E650, s4;
	[dreg:$0x6] =	wrdreg s8  }
0x16: {  	s25 =	sadd.s32 $0x2E660, s4;
	s5 =	sadd.s32 s2, s5;
	[dreg:$0x9] =	wrdreg s11  }
0x17: {  	[dreg:$0xa] =	wrdreg s12;
	s11 =	sadd.s32 s2, s13;
	s13 =	sadd.s32 s2, s15  }
0x18: {  	s15 =	sadd.s32 s2, s17;
	s17 =	sadd.s32 s2, s19;
	s19 =	sadd.s32 s2, s21  }
0x19: {  	s21 =	sadd.s32 s2, s23;
	[dreg:$0x3] =	wrdreg s5;
	s23 =	sadd.s32 s2, s25  }
0x1a: {  	s25 =	sadd.s32 s2, s28;
	s28 =	sadd.s32 s2, s29;
	s29 =	sadd.s32 s2, s30  }
0x1b: {  	s30 =	sadd.s32 s2, s31;
	s31 =	sadd.s32 s2, s3;
	s3 =	rddreg [dreg:$0x11]  }
0x1c: {  	s4 =	sadd.s32 $0x42670, s4;
	s0 =	sadd.s32 s2, s0;
	s5 =	rddreg [dreg:$0x13]  }
0x1d: {  	s12 =	sadd.s32 s2, s14;
	s14 =	sadd.s32 s2, s16;
	[dreg:$0x2] =	wrdreg s0  }
0x1e: {  	s16 =	sadd.s32 s2, s18;
	_ =	strace $0x8000004A;
	[dreg:$0x7] =	wrdreg s9  }
0x1f: {  	s18 =	sadd.s32 s2, s20;
	s20 =	sadd.s32 s2, s22;
	[dreg:$0x8] =	wrdreg s10  }
0x20: {  	s22 =	sadd.s32 s2, s24;
	s24 =	sadd.s32 s2, s26;
	s6 =	rddreg [dreg:$0xe]  }
0x21: {  	s26 =	sadd.s32 s2, s3;
	s0 =	sadd.s32 s2, s5;
	s7 =	rddreg [dreg:$0xf]  }
0x22: {  	s2 =	sadd.s32 s2, s4;
	s8 =	rddreg [dreg:$0x10];
	s4 =	sadd.s32 $0xC00, s7  }
0x23: {  	[dreg:$0xb] =	wrdreg s4;
	s4 =	smax.u32 s8, $0x1  }
0x24: {  	v0 =	vimm.f32 $0.0e+00;
	s3 =	sadd.s32 $0x6600, s6;
	s6 =	simm.s32 $0x0;
	[dreg:$0xc] =	wrdreg s4  }
.LBB2_1:
0x25: {  	[dreg:$0xd] =	wrdreg s6;
	s4 =	simm.s32 $0x0  }
.LBB2_2:
0x26: {  	p0 =	sne.s32 s4, $0x27C0  }
.Ltmp0:
0x27: {  	_ = 	snop;
	(pc) =	sbr.rel @p0 .LBB2_2-.Ltmp0, $3  }
0x28: {  	_ =	sdelay $0x1  }
0x29: {  	s5 =	sshra.s32 s4, $0x2  }
0x2a: {  	s4 =	sadd.s32 $0x40, s4;
	[tilespmem:s5+$0xA000] =	vst v0  }
0x2b: {  	s4 =	simm.s32 $0x0;
	s5 =	simm.s32 $0x80  }
0x2c: {  	s7 =	sadd.s32 $0x0, s3;
	s6 =	simm.s32 $0x400;
	s8 =	rddreg [dreg:$0x2]  }
.LBB2_4:
0x2d: {  	[tilespmem:s4], [sflag:$0x1] =	stream.linear.gather [hbm4b:s7+s1], $0x80, $0x38;
	[tilespmem:$0xAA00] =	vst v63  }
0x2e: {  	s7 =	smov.u32 s5;
	s4 =	smov.u32 s6;
	p0 =	sne.s32 s5, $0x980  }
.Ltmp1:
0x2f: {  	s5 =	sadd.s32 $0x80, s5;
	(pc) =	sbr.rel @p0 .LBB2_4-.Ltmp1, $2  }
0x30: {  	_ =	sdelay $0x2  }
0x31: {  	s6 =	sadd.s32 $0x400, s6;
	s7 =	sadd.s32 s7, s3  }
0x32: {  	[tilespmem:s4], [sflag:$0x1] =	stream.linear.gather [hbm4b:s7+s1], $0x80, $0x38;
	[tilespmem:$0xAA00] =	vst v63  }
0x33: {  	s4 =	simm.s32 $0x80  }
0x34: {  	s5 =	simm.s32 $0x80;
	s7 =	sadd.s32 $0x0, s8;
	s6 =	simm.s32 $0x480  }
.LBB2_6:
0x35: {  	[tilespmem:s4], [sflag:$0x1] =	stream.linear.gather [hbm4b:s7+s1], $0x80, $0x38;
	[tilespmem:$0xAA00] =	vst v63  }
0x36: {  	s7 =	smov.u32 s5;
	s4 =	smov.u32 s6;
	p0 =	sne.s32 s5, $0x980  }
.Ltmp2:
0x37: {  	s5 =	sadd.s32 $0x80, s5;
	(pc) =	sbr.rel @p0 .LBB2_6-.Ltmp2, $2  }
0x38: {  	_ =	sdelay $0x2  }
0x39: {  	s6 =	sadd.s32 $0x400, s6;
	s7 =	sadd.s32 s7, s8  }
0x3a: {  	[tilespmem:s4], [sflag:$0x1] =	stream.linear.gather [hbm4b:s7+s1], $0x80, $0x38;
	[tilespmem:$0xAA00] =	vst v63  }
0x3b: {  	s4 =	simm.s32 $0x100;
	s8 =	rddreg [dreg:$0x3]  }
0x3c: {  	s5 =	simm.s32 $0x80;
	s6 =	simm.s32 $0x500;
	s7 =	sadd.s32 $0x0, s8  }
.LBB2_8:
0x3d: {  	[tilespmem:s4], [sflag:$0x1] =	stream.linear.gather [hbm4b:s7+s1], $0x80, $0x38;
	[tilespmem:$0xAA00] =	vst v63  }
0x3e: {  	s7 =	smov.u32 s5;
	s4 =	smov.u32 s6;
	p0 =	sne.s32 s5, $0x980  }
.Ltmp3:
0x3f: {  	s5 =	sadd.s32 $0x80, s5;
	(pc) =	sbr.rel @p0 .LBB2_8-.Ltmp3, $2  }
0x40: {  	_ =	sdelay $0x2  }
0x41: {  	s6 =	sadd.s32 $0x400, s6;
	s7 =	sadd.s32 s7, s8  }
0x42: {  	[tilespmem:s4], [sflag:$0x1] =	stream.linear.gather [hbm4b:s7+s1], $0x80, $0x38;
	[tilespmem:$0xAA00] =	vst v63  }
0x43: {  	s4 =	simm.s32 $0x180;
	s8 =	rddreg [dreg:$0x4]  }
0x44: {  	s5 =	simm.s32 $0x80;
	s6 =	simm.s32 $0x580;
	s7 =	sadd.s32 $0x0, s8  }
.LBB2_10:
0x45: {  	[tilespmem:s4], [sflag:$0x1] =	stream.linear.gather [hbm4b:s7+s1], $0x80, $0x38;
	[tilespmem:$0xAA00] =	vst v63  }
0x46: {  	s7 =	smov.u32 s5;
	s4 =	smov.u32 s6;
	p0 =	sne.s32 s5, $0x980  }
.Ltmp4:
0x47: {  	s5 =	sadd.s32 $0x80, s5;
	(pc) =	sbr.rel @p0 .LBB2_10-.Ltmp4, $2  }
0x48: {  	_ =	sdelay $0x2  }
0x49: {  	s6 =	sadd.s32 $0x400, s6;
	s7 =	sadd.s32 s7, s8  }
0x4a: {  	[tilespmem:s4], [sflag:$0x1] =	stream.linear.gather [hbm4b:s7+s1], $0x80, $0x38;
	[tilespmem:$0xAA00] =	vst v63  }
0x4b: {  	s4 =	simm.s32 $0x200;
	s8 =	rddreg [dreg:$0x5]  }
0x4c: {  	s5 =	simm.s32 $0x80;
	s6 =	simm.s32 $0x600;
	s7 =	sadd.s32 $0x0, s8  }
.LBB2_12:
0x4d: {  	[tilespmem:s4], [sflag:$0x1] =	stream.linear.gather [hbm4b:s7+s1], $0x80, $0x38;
	[tilespmem:$0xAA00] =	vst v63  }
0x4e: {  	s7 =	smov.u32 s5;
	s4 =	smov.u32 s6;
	p0 =	sne.s32 s5, $0x980  }
.Ltmp5:
0x4f: {  	s5 =	sadd.s32 $0x80, s5;
	(pc) =	sbr.rel @p0 .LBB2_12-.Ltmp5, $2  }
0x50: {  	_ =	sdelay $0x2  }
0x51: {  	s6 =	sadd.s32 $0x400, s6;
	s7 =	sadd.s32 s7, s8  }
0x52: {  	[tilespmem:s4], [sflag:$0x1] =	stream.linear.gather [hbm4b:s7+s1], $0x80, $0x38;
	[tilespmem:$0xAA00] =	vst v63  }
0x53: {  	s4 =	simm.s32 $0x280;
	s8 =	rddreg [dreg:$0x6]  }
0x54: {  	s5 =	simm.s32 $0x80;
	s6 =	simm.s32 $0x680;
	s7 =	sadd.s32 $0x0, s8  }
.LBB2_14:
0x55: {  	[tilespmem:s4], [sflag:$0x1] =	stream.linear.gather [hbm4b:s7+s1], $0x80, $0x38;
	[tilespmem:$0xAA00] =	vst v63  }
0x56: {  	s7 =	smov.u32 s5;
	s4 =	smov.u32 s6;
	p0 =	sne.s32 s5, $0x980  }
.Ltmp6:
0x57: {  	s5 =	sadd.s32 $0x80, s5;
	(pc) =	sbr.rel @p0 .LBB2_14-.Ltmp6, $2  }
0x58: {  	_ =	sdelay $0x2  }
0x59: {  	s6 =	sadd.s32 $0x400, s6;
	s7 =	sadd.s32 s7, s8  }
0x5a: {  	[tilespmem:s4], [sflag:$0x1] =	stream.linear.gather [hbm4b:s7+s1], $0x80, $0x38;
	[tilespmem:$0xAA00] =	vst v63  }
0x5b: {  	s4 =	simm.s32 $0x300  }
0x5c: {  	s5 =	simm.s32 $0x80;
	s7 =	sadd.s32 $0x0, s9;
	s6 =	simm.s32 $0x700  }
.LBB2_16:
0x5d: {  	[tilespmem:s4], [sflag:$0x1] =	stream.linear.gather [hbm4b:s7+s1], $0x80, $0x38;
	[tilespmem:$0xAA00] =	vst v63  }
0x5e: {  	s7 =	smov.u32 s5;
	s4 =	smov.u32 s6;
	p0 =	sne.s32 s5, $0x980  }
.Ltmp7:
0x5f: {  	s5 =	sadd.s32 $0x80, s5;
	(pc) =	sbr.rel @p0 .LBB2_16-.Ltmp7, $2  }
0x60: {  	_ =	sdelay $0x2  }
0x61: {  	s6 =	sadd.s32 $0x400, s6;
	s7 =	sadd.s32 s7, s9  }
0x62: {  	[tilespmem:s4], [sflag:$0x1] =	stream.linear.gather [hbm4b:s7+s1], $0x80, $0x38;
	[tilespmem:$0xAA00] =	vst v63  }
0x63: {  	s4 =	simm.s32 $0x380;
	s5 =	simm.s32 $0x80  }
0x64: {  	s7 =	sadd.s32 $0x0, s10;
	s6 =	simm.s32 $0x780;
	s8 =	rddreg [dreg:$0x9]  }
.LBB2_18:
0x65: {  	[tilespmem:s4], [sflag:$0x1] =	stream.linear.gather [hbm4b:s7+s1], $0x80, $0x38;
	[tilespmem:$0xAA00] =	vst v63  }
0x66: {  	s7 =	smov.u32 s5;
	s4 =	smov.u32 s6;
	p0 =	sne.s32 s5, $0x980  }
.Ltmp8:
0x67: {  	s5 =	sadd.s32 $0x80, s5;
	(pc) =	sbr.rel @p0 .LBB2_18-.Ltmp8, $2  }
0x68: {  	_ =	sdelay $0x2  }
0x69: {  	s6 =	sadd.s32 $0x400, s6;
	s7 =	sadd.s32 s7, s10  }
0x6a: {  	[tilespmem:s4], [sflag:$0x1] =	stream.linear.gather [hbm4b:s7+s1], $0x80, $0x38;
	[tilespmem:$0xAA00] =	vst v63  }
0x6b: {  	s4 =	simm.s32 $0x5000  }
0x6c: {  	s5 =	simm.s32 $0x80;
	s7 =	sadd.s32 $0x0, s8;
	s6 =	simm.s32 $0x5400  }
.LBB2_20:
0x6d: {  	[tilespmem:s4], [sflag:$0x1] =	stream.linear.gather [hbm4b:s7+s1], $0x80, $0x38;
	[tilespmem:$0xAA00] =	vst v63  }
0x6e: {  	s7 =	smov.u32 s5;
	s4 =	smov.u32 s6;
	p0 =	sne.s32 s5, $0x980  }
.Ltmp9:
0x6f: {  	s5 =	sadd.s32 $0x80, s5;
	(pc) =	sbr.rel @p0 .LBB2_20-.Ltmp9, $2  }
0x70: {  	_ =	sdelay $0x2  }
0x71: {  	s6 =	sadd.s32 $0x400, s6;
	s7 =	sadd.s32 s7, s8  }
0x72: {  	[tilespmem:s4], [sflag:$0x1] =	stream.linear.gather [hbm4b:s7+s1], $0x80, $0x38;
	[tilespmem:$0xAA00] =	vst v63  }
0x73: {  	s4 =	simm.s32 $0x5080;
	s8 =	rddreg [dreg:$0xa]  }
0x74: {  	s5 =	simm.s32 $0x80;
	s6 =	simm.s32 $0x5480;
	s7 =	sadd.s32 $0x0, s8  }
.LBB2_22:
0x75: {  	[tilespmem:s4], [sflag:$0x1] =	stream.linear.gather [hbm4b:s7+s1], $0x80, $0x38;
	[tilespmem:$0xAA00] =	vst v63  }
0x76: {  	s7 =	smov.u32 s5;
	s4 =	smov.u32 s6;
	p0 =	sne.s32 s5, $0x980  }
.Ltmp10:
0x77: {  	s5 =	sadd.s32 $0x80, s5;
	(pc) =	sbr.rel @p0 .LBB2_22-.Ltmp10, $2  }
0x78: {  	_ =	sdelay $0x2  }
0x79: {  	s6 =	sadd.s32 $0x400, s6;
	s7 =	sadd.s32 s7, s8  }
0x7a: {  	[tilespmem:s4], [sflag:$0x1] =	stream.linear.gather [hbm4b:s7+s1], $0x80, $0x38;
	[tilespmem:$0xAA00] =	vst v63  }
0x7b: {  	s4 =	simm.s32 $0x5100  }
0x7c: {  	s5 =	simm.s32 $0x80;
	s7 =	sadd.s32 $0x0, s11;
	s6 =	simm.s32 $0x5500  }
.LBB2_24:
0x7d: {  	[tilespmem:s4], [sflag:$0x1] =	stream.linear.gather [hbm4b:s7+s1], $0x80, $0x38;
	[tilespmem:$0xAA00] =	vst v63  }
0x7e: {  	s7 =	smov.u32 s5;
	s4 =	smov.u32 s6;
	p0 =	sne.s32 s5, $0x980  }
.Ltmp11:
0x7f: {  	s5 =	sadd.s32 $0x80, s5;
	(pc) =	sbr.rel @p0 .LBB2_24-.Ltmp11, $2  }
0x80: {  	_ =	sdelay $0x2  }
0x81: {  	s6 =	sadd.s32 $0x400, s6;
	s7 =	sadd.s32 s7, s11  }
0x82: {  	[tilespmem:s4], [sflag:$0x1] =	stream.linear.gather [hbm4b:s7+s1], $0x80, $0x38;
	[tilespmem:$0xAA00] =	vst v63  }
0x83: {  	s4 =	simm.s32 $0x5180  }
0x84: {  	s5 =	simm.s32 $0x80;
	s7 =	sadd.s32 $0x0, s12;
	s6 =	simm.s32 $0x5580  }
.LBB2_26:
0x85: {  	[tilespmem:s4], [sflag:$0x1] =	stream.linear.gather [hbm4b:s7+s1], $0x80, $0x38;
	[tilespmem:$0xAA00] =	vst v63  }
0x86: {  	s7 =	smov.u32 s5;
	s4 =	smov.u32 s6;
	p0 =	sne.s32 s5, $0x980  }
.Ltmp12:
0x87: {  	s5 =	sadd.s32 $0x80, s5;
	(pc) =	sbr.rel @p0 .LBB2_26-.Ltmp12, $2  }
0x88: {  	_ =	sdelay $0x2  }
0x89: {  	s6 =	sadd.s32 $0x400, s6;
	s7 =	sadd.s32 s7, s12  }
0x8a: {  	[tilespmem:s4], [sflag:$0x1] =	stream.linear.gather [hbm4b:s7+s1], $0x80, $0x38;
	[tilespmem:$0xAA00] =	vst v63  }
0x8b: {  	s4 =	simm.s32 $0x5200  }
0x8c: {  	s5 =	simm.s32 $0x80;
	s7 =	sadd.s32 $0x0, s13;
	s6 =	simm.s32 $0x5600  }
.LBB2_28:
0x8d: {  	[tilespmem:s4], [sflag:$0x1] =	stream.linear.gather [hbm4b:s7+s1], $0x80, $0x38;
	[tilespmem:$0xAA00] =	vst v63  }
0x8e: {  	s7 =	smov.u32 s5;
	s4 =	smov.u32 s6;
	p0 =	sne.s32 s5, $0x980  }
.Ltmp13:
0x8f: {  	s5 =	sadd.s32 $0x80, s5;
	(pc) =	sbr.rel @p0 .LBB2_28-.Ltmp13, $2  }
0x90: {  	_ =	sdelay $0x2  }
0x91: {  	s6 =	sadd.s32 $0x400, s6;
	s7 =	sadd.s32 s7, s13  }
0x92: {  	[tilespmem:s4], [sflag:$0x1] =	stream.linear.gather [hbm4b:s7+s1], $0x80, $0x38;
	[tilespmem:$0xAA00] =	vst v63  }
0x93: {  	s4 =	simm.s32 $0x5280  }
0x94: {  	s5 =	simm.s32 $0x80;
	s7 =	sadd.s32 $0x0, s14;
	s6 =	simm.s32 $0x5680  }
.LBB2_30:
0x95: {  	[tilespmem:s4], [sflag:$0x1] =	stream.linear.gather [hbm4b:s7+s1], $0x80, $0x38;
	[tilespmem:$0xAA00] =	vst v63  }
0x96: {  	s7 =	smov.u32 s5;
	s4 =	smov.u32 s6;
	p0 =	sne.s32 s5, $0x980  }
.Ltmp14:
0x97: {  	s5 =	sadd.s32 $0x80, s5;
	(pc) =	sbr.rel @p0 .LBB2_30-.Ltmp14, $2  }
0x98: {  	_ =	sdelay $0x2  }
0x99: {  	s6 =	sadd.s32 $0x400, s6;
	s7 =	sadd.s32 s7, s14  }
0x9a: {  	[tilespmem:s4], [sflag:$0x1] =	stream.linear.gather [hbm4b:s7+s1], $0x80, $0x38;
	[tilespmem:$0xAA00] =	vst v63  }
0x9b: {  	s4 =	simm.s32 $0x5300  }
0x9c: {  	s5 =	simm.s32 $0x80;
	s7 =	sadd.s32 $0x0, s15;
	s6 =	simm.s32 $0x5700  }
.LBB2_32:
0x9d: {  	[tilespmem:s4], [sflag:$0x1] =	stream.linear.gather [hbm4b:s7+s1], $0x80, $0x38;
	[tilespmem:$0xAA00] =	vst v63  }
0x9e: {  	s7 =	smov.u32 s5;
	s4 =	smov.u32 s6;
	p0 =	sne.s32 s5, $0x980  }
.Ltmp15:
0x9f: {  	s5 =	sadd.s32 $0x80, s5;
	(pc) =	sbr.rel @p0 .LBB2_32-.Ltmp15, $2  }
0xa0: {  	_ =	sdelay $0x2  }
0xa1: {  	s6 =	sadd.s32 $0x400, s6;
	s7 =	sadd.s32 s7, s15  }
0xa2: {  	[tilespmem:s4], [sflag:$0x1] =	stream.linear.gather [hbm4b:s7+s1], $0x80, $0x38;
	[tilespmem:$0xAA00] =	vst v63  }
0xa3: {  	s4 =	simm.s32 $0x5380  }
0xa4: {  	s5 =	simm.s32 $0x80;
	s7 =	sadd.s32 $0x0, s16;
	s6 =	simm.s32 $0x5780  }
.LBB2_34:
0xa5: {  	[tilespmem:s4], [sflag:$0x1] =	stream.linear.gather [hbm4b:s7+s1], $0x80, $0x38;
	[tilespmem:$0xAA00] =	vst v63  }
0xa6: {  	s7 =	smov.u32 s5;
	s4 =	smov.u32 s6;
	p0 =	sne.s32 s5, $0x980  }
.Ltmp16:
0xa7: {  	s5 =	sadd.s32 $0x80, s5;
	(pc) =	sbr.rel @p0 .LBB2_34-.Ltmp16, $2  }
0xa8: {  	_ =	sdelay $0x2  }
0xa9: {  	s6 =	sadd.s32 $0x400, s6;
	s7 =	sadd.s32 s7, s16  }
0xaa: {  	[tilespmem:s4], [sflag:$0x1] =	stream.linear.gather [hbm4b:s7+s1], $0x80, $0x38;
	[tilespmem:$0xAA00] =	vst v63  }
0xab: {  	s10 =	simm.s32 $0x1  }
0xac: {  	_ =	swait.ge [sflag:s10], $0xA00  }
0xad: {  	[sflag:s10] =	ssyncset.done $0x0  }
0xae: {  	[sflag:s10] =	ssyncadd.s32 $0xFFFFF600  }
0xaf: {  	_ =	swait.ge [sflag:s10], $0xA00  }
0xb0: {  	[sflag:s10] =	ssyncset.done $0x0  }
0xb1: {  	[sflag:s10] =	ssyncadd.s32 $0xFFFFF600  }
0xb2: {  	_ =	swait.ge [sflag:s10], $0xA00  }
0xb3: {  	[sflag:s10] =	ssyncset.done $0x0  }
0xb4: {  	[sflag:s10] =	ssyncadd.s32 $0xFFFFF600  }
0xb5: {  	_ =	swait.ge [sflag:s10], $0xA00  }
0xb6: {  	[sflag:s10] =	ssyncset.done $0x0  }
0xb7: {  	[sflag:s10] =	ssyncadd.s32 $0xFFFFF600  }
0xb8: {  	_ =	swait.ge [sflag:s10], $0xA00  }
0xb9: {  	[sflag:s10] =	ssyncset.done $0x0  }
0xba: {  	[sflag:s10] =	ssyncadd.s32 $0xFFFFF600  }
0xbb: {  	_ =	swait.ge [sflag:s10], $0xA00  }
0xbc: {  	[sflag:s10] =	ssyncset.done $0x0  }
0xbd: {  	[sflag:s10] =	ssyncadd.s32 $0xFFFFF600  }
0xbe: {  	_ =	swait.ge [sflag:s10], $0xA00  }
0xbf: {  	[sflag:s10] =	ssyncset.done $0x0  }
0xc0: {  	[sflag:s10] =	ssyncadd.s32 $0xFFFFF600  }
0xc1: {  	_ =	swait.ge [sflag:s10], $0xA00  }
0xc2: {  	[sflag:s10] =	ssyncset.done $0x0  }
0xc3: {  	[sflag:s10] =	ssyncadd.s32 $0xFFFFF600  }
0xc4: {  	_ =	swait.ge [sflag:s10], $0xA00  }
0xc5: {  	[sflag:s10] =	ssyncset.done $0x0  }
0xc6: {  	[sflag:s10] =	ssyncadd.s32 $0xFFFFF600  }
0xc7: {  	_ =	swait.ge [sflag:s10], $0xA00  }
0xc8: {  	[sflag:s10] =	ssyncset.done $0x0  }
0xc9: {  	[sflag:s10] =	ssyncadd.s32 $0xFFFFF600  }
0xca: {  	_ =	swait.ge [sflag:s10], $0xA00  }
0xcb: {  	[sflag:s10] =	ssyncset.done $0x0  }
0xcc: {  	[sflag:s10] =	ssyncadd.s32 $0xFFFFF600  }
0xcd: {  	_ =	swait.ge [sflag:s10], $0xA00  }
0xce: {  	[sflag:s10] =	ssyncset.done $0x0  }
0xcf: {  	[sflag:s10] =	ssyncadd.s32 $0xFFFFF600  }
0xd0: {  	_ =	swait.ge [sflag:s10], $0xA00  }
0xd1: {  	[sflag:s10] =	ssyncset.done $0x0  }
0xd2: {  	[sflag:s10] =	ssyncadd.s32 $0xFFFFF600  }
0xd3: {  	_ =	swait.ge [sflag:s10], $0xA00  }
0xd4: {  	[sflag:s10] =	ssyncset.done $0x0  }
0xd5: {  	[sflag:s10] =	ssyncadd.s32 $0xFFFFF600  }
0xd6: {  	_ =	swait.ge [sflag:s10], $0xA00  }
0xd7: {  	[sflag:s10] =	ssyncset.done $0x0  }
0xd8: {  	[sflag:s10] =	ssyncadd.s32 $0xFFFFF600  }
0xd9: {  	_ =	swait.ge [sflag:s10], $0xA00  }
0xda: {  	[sflag:s10] =	ssyncset.done $0x0  }
0xdb: {  	s4 =	simm.s32 $0x0;
	[sflag:s10] =	ssyncadd.s32 $0xFFFFF600  }
.LBB2_36:
0xdc: {  	s5 =	sshrl.u32 s4, $0x3  }
0xdd: {  	s5 =	smul.u32 $0x14000, s5  }
0xde: {  	s6 =	sshll.u32 s4, $0x7  }
0xdf: {  	s7 =	simm.s32 $0x0;
	s6 =	sand.u32 $0x380, s6;
	s5 =	sshra.s32 s5, $0x2  }
0xe0: {  	s10 =	sand.u32 $0x7C00, s7;
	s5 =	sor.u32 s6, s5  }
0xe1: {  	s7 =	sand.u32 $0x70, s7;
	s6 =	sadd.s32 s10, s5  }
0xe2: {  	s7 =	sadd.s32 s7, s6  }
0xe3: {  	s6 =	simm.s32 $0xA000;
	v1 =	vld [tilespmem:s7+$0x0]  }
0xe4: {  	v2 =	vld [tilespmem:s6+$0x0];
	_ =	sdelay $0x2  }
0xe5: {  	s7 =	simm.s32 $0x80  }
0xe6: {  	s8 =	simm.s32 $0x10;
	s10 =	sand.u32 $0x7C00, s7  }
0xe7: {  	s9 =	sand.u32 $0x70, s8;
	s8 =	simm.s32 $0x20;
	s10 =	sadd.s32 s10, s5;
	v1 =	vadd.f32 v1, v2  }
.LBB2_37:
0xe8: {  	p0 =	sne.s32 s8, $0x9F0;
	s9 =	sadd.s32 s9, s10  }
0xe9: {  	v2 =	vld [tilespmem:s9+$0x0];
	[tilespmem:s6+$0x0] =	vst v1;
	s6 =	sadd.s32 $0x10, s6  }
0xea: {  	v1 =	vld [tilespmem:s6+$0x0]  }
.Ltmp17:
0xeb: {  	(pc) =	sbr.rel @p0 .LBB2_37-.Ltmp17, $4  }
0xec: {  	_ = 	snop  }
0xed: {  	s7 =	sadd.s32 $0x80, s7  }
0xee: {  	s10 =	sand.u32 $0x7C00, s7  }
0xef: {  	s9 =	sand.u32 $0x70, s8;
	s8 =	sadd.s32 $0x10, s8;
	s10 =	sadd.s32 s10, s5;
	v1 =	vadd.f32 v2, v1  }
0xf0: {  	s5 =	sadd.s32 s9, s10  }
0xf1: {  	s10 =	sadd.s32 $0x10, s6;
	v2 =	vld [tilespmem:s5+$0x0];
	[tilespmem:s6+$0x0] =	vst v1  }
0xf2: {  	v1 =	vld [tilespmem:s10+$0x0]  }
0xf3: {  	s4 =	sadd.s32 $0x1, s4  }
0xf4: {  	p0 =	sne.s32 s4, $0x10  }
.Ltmp18:
0xf5: {  	_ = 	snop;
	(pc) =	sbr.rel @p0 .LBB2_36-.Ltmp18, $3  }
0xf6: {  	_ = 	snop  }
0xf7: {  	v1 =	vadd.f32 v2, v1;
	_ =	sdelay $0x1  }
0xf8: {  	[tilespmem:s10+$0x0] =	vst v1  }
0xf9: {  	s4 =	simm.s32 $0x0  }
0xfa: {  	s5 =	simm.s32 $0x80;
	s7 =	sadd.s32 $0x0, s17;
	s6 =	simm.s32 $0x400  }
.LBB2_40:
0xfb: {  	[tilespmem:s4], [sflag:$0x1] =	stream.linear.gather [hbm4b:s7+s1], $0x80, $0x38;
	[tilespmem:$0xAA00] =	vst v63  }
0xfc: {  	s7 =	smov.u32 s5;
	s4 =	smov.u32 s6;
	p0 =	sne.s32 s5, $0x980  }
.Ltmp19:
0xfd: {  	s5 =	sadd.s32 $0x80, s5;
	(pc) =	sbr.rel @p0 .LBB2_40-.Ltmp19, $2  }
0xfe: {  	_ =	sdelay $0x2  }
0xff: {  	s6 =	sadd.s32 $0x400, s6;
	s7 =	sadd.s32 s7, s17  }
0x100: {  	[tilespmem:s4], [sflag:$0x1] =	stream.linear.gather [hbm4b:s7+s1], $0x80, $0x38;
	[tilespmem:$0xAA00] =	vst v63  }
0x101: {  	s4 =	simm.s32 $0x80  }
0x102: {  	s5 =	simm.s32 $0x80;
	s7 =	sadd.s32 $0x0, s18;
	s6 =	simm.s32 $0x480  }
.LBB2_42:
0x103: {  	[tilespmem:s4], [sflag:$0x1] =	stream.linear.gather [hbm4b:s7+s1], $0x80, $0x38;
	[tilespmem:$0xAA00] =	vst v63  }
0x104: {  	s7 =	smov.u32 s5;
	s4 =	smov.u32 s6;
	p0 =	sne.s32 s5, $0x980  }
.Ltmp20:
0x105: {  	s5 =	sadd.s32 $0x80, s5;
	(pc) =	sbr.rel @p0 .LBB2_42-.Ltmp20, $2  }
0x106: {  	_ =	sdelay $0x2  }
0x107: {  	s6 =	sadd.s32 $0x400, s6;
	s7 =	sadd.s32 s7, s18  }
0x108: {  	[tilespmem:s4], [sflag:$0x1] =	stream.linear.gather [hbm4b:s7+s1], $0x80, $0x38;
	[tilespmem:$0xAA00] =	vst v63  }
0x109: {  	s4 =	simm.s32 $0x100  }
0x10a: {  	s5 =	simm.s32 $0x80;
	s7 =	sadd.s32 $0x0, s19;
	s6 =	simm.s32 $0x500  }
.LBB2_44:
0x10b: {  	[tilespmem:s4], [sflag:$0x1] =	stream.linear.gather [hbm4b:s7+s1], $0x80, $0x38;
	[tilespmem:$0xAA00] =	vst v63  }
0x10c: {  	s7 =	smov.u32 s5;
	s4 =	smov.u32 s6;
	p0 =	sne.s32 s5, $0x980  }
.Ltmp21:
0x10d: {  	s5 =	sadd.s32 $0x80, s5;
	(pc) =	sbr.rel @p0 .LBB2_44-.Ltmp21, $2  }
0x10e: {  	_ =	sdelay $0x2  }
0x10f: {  	s6 =	sadd.s32 $0x400, s6;
	s7 =	sadd.s32 s7, s19  }
0x110: {  	[tilespmem:s4], [sflag:$0x1] =	stream.linear.gather [hbm4b:s7+s1], $0x80, $0x38;
	[tilespmem:$0xAA00] =	vst v63  }
0x111: {  	s4 =	simm.s32 $0x180  }
0x112: {  	s5 =	simm.s32 $0x80;
	s7 =	sadd.s32 $0x0, s20;
	s6 =	simm.s32 $0x580  }
.LBB2_46:
0x113: {  	[tilespmem:s4], [sflag:$0x1] =	stream.linear.gather [hbm4b:s7+s1], $0x80, $0x38;
	[tilespmem:$0xAA00] =	vst v63  }
0x114: {  	s7 =	smov.u32 s5;
	s4 =	smov.u32 s6;
	p0 =	sne.s32 s5, $0x980  }
.Ltmp22:
0x115: {  	s5 =	sadd.s32 $0x80, s5;
	(pc) =	sbr.rel @p0 .LBB2_46-.Ltmp22, $2  }
0x116: {  	_ =	sdelay $0x2  }
0x117: {  	s6 =	sadd.s32 $0x400, s6;
	s7 =	sadd.s32 s7, s20  }
0x118: {  	[tilespmem:s4], [sflag:$0x1] =	stream.linear.gather [hbm4b:s7+s1], $0x80, $0x38;
	[tilespmem:$0xAA00] =	vst v63  }
0x119: {  	s4 =	simm.s32 $0x200  }
0x11a: {  	s5 =	simm.s32 $0x80;
	s7 =	sadd.s32 $0x0, s21;
	s6 =	simm.s32 $0x600  }
.LBB2_48:
0x11b: {  	[tilespmem:s4], [sflag:$0x1] =	stream.linear.gather [hbm4b:s7+s1], $0x80, $0x38;
	[tilespmem:$0xAA00] =	vst v63  }
0x11c: {  	s7 =	smov.u32 s5;
	s4 =	smov.u32 s6;
	p0 =	sne.s32 s5, $0x980  }
.Ltmp23:
0x11d: {  	s5 =	sadd.s32 $0x80, s5;
	(pc) =	sbr.rel @p0 .LBB2_48-.Ltmp23, $2  }
0x11e: {  	_ =	sdelay $0x2  }
0x11f: {  	s6 =	sadd.s32 $0x400, s6;
	s7 =	sadd.s32 s7, s21  }
0x120: {  	[tilespmem:s4], [sflag:$0x1] =	stream.linear.gather [hbm4b:s7+s1], $0x80, $0x38;
	[tilespmem:$0xAA00] =	vst v63  }
0x121: {  	s4 =	simm.s32 $0x280  }
0x122: {  	s5 =	simm.s32 $0x80;
	s7 =	sadd.s32 $0x0, s22;
	s6 =	simm.s32 $0x680  }
.LBB2_50:
0x123: {  	[tilespmem:s4], [sflag:$0x1] =	stream.linear.gather [hbm4b:s7+s1], $0x80, $0x38;
	[tilespmem:$0xAA00] =	vst v63  }
0x124: {  	s7 =	smov.u32 s5;
	s4 =	smov.u32 s6;
	p0 =	sne.s32 s5, $0x980  }
.Ltmp24:
0x125: {  	s5 =	sadd.s32 $0x80, s5;
	(pc) =	sbr.rel @p0 .LBB2_50-.Ltmp24, $2  }
0x126: {  	_ =	sdelay $0x2  }
0x127: {  	s6 =	sadd.s32 $0x400, s6;
	s7 =	sadd.s32 s7, s22  }
0x128: {  	[tilespmem:s4], [sflag:$0x1] =	stream.linear.gather [hbm4b:s7+s1], $0x80, $0x38;
	[tilespmem:$0xAA00] =	vst v63  }
0x129: {  	s4 =	simm.s32 $0x300  }
0x12a: {  	s5 =	simm.s32 $0x80;
	s7 =	sadd.s32 $0x0, s23;
	s6 =	simm.s32 $0x700  }
.LBB2_52:
0x12b: {  	[tilespmem:s4], [sflag:$0x1] =	stream.linear.gather [hbm4b:s7+s1], $0x80, $0x38;
	[tilespmem:$0xAA00] =	vst v63  }
0x12c: {  	s7 =	smov.u32 s5;
	s4 =	smov.u32 s6;
	p0 =	sne.s32 s5, $0x980  }
.Ltmp25:
0x12d: {  	s5 =	sadd.s32 $0x80, s5;
	(pc) =	sbr.rel @p0 .LBB2_52-.Ltmp25, $2  }
0x12e: {  	_ =	sdelay $0x2  }
0x12f: {  	s6 =	sadd.s32 $0x400, s6;
	s7 =	sadd.s32 s7, s23  }
0x130: {  	[tilespmem:s4], [sflag:$0x1] =	stream.linear.gather [hbm4b:s7+s1], $0x80, $0x38;
	[tilespmem:$0xAA00] =	vst v63  }
0x131: {  	s4 =	simm.s32 $0x380  }
0x132: {  	s5 =	simm.s32 $0x80;
	s7 =	sadd.s32 $0x0, s24;
	s6 =	simm.s32 $0x780  }
.LBB2_54:
0x133: {  	[tilespmem:s4], [sflag:$0x1] =	stream.linear.gather [hbm4b:s7+s1], $0x80, $0x38;
	[tilespmem:$0xAA00] =	vst v63  }
0x134: {  	s7 =	smov.u32 s5;
	s4 =	smov.u32 s6;
	p0 =	sne.s32 s5, $0x980  }
.Ltmp26:
0x135: {  	s5 =	sadd.s32 $0x80, s5;
	(pc) =	sbr.rel @p0 .LBB2_54-.Ltmp26, $2  }
0x136: {  	_ =	sdelay $0x2  }
0x137: {  	s6 =	sadd.s32 $0x400, s6;
	s7 =	sadd.s32 s7, s24  }
0x138: {  	[tilespmem:s4], [sflag:$0x1] =	stream.linear.gather [hbm4b:s7+s1], $0x80, $0x38;
	[tilespmem:$0xAA00] =	vst v63  }
0x139: {  	s4 =	simm.s32 $0x5000  }
0x13a: {  	s5 =	simm.s32 $0x80;
	s7 =	sadd.s32 $0x0, s25;
	s6 =	simm.s32 $0x5400  }
.LBB2_56:
0x13b: {  	[tilespmem:s4], [sflag:$0x1] =	stream.linear.gather [hbm4b:s7+s1], $0x80, $0x38;
	[tilespmem:$0xAA00] =	vst v63  }
0x13c: {  	s7 =	smov.u32 s5;
	s4 =	smov.u32 s6;
	p0 =	sne.s32 s5, $0x980  }
.Ltmp27:
0x13d: {  	s5 =	sadd.s32 $0x80, s5;
	(pc) =	sbr.rel @p0 .LBB2_56-.Ltmp27, $2  }
0x13e: {  	_ =	sdelay $0x2  }
0x13f: {  	s6 =	sadd.s32 $0x400, s6;
	s7 =	sadd.s32 s7, s25  }
0x140: {  	[tilespmem:s4], [sflag:$0x1] =	stream.linear.gather [hbm4b:s7+s1], $0x80, $0x38;
	[tilespmem:$0xAA00] =	vst v63  }
0x141: {  	s4 =	simm.s32 $0x5080  }
0x142: {  	s5 =	simm.s32 $0x80;
	s7 =	sadd.s32 $0x0, s28;
	s6 =	simm.s32 $0x5480  }
.LBB2_58:
0x143: {  	[tilespmem:s4], [sflag:$0x1] =	stream.linear.gather [hbm4b:s7+s1], $0x80, $0x38;
	[tilespmem:$0xAA00] =	vst v63  }
0x144: {  	s7 =	smov.u32 s5;
	s4 =	smov.u32 s6;
	p0 =	sne.s32 s5, $0x980  }
.Ltmp28:
0x145: {  	s5 =	sadd.s32 $0x80, s5;
	(pc) =	sbr.rel @p0 .LBB2_58-.Ltmp28, $2  }
0x146: {  	_ =	sdelay $0x2  }
0x147: {  	s6 =	sadd.s32 $0x400, s6;
	s7 =	sadd.s32 s7, s28  }
0x148: {  	[tilespmem:s4], [sflag:$0x1] =	stream.linear.gather [hbm4b:s7+s1], $0x80, $0x38;
	[tilespmem:$0xAA00] =	vst v63  }
0x149: {  	s4 =	simm.s32 $0x5100  }
0x14a: {  	s5 =	simm.s32 $0x80;
	s7 =	sadd.s32 $0x0, s29;
	s6 =	simm.s32 $0x5500  }
.LBB2_60:
0x14b: {  	[tilespmem:s4], [sflag:$0x1] =	stream.linear.gather [hbm4b:s7+s1], $0x80, $0x38;
	[tilespmem:$0xAA00] =	vst v63  }
0x14c: {  	s7 =	smov.u32 s5;
	s4 =	smov.u32 s6;
	p0 =	sne.s32 s5, $0x980  }
.Ltmp29:
0x14d: {  	s5 =	sadd.s32 $0x80, s5;
	(pc) =	sbr.rel @p0 .LBB2_60-.Ltmp29, $2  }
0x14e: {  	_ =	sdelay $0x2  }
0x14f: {  	s6 =	sadd.s32 $0x400, s6;
	s7 =	sadd.s32 s7, s29  }
0x150: {  	[tilespmem:s4], [sflag:$0x1] =	stream.linear.gather [hbm4b:s7+s1], $0x80, $0x38;
	[tilespmem:$0xAA00] =	vst v63  }
0x151: {  	s4 =	simm.s32 $0x5180  }
0x152: {  	s5 =	simm.s32 $0x80;
	s7 =	sadd.s32 $0x0, s30;
	s6 =	simm.s32 $0x5580  }
.LBB2_62:
0x153: {  	[tilespmem:s4], [sflag:$0x1] =	stream.linear.gather [hbm4b:s7+s1], $0x80, $0x38;
	[tilespmem:$0xAA00] =	vst v63  }
0x154: {  	s7 =	smov.u32 s5;
	s4 =	smov.u32 s6;
	p0 =	sne.s32 s5, $0x980  }
.Ltmp30:
0x155: {  	s5 =	sadd.s32 $0x80, s5;
	(pc) =	sbr.rel @p0 .LBB2_62-.Ltmp30, $2  }
0x156: {  	_ =	sdelay $0x2  }
0x157: {  	s6 =	sadd.s32 $0x400, s6;
	s7 =	sadd.s32 s7, s30  }
0x158: {  	[tilespmem:s4], [sflag:$0x1] =	stream.linear.gather [hbm4b:s7+s1], $0x80, $0x38;
	[tilespmem:$0xAA00] =	vst v63  }
0x159: {  	s4 =	simm.s32 $0x5200  }
0x15a: {  	s5 =	simm.s32 $0x80;
	s7 =	sadd.s32 $0x0, s31;
	s6 =	simm.s32 $0x5600  }
.LBB2_64:
0x15b: {  	[tilespmem:s4], [sflag:$0x1] =	stream.linear.gather [hbm4b:s7+s1], $0x80, $0x38;
	[tilespmem:$0xAA00] =	vst v63  }
0x15c: {  	s7 =	smov.u32 s5;
	s4 =	smov.u32 s6;
	p0 =	sne.s32 s5, $0x980  }
.Ltmp31:
0x15d: {  	s5 =	sadd.s32 $0x80, s5;
	(pc) =	sbr.rel @p0 .LBB2_64-.Ltmp31, $2  }
0x15e: {  	_ =	sdelay $0x2  }
0x15f: {  	s6 =	sadd.s32 $0x400, s6;
	s7 =	sadd.s32 s7, s31  }
0x160: {  	[tilespmem:s4], [sflag:$0x1] =	stream.linear.gather [hbm4b:s7+s1], $0x80, $0x38;
	[tilespmem:$0xAA00] =	vst v63  }
0x161: {  	s4 =	simm.s32 $0x5280  }
0x162: {  	s5 =	simm.s32 $0x80;
	s7 =	sadd.s32 $0x0, s26;
	s6 =	simm.s32 $0x5680  }
.LBB2_66:
0x163: {  	[tilespmem:s4], [sflag:$0x1] =	stream.linear.gather [hbm4b:s7+s1], $0x80, $0x38;
	[tilespmem:$0xAA00] =	vst v63  }
0x164: {  	s7 =	smov.u32 s5;
	s4 =	smov.u32 s6;
	p0 =	sne.s32 s5, $0x980  }
.Ltmp32:
0x165: {  	s5 =	sadd.s32 $0x80, s5;
	(pc) =	sbr.rel @p0 .LBB2_66-.Ltmp32, $2  }
0x166: {  	_ =	sdelay $0x2  }
0x167: {  	s6 =	sadd.s32 $0x400, s6;
	s7 =	sadd.s32 s7, s26  }
0x168: {  	[tilespmem:s4], [sflag:$0x1] =	stream.linear.gather [hbm4b:s7+s1], $0x80, $0x38;
	[tilespmem:$0xAA00] =	vst v63  }
0x169: {  	s4 =	simm.s32 $0x5300  }
0x16a: {  	s5 =	simm.s32 $0x80;
	s7 =	sadd.s32 $0x0, s0;
	s6 =	simm.s32 $0x5700  }
.LBB2_68:
0x16b: {  	[tilespmem:s4], [sflag:$0x1] =	stream.linear.gather [hbm4b:s7+s1], $0x80, $0x38;
	[tilespmem:$0xAA00] =	vst v63  }
0x16c: {  	s7 =	smov.u32 s5;
	s4 =	smov.u32 s6;
	p0 =	sne.s32 s5, $0x980  }
.Ltmp33:
0x16d: {  	s5 =	sadd.s32 $0x80, s5;
	(pc) =	sbr.rel @p0 .LBB2_68-.Ltmp33, $2  }
0x16e: {  	_ =	sdelay $0x2  }
0x16f: {  	s6 =	sadd.s32 $0x400, s6;
	s7 =	sadd.s32 s7, s0  }
0x170: {  	[tilespmem:s4], [sflag:$0x1] =	stream.linear.gather [hbm4b:s7+s1], $0x80, $0x38;
	[tilespmem:$0xAA00] =	vst v63  }
0x171: {  	s4 =	simm.s32 $0x5380  }
0x172: {  	s5 =	simm.s32 $0x80;
	s7 =	sadd.s32 $0x0, s2;
	s6 =	simm.s32 $0x5780  }
.LBB2_70:
0x173: {  	[tilespmem:s4], [sflag:$0x1] =	stream.linear.gather [hbm4b:s7+s1], $0x80, $0x38;
	[tilespmem:$0xAA00] =	vst v63  }
0x174: {  	s7 =	smov.u32 s5;
	s4 =	smov.u32 s6;
	p0 =	sne.s32 s5, $0x980  }
.Ltmp34:
0x175: {  	s5 =	sadd.s32 $0x80, s5;
	(pc) =	sbr.rel @p0 .LBB2_70-.Ltmp34, $2  }
0x176: {  	_ =	sdelay $0x2  }
0x177: {  	s6 =	sadd.s32 $0x400, s6;
	s7 =	sadd.s32 s7, s2  }
0x178: {  	[tilespmem:s4], [sflag:$0x1] =	stream.linear.gather [hbm4b:s7+s1], $0x80, $0x38;
	[tilespmem:$0xAA00] =	vst v63  }
0x179: {  	s10 =	simm.s32 $0x1  }
0x17a: {  	_ =	swait.ge [sflag:s10], $0xA00  }
0x17b: {  	[sflag:s10] =	ssyncset.done $0x0  }
0x17c: {  	[sflag:s10] =	ssyncadd.s32 $0xFFFFF600  }
0x17d: {  	_ =	swait.ge [sflag:s10], $0xA00  }
0x17e: {  	[sflag:s10] =	ssyncset.done $0x0  }
0x17f: {  	[sflag:s10] =	ssyncadd.s32 $0xFFFFF600  }
0x180: {  	_ =	swait.ge [sflag:s10], $0xA00  }
0x181: {  	[sflag:s10] =	ssyncset.done $0x0  }
0x182: {  	[sflag:s10] =	ssyncadd.s32 $0xFFFFF600  }
0x183: {  	_ =	swait.ge [sflag:s10], $0xA00  }
0x184: {  	[sflag:s10] =	ssyncset.done $0x0  }
0x185: {  	[sflag:s10] =	ssyncadd.s32 $0xFFFFF600  }
0x186: {  	_ =	swait.ge [sflag:s10], $0xA00  }
0x187: {  	[sflag:s10] =	ssyncset.done $0x0  }
0x188: {  	[sflag:s10] =	ssyncadd.s32 $0xFFFFF600  }
0x189: {  	_ =	swait.ge [sflag:s10], $0xA00  }
0x18a: {  	[sflag:s10] =	ssyncset.done $0x0  }
0x18b: {  	[sflag:s10] =	ssyncadd.s32 $0xFFFFF600  }
0x18c: {  	_ =	swait.ge [sflag:s10], $0xA00  }
0x18d: {  	[sflag:s10] =	ssyncset.done $0x0  }
0x18e: {  	[sflag:s10] =	ssyncadd.s32 $0xFFFFF600  }
0x18f: {  	_ =	swait.ge [sflag:s10], $0xA00  }
0x190: {  	[sflag:s10] =	ssyncset.done $0x0  }
0x191: {  	[sflag:s10] =	ssyncadd.s32 $0xFFFFF600  }
0x192: {  	_ =	swait.ge [sflag:s10], $0xA00  }
0x193: {  	[sflag:s10] =	ssyncset.done $0x0  }
0x194: {  	[sflag:s10] =	ssyncadd.s32 $0xFFFFF600  }
0x195: {  	_ =	swait.ge [sflag:s10], $0xA00  }
0x196: {  	[sflag:s10] =	ssyncset.done $0x0  }
0x197: {  	[sflag:s10] =	ssyncadd.s32 $0xFFFFF600  }
0x198: {  	_ =	swait.ge [sflag:s10], $0xA00  }
0x199: {  	[sflag:s10] =	ssyncset.done $0x0  }
0x19a: {  	[sflag:s10] =	ssyncadd.s32 $0xFFFFF600  }
0x19b: {  	_ =	swait.ge [sflag:s10], $0xA00  }
0x19c: {  	[sflag:s10] =	ssyncset.done $0x0  }
0x19d: {  	[sflag:s10] =	ssyncadd.s32 $0xFFFFF600  }
0x19e: {  	_ =	swait.ge [sflag:s10], $0xA00  }
0x19f: {  	[sflag:s10] =	ssyncset.done $0x0  }
0x1a0: {  	[sflag:s10] =	ssyncadd.s32 $0xFFFFF600  }
0x1a1: {  	_ =	swait.ge [sflag:s10], $0xA00  }
0x1a2: {  	[sflag:s10] =	ssyncset.done $0x0  }
0x1a3: {  	[sflag:s10] =	ssyncadd.s32 $0xFFFFF600  }
0x1a4: {  	_ =	swait.ge [sflag:s10], $0xA00  }
0x1a5: {  	[sflag:s10] =	ssyncset.done $0x0  }
0x1a6: {  	[sflag:s10] =	ssyncadd.s32 $0xFFFFF600  }
0x1a7: {  	_ =	swait.ge [sflag:s10], $0xA00  }
0x1a8: {  	[sflag:s10] =	ssyncset.done $0x0  }
0x1a9: {  	s4 =	simm.s32 $0x0;
	[sflag:s10] =	ssyncadd.s32 $0xFFFFF600  }
.LBB2_72:
0x1aa: {  	s5 =	sshrl.u32 s4, $0x3  }
0x1ab: {  	s5 =	smul.u32 $0x14000, s5  }
0x1ac: {  	s6 =	sshll.u32 s4, $0x7  }
0x1ad: {  	s7 =	simm.s32 $0x0;
	s6 =	sand.u32 $0x380, s6;
	s5 =	sshra.s32 s5, $0x2  }
0x1ae: {  	s10 =	sand.u32 $0x7C00, s7;
	s5 =	sor.u32 s6, s5  }
0x1af: {  	s7 =	sand.u32 $0x70, s7;
	s6 =	sadd.s32 s10, s5  }
0x1b0: {  	s7 =	sadd.s32 s7, s6  }
0x1b1: {  	s6 =	simm.s32 $0xA000;
	v1 =	vld [tilespmem:s7+$0x0]  }
0x1b2: {  	v2 =	vld [tilespmem:s6+$0x0];
	_ =	sdelay $0x2  }
0x1b3: {  	s7 =	simm.s32 $0x80  }
0x1b4: {  	s8 =	simm.s32 $0x10;
	s10 =	sand.u32 $0x7C00, s7  }
0x1b5: {  	s9 =	sand.u32 $0x70, s8;
	s8 =	simm.s32 $0x20;
	s10 =	sadd.s32 s10, s5;
	v1 =	vadd.f32 v1, v2  }
.LBB2_73:
0x1b6: {  	p0 =	sne.s32 s8, $0x9F0;
	s9 =	sadd.s32 s9, s10  }
0x1b7: {  	v2 =	vld [tilespmem:s9+$0x0];
	[tilespmem:s6+$0x0] =	vst v1;
	s6 =	sadd.s32 $0x10, s6  }
0x1b8: {  	v1 =	vld [tilespmem:s6+$0x0]  }
.Ltmp35:
0x1b9: {  	(pc) =	sbr.rel @p0 .LBB2_73-.Ltmp35, $4  }
0x1ba: {  	_ = 	snop  }
0x1bb: {  	s7 =	sadd.s32 $0x80, s7  }
0x1bc: {  	s10 =	sand.u32 $0x7C00, s7  }
0x1bd: {  	s9 =	sand.u32 $0x70, s8;
	s8 =	sadd.s32 $0x10, s8;
	s10 =	sadd.s32 s10, s5;
	v1 =	vadd.f32 v2, v1  }
0x1be: {  	s5 =	sadd.s32 s9, s10  }
0x1bf: {  	s10 =	sadd.s32 $0x10, s6;
	v2 =	vld [tilespmem:s5+$0x0];
	[tilespmem:s6+$0x0] =	vst v1  }
0x1c0: {  	v1 =	vld [tilespmem:s10+$0x0]  }
0x1c1: {  	s4 =	sadd.s32 $0x1, s4  }
0x1c2: {  	p0 =	sne.s32 s4, $0x10  }
.Ltmp36:
0x1c3: {  	_ = 	snop;
	(pc) =	sbr.rel @p0 .LBB2_72-.Ltmp36, $3  }
0x1c4: {  	_ = 	snop  }
0x1c5: {  	v1 =	vadd.f32 v2, v1;
	_ =	sdelay $0x1  }
0x1c6: {  	[tilespmem:s10+$0x0] =	vst v1  }
0x1c7: {  	s4 =	rddreg [dreg:$0xb];
	s5 =	simm.s32 $0xA000;
	s9 =	simm.s32 $0x2  }
0x1c8: {  	[hbm4b:s4+s1] =	stream.linear.scatter [tilespmem:s5], [sflag:$0x2], $0xA00, $0x38;
	[tilespmem:$0xAA00] =	vst v63  }
0x1c9: {  	_ =	swait.ge [sflag:s9], $0xA00  }
0x1ca: {  	s6 =	rddreg [dreg:$0xd]  }
0x1cb: {  	s10 =	rddreg [dreg:$0xc];
	s6 =	sadd.s32 $0x1, s6  }
0x1cc: {  	p0 =	sne.s32 s6, s10  }
.Ltmp37:
0x1cd: {  	_ = 	snop;
	(pc) =	sbr.rel @p0 .LBB2_1-.Ltmp37, $4  }
0x1ce: {  	_ = 	snop  }
0x1cf: {  	[sflag:s9] =	ssyncset.done $0x0  }
0x1d0: {  	[sflag:s9] =	ssyncadd.s32 $0xFFFFF600;
	s9 =	rddreg [dreg:$0x7]  }
0x1d1: {  	s10 =	rddreg [dreg:$0x8]  }
0x1d2: {  	_ =	sfence.sel $0x180000  }
0x1d3: {  	[bflag:$0x0] =	sbarrier.arrive $0xFFFF  }
0x1d4: {  	_ =	strace $0x9000004A  }
0x1d5: {  	s0 =	stileid.u32;
	[bflag:$0x2] =	sbarrier.arrive $0xFFFF  }
0x1d6: {  	p0 =	sne.s32 s0, $0x0;
	s0 =	rddreg [dreg:$0x1]  }
0x1d7: {  	s0 =	sadd.s32 @!p0 $0x100000, s0  }
0x1d8: {  	[sflag:s0] =	ssyncadd.tile.s32 @!p0 $0x1;
	_ =	shalt  }
.Lfunc_end2:
_tile_overlayer_lowered:
.L_overlay_start_2:
0x1d9: {  	(tag) =	ssettag $0x2  }
0x1da: {  	s0 =	rddreg [dreg:$0x0];
	s2 =	stileid.u32  }
0x1db: {  	s1 =	rddreg [dreg:$0x1];
	p0 =	sne.s32 s2, $0x0  }
0x1dc: {  	s3 =	rddreg [dreg:$0x2];
	[bflag:$0x3] =	sbarrier.arrive $0xFFFF;
	s2 =	simm.s32 @!p0 $0x1C02  }
0x1dd: {  	[timem:s3], [sflag:s2] =	dma.local @!p0 [hbm:s0], s1  }
0x1de: {  	s0 =	simm.s32 @!p0 $0x2  }
0x1df: {  	_ =	swait.ge @!p0 [sflag:s0], s1  }
0x1e0: {  	s1 =	ssub.s32 @!p0 $0x0, s1;
	[sflag:s0] =	ssyncset.done @!p0 $0x0  }
0x1e1: {  	[sflag:s0] =	ssyncadd.s32 @!p0 s1  }
0x1e2: {  	[bflag:$0x3] =	sbarrier.arrive $0xFFFF  }
0x1e3: {  	_ =	shalt  }

</sc_bundles>
